<compile_context>
chip_gen: v7x
topology: tpu7x:2x2x1
jax: 0.10.2.dev20260603
libtpu: 0.0.44.dev20260713+nightly
codegen_flags: <defaults>
</compile_context>

<pallas_src>
import jax
import jax.numpy as jnp
from jax import lax
from jax.experimental import pallas as pl
from jax.experimental.pallas import tpu as pltpu
from jax.experimental.pallas import tpu_sc as plsc

N_NODES = 10000
N_EDGES = 320000
NC, NS = 2, 16
NW = NC * NS
CHUNK = 80
E_PAD = 320000
NCH_A = E_PAD // NS // CHUNK
NCH_B = E_PAD // NW // CHUNK
N_PAD = 10240
SLAB = N_PAD // NS
CNTW = 16
DC = 64

_MESH = plsc.VectorSubcoreMesh(
    core_axis_name="c", subcore_axis_name="s", num_cores=NC, num_subcores=NS)
_SC_PARAMS = pltpu.CompilerParams(use_tc_tiling_on_sc=False)


def _pipeline(table, idx_s, idx_d, bufs, acc_sh, gsems, ssems, nchunk,
              extra=None):

  def gstart(g, b):
    pltpu.async_copy(table.at[idx_s.at[g]], bufs[b], gsems[b])

  def gwait(b):
    pltpu.make_async_copy(table.at[idx_s.at[0]], bufs[b], gsems[b]).wait()

  def sstart(g, b):
    pltpu.async_copy(bufs[b], acc_sh.at[idx_d.at[g]], ssems[b], add=True)
    if extra is not None:
      extra(g)

  def swait(b):
    pltpu.make_async_copy(bufs[b], acc_sh.at[idx_d.at[0]], ssems[b]).wait()

  assert nchunk >= 6
  gstart(0, 0)
  gstart(1, 1)
  gwait(0); sstart(0, 0); gstart(2, 2)
  gwait(1); sstart(1, 1); gstart(3, 3)
  gwait(2); sstart(2, 2); swait(0); gstart(4, 0)
  gwait(3); sstart(3, 3); swait(1); gstart(5, 1)
  pend = {2, 3}

  kq = (nchunk - 6) // 4

  def quad(k, carry):
    base = 4 + 4 * k
    for j in range(4):
      gwait(j)
      sstart(base + j, j)
      swait((j + 2) % 4)
      gstart(base + j + 2, (j + 2) % 4)
    return carry

  lax.fori_loop(0, kq, quad, 0)

  base_end = 4 + 4 * kq
  for g in range(base_end, nchunk):
    b = g % 4
    gwait(b)
    sstart(g, b)
    pend.add(b)
    nxt = g + 2
    if nxt < nchunk:
      swait(nxt % 4)
      pend.discard(nxt % 4)
      gstart(nxt, nxt % 4)
  for b in sorted(pend):
    swait(b)


def _zero_acc(rows0, acc_sh, s):
  zv = jnp.zeros((16,), jnp.float32)
  vpr = DC // 16
  shift = vpr.bit_length() - 1

  def zstore(i, carry):
    rows0[i >> shift, pl.ds((i & (vpr - 1)) * 16, 16)] = zv
    return carry

  lax.fori_loop(0, CHUNK * vpr, zstore, 0)
  for t in range(SLAB // CHUNK):
    pltpu.sync_copy(rows0, acc_sh.at[pl.ds(s * SLAB + t * CHUNK, CHUNK)])


def _make_seg_colsplit(with_cnt):
  out_type = [jax.ShapeDtypeStruct((NC, N_PAD, DC), jnp.float32)]
  scratch = [
      pltpu.VMEM((NCH_A, CHUNK), jnp.int32),
      pltpu.VMEM((NCH_A, CHUNK), jnp.int32),
      [pltpu.VMEM((CHUNK, DC), jnp.float32)] * 4,
      pltpu.VMEM_SHARED((N_PAD, DC), jnp.float32),
      [pltpu.SemaphoreType.DMA] * 4,
      [pltpu.SemaphoreType.DMA] * 4,
  ]
  if with_cnt:
    out_type.append(jax.ShapeDtypeStruct((NC, N_PAD, CNTW), jnp.float32))
    scratch += [
        pltpu.VMEM((CHUNK, CNTW), jnp.float32),
        pltpu.VMEM((CHUNK, CNTW), jnp.float32),
        pltpu.VMEM_SHARED((N_PAD, CNTW), jnp.float32),
    ]

  def body(*refs):
    if with_cnt:
      (table, srcw, dstw, ones_hbm, out, cnt_out, idx_s, idx_d,
       bufs, acc_sh, gsems, ssems, ones_v, zbuf, cnt_sh) = refs
    else:
      (table, srcw, dstw, out,
       idx_s, idx_d, bufs, acc_sh, gsems, ssems) = refs
    c = lax.axis_index("c")
    s = lax.axis_index("s")
    slab = pl.ds(s * SLAB, SLAB)

    pltpu.sync_copy(srcw.at[c, s], idx_s)
    pltpu.sync_copy(dstw.at[s], idx_d)
    _zero_acc(bufs[0], acc_sh, s)
    extra = None
    if with_cnt:
      pltpu.sync_copy(ones_hbm, ones_v)
      zc = jnp.zeros((16,), jnp.float32)

      def czero(i, carry):
        zbuf[i, pl.ds(0, 16)] = zc
        return carry

      lax.fori_loop(0, CHUNK, czero, 0)
      for t in range(SLAB // CHUNK):
        pltpu.sync_copy(zbuf, cnt_sh.at[pl.ds(s * SLAB + t * CHUNK, CHUNK)])

      def extra(g):
        pltpu.sync_copy(ones_v, cnt_sh.at[idx_d.at[g]], add=True)

    plsc.subcore_barrier()

    _pipeline(table, idx_s, idx_d, bufs, acc_sh, gsems, ssems, NCH_A,
              extra=extra)

    plsc.subcore_barrier()
    pltpu.sync_copy(acc_sh.at[slab], out.at[c, slab])
    if with_cnt:
      pltpu.sync_copy(cnt_sh.at[slab], cnt_out.at[c, slab])

  return pl.kernel(body, out_type=out_type, mesh=_MESH, scratch_types=scratch,
                   compiler_params=_SC_PARAMS,
                   name="seg_colsplit" + ("_cnt" if with_cnt else ""))


def _make_seg_rowsplit():
  out_type = [jax.ShapeDtypeStruct((NC, N_PAD, DC), jnp.float32)]
  scratch = [
      pltpu.VMEM((NCH_B, CHUNK), jnp.int32),
      pltpu.VMEM((NCH_B, CHUNK), jnp.int32),
      [pltpu.VMEM((CHUNK, DC), jnp.float32)] * 4,
      pltpu.VMEM_SHARED((N_PAD, DC), jnp.float32),
      [pltpu.SemaphoreType.DMA] * 4,
      [pltpu.SemaphoreType.DMA] * 4,
  ]

  def body(table, srcw, dstw, out, idx_s, idx_d, bufs,
           acc_sh, gsems, ssems):
    c = lax.axis_index("c")
    s = lax.axis_index("s")
    wid = c * NS + s
    slab = pl.ds(s * SLAB, SLAB)

    pltpu.sync_copy(srcw.at[wid], idx_s)
    pltpu.sync_copy(dstw.at[wid], idx_d)
    _zero_acc(bufs[0], acc_sh, s)
    plsc.subcore_barrier()

    _pipeline(table, idx_s, idx_d, bufs, acc_sh, gsems, ssems, NCH_B)

    plsc.subcore_barrier()
    pltpu.sync_copy(acc_sh.at[slab], out.at[c, slab])

  return pl.kernel(body, out_type=out_type, mesh=_MESH, scratch_types=scratch,
                   compiler_params=_SC_PARAMS, name="seg_rowsplit")


_seg_col_cnt = _make_seg_colsplit(True)
_seg_col = _make_seg_colsplit(False)
_seg_row = _make_seg_rowsplit()


def _inv_deg(cntp_ref):
  cnt = cntp_ref[0, :, 0:1]
  return 1.0 / jnp.maximum(cnt, 1.0)


def _dot_t(a, w):
  return lax.dot_general(a, w, (((1,), (1,)), ((), ())),
                         preferred_element_type=jnp.float32)


_NB = 1000


def _tc1_body(aggp, cntp, x, w1l, b1l, w1r, h1):
  agg = jnp.concatenate([aggp[0], aggp[1]], axis=1) * _inv_deg(cntp)
  h = _dot_t(agg, w1l[...]) + b1l[...] + _dot_t(x[...], w1r[...])
  h1[...] = jnp.maximum(h, 0.0)


def _tc2_body(aggp, cntp, h1, w2l, b2l, w2r, w3l, h2, z):
  agg = jnp.concatenate([aggp[0], aggp[1]], axis=1) * _inv_deg(cntp)
  h = _dot_t(agg, w2l[...]) + b2l[...] + _dot_t(h1[...], w2r[...])
  h = jnp.maximum(h, 0.0)
  h2[...] = h
  z[...] = _dot_t(h, w3l[...])


def _tc3_body(aggp, cntp, h2, w3r, b3l, out):
  agg = (aggp[0] + aggp[1]) * _inv_deg(cntp)
  out[...] = agg + b3l[...] + _dot_t(h2[...], w3r[...])


def _row_spec(d):
  return pl.BlockSpec((_NB, d), lambda i: (i, 0))


def _part_spec(d):
  return pl.BlockSpec((NC, _NB, d), lambda i: (0, i, 0))


def _full_spec(shape):
  return pl.BlockSpec(shape, lambda i: tuple(0 for _ in shape))


_GRID = N_NODES // _NB

_tc1 = pl.pallas_call(
    _tc1_body,
    grid=(_GRID,),
    in_specs=[_part_spec(DC), _part_spec(CNTW), _row_spec(128),
              _full_spec((128, 128)), _full_spec((1, 128)),
              _full_spec((128, 128))],
    out_specs=_row_spec(128),
    out_shape=jax.ShapeDtypeStruct((N_NODES, 128), jnp.float32),
)

_tc2 = pl.pallas_call(
    _tc2_body,
    grid=(_GRID,),
    in_specs=[_part_spec(DC), _part_spec(CNTW), _row_spec(128),
              _full_spec((256, 128)), _full_spec((1, 256)),
              _full_spec((256, 128)), _full_spec((64, 256))],
    out_specs=[_row_spec(256), _row_spec(64)],
    out_shape=[jax.ShapeDtypeStruct((N_NODES, 256), jnp.float32),
               jax.ShapeDtypeStruct((N_NODES, 64), jnp.float32)],
)

_tc3 = pl.pallas_call(
    _tc3_body,
    grid=(_GRID,),
    in_specs=[_part_spec(64), _part_spec(CNTW), _row_spec(256),
              _full_spec((64, 256)), _full_spec((1, 64))],
    out_specs=_row_spec(64),
    out_shape=jax.ShapeDtypeStruct((N_NODES, 64), jnp.float32),
)


@jax.jit
def kernel(x, edge_index, W1l, b1l, W1r, W2l, b2l, W2r, W3l, b3l, W3r):
  src = edge_index[0].astype(jnp.int32)
  dst = edge_index[1].astype(jnp.int32)
  npad = E_PAD - N_EDGES
  srcp = jnp.concatenate([src, jnp.zeros((npad,), jnp.int32)])
  pad_dst = N_NODES + (jnp.arange(npad, dtype=jnp.int32) % (N_PAD - N_NODES))
  dstp = jnp.concatenate([dst, pad_dst])
  srcA = jnp.stack([2 * srcp, 2 * srcp + 1]).reshape(NC, NS, NCH_A, CHUNK)
  dstA = dstp.reshape(NS, NCH_A, CHUNK)
  srcB = srcp.reshape(NW, NCH_B, CHUNK)
  dstB = dstp.reshape(NW, NCH_B, CHUNK)
  ones = jnp.ones((CHUNK, CNTW), jnp.float32)

  x2 = x.reshape(2 * N_NODES, DC)
  aggp1, cntp = _seg_col_cnt(x2, srcA, dstA, ones)
  h1 = _tc1(aggp1, cntp, x, W1l, b1l.reshape(1, -1), W1r)
  aggp2, = _seg_col(h1.reshape(2 * N_NODES, DC), srcA, dstA)
  h2, z = _tc2(aggp2, cntp, h1, W2l, b2l.reshape(1, -1), W2r, W3l)
  aggp3, = _seg_row(z, srcB, dstB)
  return _tc3(aggp3, cntp, h2, W3r, b3l.reshape(1, -1))

# --- scband reference (transcript-rebuilt; emitter-appended) ---
"""Pipeline reference for scband-graphsage-mean-80023830659316 (READ-ONLY COPY).

The authoritative reference and input builder live on the scoring server;
editing this copy changes nothing except your own understanding.
"""

import jax, jax.numpy as jnp
import numpy as np

N_NODES = 10000
N_EDGES = 320000
D_FEAT = 128
HIDDEN = 128
NUM_CLASSES = 64


def setup_inputs(seed: int = 0) -> dict:
    key = jax.random.key(seed)
    ks = [jax.random.fold_in(key, i) for i in range(16)]
    x = jax.random.normal(ks[0], (N_NODES, D_FEAT), dtype=jnp.float32)
    edge_index = jax.random.randint(ks[1], (2, N_EDGES), 0, N_NODES, dtype=jnp.int64) if jax.config.read('jax_enable_x64') else jax.random.randint(ks[1], (2, N_EDGES), 0, N_NODES, dtype=jnp.int32)
    def glorot(k, shape):
        fan_in, fan_out = shape[1], shape[0]
        lim = (6.0 / (fan_in + fan_out)) ** 0.5
        return jax.random.uniform(k, shape, dtype=jnp.float32, minval=-lim, maxval=lim)
    # SAGEConv layer 1: 128 -> 128
    W1l = glorot(ks[2], (HIDDEN, D_FEAT))
    b1l = jnp.zeros((HIDDEN,), dtype=jnp.float32)
    W1r = glorot(ks[3], (HIDDEN, D_FEAT))
    # SAGEConv layer 2: 128 -> 256
    W2l = glorot(ks[4], (HIDDEN * 2, HIDDEN))
    b2l = jnp.zeros((HIDDEN * 2,), dtype=jnp.float32)
    W2r = glorot(ks[5], (HIDDEN * 2, HIDDEN))
    # SAGEConv layer 3: 256 -> 64
    W3l = glorot(ks[6], (NUM_CLASSES, HIDDEN * 2))
    b3l = jnp.zeros((NUM_CLASSES,), dtype=jnp.float32)
    W3r = glorot(ks[7], (NUM_CLASSES, HIDDEN * 2))
    return {"x": x, "edge_index": edge_index,
            "W1l": W1l, "b1l": b1l, "W1r": W1r,
            "W2l": W2l, "b2l": b2l, "W2r": W2r,
            "W3l": W3l, "b3l": b3l, "W3r": W3r}


def _sage_mean(x, src, dst, Wl, bl, Wr, n_nodes):
    # PyG SAGEConv (mean aggr, normalize=False): lin_l(mean_{j in N(i)} x_j) + lin_r(x_i)
    msgs = jnp.take(x, src, axis=0)
    agg = jax.ops.segment_sum(msgs, dst, num_segments=n_nodes)
    cnt = jax.ops.segment_sum(jnp.ones((src.shape[0],), dtype=x.dtype), dst, num_segments=n_nodes)
    agg = agg / jnp.clip(cnt, 1.0, None)[:, None]
    return agg @ Wl.T + bl + x @ Wr.T


def reference(x, edge_index, W1l, b1l, W1r, W2l, b2l, W2r, W3l, b3l, W3r):
    src = edge_index[0]
    dst = edge_index[1]
    n = x.shape[0]
    h = _sage_mean(x, src, dst, W1l, b1l, W1r, n)
    h = jax.nn.relu(h)
    # dropout is identity in eval mode
    h = _sage_mean(h, src, dst, W2l, b2l, W2r, n)
    h = jax.nn.relu(h)
    h = _sage_mean(h, src, dst, W3l, b3l, W3r, n)
    return h

if __name__ == "__main__":
    import jax
    _d = setup_inputs()
    print(jax.jit(kernel)(*tuple(_d.values())))

</pallas_src>

<mosaic_0001>
#map = affine_map<(d0, d1) -> (0, 0)>
#map1 = affine_map<(d0, d1) -> (0, 0, 0, 0)>
#map2 = affine_map<(d0, d1) -> (0, 0, 0)>
module attributes {stable_mosaic.version = 14 : i64} {
  func.func @seg_colsplit(%arg0: i32, %arg1: i32, %arg2: memref<20000x64xf32, #tpu.memory_space<hbm>>, %arg3: memref<2x16x250x80xi32, #tpu.memory_space<hbm>>, %arg4: memref<16x250x80xi32, #tpu.memory_space<hbm>>, %arg5: memref<2x10240x64xf32, #tpu.memory_space<hbm>>, %arg6: memref<250x80xi32, #tpu.memory_space<vmem>>, %arg7: memref<250x80xi32, #tpu.memory_space<vmem>>, %arg8: memref<80x64xf32, #tpu.memory_space<vmem>>, %arg9: memref<80x64xf32, #tpu.memory_space<vmem>>, %arg10: memref<80x64xf32, #tpu.memory_space<vmem>>, %arg11: memref<80x64xf32, #tpu.memory_space<vmem>>, %arg12: memref<10240x64xf32, #tpu.memory_space<vmem_shared>>, %arg13: memref<!tpu.dma_semaphore, #tpu.memory_space<semaphore_mem>>, %arg14: memref<!tpu.dma_semaphore, #tpu.memory_space<semaphore_mem>>, %arg15: memref<!tpu.dma_semaphore, #tpu.memory_space<semaphore_mem>>, %arg16: memref<!tpu.dma_semaphore, #tpu.memory_space<semaphore_mem>>, %arg17: memref<!tpu.dma_semaphore, #tpu.memory_space<semaphore_mem>>, %arg18: memref<!tpu.dma_semaphore, #tpu.memory_space<semaphore_mem>>, %arg19: memref<!tpu.dma_semaphore, #tpu.memory_space<semaphore_mem>>, %arg20: memref<!tpu.dma_semaphore, #tpu.memory_space<semaphore_mem>>) attributes {dimension_semantics = [#tpu.dimension_semantics<core_parallel>, #tpu.dimension_semantics<subcore_parallel>], iteration_bounds = array<i64: 2, 16>, scalar_prefetch = 0 : i64, scratch_operands = 15 : i64, tpu.core_type = #tpu.core_type<sc_vector_subcore>, window_params = [{transform_indices = #map}, {transform_indices = #map1}, {transform_indices = #map2}, {transform_indices = #map2}]} {
    %mul3A = arith.constant 640 : i32
    %mul3A_0 = arith.muli %arg1, %mul3A : i32
    "tpu.region"() ({
      %run_scoped3A = tpu.sem_alloc : memref<!tpu.dma_semaphore, #tpu.memory_space<semaphore_mem>>
      %dma_start3A_211 = arith.constant 0 : i32
      %dma_start3A_212 = arith.constant 0 : i32
      %dma_start3A_213 = tpu.memref_slice %arg3[%arg0, %arg1, %dma_start3A_211, %dma_start3A_212] : memref<2x16x250x80xi32, #tpu.memory_space<hbm>> -> memref<1x1x250x80xi32, #tpu.memory_space<hbm>>
      %dma_start3A_214 = tpu.memref_squeeze %dma_start3A_213 : memref<1x1x250x80xi32, #tpu.memory_space<hbm>> -> memref<250x80xi32, #tpu.memory_space<hbm>>
      %dma_start3A_215 = arith.constant 0 : i32
      %dma_start3A_216 = arith.constant 0 : i32
      %dma_start3A_217 = tpu.memref_slice %arg3[%arg0, %arg1, %dma_start3A_215, %dma_start3A_216] : memref<2x16x250x80xi32, #tpu.memory_space<hbm>> -> memref<1x1x250x80xi32, #tpu.memory_space<hbm>>
      %dma_start3A_218 = tpu.memref_squeeze %dma_start3A_217 : memref<1x1x250x80xi32, #tpu.memory_space<hbm>> -> memref<250x80xi32, #tpu.memory_space<hbm>>
      tpu.enqueue_dma source(%dma_start3A_218 : memref<250x80xi32, #tpu.memory_space<hbm>>) target(%arg6 : memref<250x80xi32, #tpu.memory_space<vmem>>) target_semaphore(%run_scoped3A : memref<!tpu.dma_semaphore, #tpu.memory_space<semaphore_mem>>)
      %dma_wait3A_219 = arith.constant 0 : i32
      %dma_wait3A_220 = arith.constant 0 : i32
      %dma_wait3A_221 = tpu.memref_slice %arg3[%arg0, %arg1, %dma_wait3A_219, %dma_wait3A_220] : memref<2x16x250x80xi32, #tpu.memory_space<hbm>> -> memref<1x1x250x80xi32, #tpu.memory_space<hbm>>
      %dma_wait3A_222 = tpu.memref_squeeze %dma_wait3A_221 : memref<1x1x250x80xi32, #tpu.memory_space<hbm>> -> memref<250x80xi32, #tpu.memory_space<hbm>>
      %dma_wait3A_223 = arith.constant 0 : i32
      %dma_wait3A_224 = arith.constant 0 : i32
      %dma_wait3A_225 = tpu.memref_slice %arg3[%arg0, %arg1, %dma_wait3A_223, %dma_wait3A_224] : memref<2x16x250x80xi32, #tpu.memory_space<hbm>> -> memref<1x1x250x80xi32, #tpu.memory_space<hbm>>
      %dma_wait3A_226 = tpu.memref_squeeze %dma_wait3A_225 : memref<1x1x250x80xi32, #tpu.memory_space<hbm>> -> memref<250x80xi32, #tpu.memory_space<hbm>>
      tpu.wait_dma2 semaphore(%run_scoped3A : memref<!tpu.dma_semaphore, #tpu.memory_space<semaphore_mem>>) src(%dma_wait3A_226 : memref<250x80xi32, #tpu.memory_space<hbm>>) dst(%arg6 : memref<250x80xi32, #tpu.memory_space<vmem>>)
      tpu.yield
    }) : () -> ()
    "tpu.region"() ({
      %run_scoped3A = tpu.sem_alloc : memref<!tpu.dma_semaphore, #tpu.memory_space<semaphore_mem>>
      %dma_start3A_211 = arith.constant 0 : i32
      %dma_start3A_212 = arith.constant 0 : i32
      %dma_start3A_213 = tpu.memref_slice %arg4[%arg1, %dma_start3A_211, %dma_start3A_212] : memref<16x250x80xi32, #tpu.memory_space<hbm>> -> memref<1x250x80xi32, #tpu.memory_space<hbm>>
      %dma_start3A_214 = tpu.memref_squeeze %dma_start3A_213 : memref<1x250x80xi32, #tpu.memory_space<hbm>> -> memref<250x80xi32, #tpu.memory_space<hbm>>
      %dma_start3A_215 = arith.constant 0 : i32
      %dma_start3A_216 = arith.constant 0 : i32
      %dma_start3A_217 = tpu.memref_slice %arg4[%arg1, %dma_start3A_215, %dma_start3A_216] : memref<16x250x80xi32, #tpu.memory_space<hbm>> -> memref<1x250x80xi32, #tpu.memory_space<hbm>>
      %dma_start3A_218 = tpu.memref_squeeze %dma_start3A_217 : memref<1x250x80xi32, #tpu.memory_space<hbm>> -> memref<250x80xi32, #tpu.memory_space<hbm>>
      tpu.enqueue_dma source(%dma_start3A_218 : memref<250x80xi32, #tpu.memory_space<hbm>>) target(%arg7 : memref<250x80xi32, #tpu.memory_space<vmem>>) target_semaphore(%run_scoped3A : memref<!tpu.dma_semaphore, #tpu.memory_space<semaphore_mem>>)
      %dma_wait3A_219 = arith.constant 0 : i32
      %dma_wait3A_220 = arith.constant 0 : i32
      %dma_wait3A_221 = tpu.memref_slice %arg4[%arg1, %dma_wait3A_219, %dma_wait3A_220] : memref<16x250x80xi32, #tpu.memory_space<hbm>> -> memref<1x250x80xi32, #tpu.memory_space<hbm>>
      %dma_wait3A_222 = tpu.memref_squeeze %dma_wait3A_221 : memref<1x250x80xi32, #tpu.memory_space<hbm>> -> memref<250x80xi32, #tpu.memory_space<hbm>>
      %dma_wait3A_223 = arith.constant 0 : i32
      %dma_wait3A_224 = arith.constant 0 : i32
      %dma_wait3A_225 = tpu.memref_slice %arg4[%arg1, %dma_wait3A_223, %dma_wait3A_224] : memref<16x250x80xi32, #tpu.memory_space<hbm>> -> memref<1x250x80xi32, #tpu.memory_space<hbm>>
      %dma_wait3A_226 = tpu.memref_squeeze %dma_wait3A_225 : memref<1x250x80xi32, #tpu.memory_space<hbm>> -> memref<250x80xi32, #tpu.memory_space<hbm>>
      tpu.wait_dma2 semaphore(%run_scoped3A : memref<!tpu.dma_semaphore, #tpu.memory_space<semaphore_mem>>) src(%dma_wait3A_226 : memref<250x80xi32, #tpu.memory_space<hbm>>) dst(%arg7 : memref<250x80xi32, #tpu.memory_space<vmem>>)
      tpu.yield
    }) : () -> ()
    %broadcast_in_dim3A = arith.constant 0.000000e+00 : f32
    %broadcast_in_dim3A_1 = vector.broadcast %broadcast_in_dim3A : f32 to vector<16xf32>
    %scan3A = arith.constant 0 : i32
    %scan3A_2 = arith.constant 0 : i32
    %scan3A_3 = arith.constant 320 : i32
    %scan3A_4 = arith.addi %scan3A_2, %scan3A_3 : i32
    %scan3A_5 = arith.constant 1 : i32
    scf.for %scan3A_211 = %scan3A_2 to %scan3A_4 step %scan3A_5  : i32 {
      %shift_right_arithmetic3A = arith.constant 2 : i32
      %shift_right_arithmetic3A_212 = arith.shrsi %scan3A_211, %shift_right_arithmetic3A : i32
      %and3A = arith.constant 3 : i32
      %and3A_213 = arith.andi %scan3A_211, %and3A : i32
      %mul3A_214 = arith.constant 16 : i32
      %mul3A_215 = arith.muli %and3A_213, %mul3A_214 : i32
      %swap3A = arith.index_cast %shift_right_arithmetic3A_212 : i32 to index
      %swap3A_216 = arith.index_cast %mul3A_215 : i32 to index
      %swap3A_217 = tpu.vector_load %arg8[%swap3A, %swap3A_216] {strides = array<i32>} : memref<80x64xf32, #tpu.memory_space<vmem>>, vector<1x16xf32>,
      %swap3A_218 = vector.shape_cast %swap3A_217 : vector<1x16xf32> to vector<16xf32>
      %swap3A_219 = vector.shape_cast %broadcast_in_dim3A_1 : vector<16xf32> to vector<1x16xf32>
      tpu.vector_store %arg8[%swap3A, %swap3A_216], %swap3A_219 {strides = array<i32>} : memref<80x64xf32, #tpu.memory_space<vmem>>, vector<1x16xf32>,
    }
    %scan3A_6 = arith.constant 320 : i32
    %mul3A_7 = arith.constant 640 : i32
    %mul3A_8 = arith.muli %arg1, %mul3A_7 : i32
    %add3A = arith.constant 0 : i32
    %add3A_9 = arith.addi %mul3A_8, %add3A : i32
    "tpu.region"() ({
      %run_scoped3A = tpu.sem_alloc : memref<!tpu.dma_semaphore, #tpu.memory_space<semaphore_mem>>
      %dma_start3A_211 = arith.constant 0 : i32
      %dma_start3A_212 = tpu.memref_slice %arg12[%add3A_9, %dma_start3A_211] : memref<10240x64xf32, #tpu.memory_space<vmem_shared>> -> memref<80x64xf32, #tpu.memory_space<vmem_shared>>
      %dma_start3A_213 = arith.constant 0 : i32
      %dma_start3A_214 = tpu.memref_slice %arg12[%add3A_9, %dma_start3A_213] : memref<10240x64xf32, #tpu.memory_space<vmem_shared>> -> memref<80x64xf32, #tpu.memory_space<vmem_shared>>
      tpu.enqueue_dma source(%arg8 : memref<80x64xf32, #tpu.memory_space<vmem>>) target(%dma_start3A_214 : memref<80x64xf32, #tpu.memory_space<vmem_shared>>) target_semaphore(%run_scoped3A : memref<!tpu.dma_semaphore, #tpu.memory_space<semaphore_mem>>)
      %dma_wait3A_215 = arith.constant 0 : i32
      %dma_wait3A_216 = tpu.memref_slice %arg12[%add3A_9, %dma_wait3A_215] : memref<10240x64xf32, #tpu.memory_space<vmem_shared>> -> memref<80x64xf32, #tpu.memory_space<vmem_shared>>
      %dma_wait3A_217 = arith.constant 0 : i32
      %dma_wait3A_218 = tpu.memref_slice %arg12[%add3A_9, %dma_wait3A_217] : memref<10240x64xf32, #tpu.memory_space<vmem_shared>> -> memref<80x64xf32, #tpu.memory_space<vmem_shared>>
      tpu.wait_dma2 semaphore(%run_scoped3A : memref<!tpu.dma_semaphore, #tpu.memory_space<semaphore_mem>>) src(%arg8 : memref<80x64xf32, #tpu.memory_space<vmem>>) dst(%dma_wait3A_218 : memref<80x64xf32, #tpu.memory_space<vmem_shared>>)
      tpu.yield
    }) : () -> ()
    %mul3A_10 = arith.constant 640 : i32
    %mul3A_11 = arith.muli %arg1, %mul3A_10 : i32
    %add3A_12 = arith.constant 80 : i32
    %add3A_13 = arith.addi %mul3A_11, %add3A_12 : i32
    "tpu.region"() ({
      %run_scoped3A = tpu.sem_alloc : memref<!tpu.dma_semaphore, #tpu.memory_space<semaphore_mem>>
      %dma_start3A_211 = arith.constant 0 : i32
      %dma_start3A_212 = tpu.memref_slice %arg12[%add3A_13, %dma_start3A_211] : memref<10240x64xf32, #tpu.memory_space<vmem_shared>> -> memref<80x64xf32, #tpu.memory_space<vmem_shared>>
      %dma_start3A_213 = arith.constant 0 : i32
      %dma_start3A_214 = tpu.memref_slice %arg12[%add3A_13, %dma_start3A_213] : memref<10240x64xf32, #tpu.memory_space<vmem_shared>> -> memref<80x64xf32, #tpu.memory_space<vmem_shared>>
      tpu.enqueue_dma source(%arg8 : memref<80x64xf32, #tpu.memory_space<vmem>>) target(%dma_start3A_214 : memref<80x64xf32, #tpu.memory_space<vmem_shared>>) target_semaphore(%run_scoped3A : memref<!tpu.dma_semaphore, #tpu.memory_space<semaphore_mem>>)
      %dma_wait3A_215 = arith.constant 0 : i32
      %dma_wait3A_216 = tpu.memref_slice %arg12[%add3A_13, %dma_wait3A_215] : memref<10240x64xf32, #tpu.memory_space<vmem_shared>> -> memref<80x64xf32, #tpu.memory_space<vmem_shared>>
      %dma_wait3A_217 = arith.constant 0 : i32
      %dma_wait3A_218 = tpu.memref_slice %arg12[%add3A_13, %dma_wait3A_217] : memref<10240x64xf32, #tpu.memory_space<vmem_shared>> -> memref<80x64xf32, #tpu.memory_space<vmem_shared>>
      tpu.wait_dma2 semaphore(%run_scoped3A : memref<!tpu.dma_semaphore, #tpu.memory_space<semaphore_mem>>) src(%arg8 : memref<80x64xf32, #tpu.memory_space<vmem>>) dst(%dma_wait3A_218 : memref<80x64xf32, #tpu.memory_space<vmem_shared>>)
      tpu.yield
    }) : () -> ()
    %mul3A_14 = arith.constant 640 : i32
    %mul3A_15 = arith.muli %arg1, %mul3A_14 : i32
    %add3A_16 = arith.constant 160 : i32
    %add3A_17 = arith.addi %mul3A_15, %add3A_16 : i32
    "tpu.region"() ({
      %run_scoped3A = tpu.sem_alloc : memref<!tpu.dma_semaphore, #tpu.memory_space<semaphore_mem>>
      %dma_start3A_211 = arith.constant 0 : i32
      %dma_start3A_212 = tpu.memref_slice %arg12[%add3A_17, %dma_start3A_211] : memref<10240x64xf32, #tpu.memory_space<vmem_shared>> -> memref<80x64xf32, #tpu.memory_space<vmem_shared>>
      %dma_start3A_213 = arith.constant 0 : i32
      %dma_start3A_214 = tpu.memref_slice %arg12[%add3A_17, %dma_start3A_213] : memref<10240x64xf32, #tpu.memory_space<vmem_shared>> -> memref<80x64xf32, #tpu.memory_space<vmem_shared>>
      tpu.enqueue_dma source(%arg8 : memref<80x64xf32, #tpu.memory_space<vmem>>) target(%dma_start3A_214 : memref<80x64xf32, #tpu.memory_space<vmem_shared>>) target_semaphore(%run_scoped3A : memref<!tpu.dma_semaphore, #tpu.memory_space<semaphore_mem>>)
      %dma_wait3A_215 = arith.constant 0 : i32
      %dma_wait3A_216 = tpu.memref_slice %arg12[%add3A_17, %dma_wait3A_215] : memref<10240x64xf32, #tpu.memory_space<vmem_shared>> -> memref<80x64xf32, #tpu.memory_space<vmem_shared>>
      %dma_wait3A_217 = arith.constant 0 : i32
      %dma_wait3A_218 = tpu.memref_slice %arg12[%add3A_17, %dma_wait3A_217] : memref<10240x64xf32, #tpu.memory_space<vmem_shared>> -> memref<80x64xf32, #tpu.memory_space<vmem_shared>>
      tpu.wait_dma2 semaphore(%run_scoped3A : memref<!tpu.dma_semaphore, #tpu.memory_space<semaphore_mem>>) src(%arg8 : memref<80x64xf32, #tpu.memory_space<vmem>>) dst(%dma_wait3A_218 : memref<80x64xf32, #tpu.memory_space<vmem_shared>>)
      tpu.yield
    }) : () -> ()
    %mul3A_18 = arith.constant 640 : i32
    %mul3A_19 = arith.muli %arg1, %mul3A_18 : i32
    %add3A_20 = arith.constant 240 : i32
    %add3A_21 = arith.addi %mul3A_19, %add3A_20 : i32
    "tpu.region"() ({
      %run_scoped3A = tpu.sem_alloc : memref<!tpu.dma_semaphore, #tpu.memory_space<semaphore_mem>>
      %dma_start3A_211 = arith.constant 0 : i32
      %dma_start3A_212 = tpu.memref_slice %arg12[%add3A_21, %dma_start3A_211] : memref<10240x64xf32, #tpu.memory_space<vmem_shared>> -> memref<80x64xf32, #tpu.memory_space<vmem_shared>>
      %dma_start3A_213 = arith.constant 0 : i32
      %dma_start3A_214 = tpu.memref_slice %arg12[%add3A_21, %dma_start3A_213] : memref<10240x64xf32, #tpu.memory_space<vmem_shared>> -> memref<80x64xf32, #tpu.memory_space<vmem_shared>>
      tpu.enqueue_dma source(%arg8 : memref<80x64xf32, #tpu.memory_space<vmem>>) target(%dma_start3A_214 : memref<80x64xf32, #tpu.memory_space<vmem_shared>>) target_semaphore(%run_scoped3A : memref<!tpu.dma_semaphore, #tpu.memory_space<semaphore_mem>>)
      %dma_wait3A_215 = arith.constant 0 : i32
      %dma_wait3A_216 = tpu.memref_slice %arg12[%add3A_21, %dma_wait3A_215] : memref<10240x64xf32, #tpu.memory_space<vmem_shared>> -> memref<80x64xf32, #tpu.memory_space<vmem_shared>>
      %dma_wait3A_217 = arith.constant 0 : i32
      %dma_wait3A_218 = tpu.memref_slice %arg12[%add3A_21, %dma_wait3A_217] : memref<10240x64xf32, #tpu.memory_space<vmem_shared>> -> memref<80x64xf32, #tpu.memory_space<vmem_shared>>
      tpu.wait_dma2 semaphore(%run_scoped3A : memref<!tpu.dma_semaphore, #tpu.memory_space<semaphore_mem>>) src(%arg8 : memref<80x64xf32, #tpu.memory_space<vmem>>) dst(%dma_wait3A_218 : memref<80x64xf32, #tpu.memory_space<vmem_shared>>)
      tpu.yield
    }) : () -> ()
    %mul3A_22 = arith.constant 640 : i32
    %mul3A_23 = arith.muli %arg1, %mul3A_22 : i32
    %add3A_24 = arith.constant 320 : i32
    %add3A_25 = arith.addi %mul3A_23, %add3A_24 : i32
    "tpu.region"() ({
      %run_scoped3A = tpu.sem_alloc : memref<!tpu.dma_semaphore, #tpu.memory_space<semaphore_mem>>
      %dma_start3A_211 = arith.constant 0 : i32
      %dma_start3A_212 = tpu.memref_slice %arg12[%add3A_25, %dma_start3A_211] : memref<10240x64xf32, #tpu.memory_space<vmem_shared>> -> memref<80x64xf32, #tpu.memory_space<vmem_shared>>
      %dma_start3A_213 = arith.constant 0 : i32
      %dma_start3A_214 = tpu.memref_slice %arg12[%add3A_25, %dma_start3A_213] : memref<10240x64xf32, #tpu.memory_space<vmem_shared>> -> memref<80x64xf32, #tpu.memory_space<vmem_shared>>
      tpu.enqueue_dma source(%arg8 : memref<80x64xf32, #tpu.memory_space<vmem>>) target(%dma_start3A_214 : memref<80x64xf32, #tpu.memory_space<vmem_shared>>) target_semaphore(%run_scoped3A : memref<!tpu.dma_semaphore, #tpu.memory_space<semaphore_mem>>)
      %dma_wait3A_215 = arith.constant 0 : i32
      %dma_wait3A_216 = tpu.memref_slice %arg12[%add3A_25, %dma_wait3A_215] : memref<10240x64xf32, #tpu.memory_space<vmem_shared>> -> memref<80x64xf32, #tpu.memory_space<vmem_shared>>
      %dma_wait3A_217 = arith.constant 0 : i32
      %dma_wait3A_218 = tpu.memref_slice %arg12[%add3A_25, %dma_wait3A_217] : memref<10240x64xf32, #tpu.memory_space<vmem_shared>> -> memref<80x64xf32, #tpu.memory_space<vmem_shared>>
      tpu.wait_dma2 semaphore(%run_scoped3A : memref<!tpu.dma_semaphore, #tpu.memory_space<semaphore_mem>>) src(%arg8 : memref<80x64xf32, #tpu.memory_space<vmem>>) dst(%dma_wait3A_218 : memref<80x64xf32, #tpu.memory_space<vmem_shared>>)
      tpu.yield
    }) : () -> ()
    %mul3A_26 = arith.constant 640 : i32
    %mul3A_27 = arith.muli %arg1, %mul3A_26 : i32
    %add3A_28 = arith.constant 400 : i32
    %add3A_29 = arith.addi %mul3A_27, %add3A_28 : i32
    "tpu.region"() ({
      %run_scoped3A = tpu.sem_alloc : memref<!tpu.dma_semaphore, #tpu.memory_space<semaphore_mem>>
      %dma_start3A_211 = arith.constant 0 : i32
      %dma_start3A_212 = tpu.memref_slice %arg12[%add3A_29, %dma_start3A_211] : memref<10240x64xf32, #tpu.memory_space<vmem_shared>> -> memref<80x64xf32, #tpu.memory_space<vmem_shared>>
      %dma_start3A_213 = arith.constant 0 : i32
      %dma_start3A_214 = tpu.memref_slice %arg12[%add3A_29, %dma_start3A_213] : memref<10240x64xf32, #tpu.memory_space<vmem_shared>> -> memref<80x64xf32, #tpu.memory_space<vmem_shared>>
      tpu.enqueue_dma source(%arg8 : memref<80x64xf32, #tpu.memory_space<vmem>>) target(%dma_start3A_214 : memref<80x64xf32, #tpu.memory_space<vmem_shared>>) target_semaphore(%run_scoped3A : memref<!tpu.dma_semaphore, #tpu.memory_space<semaphore_mem>>)
      %dma_wait3A_215 = arith.constant 0 : i32
      %dma_wait3A_216 = tpu.memref_slice %arg12[%add3A_29, %dma_wait3A_215] : memref<10240x64xf32, #tpu.memory_space<vmem_shared>> -> memref<80x64xf32, #tpu.memory_space<vmem_shared>>
      %dma_wait3A_217 = arith.constant 0 : i32
      %dma_wait3A_218 = tpu.memref_slice %arg12[%add3A_29, %dma_wait3A_217] : memref<10240x64xf32, #tpu.memory_space<vmem_shared>> -> memref<80x64xf32, #tpu.memory_space<vmem_shared>>
      tpu.wait_dma2 semaphore(%run_scoped3A : memref<!tpu.dma_semaphore, #tpu.memory_space<semaphore_mem>>) src(%arg8 : memref<80x64xf32, #tpu.memory_space<vmem>>) dst(%dma_wait3A_218 : memref<80x64xf32, #tpu.memory_space<vmem_shared>>)
      tpu.yield
    }) : () -> ()
    %mul3A_30 = arith.constant 640 : i32
    %mul3A_31 = arith.muli %arg1, %mul3A_30 : i32
    %add3A_32 = arith.constant 480 : i32
    %add3A_33 = arith.addi %mul3A_31, %add3A_32 : i32
    "tpu.region"() ({
      %run_scoped3A = tpu.sem_alloc : memref<!tpu.dma_semaphore, #tpu.memory_space<semaphore_mem>>
      %dma_start3A_211 = arith.constant 0 : i32
      %dma_start3A_212 = tpu.memref_slice %arg12[%add3A_33, %dma_start3A_211] : memref<10240x64xf32, #tpu.memory_space<vmem_shared>> -> memref<80x64xf32, #tpu.memory_space<vmem_shared>>
      %dma_start3A_213 = arith.constant 0 : i32
      %dma_start3A_214 = tpu.memref_slice %arg12[%add3A_33, %dma_start3A_213] : memref<10240x64xf32, #tpu.memory_space<vmem_shared>> -> memref<80x64xf32, #tpu.memory_space<vmem_shared>>
      tpu.enqueue_dma source(%arg8 : memref<80x64xf32, #tpu.memory_space<vmem>>) target(%dma_start3A_214 : memref<80x64xf32, #tpu.memory_space<vmem_shared>>) target_semaphore(%run_scoped3A : memref<!tpu.dma_semaphore, #tpu.memory_space<semaphore_mem>>)
      %dma_wait3A_215 = arith.constant 0 : i32
      %dma_wait3A_216 = tpu.memref_slice %arg12[%add3A_33, %dma_wait3A_215] : memref<10240x64xf32, #tpu.memory_space<vmem_shared>> -> memref<80x64xf32, #tpu.memory_space<vmem_shared>>
      %dma_wait3A_217 = arith.constant 0 : i32
      %dma_wait3A_218 = tpu.memref_slice %arg12[%add3A_33, %dma_wait3A_217] : memref<10240x64xf32, #tpu.memory_space<vmem_shared>> -> memref<80x64xf32, #tpu.memory_space<vmem_shared>>
      tpu.wait_dma2 semaphore(%run_scoped3A : memref<!tpu.dma_semaphore, #tpu.memory_space<semaphore_mem>>) src(%arg8 : memref<80x64xf32, #tpu.memory_space<vmem>>) dst(%dma_wait3A_218 : memref<80x64xf32, #tpu.memory_space<vmem_shared>>)
      tpu.yield
    }) : () -> ()
    %mul3A_34 = arith.constant 640 : i32
    %mul3A_35 = arith.muli %arg1, %mul3A_34 : i32
    %add3A_36 = arith.constant 560 : i32
    %add3A_37 = arith.addi %mul3A_35, %add3A_36 : i32
    "tpu.region"() ({
      %run_scoped3A = tpu.sem_alloc : memref<!tpu.dma_semaphore, #tpu.memory_space<semaphore_mem>>
      %dma_start3A_211 = arith.constant 0 : i32
      %dma_start3A_212 = tpu.memref_slice %arg12[%add3A_37, %dma_start3A_211] : memref<10240x64xf32, #tpu.memory_space<vmem_shared>> -> memref<80x64xf32, #tpu.memory_space<vmem_shared>>
      %dma_start3A_213 = arith.constant 0 : i32
      %dma_start3A_214 = tpu.memref_slice %arg12[%add3A_37, %dma_start3A_213] : memref<10240x64xf32, #tpu.memory_space<vmem_shared>> -> memref<80x64xf32, #tpu.memory_space<vmem_shared>>
      tpu.enqueue_dma source(%arg8 : memref<80x64xf32, #tpu.memory_space<vmem>>) target(%dma_start3A_214 : memref<80x64xf32, #tpu.memory_space<vmem_shared>>) target_semaphore(%run_scoped3A : memref<!tpu.dma_semaphore, #tpu.memory_space<semaphore_mem>>)
      %dma_wait3A_215 = arith.constant 0 : i32
      %dma_wait3A_216 = tpu.memref_slice %arg12[%add3A_37, %dma_wait3A_215] : memref<10240x64xf32, #tpu.memory_space<vmem_shared>> -> memref<80x64xf32, #tpu.memory_space<vmem_shared>>
      %dma_wait3A_217 = arith.constant 0 : i32
      %dma_wait3A_218 = tpu.memref_slice %arg12[%add3A_37, %dma_wait3A_217] : memref<10240x64xf32, #tpu.memory_space<vmem_shared>> -> memref<80x64xf32, #tpu.memory_space<vmem_shared>>
      tpu.wait_dma2 semaphore(%run_scoped3A : memref<!tpu.dma_semaphore, #tpu.memory_space<semaphore_mem>>) src(%arg8 : memref<80x64xf32, #tpu.memory_space<vmem>>) dst(%dma_wait3A_218 : memref<80x64xf32, #tpu.memory_space<vmem_shared>>)
      tpu.yield
    }) : () -> ()
    %barrier3A = arith.constant 0 : index
    tpu.barrier barrier_id(%barrier3A)
    %dma_start3A = arith.constant 0 : i32
    %dma_start3A_38 = arith.constant 0 : i32
    %dma_start3A_39 = tpu.memref_slice %arg6[%dma_start3A, %dma_start3A_38] : memref<250x80xi32, #tpu.memory_space<vmem>> -> memref<1x80xi32, #tpu.memory_space<vmem>>
    %dma_start3A_40 = tpu.memref_squeeze %dma_start3A_39 : memref<1x80xi32, #tpu.memory_space<vmem>> -> memref<80xi32, #tpu.memory_space<vmem>>
    %dma_start3A_41 = arith.constant 0 : i32
    %dma_start3A_42 = arith.constant 0 : i32
    %dma_start3A_43 = tpu.memref_slice %arg2[%dma_start3A_41, %dma_start3A_42] : memref<20000x64xf32, #tpu.memory_space<hbm>> -> memref<20000x64xf32, #tpu.memory_space<hbm>>
    tpu.enqueue_indirect_dma source(%dma_start3A_43 : memref<20000x64xf32, #tpu.memory_space<hbm>>) target(%arg8 : memref<80x64xf32, #tpu.memory_space<vmem>>) offsets(%dma_start3A_40 : memref<80xi32, #tpu.memory_space<vmem>>) semaphore(%arg13 : memref<!tpu.dma_semaphore, #tpu.memory_space<semaphore_mem>>)
    %dma_start3A_44 = arith.constant 1 : i32
    %dma_start3A_45 = arith.constant 0 : i32
    %dma_start3A_46 = tpu.memref_slice %arg6[%dma_start3A_44, %dma_start3A_45] : memref<250x80xi32, #tpu.memory_space<vmem>> -> memref<1x80xi32, #tpu.memory_space<vmem>>
    %dma_start3A_47 = tpu.memref_squeeze %dma_start3A_46 : memref<1x80xi32, #tpu.memory_space<vmem>> -> memref<80xi32, #tpu.memory_space<vmem>>
    %dma_start3A_48 = arith.constant 0 : i32
    %dma_start3A_49 = arith.constant 0 : i32
    %dma_start3A_50 = tpu.memref_slice %arg2[%dma_start3A_48, %dma_start3A_49] : memref<20000x64xf32, #tpu.memory_space<hbm>> -> memref<20000x64xf32, #tpu.memory_space<hbm>>
    tpu.enqueue_indirect_dma source(%dma_start3A_50 : memref<20000x64xf32, #tpu.memory_space<hbm>>) target(%arg9 : memref<80x64xf32, #tpu.memory_space<vmem>>) offsets(%dma_start3A_47 : memref<80xi32, #tpu.memory_space<vmem>>) semaphore(%arg14 : memref<!tpu.dma_semaphore, #tpu.memory_space<semaphore_mem>>)
    %dma_wait3A = arith.constant 0 : i32
    %dma_wait3A_51 = arith.constant 0 : i32
    %dma_wait3A_52 = tpu.memref_slice %arg6[%dma_wait3A, %dma_wait3A_51] : memref<250x80xi32, #tpu.memory_space<vmem>> -> memref<1x80xi32, #tpu.memory_space<vmem>>
    %dma_wait3A_53 = tpu.memref_squeeze %dma_wait3A_52 : memref<1x80xi32, #tpu.memory_space<vmem>> -> memref<80xi32, #tpu.memory_space<vmem>>
    %dma_wait3A_54 = arith.constant 0 : i32
    %dma_wait3A_55 = arith.constant 0 : i32
    %dma_wait3A_56 = tpu.memref_slice %arg2[%dma_wait3A_54, %dma_wait3A_55] : memref<20000x64xf32, #tpu.memory_space<hbm>> -> memref<20000x64xf32, #tpu.memory_space<hbm>>
    tpu.wait_indirect_dma semaphore(%arg13 : memref<!tpu.dma_semaphore, #tpu.memory_space<semaphore_mem>>) src(%dma_wait3A_56 : memref<20000x64xf32, #tpu.memory_space<hbm>>) dst(%arg8 : memref<80x64xf32, #tpu.memory_space<vmem>>)
    %dma_start3A_57 = arith.constant 0 : i32
    %dma_start3A_58 = arith.constant 0 : i32
    %dma_start3A_59 = tpu.memref_slice %arg7[%dma_start3A_57, %dma_start3A_58] : memref<250x80xi32, #tpu.memory_space<vmem>> -> memref<1x80xi32, #tpu.memory_space<vmem>>
    %dma_start3A_60 = tpu.memref_squeeze %dma_start3A_59 : memref<1x80xi32, #tpu.memory_space<vmem>> -> memref<80xi32, #tpu.memory_space<vmem>>
    %dma_start3A_61 = arith.constant 0 : i32
    %dma_start3A_62 = arith.constant 0 : i32
    %dma_start3A_63 = tpu.memref_slice %arg12[%dma_start3A_61, %dma_start3A_62] : memref<10240x64xf32, #tpu.memory_space<vmem_shared>> -> memref<10240x64xf32, #tpu.memory_space<vmem_shared>>
    tpu.enqueue_indirect_dma source(%arg8 : memref<80x64xf32, #tpu.memory_space<vmem>>) target(%dma_start3A_63 : memref<10240x64xf32, #tpu.memory_space<vmem_shared>>) offsets(%dma_start3A_60 : memref<80xi32, #tpu.memory_space<vmem>>) semaphore(%arg17 : memref<!tpu.dma_semaphore, #tpu.memory_space<semaphore_mem>>) {add = true}
    %dma_start3A_64 = arith.constant 2 : i32
    %dma_start3A_65 = arith.constant 0 : i32
    %dma_start3A_66 = tpu.memref_slice %arg6[%dma_start3A_64, %dma_start3A_65] : memref<250x80xi32, #tpu.memory_space<vmem>> -> memref<1x80xi32, #tpu.memory_space<vmem>>
    %dma_start3A_67 = tpu.memref_squeeze %dma_start3A_66 : memref<1x80xi32, #tpu.memory_space<vmem>> -> memref<80xi32, #tpu.memory_space<vmem>>
    %dma_start3A_68 = arith.constant 0 : i32
    %dma_start3A_69 = arith.constant 0 : i32
    %dma_start3A_70 = tpu.memref_slice %arg2[%dma_start3A_68, %dma_start3A_69] : memref<20000x64xf32, #tpu.memory_space<hbm>> -> memref<20000x64xf32, #tpu.memory_space<hbm>>
    tpu.enqueue_indirect_dma source(%dma_start3A_70 : memref<20000x64xf32, #tpu.memory_space<hbm>>) target(%arg10 : memref<80x64xf32, #tpu.memory_space<vmem>>) offsets(%dma_start3A_67 : memref<80xi32, #tpu.memory_space<vmem>>) semaphore(%arg15 : memref<!tpu.dma_semaphore, #tpu.memory_space<semaphore_mem>>)
    %dma_wait3A_71 = arith.constant 0 : i32
    %dma_wait3A_72 = arith.constant 0 : i32
    %dma_wait3A_73 = tpu.memref_slice %arg6[%dma_wait3A_71, %dma_wait3A_72] : memref<250x80xi32, #tpu.memory_space<vmem>> -> memref<1x80xi32, #tpu.memory_space<vmem>>
    %dma_wait3A_74 = tpu.memref_squeeze %dma_wait3A_73 : memref<1x80xi32, #tpu.memory_space<vmem>> -> memref<80xi32, #tpu.memory_space<vmem>>
    %dma_wait3A_75 = arith.constant 0 : i32
    %dma_wait3A_76 = arith.constant 0 : i32
    %dma_wait3A_77 = tpu.memref_slice %arg2[%dma_wait3A_75, %dma_wait3A_76] : memref<20000x64xf32, #tpu.memory_space<hbm>> -> memref<20000x64xf32, #tpu.memory_space<hbm>>
    tpu.wait_indirect_dma semaphore(%arg14 : memref<!tpu.dma_semaphore, #tpu.memory_space<semaphore_mem>>) src(%dma_wait3A_77 : memref<20000x64xf32, #tpu.memory_space<hbm>>) dst(%arg9 : memref<80x64xf32, #tpu.memory_space<vmem>>)
    %dma_start3A_78 = arith.constant 1 : i32
    %dma_start3A_79 = arith.constant 0 : i32
    %dma_start3A_80 = tpu.memref_slice %arg7[%dma_start3A_78, %dma_start3A_79] : memref<250x80xi32, #tpu.memory_space<vmem>> -> memref<1x80xi32, #tpu.memory_space<vmem>>
    %dma_start3A_81 = tpu.memref_squeeze %dma_start3A_80 : memref<1x80xi32, #tpu.memory_space<vmem>> -> memref<80xi32, #tpu.memory_space<vmem>>
    %dma_start3A_82 = arith.constant 0 : i32
    %dma_start3A_83 = arith.constant 0 : i32
    %dma_start3A_84 = tpu.memref_slice %arg12[%dma_start3A_82, %dma_start3A_83] : memref<10240x64xf32, #tpu.memory_space<vmem_shared>> -> memref<10240x64xf32, #tpu.memory_space<vmem_shared>>
    tpu.enqueue_indirect_dma source(%arg9 : memref<80x64xf32, #tpu.memory_space<vmem>>) target(%dma_start3A_84 : memref<10240x64xf32, #tpu.memory_space<vmem_shared>>) offsets(%dma_start3A_81 : memref<80xi32, #tpu.memory_space<vmem>>) semaphore(%arg18 : memref<!tpu.dma_semaphore, #tpu.memory_space<semaphore_mem>>) {add = true}
    %dma_start3A_85 = arith.constant 3 : i32
    %dma_start3A_86 = arith.constant 0 : i32
    %dma_start3A_87 = tpu.memref_slice %arg6[%dma_start3A_85, %dma_start3A_86] : memref<250x80xi32, #tpu.memory_space<vmem>> -> memref<1x80xi32, #tpu.memory_space<vmem>>
    %dma_start3A_88 = tpu.memref_squeeze %dma_start3A_87 : memref<1x80xi32, #tpu.memory_space<vmem>> -> memref<80xi32, #tpu.memory_space<vmem>>
    %dma_start3A_89 = arith.constant 0 : i32
    %dma_start3A_90 = arith.constant 0 : i32
    %dma_start3A_91 = tpu.memref_slice %arg2[%dma_start3A_89, %dma_start3A_90] : memref<20000x64xf32, #tpu.memory_space<hbm>> -> memref<20000x64xf32, #tpu.memory_space<hbm>>
    tpu.enqueue_indirect_dma source(%dma_start3A_91 : memref<20000x64xf32, #tpu.memory_space<hbm>>) target(%arg11 : memref<80x64xf32, #tpu.memory_space<vmem>>) offsets(%dma_start3A_88 : memref<80xi32, #tpu.memory_space<vmem>>) semaphore(%arg16 : memref<!tpu.dma_semaphore, #tpu.memory_space<semaphore_mem>>)
    %dma_wait3A_92 = arith.constant 0 : i32
    %dma_wait3A_93 = arith.constant 0 : i32
    %dma_wait3A_94 = tpu.memref_slice %arg6[%dma_wait3A_92, %dma_wait3A_93] : memref<250x80xi32, #tpu.memory_space<vmem>> -> memref<1x80xi32, #tpu.memory_space<vmem>>
    %dma_wait3A_95 = tpu.memref_squeeze %dma_wait3A_94 : memref<1x80xi32, #tpu.memory_space<vmem>> -> memref<80xi32, #tpu.memory_space<vmem>>
    %dma_wait3A_96 = arith.constant 0 : i32
    %dma_wait3A_97 = arith.constant 0 : i32
    %dma_wait3A_98 = tpu.memref_slice %arg2[%dma_wait3A_96, %dma_wait3A_97] : memref<20000x64xf32, #tpu.memory_space<hbm>> -> memref<20000x64xf32, #tpu.memory_space<hbm>>
    tpu.wait_indirect_dma semaphore(%arg15 : memref<!tpu.dma_semaphore, #tpu.memory_space<semaphore_mem>>) src(%dma_wait3A_98 : memref<20000x64xf32, #tpu.memory_space<hbm>>) dst(%arg10 : memref<80x64xf32, #tpu.memory_space<vmem>>)
    %dma_start3A_99 = arith.constant 2 : i32
    %dma_start3A_100 = arith.constant 0 : i32
    %dma_start3A_101 = tpu.memref_slice %arg7[%dma_start3A_99, %dma_start3A_100] : memref<250x80xi32, #tpu.memory_space<vmem>> -> memref<1x80xi32, #tpu.memory_space<vmem>>
    %dma_start3A_102 = tpu.memref_squeeze %dma_start3A_101 : memref<1x80xi32, #tpu.memory_space<vmem>> -> memref<80xi32, #tpu.memory_space<vmem>>
    %dma_start3A_103 = arith.constant 0 : i32
    %dma_start3A_104 = arith.constant 0 : i32
    %dma_start3A_105 = tpu.memref_slice %arg12[%dma_start3A_103, %dma_start3A_104] : memref<10240x64xf32, #tpu.memory_space<vmem_shared>> -> memref<10240x64xf32, #tpu.memory_space<vmem_shared>>
    tpu.enqueue_indirect_dma source(%arg10 : memref<80x64xf32, #tpu.memory_space<vmem>>) target(%dma_start3A_105 : memref<10240x64xf32, #tpu.memory_space<vmem_shared>>) offsets(%dma_start3A_102 : memref<80xi32, #tpu.memory_space<vmem>>) semaphore(%arg19 : memref<!tpu.dma_semaphore, #tpu.memory_space<semaphore_mem>>) {add = true}
    %dma_wait3A_106 = arith.constant 0 : i32
    %dma_wait3A_107 = arith.constant 0 : i32
    %dma_wait3A_108 = tpu.memref_slice %arg7[%dma_wait3A_106, %dma_wait3A_107] : memref<250x80xi32, #tpu.memory_space<vmem>> -> memref<1x80xi32, #tpu.memory_space<vmem>>
    %dma_wait3A_109 = tpu.memref_squeeze %dma_wait3A_108 : memref<1x80xi32, #tpu.memory_space<vmem>> -> memref<80xi32, #tpu.memory_space<vmem>>
    %dma_wait3A_110 = arith.constant 0 : i32
    %dma_wait3A_111 = arith.constant 0 : i32
    %dma_wait3A_112 = tpu.memref_slice %arg12[%dma_wait3A_110, %dma_wait3A_111] : memref<10240x64xf32, #tpu.memory_space<vmem_shared>> -> memref<10240x64xf32, #tpu.memory_space<vmem_shared>>
    tpu.wait_indirect_dma semaphore(%arg17 : memref<!tpu.dma_semaphore, #tpu.memory_space<semaphore_mem>>) src(%arg8 : memref<80x64xf32, #tpu.memory_space<vmem>>) dst(%dma_wait3A_112 : memref<10240x64xf32, #tpu.memory_space<vmem_shared>>)
    %dma_start3A_113 = arith.constant 4 : i32
    %dma_start3A_114 = arith.constant 0 : i32
    %dma_start3A_115 = tpu.memref_slice %arg6[%dma_start3A_113, %dma_start3A_114] : memref<250x80xi32, #tpu.memory_space<vmem>> -> memref<1x80xi32, #tpu.memory_space<vmem>>
    %dma_start3A_116 = tpu.memref_squeeze %dma_start3A_115 : memref<1x80xi32, #tpu.memory_space<vmem>> -> memref<80xi32, #tpu.memory_space<vmem>>
    %dma_start3A_117 = arith.constant 0 : i32
    %dma_start3A_118 = arith.constant 0 : i32
    %dma_start3A_119 = tpu.memref_slice %arg2[%dma_start3A_117, %dma_start3A_118] : memref<20000x64xf32, #tpu.memory_space<hbm>> -> memref<20000x64xf32, #tpu.memory_space<hbm>>
    tpu.enqueue_indirect_dma source(%dma_start3A_119 : memref<20000x64xf32, #tpu.memory_space<hbm>>) target(%arg8 : memref<80x64xf32, #tpu.memory_space<vmem>>) offsets(%dma_start3A_116 : memref<80xi32, #tpu.memory_space<vmem>>) semaphore(%arg13 : memref<!tpu.dma_semaphore, #tpu.memory_space<semaphore_mem>>)
    %dma_wait3A_120 = arith.constant 0 : i32
    %dma_wait3A_121 = arith.constant 0 : i32
    %dma_wait3A_122 = tpu.memref_slice %arg6[%dma_wait3A_120, %dma_wait3A_121] : memref<250x80xi32, #tpu.memory_space<vmem>> -> memref<1x80xi32, #tpu.memory_space<vmem>>
    %dma_wait3A_123 = tpu.memref_squeeze %dma_wait3A_122 : memref<1x80xi32, #tpu.memory_space<vmem>> -> memref<80xi32, #tpu.memory_space<vmem>>
    %dma_wait3A_124 = arith.constant 0 : i32
    %dma_wait3A_125 = arith.constant 0 : i32
    %dma_wait3A_126 = tpu.memref_slice %arg2[%dma_wait3A_124, %dma_wait3A_125] : memref<20000x64xf32, #tpu.memory_space<hbm>> -> memref<20000x64xf32, #tpu.memory_space<hbm>>
    tpu.wait_indirect_dma semaphore(%arg16 : memref<!tpu.dma_semaphore, #tpu.memory_space<semaphore_mem>>) src(%dma_wait3A_126 : memref<20000x64xf32, #tpu.memory_space<hbm>>) dst(%arg11 : memref<80x64xf32, #tpu.memory_space<vmem>>)
    %dma_start3A_127 = arith.constant 3 : i32
    %dma_start3A_128 = arith.constant 0 : i32
    %dma_start3A_129 = tpu.memref_slice %arg7[%dma_start3A_127, %dma_start3A_128] : memref<250x80xi32, #tpu.memory_space<vmem>> -> memref<1x80xi32, #tpu.memory_space<vmem>>
    %dma_start3A_130 = tpu.memref_squeeze %dma_start3A_129 : memref<1x80xi32, #tpu.memory_space<vmem>> -> memref<80xi32, #tpu.memory_space<vmem>>
    %dma_start3A_131 = arith.constant 0 : i32
    %dma_start3A_132 = arith.constant 0 : i32
    %dma_start3A_133 = tpu.memref_slice %arg12[%dma_start3A_131, %dma_start3A_132] : memref<10240x64xf32, #tpu.memory_space<vmem_shared>> -> memref<10240x64xf32, #tpu.memory_space<vmem_shared>>
    tpu.enqueue_indirect_dma source(%arg11 : memref<80x64xf32, #tpu.memory_space<vmem>>) target(%dma_start3A_133 : memref<10240x64xf32, #tpu.memory_space<vmem_shared>>) offsets(%dma_start3A_130 : memref<80xi32, #tpu.memory_space<vmem>>) semaphore(%arg20 : memref<!tpu.dma_semaphore, #tpu.memory_space<semaphore_mem>>) {add = true}
    %dma_wait3A_134 = arith.constant 0 : i32
    %dma_wait3A_135 = arith.constant 0 : i32
    %dma_wait3A_136 = tpu.memref_slice %arg7[%dma_wait3A_134, %dma_wait3A_135] : memref<250x80xi32, #tpu.memory_space<vmem>> -> memref<1x80xi32, #tpu.memory_space<vmem>>
    %dma_wait3A_137 = tpu.memref_squeeze %dma_wait3A_136 : memref<1x80xi32, #tpu.memory_space<vmem>> -> memref<80xi32, #tpu.memory_space<vmem>>
    %dma_wait3A_138 = arith.constant 0 : i32
    %dma_wait3A_139 = arith.constant 0 : i32
    %dma_wait3A_140 = tpu.memref_slice %arg12[%dma_wait3A_138, %dma_wait3A_139] : memref<10240x64xf32, #tpu.memory_space<vmem_shared>> -> memref<10240x64xf32, #tpu.memory_space<vmem_shared>>
    tpu.wait_indirect_dma semaphore(%arg18 : memref<!tpu.dma_semaphore, #tpu.memory_space<semaphore_mem>>) src(%arg9 : memref<80x64xf32, #tpu.memory_space<vmem>>) dst(%dma_wait3A_140 : memref<10240x64xf32, #tpu.memory_space<vmem_shared>>)
    %dma_start3A_141 = arith.constant 5 : i32
    %dma_start3A_142 = arith.constant 0 : i32
    %dma_start3A_143 = tpu.memref_slice %arg6[%dma_start3A_141, %dma_start3A_142] : memref<250x80xi32, #tpu.memory_space<vmem>> -> memref<1x80xi32, #tpu.memory_space<vmem>>
    %dma_start3A_144 = tpu.memref_squeeze %dma_start3A_143 : memref<1x80xi32, #tpu.memory_space<vmem>> -> memref<80xi32, #tpu.memory_space<vmem>>
    %dma_start3A_145 = arith.constant 0 : i32
    %dma_start3A_146 = arith.constant 0 : i32
    %dma_start3A_147 = tpu.memref_slice %arg2[%dma_start3A_145, %dma_start3A_146] : memref<20000x64xf32, #tpu.memory_space<hbm>> -> memref<20000x64xf32, #tpu.memory_space<hbm>>
    tpu.enqueue_indirect_dma source(%dma_start3A_147 : memref<20000x64xf32, #tpu.memory_space<hbm>>) target(%arg9 : memref<80x64xf32, #tpu.memory_space<vmem>>) offsets(%dma_start3A_144 : memref<80xi32, #tpu.memory_space<vmem>>) semaphore(%arg14 : memref<!tpu.dma_semaphore, #tpu.memory_space<semaphore_mem>>)
    %scan3A_148 = arith.constant 0 : i32
    %scan3A_149 = arith.constant 0 : i32
    %scan3A_150 = arith.constant 61 : i32
    %scan3A_151 = arith.addi %scan3A_149, %scan3A_150 : i32
    %scan3A_152 = arith.constant 1 : i32
    scf.for %scan3A_211 = %scan3A_149 to %scan3A_151 step %scan3A_152  : i32 {
      %mul3A_212 = arith.constant 4 : i32
      %mul3A_213 = arith.muli %mul3A_212, %scan3A_211 : i32
      %add3A_214 = arith.constant 4 : i32
      %add3A_215 = arith.addi %add3A_214, %mul3A_213 : i32
      %dma_wait3A_216 = arith.constant 0 : i32
      %dma_wait3A_217 = arith.constant 0 : i32
      %dma_wait3A_218 = tpu.memref_slice %arg6[%dma_wait3A_216, %dma_wait3A_217] : memref<250x80xi32, #tpu.memory_space<vmem>> -> memref<1x80xi32, #tpu.memory_space<vmem>>
      %dma_wait3A_219 = tpu.memref_squeeze %dma_wait3A_218 : memref<1x80xi32, #tpu.memory_space<vmem>> -> memref<80xi32, #tpu.memory_space<vmem>>
      %dma_wait3A_220 = arith.constant 0 : i32
      %dma_wait3A_221 = arith.constant 0 : i32
      %dma_wait3A_222 = tpu.memref_slice %arg2[%dma_wait3A_220, %dma_wait3A_221] : memref<20000x64xf32, #tpu.memory_space<hbm>> -> memref<20000x64xf32, #tpu.memory_space<hbm>>
      tpu.wait_indirect_dma semaphore(%arg13 : memref<!tpu.dma_semaphore, #tpu.memory_space<semaphore_mem>>) src(%dma_wait3A_222 : memref<20000x64xf32, #tpu.memory_space<hbm>>) dst(%arg8 : memref<80x64xf32, #tpu.memory_space<vmem>>)
      %add3A_223 = arith.constant 0 : i32
      %add3A_224 = arith.addi %add3A_215, %add3A_223 : i32
      %dma_start3A_225 = arith.constant 0 : i32
      %dma_start3A_226 = tpu.memref_slice %arg7[%add3A_224, %dma_start3A_225] : memref<250x80xi32, #tpu.memory_space<vmem>> -> memref<1x80xi32, #tpu.memory_space<vmem>>
      %dma_start3A_227 = tpu.memref_squeeze %dma_start3A_226 : memref<1x80xi32, #tpu.memory_space<vmem>> -> memref<80xi32, #tpu.memory_space<vmem>>
      %dma_start3A_228 = arith.constant 0 : i32
      %dma_start3A_229 = arith.constant 0 : i32
      %dma_start3A_230 = tpu.memref_slice %arg12[%dma_start3A_228, %dma_start3A_229] : memref<10240x64xf32, #tpu.memory_space<vmem_shared>> -> memref<10240x64xf32, #tpu.memory_space<vmem_shared>>
      tpu.enqueue_indirect_dma source(%arg8 : memref<80x64xf32, #tpu.memory_space<vmem>>) target(%dma_start3A_230 : memref<10240x64xf32, #tpu.memory_space<vmem_shared>>) offsets(%dma_start3A_227 : memref<80xi32, #tpu.memory_space<vmem>>) semaphore(%arg17 : memref<!tpu.dma_semaphore, #tpu.memory_space<semaphore_mem>>) {add = true}
      %dma_wait3A_231 = arith.constant 0 : i32
      %dma_wait3A_232 = arith.constant 0 : i32
      %dma_wait3A_233 = tpu.memref_slice %arg7[%dma_wait3A_231, %dma_wait3A_232] : memref<250x80xi32, #tpu.memory_space<vmem>> -> memref<1x80xi32, #tpu.memory_space<vmem>>
      %dma_wait3A_234 = tpu.memref_squeeze %dma_wait3A_233 : memref<1x80xi32, #tpu.memory_space<vmem>> -> memref<80xi32, #tpu.memory_space<vmem>>
      %dma_wait3A_235 = arith.constant 0 : i32
      %dma_wait3A_236 = arith.constant 0 : i32
      %dma_wait3A_237 = tpu.memref_slice %arg12[%dma_wait3A_235, %dma_wait3A_236] : memref<10240x64xf32, #tpu.memory_space<vmem_shared>> -> memref<10240x64xf32, #tpu.memory_space<vmem_shared>>
      tpu.wait_indirect_dma semaphore(%arg19 : memref<!tpu.dma_semaphore, #tpu.memory_space<semaphore_mem>>) src(%arg10 : memref<80x64xf32, #tpu.memory_space<vmem>>) dst(%dma_wait3A_237 : memref<10240x64xf32, #tpu.memory_space<vmem_shared>>)
      %add3A_238 = arith.constant 0 : i32
      %add3A_239 = arith.addi %add3A_215, %add3A_238 : i32
      %add3A_240 = arith.constant 2 : i32
      %add3A_241 = arith.addi %add3A_239, %add3A_240 : i32
      %dma_start3A_242 = arith.constant 0 : i32
      %dma_start3A_243 = tpu.memref_slice %arg6[%add3A_241, %dma_start3A_242] : memref<250x80xi32, #tpu.memory_space<vmem>> -> memref<1x80xi32, #tpu.memory_space<vmem>>
      %dma_start3A_244 = tpu.memref_squeeze %dma_start3A_243 : memref<1x80xi32, #tpu.memory_space<vmem>> -> memref<80xi32, #tpu.memory_space<vmem>>
      %dma_start3A_245 = arith.constant 0 : i32
      %dma_start3A_246 = arith.constant 0 : i32
      %dma_start3A_247 = tpu.memref_slice %arg2[%dma_start3A_245, %dma_start3A_246] : memref<20000x64xf32, #tpu.memory_space<hbm>> -> memref<20000x64xf32, #tpu.memory_space<hbm>>
      tpu.enqueue_indirect_dma source(%dma_start3A_247 : memref<20000x64xf32, #tpu.memory_space<hbm>>) target(%arg10 : memref<80x64xf32, #tpu.memory_space<vmem>>) offsets(%dma_start3A_244 : memref<80xi32, #tpu.memory_space<vmem>>) semaphore(%arg15 : memref<!tpu.dma_semaphore, #tpu.memory_space<semaphore_mem>>)
      %dma_wait3A_248 = arith.constant 0 : i32
      %dma_wait3A_249 = arith.constant 0 : i32
      %dma_wait3A_250 = tpu.memref_slice %arg6[%dma_wait3A_248, %dma_wait3A_249] : memref<250x80xi32, #tpu.memory_space<vmem>> -> memref<1x80xi32, #tpu.memory_space<vmem>>
      %dma_wait3A_251 = tpu.memref_squeeze %dma_wait3A_250 : memref<1x80xi32, #tpu.memory_space<vmem>> -> memref<80xi32, #tpu.memory_space<vmem>>
      %dma_wait3A_252 = arith.constant 0 : i32
      %dma_wait3A_253 = arith.constant 0 : i32
      %dma_wait3A_254 = tpu.memref_slice %arg2[%dma_wait3A_252, %dma_wait3A_253] : memref<20000x64xf32, #tpu.memory_space<hbm>> -> memref<20000x64xf32, #tpu.memory_space<hbm>>
      tpu.wait_indirect_dma semaphore(%arg14 : memref<!tpu.dma_semaphore, #tpu.memory_space<semaphore_mem>>) src(%dma_wait3A_254 : memref<20000x64xf32, #tpu.memory_space<hbm>>) dst(%arg9 : memref<80x64xf32, #tpu.memory_space<vmem>>)
      %add3A_255 = arith.constant 1 : i32
      %add3A_256 = arith.addi %add3A_215, %add3A_255 : i32
      %dma_start3A_257 = arith.constant 0 : i32
      %dma_start3A_258 = tpu.memref_slice %arg7[%add3A_256, %dma_start3A_257] : memref<250x80xi32, #tpu.memory_space<vmem>> -> memref<1x80xi32, #tpu.memory_space<vmem>>
      %dma_start3A_259 = tpu.memref_squeeze %dma_start3A_258 : memref<1x80xi32, #tpu.memory_space<vmem>> -> memref<80xi32, #tpu.memory_space<vmem>>
      %dma_start3A_260 = arith.constant 0 : i32
      %dma_start3A_261 = arith.constant 0 : i32
      %dma_start3A_262 = tpu.memref_slice %arg12[%dma_start3A_260, %dma_start3A_261] : memref<10240x64xf32, #tpu.memory_space<vmem_shared>> -> memref<10240x64xf32, #tpu.memory_space<vmem_shared>>
      tpu.enqueue_indirect_dma source(%arg9 : memref<80x64xf32, #tpu.memory_space<vmem>>) target(%dma_start3A_262 : memref<10240x64xf32, #tpu.memory_space<vmem_shared>>) offsets(%dma_start3A_259 : memref<80xi32, #tpu.memory_space<vmem>>) semaphore(%arg18 : memref<!tpu.dma_semaphore, #tpu.memory_space<semaphore_mem>>) {add = true}
      %dma_wait3A_263 = arith.constant 0 : i32
      %dma_wait3A_264 = arith.constant 0 : i32
      %dma_wait3A_265 = tpu.memref_slice %arg7[%dma_wait3A_263, %dma_wait3A_264] : memref<250x80xi32, #tpu.memory_space<vmem>> -> memref<1x80xi32, #tpu.memory_space<vmem>>
      %dma_wait3A_266 = tpu.memref_squeeze %dma_wait3A_265 : memref<1x80xi32, #tpu.memory_space<vmem>> -> memref<80xi32, #tpu.memory_space<vmem>>
      %dma_wait3A_267 = arith.constant 0 : i32
      %dma_wait3A_268 = arith.constant 0 : i32
      %dma_wait3A_269 = tpu.memref_slice %arg12[%dma_wait3A_267, %dma_wait3A_268] : memref<10240x64xf32, #tpu.memory_space<vmem_shared>> -> memref<10240x64xf32, #tpu.memory_space<vmem_shared>>
      tpu.wait_indirect_dma semaphore(%arg20 : memref<!tpu.dma_semaphore, #tpu.memory_space<semaphore_mem>>) src(%arg11 : memref<80x64xf32, #tpu.memory_space<vmem>>) dst(%dma_wait3A_269 : memref<10240x64xf32, #tpu.memory_space<vmem_shared>>)
      %add3A_270 = arith.constant 1 : i32
      %add3A_271 = arith.addi %add3A_215, %add3A_270 : i32
      %add3A_272 = arith.constant 2 : i32
      %add3A_273 = arith.addi %add3A_271, %add3A_272 : i32
      %dma_start3A_274 = arith.constant 0 : i32
      %dma_start3A_275 = tpu.memref_slice %arg6[%add3A_273, %dma_start3A_274] : memref<250x80xi32, #tpu.memory_space<vmem>> -> memref<1x80xi32, #tpu.memory_space<vmem>>
      %dma_start3A_276 = tpu.memref_squeeze %dma_start3A_275 : memref<1x80xi32, #tpu.memory_space<vmem>> -> memref<80xi32, #tpu.memory_space<vmem>>
      %dma_start3A_277 = arith.constant 0 : i32
      %dma_start3A_278 = arith.constant 0 : i32
      %dma_start3A_279 = tpu.memref_slice %arg2[%dma_start3A_277, %dma_start3A_278] : memref<20000x64xf32, #tpu.memory_space<hbm>> -> memref<20000x64xf32, #tpu.memory_space<hbm>>
      tpu.enqueue_indirect_dma source(%dma_start3A_279 : memref<20000x64xf32, #tpu.memory_space<hbm>>) target(%arg11 : memref<80x64xf32, #tpu.memory_space<vmem>>) offsets(%dma_start3A_276 : memref<80xi32, #tpu.memory_space<vmem>>) semaphore(%arg16 : memref<!tpu.dma_semaphore, #tpu.memory_space<semaphore_mem>>)
      %dma_wait3A_280 = arith.constant 0 : i32
      %dma_wait3A_281 = arith.constant 0 : i32
      %dma_wait3A_282 = tpu.memref_slice %arg6[%dma_wait3A_280, %dma_wait3A_281] : memref<250x80xi32, #tpu.memory_space<vmem>> -> memref<1x80xi32, #tpu.memory_space<vmem>>
      %dma_wait3A_283 = tpu.memref_squeeze %dma_wait3A_282 : memref<1x80xi32, #tpu.memory_space<vmem>> -> memref<80xi32, #tpu.memory_space<vmem>>
      %dma_wait3A_284 = arith.constant 0 : i32
      %dma_wait3A_285 = arith.constant 0 : i32
      %dma_wait3A_286 = tpu.memref_slice %arg2[%dma_wait3A_284, %dma_wait3A_285] : memref<20000x64xf32, #tpu.memory_space<hbm>> -> memref<20000x64xf32, #tpu.memory_space<hbm>>
      tpu.wait_indirect_dma semaphore(%arg15 : memref<!tpu.dma_semaphore, #tpu.memory_space<semaphore_mem>>) src(%dma_wait3A_286 : memref<20000x64xf32, #tpu.memory_space<hbm>>) dst(%arg10 : memref<80x64xf32, #tpu.memory_space<vmem>>)
      %add3A_287 = arith.constant 2 : i32
      %add3A_288 = arith.addi %add3A_215, %add3A_287 : i32
      %dma_start3A_289 = arith.constant 0 : i32
      %dma_start3A_290 = tpu.memref_slice %arg7[%add3A_288, %dma_start3A_289] : memref<250x80xi32, #tpu.memory_space<vmem>> -> memref<1x80xi32, #tpu.memory_space<vmem>>
      %dma_start3A_291 = tpu.memref_squeeze %dma_start3A_290 : memref<1x80xi32, #tpu.memory_space<vmem>> -> memref<80xi32, #tpu.memory_space<vmem>>
      %dma_start3A_292 = arith.constant 0 : i32
      %dma_start3A_293 = arith.constant 0 : i32
      %dma_start3A_294 = tpu.memref_slice %arg12[%dma_start3A_292, %dma_start3A_293] : memref<10240x64xf32, #tpu.memory_space<vmem_shared>> -> memref<10240x64xf32, #tpu.memory_space<vmem_shared>>
      tpu.enqueue_indirect_dma source(%arg10 : memref<80x64xf32, #tpu.memory_space<vmem>>) target(%dma_start3A_294 : memref<10240x64xf32, #tpu.memory_space<vmem_shared>>) offsets(%dma_start3A_291 : memref<80xi32, #tpu.memory_space<vmem>>) semaphore(%arg19 : memref<!tpu.dma_semaphore, #tpu.memory_space<semaphore_mem>>) {add = true}
      %dma_wait3A_295 = arith.constant 0 : i32
      %dma_wait3A_296 = arith.constant 0 : i32
      %dma_wait3A_297 = tpu.memref_slice %arg7[%dma_wait3A_295, %dma_wait3A_296] : memref<250x80xi32, #tpu.memory_space<vmem>> -> memref<1x80xi32, #tpu.memory_space<vmem>>
      %dma_wait3A_298 = tpu.memref_squeeze %dma_wait3A_297 : memref<1x80xi32, #tpu.memory_space<vmem>> -> memref<80xi32, #tpu.memory_space<vmem>>
      %dma_wait3A_299 = arith.constant 0 : i32
      %dma_wait3A_300 = arith.constant 0 : i32
      %dma_wait3A_301 = tpu.memref_slice %arg12[%dma_wait3A_299, %dma_wait3A_300] : memref<10240x64xf32, #tpu.memory_space<vmem_shared>> -> memref<10240x64xf32, #tpu.memory_space<vmem_shared>>
      tpu.wait_indirect_dma semaphore(%arg17 : memref<!tpu.dma_semaphore, #tpu.memory_space<semaphore_mem>>) src(%arg8 : memref<80x64xf32, #tpu.memory_space<vmem>>) dst(%dma_wait3A_301 : memref<10240x64xf32, #tpu.memory_space<vmem_shared>>)
      %add3A_302 = arith.constant 2 : i32
      %add3A_303 = arith.addi %add3A_215, %add3A_302 : i32
      %add3A_304 = arith.constant 2 : i32
      %add3A_305 = arith.addi %add3A_303, %add3A_304 : i32
      %dma_start3A_306 = arith.constant 0 : i32
      %dma_start3A_307 = tpu.memref_slice %arg6[%add3A_305, %dma_start3A_306] : memref<250x80xi32, #tpu.memory_space<vmem>> -> memref<1x80xi32, #tpu.memory_space<vmem>>
      %dma_start3A_308 = tpu.memref_squeeze %dma_start3A_307 : memref<1x80xi32, #tpu.memory_space<vmem>> -> memref<80xi32, #tpu.memory_space<vmem>>
      %dma_start3A_309 = arith.constant 0 : i32
      %dma_start3A_310 = arith.constant 0 : i32
      %dma_start3A_311 = tpu.memref_slice %arg2[%dma_start3A_309, %dma_start3A_310] : memref<20000x64xf32, #tpu.memory_space<hbm>> -> memref<20000x64xf32, #tpu.memory_space<hbm>>
      tpu.enqueue_indirect_dma source(%dma_start3A_311 : memref<20000x64xf32, #tpu.memory_space<hbm>>) target(%arg8 : memref<80x64xf32, #tpu.memory_space<vmem>>) offsets(%dma_start3A_308 : memref<80xi32, #tpu.memory_space<vmem>>) semaphore(%arg13 : memref<!tpu.dma_semaphore, #tpu.memory_space<semaphore_mem>>)
      %dma_wait3A_312 = arith.constant 0 : i32
      %dma_wait3A_313 = arith.constant 0 : i32
      %dma_wait3A_314 = tpu.memref_slice %arg6[%dma_wait3A_312, %dma_wait3A_313] : memref<250x80xi32, #tpu.memory_space<vmem>> -> memref<1x80xi32, #tpu.memory_space<vmem>>
      %dma_wait3A_315 = tpu.memref_squeeze %dma_wait3A_314 : memref<1x80xi32, #tpu.memory_space<vmem>> -> memref<80xi32, #tpu.memory_space<vmem>>
      %dma_wait3A_316 = arith.constant 0 : i32
      %dma_wait3A_317 = arith.constant 0 : i32
      %dma_wait3A_318 = tpu.memref_slice %arg2[%dma_wait3A_316, %dma_wait3A_317] : memref<20000x64xf32, #tpu.memory_space<hbm>> -> memref<20000x64xf32, #tpu.memory_space<hbm>>
      tpu.wait_indirect_dma semaphore(%arg16 : memref<!tpu.dma_semaphore, #tpu.memory_space<semaphore_mem>>) src(%dma_wait3A_318 : memref<20000x64xf32, #tpu.memory_space<hbm>>) dst(%arg11 : memref<80x64xf32, #tpu.memory_space<vmem>>)
      %add3A_319 = arith.constant 3 : i32
      %add3A_320 = arith.addi %add3A_215, %add3A_319 : i32
      %dma_start3A_321 = arith.constant 0 : i32
      %dma_start3A_322 = tpu.memref_slice %arg7[%add3A_320, %dma_start3A_321] : memref<250x80xi32, #tpu.memory_space<vmem>> -> memref<1x80xi32, #tpu.memory_space<vmem>>
      %dma_start3A_323 = tpu.memref_squeeze %dma_start3A_322 : memref<1x80xi32, #tpu.memory_space<vmem>> -> memref<80xi32, #tpu.memory_space<vmem>>
      %dma_start3A_324 = arith.constant 0 : i32
      %dma_start3A_325 = arith.constant 0 : i32
      %dma_start3A_326 = tpu.memref_slice %arg12[%dma_start3A_324, %dma_start3A_325] : memref<10240x64xf32, #tpu.memory_space<vmem_shared>> -> memref<10240x64xf32, #tpu.memory_space<vmem_shared>>
      tpu.enqueue_indirect_dma source(%arg11 : memref<80x64xf32, #tpu.memory_space<vmem>>) target(%dma_start3A_326 : memref<10240x64xf32, #tpu.memory_space<vmem_shared>>) offsets(%dma_start3A_323 : memref<80xi32, #tpu.memory_space<vmem>>) semaphore(%arg20 : memref<!tpu.dma_semaphore, #tpu.memory_space<semaphore_mem>>) {add = true}
      %dma_wait3A_327 = arith.constant 0 : i32
      %dma_wait3A_328 = arith.constant 0 : i32
      %dma_wait3A_329 = tpu.memref_slice %arg7[%dma_wait3A_327, %dma_wait3A_328] : memref<250x80xi32, #tpu.memory_space<vmem>> -> memref<1x80xi32, #tpu.memory_space<vmem>>
      %dma_wait3A_330 = tpu.memref_squeeze %dma_wait3A_329 : memref<1x80xi32, #tpu.memory_space<vmem>> -> memref<80xi32, #tpu.memory_space<vmem>>
      %dma_wait3A_331 = arith.constant 0 : i32
      %dma_wait3A_332 = arith.constant 0 : i32
      %dma_wait3A_333 = tpu.memref_slice %arg12[%dma_wait3A_331, %dma_wait3A_332] : memref<10240x64xf32, #tpu.memory_space<vmem_shared>> -> memref<10240x64xf32, #tpu.memory_space<vmem_shared>>
      tpu.wait_indirect_dma semaphore(%arg18 : memref<!tpu.dma_semaphore, #tpu.memory_space<semaphore_mem>>) src(%arg9 : memref<80x64xf32, #tpu.memory_space<vmem>>) dst(%dma_wait3A_333 : memref<10240x64xf32, #tpu.memory_space<vmem_shared>>)
      %add3A_334 = arith.constant 3 : i32
      %add3A_335 = arith.addi %add3A_215, %add3A_334 : i32
      %add3A_336 = arith.constant 2 : i32
      %add3A_337 = arith.addi %add3A_335, %add3A_336 : i32
      %dma_start3A_338 = arith.constant 0 : i32
      %dma_start3A_339 = tpu.memref_slice %arg6[%add3A_337, %dma_start3A_338] : memref<250x80xi32, #tpu.memory_space<vmem>> -> memref<1x80xi32, #tpu.memory_space<vmem>>
      %dma_start3A_340 = tpu.memref_squeeze %dma_start3A_339 : memref<1x80xi32, #tpu.memory_space<vmem>> -> memref<80xi32, #tpu.memory_space<vmem>>
      %dma_start3A_341 = arith.constant 0 : i32
      %dma_start3A_342 = arith.constant 0 : i32
      %dma_start3A_343 = tpu.memref_slice %arg2[%dma_start3A_341, %dma_start3A_342] : memref<20000x64xf32, #tpu.memory_space<hbm>> -> memref<20000x64xf32, #tpu.memory_space<hbm>>
      tpu.enqueue_indirect_dma source(%dma_start3A_343 : memref<20000x64xf32, #tpu.memory_space<hbm>>) target(%arg9 : memref<80x64xf32, #tpu.memory_space<vmem>>) offsets(%dma_start3A_340 : memref<80xi32, #tpu.memory_space<vmem>>) semaphore(%arg14 : memref<!tpu.dma_semaphore, #tpu.memory_space<semaphore_mem>>)
    }
    %scan3A_153 = arith.constant 61 : i32
    %dma_wait3A_154 = arith.constant 0 : i32
    %dma_wait3A_155 = arith.constant 0 : i32
    %dma_wait3A_156 = tpu.memref_slice %arg6[%dma_wait3A_154, %dma_wait3A_155] : memref<250x80xi32, #tpu.memory_space<vmem>> -> memref<1x80xi32, #tpu.memory_space<vmem>>
    %dma_wait3A_157 = tpu.memref_squeeze %dma_wait3A_156 : memref<1x80xi32, #tpu.memory_space<vmem>> -> memref<80xi32, #tpu.memory_space<vmem>>
    %dma_wait3A_158 = arith.constant 0 : i32
    %dma_wait3A_159 = arith.constant 0 : i32
    %dma_wait3A_160 = tpu.memref_slice %arg2[%dma_wait3A_158, %dma_wait3A_159] : memref<20000x64xf32, #tpu.memory_space<hbm>> -> memref<20000x64xf32, #tpu.memory_space<hbm>>
    tpu.wait_indirect_dma semaphore(%arg13 : memref<!tpu.dma_semaphore, #tpu.memory_space<semaphore_mem>>) src(%dma_wait3A_160 : memref<20000x64xf32, #tpu.memory_space<hbm>>) dst(%arg8 : memref<80x64xf32, #tpu.memory_space<vmem>>)
    %dma_start3A_161 = arith.constant 248 : i32
    %dma_start3A_162 = arith.constant 0 : i32
    %dma_start3A_163 = tpu.memref_slice %arg7[%dma_start3A_161, %dma_start3A_162] : memref<250x80xi32, #tpu.memory_space<vmem>> -> memref<1x80xi32, #tpu.memory_space<vmem>>
    %dma_start3A_164 = tpu.memref_squeeze %dma_start3A_163 : memref<1x80xi32, #tpu.memory_space<vmem>> -> memref<80xi32, #tpu.memory_space<vmem>>
    %dma_start3A_165 = arith.constant 0 : i32
    %dma_start3A_166 = arith.constant 0 : i32
    %dma_start3A_167 = tpu.memref_slice %arg12[%dma_start3A_165, %dma_start3A_166] : memref<10240x64xf32, #tpu.memory_space<vmem_shared>> -> memref<10240x64xf32, #tpu.memory_space<vmem_shared>>
    tpu.enqueue_indirect_dma source(%arg8 : memref<80x64xf32, #tpu.memory_space<vmem>>) target(%dma_start3A_167 : memref<10240x64xf32, #tpu.memory_space<vmem_shared>>) offsets(%dma_start3A_164 : memref<80xi32, #tpu.memory_space<vmem>>) semaphore(%arg17 : memref<!tpu.dma_semaphore, #tpu.memory_space<semaphore_mem>>) {add = true}
    %dma_wait3A_168 = arith.constant 0 : i32
    %dma_wait3A_169 = arith.constant 0 : i32
    %dma_wait3A_170 = tpu.memref_slice %arg6[%dma_wait3A_168, %dma_wait3A_169] : memref<250x80xi32, #tpu.memory_space<vmem>> -> memref<1x80xi32, #tpu.memory_space<vmem>>
    %dma_wait3A_171 = tpu.memref_squeeze %dma_wait3A_170 : memref<1x80xi32, #tpu.memory_space<vmem>> -> memref<80xi32, #tpu.memory_space<vmem>>
    %dma_wait3A_172 = arith.constant 0 : i32
    %dma_wait3A_173 = arith.constant 0 : i32
    %dma_wait3A_174 = tpu.memref_slice %arg2[%dma_wait3A_172, %dma_wait3A_173] : memref<20000x64xf32, #tpu.memory_space<hbm>> -> memref<20000x64xf32, #tpu.memory_space<hbm>>
    tpu.wait_indirect_dma semaphore(%arg14 : memref<!tpu.dma_semaphore, #tpu.memory_space<semaphore_mem>>) src(%dma_wait3A_174 : memref<20000x64xf32, #tpu.memory_space<hbm>>) dst(%arg9 : memref<80x64xf32, #tpu.memory_space<vmem>>)
    %dma_start3A_175 = arith.constant 249 : i32
    %dma_start3A_176 = arith.constant 0 : i32
    %dma_start3A_177 = tpu.memref_slice %arg7[%dma_start3A_175, %dma_start3A_176] : memref<250x80xi32, #tpu.memory_space<vmem>> -> memref<1x80xi32, #tpu.memory_space<vmem>>
    %dma_start3A_178 = tpu.memref_squeeze %dma_start3A_177 : memref<1x80xi32, #tpu.memory_space<vmem>> -> memref<80xi32, #tpu.memory_space<vmem>>
    %dma_start3A_179 = arith.constant 0 : i32
    %dma_start3A_180 = arith.constant 0 : i32
    %dma_start3A_181 = tpu.memref_slice %arg12[%dma_start3A_179, %dma_start3A_180] : memref<10240x64xf32, #tpu.memory_space<vmem_shared>> -> memref<10240x64xf32, #tpu.memory_space<vmem_shared>>
    tpu.enqueue_indirect_dma source(%arg9 : memref<80x64xf32, #tpu.memory_space<vmem>>) target(%dma_start3A_181 : memref<10240x64xf32, #tpu.memory_space<vmem_shared>>) offsets(%dma_start3A_178 : memref<80xi32, #tpu.memory_space<vmem>>) semaphore(%arg18 : memref<!tpu.dma_semaphore, #tpu.memory_space<semaphore_mem>>) {add = true}
    %dma_wait3A_182 = arith.constant 0 : i32
    %dma_wait3A_183 = arith.constant 0 : i32
    %dma_wait3A_184 = tpu.memref_slice %arg7[%dma_wait3A_182, %dma_wait3A_183] : memref<250x80xi32, #tpu.memory_space<vmem>> -> memref<1x80xi32, #tpu.memory_space<vmem>>
    %dma_wait3A_185 = tpu.memref_squeeze %dma_wait3A_184 : memref<1x80xi32, #tpu.memory_space<vmem>> -> memref<80xi32, #tpu.memory_space<vmem>>
    %dma_wait3A_186 = arith.constant 0 : i32
    %dma_wait3A_187 = arith.constant 0 : i32
    %dma_wait3A_188 = tpu.memref_slice %arg12[%dma_wait3A_186, %dma_wait3A_187] : memref<10240x64xf32, #tpu.memory_space<vmem_shared>> -> memref<10240x64xf32, #tpu.memory_space<vmem_shared>>
    tpu.wait_indirect_dma semaphore(%arg17 : memref<!tpu.dma_semaphore, #tpu.memory_space<semaphore_mem>>) src(%arg8 : memref<80x64xf32, #tpu.memory_space<vmem>>) dst(%dma_wait3A_188 : memref<10240x64xf32, #tpu.memory_space<vmem_shared>>)
    %dma_wait3A_189 = arith.constant 0 : i32
    %dma_wait3A_190 = arith.constant 0 : i32
    %dma_wait3A_191 = tpu.memref_slice %arg7[%dma_wait3A_189, %dma_wait3A_190] : memref<250x80xi32, #tpu.memory_space<vmem>> -> memref<1x80xi32, #tpu.memory_space<vmem>>
    %dma_wait3A_192 = tpu.memref_squeeze %dma_wait3A_191 : memref<1x80xi32, #tpu.memory_space<vmem>> -> memref<80xi32, #tpu.memory_space<vmem>>
    %dma_wait3A_193 = arith.constant 0 : i32
    %dma_wait3A_194 = arith.constant 0 : i32
    %dma_wait3A_195 = tpu.memref_slice %arg12[%dma_wait3A_193, %dma_wait3A_194] : memref<10240x64xf32, #tpu.memory_space<vmem_shared>> -> memref<10240x64xf32, #tpu.memory_space<vmem_shared>>
    tpu.wait_indirect_dma semaphore(%arg18 : memref<!tpu.dma_semaphore, #tpu.memory_space<semaphore_mem>>) src(%arg9 : memref<80x64xf32, #tpu.memory_space<vmem>>) dst(%dma_wait3A_195 : memref<10240x64xf32, #tpu.memory_space<vmem_shared>>)
    %dma_wait3A_196 = arith.constant 0 : i32
    %dma_wait3A_197 = arith.constant 0 : i32
    %dma_wait3A_198 = tpu.memref_slice %arg7[%dma_wait3A_196, %dma_wait3A_197] : memref<250x80xi32, #tpu.memory_space<vmem>> -> memref<1x80xi32, #tpu.memory_space<vmem>>
    %dma_wait3A_199 = tpu.memref_squeeze %dma_wait3A_198 : memref<1x80xi32, #tpu.memory_space<vmem>> -> memref<80xi32, #tpu.memory_space<vmem>>
    %dma_wait3A_200 = arith.constant 0 : i32
    %dma_wait3A_201 = arith.constant 0 : i32
    %dma_wait3A_202 = tpu.memref_slice %arg12[%dma_wait3A_200, %dma_wait3A_201] : memref<10240x64xf32, #tpu.memory_space<vmem_shared>> -> memref<10240x64xf32, #tpu.memory_space<vmem_shared>>
    tpu.wait_indirect_dma semaphore(%arg19 : memref<!tpu.dma_semaphore, #tpu.memory_space<semaphore_mem>>) src(%arg10 : memref<80x64xf32, #tpu.memory_space<vmem>>) dst(%dma_wait3A_202 : memref<10240x64xf32, #tpu.memory_space<vmem_shared>>)
    %dma_wait3A_203 = arith.constant 0 : i32
    %dma_wait3A_204 = arith.constant 0 : i32
    %dma_wait3A_205 = tpu.memref_slice %arg7[%dma_wait3A_203, %dma_wait3A_204] : memref<250x80xi32, #tpu.memory_space<vmem>> -> memref<1x80xi32, #tpu.memory_space<vmem>>
    %dma_wait3A_206 = tpu.memref_squeeze %dma_wait3A_205 : memref<1x80xi32, #tpu.memory_space<vmem>> -> memref<80xi32, #tpu.memory_space<vmem>>
    %dma_wait3A_207 = arith.constant 0 : i32
    %dma_wait3A_208 = arith.constant 0 : i32
    %dma_wait3A_209 = tpu.memref_slice %arg12[%dma_wait3A_207, %dma_wait3A_208] : memref<10240x64xf32, #tpu.memory_space<vmem_shared>> -> memref<10240x64xf32, #tpu.memory_space<vmem_shared>>
    tpu.wait_indirect_dma semaphore(%arg20 : memref<!tpu.dma_semaphore, #tpu.memory_space<semaphore_mem>>) src(%arg11 : memref<80x64xf32, #tpu.memory_space<vmem>>) dst(%dma_wait3A_209 : memref<10240x64xf32, #tpu.memory_space<vmem_shared>>)
    %barrier3A_210 = arith.constant 0 : index
    tpu.barrier barrier_id(%barrier3A_210)
    "tpu.region"() ({
      %run_scoped3A = tpu.sem_alloc : memref<!tpu.dma_semaphore, #tpu.memory_space<semaphore_mem>>
      %dma_start3A_211 = arith.constant 0 : i32
      %dma_start3A_212 = tpu.memref_slice %arg5[%arg0, %mul3A_0, %dma_start3A_211] : memref<2x10240x64xf32, #tpu.memory_space<hbm>> -> memref<1x640x64xf32, #tpu.memory_space<hbm>>
      %dma_start3A_213 = tpu.memref_squeeze %dma_start3A_212 : memref<1x640x64xf32, #tpu.memory_space<hbm>> -> memref<640x64xf32, #tpu.memory_space<hbm>>
      %dma_start3A_214 = arith.constant 0 : i32
      %dma_start3A_215 = tpu.memref_slice %arg12[%mul3A_0, %dma_start3A_214] : memref<10240x64xf32, #tpu.memory_space<vmem_shared>> -> memref<640x64xf32, #tpu.memory_space<vmem_shared>>
      tpu.enqueue_dma source(%dma_start3A_215 : memref<640x64xf32, #tpu.memory_space<vmem_shared>>) target(%dma_start3A_213 : memref<640x64xf32, #tpu.memory_space<hbm>>) target_semaphore(%run_scoped3A : memref<!tpu.dma_semaphore, #tpu.memory_space<semaphore_mem>>)
      %dma_wait3A_216 = arith.constant 0 : i32
      %dma_wait3A_217 = tpu.memref_slice %arg5[%arg0, %mul3A_0, %dma_wait3A_216] : memref<2x10240x64xf32, #tpu.memory_space<hbm>> -> memref<1x640x64xf32, #tpu.memory_space<hbm>>
      %dma_wait3A_218 = tpu.memref_squeeze %dma_wait3A_217 : memref<1x640x64xf32, #tpu.memory_space<hbm>> -> memref<640x64xf32, #tpu.memory_space<hbm>>
      %dma_wait3A_219 = arith.constant 0 : i32
      %dma_wait3A_220 = tpu.memref_slice %arg12[%mul3A_0, %dma_wait3A_219] : memref<10240x64xf32, #tpu.memory_space<vmem_shared>> -> memref<640x64xf32, #tpu.memory_space<vmem_shared>>
      tpu.wait_dma2 semaphore(%run_scoped3A : memref<!tpu.dma_semaphore, #tpu.memory_space<semaphore_mem>>) src(%dma_wait3A_220 : memref<640x64xf32, #tpu.memory_space<vmem_shared>>) dst(%dma_wait3A_218 : memref<640x64xf32, #tpu.memory_space<hbm>>)
      tpu.yield
    }) : () -> ()
    return
  }
}

#map = affine_map<(d0, d1) -> (0, 0)>
#map1 = affine_map<(d0, d1) -> (0, 0, 0, 0)>
#map2 = affine_map<(d0, d1) -> (0, 0, 0)>
module attributes {stable_mosaic.version = 14 : i64} {
  func.func @seg_colsplit_cnt(%arg0: i32, %arg1: i32, %arg2: memref<20000x64xf32, #tpu.memory_space<hbm>>, %arg3: memref<2x16x250x80xi32, #tpu.memory_space<hbm>>, %arg4: memref<16x250x80xi32, #tpu.memory_space<hbm>>, %arg5: memref<80x16xf32, #tpu.memory_space<hbm>>, %arg6: memref<2x10240x64xf32, #tpu.memory_space<hbm>>, %arg7: memref<2x10240x16xf32, #tpu.memory_space<hbm>>, %arg8: memref<250x80xi32, #tpu.memory_space<vmem>>, %arg9: memref<250x80xi32, #tpu.memory_space<vmem>>, %arg10: memref<80x64xf32, #tpu.memory_space<vmem>>, %arg11: memref<80x64xf32, #tpu.memory_space<vmem>>, %arg12: memref<80x64xf32, #tpu.memory_space<vmem>>, %arg13: memref<80x64xf32, #tpu.memory_space<vmem>>, %arg14: memref<10240x64xf32, #tpu.memory_space<vmem_shared>>, %arg15: memref<!tpu.dma_semaphore, #tpu.memory_space<semaphore_mem>>, %arg16: memref<!tpu.dma_semaphore, #tpu.memory_space<semaphore_mem>>, %arg17: memref<!tpu.dma_semaphore, #tpu.memory_space<semaphore_mem>>, %arg18: memref<!tpu.dma_semaphore, #tpu.memory_space<semaphore_mem>>, %arg19: memref<!tpu.dma_semaphore, #tpu.memory_space<semaphore_mem>>, %arg20: memref<!tpu.dma_semaphore, #tpu.memory_space<semaphore_mem>>, %arg21: memref<!tpu.dma_semaphore, #tpu.memory_space<semaphore_mem>>, %arg22: memref<!tpu.dma_semaphore, #tpu.memory_space<semaphore_mem>>, %arg23: memref<80x16xf32, #tpu.memory_space<vmem>>, %arg24: memref<80x16xf32, #tpu.memory_space<vmem>>, %arg25: memref<10240x16xf32, #tpu.memory_space<vmem_shared>>) attributes {dimension_semantics = [#tpu.dimension_semantics<core_parallel>, #tpu.dimension_semantics<subcore_parallel>], iteration_bounds = array<i64: 2, 16>, scalar_prefetch = 0 : i64, scratch_operands = 18 : i64, tpu.core_type = #tpu.core_type<sc_vector_subcore>, window_params = [{transform_indices = #map}, {transform_indices = #map1}, {transform_indices = #map2}, {transform_indices = #map}, {transform_indices = #map2}, {transform_indices = #map2}]} {
    %mul3A = arith.constant 640 : i32
    %mul3A_0 = arith.muli %arg1, %mul3A : i32
    "tpu.region"() ({
      %run_scoped3A_256 = tpu.sem_alloc : memref<!tpu.dma_semaphore, #tpu.memory_space<semaphore_mem>>
      %dma_start3A_257 = arith.constant 0 : i32
      %dma_start3A_258 = arith.constant 0 : i32
      %dma_start3A_259 = tpu.memref_slice %arg3[%arg0, %arg1, %dma_start3A_257, %dma_start3A_258] : memref<2x16x250x80xi32, #tpu.memory_space<hbm>> -> memref<1x1x250x80xi32, #tpu.memory_space<hbm>>
      %dma_start3A_260 = tpu.memref_squeeze %dma_start3A_259 : memref<1x1x250x80xi32, #tpu.memory_space<hbm>> -> memref<250x80xi32, #tpu.memory_space<hbm>>
      %dma_start3A_261 = arith.constant 0 : i32
      %dma_start3A_262 = arith.constant 0 : i32
      %dma_start3A_263 = tpu.memref_slice %arg3[%arg0, %arg1, %dma_start3A_261, %dma_start3A_262] : memref<2x16x250x80xi32, #tpu.memory_space<hbm>> -> memref<1x1x250x80xi32, #tpu.memory_space<hbm>>
      %dma_start3A_264 = tpu.memref_squeeze %dma_start3A_263 : memref<1x1x250x80xi32, #tpu.memory_space<hbm>> -> memref<250x80xi32, #tpu.memory_space<hbm>>
      tpu.enqueue_dma source(%dma_start3A_264 : memref<250x80xi32, #tpu.memory_space<hbm>>) target(%arg8 : memref<250x80xi32, #tpu.memory_space<vmem>>) target_semaphore(%run_scoped3A_256 : memref<!tpu.dma_semaphore, #tpu.memory_space<semaphore_mem>>)
      %dma_wait3A_265 = arith.constant 0 : i32
      %dma_wait3A_266 = arith.constant 0 : i32
      %dma_wait3A_267 = tpu.memref_slice %arg3[%arg0, %arg1, %dma_wait3A_265, %dma_wait3A_266] : memref<2x16x250x80xi32, #tpu.memory_space<hbm>> -> memref<1x1x250x80xi32, #tpu.memory_space<hbm>>
      %dma_wait3A_268 = tpu.memref_squeeze %dma_wait3A_267 : memref<1x1x250x80xi32, #tpu.memory_space<hbm>> -> memref<250x80xi32, #tpu.memory_space<hbm>>
      %dma_wait3A_269 = arith.constant 0 : i32
      %dma_wait3A_270 = arith.constant 0 : i32
      %dma_wait3A_271 = tpu.memref_slice %arg3[%arg0, %arg1, %dma_wait3A_269, %dma_wait3A_270] : memref<2x16x250x80xi32, #tpu.memory_space<hbm>> -> memref<1x1x250x80xi32, #tpu.memory_space<hbm>>
      %dma_wait3A_272 = tpu.memref_squeeze %dma_wait3A_271 : memref<1x1x250x80xi32, #tpu.memory_space<hbm>> -> memref<250x80xi32, #tpu.memory_space<hbm>>
      tpu.wait_dma2 semaphore(%run_scoped3A_256 : memref<!tpu.dma_semaphore, #tpu.memory_space<semaphore_mem>>) src(%dma_wait3A_272 : memref<250x80xi32, #tpu.memory_space<hbm>>) dst(%arg8 : memref<250x80xi32, #tpu.memory_space<vmem>>)
      tpu.yield
    }) : () -> ()
    "tpu.region"() ({
      %run_scoped3A_256 = tpu.sem_alloc : memref<!tpu.dma_semaphore, #tpu.memory_space<semaphore_mem>>
      %dma_start3A_257 = arith.constant 0 : i32
      %dma_start3A_258 = arith.constant 0 : i32
      %dma_start3A_259 = tpu.memref_slice %arg4[%arg1, %dma_start3A_257, %dma_start3A_258] : memref<16x250x80xi32, #tpu.memory_space<hbm>> -> memref<1x250x80xi32, #tpu.memory_space<hbm>>
      %dma_start3A_260 = tpu.memref_squeeze %dma_start3A_259 : memref<1x250x80xi32, #tpu.memory_space<hbm>> -> memref<250x80xi32, #tpu.memory_space<hbm>>
      %dma_start3A_261 = arith.constant 0 : i32
      %dma_start3A_262 = arith.constant 0 : i32
      %dma_start3A_263 = tpu.memref_slice %arg4[%arg1, %dma_start3A_261, %dma_start3A_262] : memref<16x250x80xi32, #tpu.memory_space<hbm>> -> memref<1x250x80xi32, #tpu.memory_space<hbm>>
      %dma_start3A_264 = tpu.memref_squeeze %dma_start3A_263 : memref<1x250x80xi32, #tpu.memory_space<hbm>> -> memref<250x80xi32, #tpu.memory_space<hbm>>
      tpu.enqueue_dma source(%dma_start3A_264 : memref<250x80xi32, #tpu.memory_space<hbm>>) target(%arg9 : memref<250x80xi32, #tpu.memory_space<vmem>>) target_semaphore(%run_scoped3A_256 : memref<!tpu.dma_semaphore, #tpu.memory_space<semaphore_mem>>)
      %dma_wait3A_265 = arith.constant 0 : i32
      %dma_wait3A_266 = arith.constant 0 : i32
      %dma_wait3A_267 = tpu.memref_slice %arg4[%arg1, %dma_wait3A_265, %dma_wait3A_266] : memref<16x250x80xi32, #tpu.memory_space<hbm>> -> memref<1x250x80xi32, #tpu.memory_space<hbm>>
      %dma_wait3A_268 = tpu.memref_squeeze %dma_wait3A_267 : memref<1x250x80xi32, #tpu.memory_space<hbm>> -> memref<250x80xi32, #tpu.memory_space<hbm>>
      %dma_wait3A_269 = arith.constant 0 : i32
      %dma_wait3A_270 = arith.constant 0 : i32
      %dma_wait3A_271 = tpu.memref_slice %arg4[%arg1, %dma_wait3A_269, %dma_wait3A_270] : memref<16x250x80xi32, #tpu.memory_space<hbm>> -> memref<1x250x80xi32, #tpu.memory_space<hbm>>
      %dma_wait3A_272 = tpu.memref_squeeze %dma_wait3A_271 : memref<1x250x80xi32, #tpu.memory_space<hbm>> -> memref<250x80xi32, #tpu.memory_space<hbm>>
      tpu.wait_dma2 semaphore(%run_scoped3A_256 : memref<!tpu.dma_semaphore, #tpu.memory_space<semaphore_mem>>) src(%dma_wait3A_272 : memref<250x80xi32, #tpu.memory_space<hbm>>) dst(%arg9 : memref<250x80xi32, #tpu.memory_space<vmem>>)
      tpu.yield
    }) : () -> ()
    %broadcast_in_dim3A = arith.constant 0.000000e+00 : f32
    %broadcast_in_dim3A_1 = vector.broadcast %broadcast_in_dim3A : f32 to vector<16xf32>
    %scan3A = arith.constant 0 : i32
    %scan3A_2 = arith.constant 0 : i32
    %scan3A_3 = arith.constant 320 : i32
    %scan3A_4 = arith.addi %scan3A_2, %scan3A_3 : i32
    %scan3A_5 = arith.constant 1 : i32
    scf.for %scan3A_256 = %scan3A_2 to %scan3A_4 step %scan3A_5  : i32 {
      %shift_right_arithmetic3A = arith.constant 2 : i32
      %shift_right_arithmetic3A_257 = arith.shrsi %scan3A_256, %shift_right_arithmetic3A : i32
      %and3A = arith.constant 3 : i32
      %and3A_258 = arith.andi %scan3A_256, %and3A : i32
      %mul3A_259 = arith.constant 16 : i32
      %mul3A_260 = arith.muli %and3A_258, %mul3A_259 : i32
      %swap3A = arith.index_cast %shift_right_arithmetic3A_257 : i32 to index
      %swap3A_261 = arith.index_cast %mul3A_260 : i32 to index
      %swap3A_262 = tpu.vector_load %arg10[%swap3A, %swap3A_261] {strides = array<i32>} : memref<80x64xf32, #tpu.memory_space<vmem>>, vector<1x16xf32>,
      %swap3A_263 = vector.shape_cast %swap3A_262 : vector<1x16xf32> to vector<16xf32>
      %swap3A_264 = vector.shape_cast %broadcast_in_dim3A_1 : vector<16xf32> to vector<1x16xf32>
      tpu.vector_store %arg10[%swap3A, %swap3A_261], %swap3A_264 {strides = array<i32>} : memref<80x64xf32, #tpu.memory_space<vmem>>, vector<1x16xf32>,
    }
    %scan3A_6 = arith.constant 320 : i32
    %mul3A_7 = arith.constant 640 : i32
    %mul3A_8 = arith.muli %arg1, %mul3A_7 : i32
    %add3A = arith.constant 0 : i32
    %add3A_9 = arith.addi %mul3A_8, %add3A : i32
    "tpu.region"() ({
      %run_scoped3A_256 = tpu.sem_alloc : memref<!tpu.dma_semaphore, #tpu.memory_space<semaphore_mem>>
      %dma_start3A_257 = arith.constant 0 : i32
      %dma_start3A_258 = tpu.memref_slice %arg14[%add3A_9, %dma_start3A_257] : memref<10240x64xf32, #tpu.memory_space<vmem_shared>> -> memref<80x64xf32, #tpu.memory_space<vmem_shared>>
      %dma_start3A_259 = arith.constant 0 : i32
      %dma_start3A_260 = tpu.memref_slice %arg14[%add3A_9, %dma_start3A_259] : memref<10240x64xf32, #tpu.memory_space<vmem_shared>> -> memref<80x64xf32, #tpu.memory_space<vmem_shared>>
      tpu.enqueue_dma source(%arg10 : memref<80x64xf32, #tpu.memory_space<vmem>>) target(%dma_start3A_260 : memref<80x64xf32, #tpu.memory_space<vmem_shared>>) target_semaphore(%run_scoped3A_256 : memref<!tpu.dma_semaphore, #tpu.memory_space<semaphore_mem>>)
      %dma_wait3A_261 = arith.constant 0 : i32
      %dma_wait3A_262 = tpu.memref_slice %arg14[%add3A_9, %dma_wait3A_261] : memref<10240x64xf32, #tpu.memory_space<vmem_shared>> -> memref<80x64xf32, #tpu.memory_space<vmem_shared>>
      %dma_wait3A_263 = arith.constant 0 : i32
      %dma_wait3A_264 = tpu.memref_slice %arg14[%add3A_9, %dma_wait3A_263] : memref<10240x64xf32, #tpu.memory_space<vmem_shared>> -> memref<80x64xf32, #tpu.memory_space<vmem_shared>>
      tpu.wait_dma2 semaphore(%run_scoped3A_256 : memref<!tpu.dma_semaphore, #tpu.memory_space<semaphore_mem>>) src(%arg10 : memref<80x64xf32, #tpu.memory_space<vmem>>) dst(%dma_wait3A_264 : memref<80x64xf32, #tpu.memory_space<vmem_shared>>)
      tpu.yield
    }) : () -> ()
    %mul3A_10 = arith.constant 640 : i32
    %mul3A_11 = arith.muli %arg1, %mul3A_10 : i32
    %add3A_12 = arith.constant 80 : i32
    %add3A_13 = arith.addi %mul3A_11, %add3A_12 : i32
    "tpu.region"() ({
      %run_scoped3A_256 = tpu.sem_alloc : memref<!tpu.dma_semaphore, #tpu.memory_space<semaphore_mem>>
      %dma_start3A_257 = arith.constant 0 : i32
      %dma_start3A_258 = tpu.memref_slice %arg14[%add3A_13, %dma_start3A_257] : memref<10240x64xf32, #tpu.memory_space<vmem_shared>> -> memref<80x64xf32, #tpu.memory_space<vmem_shared>>
      %dma_start3A_259 = arith.constant 0 : i32
      %dma_start3A_260 = tpu.memref_slice %arg14[%add3A_13, %dma_start3A_259] : memref<10240x64xf32, #tpu.memory_space<vmem_shared>> -> memref<80x64xf32, #tpu.memory_space<vmem_shared>>
      tpu.enqueue_dma source(%arg10 : memref<80x64xf32, #tpu.memory_space<vmem>>) target(%dma_start3A_260 : memref<80x64xf32, #tpu.memory_space<vmem_shared>>) target_semaphore(%run_scoped3A_256 : memref<!tpu.dma_semaphore, #tpu.memory_space<semaphore_mem>>)
      %dma_wait3A_261 = arith.constant 0 : i32
      %dma_wait3A_262 = tpu.memref_slice %arg14[%add3A_13, %dma_wait3A_261] : memref<10240x64xf32, #tpu.memory_space<vmem_shared>> -> memref<80x64xf32, #tpu.memory_space<vmem_shared>>
      %dma_wait3A_263 = arith.constant 0 : i32
      %dma_wait3A_264 = tpu.memref_slice %arg14[%add3A_13, %dma_wait3A_263] : memref<10240x64xf32, #tpu.memory_space<vmem_shared>> -> memref<80x64xf32, #tpu.memory_space<vmem_shared>>
      tpu.wait_dma2 semaphore(%run_scoped3A_256 : memref<!tpu.dma_semaphore, #tpu.memory_space<semaphore_mem>>) src(%arg10 : memref<80x64xf32, #tpu.memory_space<vmem>>) dst(%dma_wait3A_264 : memref<80x64xf32, #tpu.memory_space<vmem_shared>>)
      tpu.yield
    }) : () -> ()
    %mul3A_14 = arith.constant 640 : i32
    %mul3A_15 = arith.muli %arg1, %mul3A_14 : i32
    %add3A_16 = arith.constant 160 : i32
    %add3A_17 = arith.addi %mul3A_15, %add3A_16 : i32
    "tpu.region"() ({
      %run_scoped3A_256 = tpu.sem_alloc : memref<!tpu.dma_semaphore, #tpu.memory_space<semaphore_mem>>
      %dma_start3A_257 = arith.constant 0 : i32
      %dma_start3A_258 = tpu.memref_slice %arg14[%add3A_17, %dma_start3A_257] : memref<10240x64xf32, #tpu.memory_space<vmem_shared>> -> memref<80x64xf32, #tpu.memory_space<vmem_shared>>
      %dma_start3A_259 = arith.constant 0 : i32
      %dma_start3A_260 = tpu.memref_slice %arg14[%add3A_17, %dma_start3A_259] : memref<10240x64xf32, #tpu.memory_space<vmem_shared>> -> memref<80x64xf32, #tpu.memory_space<vmem_shared>>
      tpu.enqueue_dma source(%arg10 : memref<80x64xf32, #tpu.memory_space<vmem>>) target(%dma_start3A_260 : memref<80x64xf32, #tpu.memory_space<vmem_shared>>) target_semaphore(%run_scoped3A_256 : memref<!tpu.dma_semaphore, #tpu.memory_space<semaphore_mem>>)
      %dma_wait3A_261 = arith.constant 0 : i32
      %dma_wait3A_262 = tpu.memref_slice %arg14[%add3A_17, %dma_wait3A_261] : memref<10240x64xf32, #tpu.memory_space<vmem_shared>> -> memref<80x64xf32, #tpu.memory_space<vmem_shared>>
      %dma_wait3A_263 = arith.constant 0 : i32
      %dma_wait3A_264 = tpu.memref_slice %arg14[%add3A_17, %dma_wait3A_263] : memref<10240x64xf32, #tpu.memory_space<vmem_shared>> -> memref<80x64xf32, #tpu.memory_space<vmem_shared>>
      tpu.wait_dma2 semaphore(%run_scoped3A_256 : memref<!tpu.dma_semaphore, #tpu.memory_space<semaphore_mem>>) src(%arg10 : memref<80x64xf32, #tpu.memory_space<vmem>>) dst(%dma_wait3A_264 : memref<80x64xf32, #tpu.memory_space<vmem_shared>>)
      tpu.yield
    }) : () -> ()
    %mul3A_18 = arith.constant 640 : i32
    %mul3A_19 = arith.muli %arg1, %mul3A_18 : i32
    %add3A_20 = arith.constant 240 : i32
    %add3A_21 = arith.addi %mul3A_19, %add3A_20 : i32
    "tpu.region"() ({
      %run_scoped3A_256 = tpu.sem_alloc : memref<!tpu.dma_semaphore, #tpu.memory_space<semaphore_mem>>
      %dma_start3A_257 = arith.constant 0 : i32
      %dma_start3A_258 = tpu.memref_slice %arg14[%add3A_21, %dma_start3A_257] : memref<10240x64xf32, #tpu.memory_space<vmem_shared>> -> memref<80x64xf32, #tpu.memory_space<vmem_shared>>
      %dma_start3A_259 = arith.constant 0 : i32
      %dma_start3A_260 = tpu.memref_slice %arg14[%add3A_21, %dma_start3A_259] : memref<10240x64xf32, #tpu.memory_space<vmem_shared>> -> memref<80x64xf32, #tpu.memory_space<vmem_shared>>
      tpu.enqueue_dma source(%arg10 : memref<80x64xf32, #tpu.memory_space<vmem>>) target(%dma_start3A_260 : memref<80x64xf32, #tpu.memory_space<vmem_shared>>) target_semaphore(%run_scoped3A_256 : memref<!tpu.dma_semaphore, #tpu.memory_space<semaphore_mem>>)
      %dma_wait3A_261 = arith.constant 0 : i32
      %dma_wait3A_262 = tpu.memref_slice %arg14[%add3A_21, %dma_wait3A_261] : memref<10240x64xf32, #tpu.memory_space<vmem_shared>> -> memref<80x64xf32, #tpu.memory_space<vmem_shared>>
      %dma_wait3A_263 = arith.constant 0 : i32
      %dma_wait3A_264 = tpu.memref_slice %arg14[%add3A_21, %dma_wait3A_263] : memref<10240x64xf32, #tpu.memory_space<vmem_shared>> -> memref<80x64xf32, #tpu.memory_space<vmem_shared>>
      tpu.wait_dma2 semaphore(%run_scoped3A_256 : memref<!tpu.dma_semaphore, #tpu.memory_space<semaphore_mem>>) src(%arg10 : memref<80x64xf32, #tpu.memory_space<vmem>>) dst(%dma_wait3A_264 : memref<80x64xf32, #tpu.memory_space<vmem_shared>>)
      tpu.yield
    }) : () -> ()
    %mul3A_22 = arith.constant 640 : i32
    %mul3A_23 = arith.muli %arg1, %mul3A_22 : i32
    %add3A_24 = arith.constant 320 : i32
    %add3A_25 = arith.addi %mul3A_23, %add3A_24 : i32
    "tpu.region"() ({
      %run_scoped3A_256 = tpu.sem_alloc : memref<!tpu.dma_semaphore, #tpu.memory_space<semaphore_mem>>
      %dma_start3A_257 = arith.constant 0 : i32
      %dma_start3A_258 = tpu.memref_slice %arg14[%add3A_25, %dma_start3A_257] : memref<10240x64xf32, #tpu.memory_space<vmem_shared>> -> memref<80x64xf32, #tpu.memory_space<vmem_shared>>
      %dma_start3A_259 = arith.constant 0 : i32
      %dma_start3A_260 = tpu.memref_slice %arg14[%add3A_25, %dma_start3A_259] : memref<10240x64xf32, #tpu.memory_space<vmem_shared>> -> memref<80x64xf32, #tpu.memory_space<vmem_shared>>
      tpu.enqueue_dma source(%arg10 : memref<80x64xf32, #tpu.memory_space<vmem>>) target(%dma_start3A_260 : memref<80x64xf32, #tpu.memory_space<vmem_shared>>) target_semaphore(%run_scoped3A_256 : memref<!tpu.dma_semaphore, #tpu.memory_space<semaphore_mem>>)
      %dma_wait3A_261 = arith.constant 0 : i32
      %dma_wait3A_262 = tpu.memref_slice %arg14[%add3A_25, %dma_wait3A_261] : memref<10240x64xf32, #tpu.memory_space<vmem_shared>> -> memref<80x64xf32, #tpu.memory_space<vmem_shared>>
      %dma_wait3A_263 = arith.constant 0 : i32
      %dma_wait3A_264 = tpu.memref_slice %arg14[%add3A_25, %dma_wait3A_263] : memref<10240x64xf32, #tpu.memory_space<vmem_shared>> -> memref<80x64xf32, #tpu.memory_space<vmem_shared>>
      tpu.wait_dma2 semaphore(%run_scoped3A_256 : memref<!tpu.dma_semaphore, #tpu.memory_space<semaphore_mem>>) src(%arg10 : memref<80x64xf32, #tpu.memory_space<vmem>>) dst(%dma_wait3A_264 : memref<80x64xf32, #tpu.memory_space<vmem_shared>>)
      tpu.yield
    }) : () -> ()
    %mul3A_26 = arith.constant 640 : i32
    %mul3A_27 = arith.muli %arg1, %mul3A_26 : i32
    %add3A_28 = arith.constant 400 : i32
    %add3A_29 = arith.addi %mul3A_27, %add3A_28 : i32
    "tpu.region"() ({
      %run_scoped3A_256 = tpu.sem_alloc : memref<!tpu.dma_semaphore, #tpu.memory_space<semaphore_mem>>
      %dma_start3A_257 = arith.constant 0 : i32
      %dma_start3A_258 = tpu.memref_slice %arg14[%add3A_29, %dma_start3A_257] : memref<10240x64xf32, #tpu.memory_space<vmem_shared>> -> memref<80x64xf32, #tpu.memory_space<vmem_shared>>
      %dma_start3A_259 = arith.constant 0 : i32
      %dma_start3A_260 = tpu.memref_slice %arg14[%add3A_29, %dma_start3A_259] : memref<10240x64xf32, #tpu.memory_space<vmem_shared>> -> memref<80x64xf32, #tpu.memory_space<vmem_shared>>
      tpu.enqueue_dma source(%arg10 : memref<80x64xf32, #tpu.memory_space<vmem>>) target(%dma_start3A_260 : memref<80x64xf32, #tpu.memory_space<vmem_shared>>) target_semaphore(%run_scoped3A_256 : memref<!tpu.dma_semaphore, #tpu.memory_space<semaphore_mem>>)
      %dma_wait3A_261 = arith.constant 0 : i32
      %dma_wait3A_262 = tpu.memref_slice %arg14[%add3A_29, %dma_wait3A_261] : memref<10240x64xf32, #tpu.memory_space<vmem_shared>> -> memref<80x64xf32, #tpu.memory_space<vmem_shared>>
      %dma_wait3A_263 = arith.constant 0 : i32
      %dma_wait3A_264 = tpu.memref_slice %arg14[%add3A_29, %dma_wait3A_263] : memref<10240x64xf32, #tpu.memory_space<vmem_shared>> -> memref<80x64xf32, #tpu.memory_space<vmem_shared>>
      tpu.wait_dma2 semaphore(%run_scoped3A_256 : memref<!tpu.dma_semaphore, #tpu.memory_space<semaphore_mem>>) src(%arg10 : memref<80x64xf32, #tpu.memory_space<vmem>>) dst(%dma_wait3A_264 : memref<80x64xf32, #tpu.memory_space<vmem_shared>>)
      tpu.yield
    }) : () -> ()
    %mul3A_30 = arith.constant 640 : i32
    %mul3A_31 = arith.muli %arg1, %mul3A_30 : i32
    %add3A_32 = arith.constant 480 : i32
    %add3A_33 = arith.addi %mul3A_31, %add3A_32 : i32
    "tpu.region"() ({
      %run_scoped3A_256 = tpu.sem_alloc : memref<!tpu.dma_semaphore, #tpu.memory_space<semaphore_mem>>
      %dma_start3A_257 = arith.constant 0 : i32
      %dma_start3A_258 = tpu.memref_slice %arg14[%add3A_33, %dma_start3A_257] : memref<10240x64xf32, #tpu.memory_space<vmem_shared>> -> memref<80x64xf32, #tpu.memory_space<vmem_shared>>
      %dma_start3A_259 = arith.constant 0 : i32
      %dma_start3A_260 = tpu.memref_slice %arg14[%add3A_33, %dma_start3A_259] : memref<10240x64xf32, #tpu.memory_space<vmem_shared>> -> memref<80x64xf32, #tpu.memory_space<vmem_shared>>
      tpu.enqueue_dma source(%arg10 : memref<80x64xf32, #tpu.memory_space<vmem>>) target(%dma_start3A_260 : memref<80x64xf32, #tpu.memory_space<vmem_shared>>) target_semaphore(%run_scoped3A_256 : memref<!tpu.dma_semaphore, #tpu.memory_space<semaphore_mem>>)
      %dma_wait3A_261 = arith.constant 0 : i32
      %dma_wait3A_262 = tpu.memref_slice %arg14[%add3A_33, %dma_wait3A_261] : memref<10240x64xf32, #tpu.memory_space<vmem_shared>> -> memref<80x64xf32, #tpu.memory_space<vmem_shared>>
      %dma_wait3A_263 = arith.constant 0 : i32
      %dma_wait3A_264 = tpu.memref_slice %arg14[%add3A_33, %dma_wait3A_263] : memref<10240x64xf32, #tpu.memory_space<vmem_shared>> -> memref<80x64xf32, #tpu.memory_space<vmem_shared>>
      tpu.wait_dma2 semaphore(%run_scoped3A_256 : memref<!tpu.dma_semaphore, #tpu.memory_space<semaphore_mem>>) src(%arg10 : memref<80x64xf32, #tpu.memory_space<vmem>>) dst(%dma_wait3A_264 : memref<80x64xf32, #tpu.memory_space<vmem_shared>>)
      tpu.yield
    }) : () -> ()
    %mul3A_34 = arith.constant 640 : i32
    %mul3A_35 = arith.muli %arg1, %mul3A_34 : i32
    %add3A_36 = arith.constant 560 : i32
    %add3A_37 = arith.addi %mul3A_35, %add3A_36 : i32
    "tpu.region"() ({
      %run_scoped3A_256 = tpu.sem_alloc : memref<!tpu.dma_semaphore, #tpu.memory_space<semaphore_mem>>
      %dma_start3A_257 = arith.constant 0 : i32
      %dma_start3A_258 = tpu.memref_slice %arg14[%add3A_37, %dma_start3A_257] : memref<10240x64xf32, #tpu.memory_space<vmem_shared>> -> memref<80x64xf32, #tpu.memory_space<vmem_shared>>
      %dma_start3A_259 = arith.constant 0 : i32
      %dma_start3A_260 = tpu.memref_slice %arg14[%add3A_37, %dma_start3A_259] : memref<10240x64xf32, #tpu.memory_space<vmem_shared>> -> memref<80x64xf32, #tpu.memory_space<vmem_shared>>
      tpu.enqueue_dma source(%arg10 : memref<80x64xf32, #tpu.memory_space<vmem>>) target(%dma_start3A_260 : memref<80x64xf32, #tpu.memory_space<vmem_shared>>) target_semaphore(%run_scoped3A_256 : memref<!tpu.dma_semaphore, #tpu.memory_space<semaphore_mem>>)
      %dma_wait3A_261 = arith.constant 0 : i32
      %dma_wait3A_262 = tpu.memref_slice %arg14[%add3A_37, %dma_wait3A_261] : memref<10240x64xf32, #tpu.memory_space<vmem_shared>> -> memref<80x64xf32, #tpu.memory_space<vmem_shared>>
      %dma_wait3A_263 = arith.constant 0 : i32
      %dma_wait3A_264 = tpu.memref_slice %arg14[%add3A_37, %dma_wait3A_263] : memref<10240x64xf32, #tpu.memory_space<vmem_shared>> -> memref<80x64xf32, #tpu.memory_space<vmem_shared>>
      tpu.wait_dma2 semaphore(%run_scoped3A_256 : memref<!tpu.dma_semaphore, #tpu.memory_space<semaphore_mem>>) src(%arg10 : memref<80x64xf32, #tpu.memory_space<vmem>>) dst(%dma_wait3A_264 : memref<80x64xf32, #tpu.memory_space<vmem_shared>>)
      tpu.yield
    }) : () -> ()
    "tpu.region"() ({
      %run_scoped3A_256 = tpu.sem_alloc : memref<!tpu.dma_semaphore, #tpu.memory_space<semaphore_mem>>
      tpu.enqueue_dma source(%arg5 : memref<80x16xf32, #tpu.memory_space<hbm>>) target(%arg23 : memref<80x16xf32, #tpu.memory_space<vmem>>) target_semaphore(%run_scoped3A_256 : memref<!tpu.dma_semaphore, #tpu.memory_space<semaphore_mem>>)
      tpu.wait_dma2 semaphore(%run_scoped3A_256 : memref<!tpu.dma_semaphore, #tpu.memory_space<semaphore_mem>>) src(%arg5 : memref<80x16xf32, #tpu.memory_space<hbm>>) dst(%arg23 : memref<80x16xf32, #tpu.memory_space<vmem>>)
      tpu.yield
    }) : () -> ()
    %broadcast_in_dim3A_38 = arith.constant 0.000000e+00 : f32
    %broadcast_in_dim3A_39 = vector.broadcast %broadcast_in_dim3A_38 : f32 to vector<16xf32>
    %scan3A_40 = arith.constant 0 : i32
    %scan3A_41 = arith.constant 0 : i32
    %scan3A_42 = arith.constant 80 : i32
    %scan3A_43 = arith.addi %scan3A_41, %scan3A_42 : i32
    %scan3A_44 = arith.constant 1 : i32
    scf.for %scan3A_256 = %scan3A_41 to %scan3A_43 step %scan3A_44  : i32 {
      %swap3A = arith.index_cast %scan3A_256 : i32 to index
      %swap3A_257 = arith.constant 0 : index
      %swap3A_258 = tpu.vector_load %arg24[%swap3A, %swap3A_257] {strides = array<i32>} : memref<80x16xf32, #tpu.memory_space<vmem>>, vector<1x16xf32>,
      %swap3A_259 = vector.shape_cast %swap3A_258 : vector<1x16xf32> to vector<16xf32>
      %swap3A_260 = vector.shape_cast %broadcast_in_dim3A_39 : vector<16xf32> to vector<1x16xf32>
      tpu.vector_store %arg24[%swap3A, %swap3A_257], %swap3A_260 {strides = array<i32>} : memref<80x16xf32, #tpu.memory_space<vmem>>, vector<1x16xf32>,
    }
    %scan3A_45 = arith.constant 80 : i32
    %mul3A_46 = arith.constant 640 : i32
    %mul3A_47 = arith.muli %arg1, %mul3A_46 : i32
    %add3A_48 = arith.constant 0 : i32
    %add3A_49 = arith.addi %mul3A_47, %add3A_48 : i32
    "tpu.region"() ({
      %run_scoped3A_256 = tpu.sem_alloc : memref<!tpu.dma_semaphore, #tpu.memory_space<semaphore_mem>>
      %dma_start3A_257 = arith.constant 0 : i32
      %dma_start3A_258 = tpu.memref_slice %arg25[%add3A_49, %dma_start3A_257] : memref<10240x16xf32, #tpu.memory_space<vmem_shared>> -> memref<80x16xf32, #tpu.memory_space<vmem_shared>>
      %dma_start3A_259 = arith.constant 0 : i32
      %dma_start3A_260 = tpu.memref_slice %arg25[%add3A_49, %dma_start3A_259] : memref<10240x16xf32, #tpu.memory_space<vmem_shared>> -> memref<80x16xf32, #tpu.memory_space<vmem_shared>>
      tpu.enqueue_dma source(%arg24 : memref<80x16xf32, #tpu.memory_space<vmem>>) target(%dma_start3A_260 : memref<80x16xf32, #tpu.memory_space<vmem_shared>>) target_semaphore(%run_scoped3A_256 : memref<!tpu.dma_semaphore, #tpu.memory_space<semaphore_mem>>)
      %dma_wait3A_261 = arith.constant 0 : i32
      %dma_wait3A_262 = tpu.memref_slice %arg25[%add3A_49, %dma_wait3A_261] : memref<10240x16xf32, #tpu.memory_space<vmem_shared>> -> memref<80x16xf32, #tpu.memory_space<vmem_shared>>
      %dma_wait3A_263 = arith.constant 0 : i32
      %dma_wait3A_264 = tpu.memref_slice %arg25[%add3A_49, %dma_wait3A_263] : memref<10240x16xf32, #tpu.memory_space<vmem_shared>> -> memref<80x16xf32, #tpu.memory_space<vmem_shared>>
      tpu.wait_dma2 semaphore(%run_scoped3A_256 : memref<!tpu.dma_semaphore, #tpu.memory_space<semaphore_mem>>) src(%arg24 : memref<80x16xf32, #tpu.memory_space<vmem>>) dst(%dma_wait3A_264 : memref<80x16xf32, #tpu.memory_space<vmem_shared>>)
      tpu.yield
    }) : () -> ()
    %mul3A_50 = arith.constant 640 : i32
    %mul3A_51 = arith.muli %arg1, %mul3A_50 : i32
    %add3A_52 = arith.constant 80 : i32
    %add3A_53 = arith.addi %mul3A_51, %add3A_52 : i32
    "tpu.region"() ({
      %run_scoped3A_256 = tpu.sem_alloc : memref<!tpu.dma_semaphore, #tpu.memory_space<semaphore_mem>>
      %dma_start3A_257 = arith.constant 0 : i32
      %dma_start3A_258 = tpu.memref_slice %arg25[%add3A_53, %dma_start3A_257] : memref<10240x16xf32, #tpu.memory_space<vmem_shared>> -> memref<80x16xf32, #tpu.memory_space<vmem_shared>>
      %dma_start3A_259 = arith.constant 0 : i32
      %dma_start3A_260 = tpu.memref_slice %arg25[%add3A_53, %dma_start3A_259] : memref<10240x16xf32, #tpu.memory_space<vmem_shared>> -> memref<80x16xf32, #tpu.memory_space<vmem_shared>>
      tpu.enqueue_dma source(%arg24 : memref<80x16xf32, #tpu.memory_space<vmem>>) target(%dma_start3A_260 : memref<80x16xf32, #tpu.memory_space<vmem_shared>>) target_semaphore(%run_scoped3A_256 : memref<!tpu.dma_semaphore, #tpu.memory_space<semaphore_mem>>)
      %dma_wait3A_261 = arith.constant 0 : i32
      %dma_wait3A_262 = tpu.memref_slice %arg25[%add3A_53, %dma_wait3A_261] : memref<10240x16xf32, #tpu.memory_space<vmem_shared>> -> memref<80x16xf32, #tpu.memory_space<vmem_shared>>
      %dma_wait3A_263 = arith.constant 0 : i32
      %dma_wait3A_264 = tpu.memref_slice %arg25[%add3A_53, %dma_wait3A_263] : memref<10240x16xf32, #tpu.memory_space<vmem_shared>> -> memref<80x16xf32, #tpu.memory_space<vmem_shared>>
      tpu.wait_dma2 semaphore(%run_scoped3A_256 : memref<!tpu.dma_semaphore, #tpu.memory_space<semaphore_mem>>) src(%arg24 : memref<80x16xf32, #tpu.memory_space<vmem>>) dst(%dma_wait3A_264 : memref<80x16xf32, #tpu.memory_space<vmem_shared>>)
      tpu.yield
    }) : () -> ()
    %mul3A_54 = arith.constant 640 : i32
    %mul3A_55 = arith.muli %arg1, %mul3A_54 : i32
    %add3A_56 = arith.constant 160 : i32
    %add3A_57 = arith.addi %mul3A_55, %add3A_56 : i32
    "tpu.region"() ({
      %run_scoped3A_256 = tpu.sem_alloc : memref<!tpu.dma_semaphore, #tpu.memory_space<semaphore_mem>>
      %dma_start3A_257 = arith.constant 0 : i32
      %dma_start3A_258 = tpu.memref_slice %arg25[%add3A_57, %dma_start3A_257] : memref<10240x16xf32, #tpu.memory_space<vmem_shared>> -> memref<80x16xf32, #tpu.memory_space<vmem_shared>>
      %dma_start3A_259 = arith.constant 0 : i32
      %dma_start3A_260 = tpu.memref_slice %arg25[%add3A_57, %dma_start3A_259] : memref<10240x16xf32, #tpu.memory_space<vmem_shared>> -> memref<80x16xf32, #tpu.memory_space<vmem_shared>>
      tpu.enqueue_dma source(%arg24 : memref<80x16xf32, #tpu.memory_space<vmem>>) target(%dma_start3A_260 : memref<80x16xf32, #tpu.memory_space<vmem_shared>>) target_semaphore(%run_scoped3A_256 : memref<!tpu.dma_semaphore, #tpu.memory_space<semaphore_mem>>)
      %dma_wait3A_261 = arith.constant 0 : i32
      %dma_wait3A_262 = tpu.memref_slice %arg25[%add3A_57, %dma_wait3A_261] : memref<10240x16xf32, #tpu.memory_space<vmem_shared>> -> memref<80x16xf32, #tpu.memory_space<vmem_shared>>
      %dma_wait3A_263 = arith.constant 0 : i32
      %dma_wait3A_264 = tpu.memref_slice %arg25[%add3A_57, %dma_wait3A_263] : memref<10240x16xf32, #tpu.memory_space<vmem_shared>> -> memref<80x16xf32, #tpu.memory_space<vmem_shared>>
      tpu.wait_dma2 semaphore(%run_scoped3A_256 : memref<!tpu.dma_semaphore, #tpu.memory_space<semaphore_mem>>) src(%arg24 : memref<80x16xf32, #tpu.memory_space<vmem>>) dst(%dma_wait3A_264 : memref<80x16xf32, #tpu.memory_space<vmem_shared>>)
      tpu.yield
    }) : () -> ()
    %mul3A_58 = arith.constant 640 : i32
    %mul3A_59 = arith.muli %arg1, %mul3A_58 : i32
    %add3A_60 = arith.constant 240 : i32
    %add3A_61 = arith.addi %mul3A_59, %add3A_60 : i32
    "tpu.region"() ({
      %run_scoped3A_256 = tpu.sem_alloc : memref<!tpu.dma_semaphore, #tpu.memory_space<semaphore_mem>>
      %dma_start3A_257 = arith.constant 0 : i32
      %dma_start3A_258 = tpu.memref_slice %arg25[%add3A_61, %dma_start3A_257] : memref<10240x16xf32, #tpu.memory_space<vmem_shared>> -> memref<80x16xf32, #tpu.memory_space<vmem_shared>>
      %dma_start3A_259 = arith.constant 0 : i32
      %dma_start3A_260 = tpu.memref_slice %arg25[%add3A_61, %dma_start3A_259] : memref<10240x16xf32, #tpu.memory_space<vmem_shared>> -> memref<80x16xf32, #tpu.memory_space<vmem_shared>>
      tpu.enqueue_dma source(%arg24 : memref<80x16xf32, #tpu.memory_space<vmem>>) target(%dma_start3A_260 : memref<80x16xf32, #tpu.memory_space<vmem_shared>>) target_semaphore(%run_scoped3A_256 : memref<!tpu.dma_semaphore, #tpu.memory_space<semaphore_mem>>)
      %dma_wait3A_261 = arith.constant 0 : i32
      %dma_wait3A_262 = tpu.memref_slice %arg25[%add3A_61, %dma_wait3A_261] : memref<10240x16xf32, #tpu.memory_space<vmem_shared>> -> memref<80x16xf32, #tpu.memory_space<vmem_shared>>
      %dma_wait3A_263 = arith.constant 0 : i32
      %dma_wait3A_264 = tpu.memref_slice %arg25[%add3A_61, %dma_wait3A_263] : memref<10240x16xf32, #tpu.memory_space<vmem_shared>> -> memref<80x16xf32, #tpu.memory_space<vmem_shared>>
      tpu.wait_dma2 semaphore(%run_scoped3A_256 : memref<!tpu.dma_semaphore, #tpu.memory_space<semaphore_mem>>) src(%arg24 : memref<80x16xf32, #tpu.memory_space<vmem>>) dst(%dma_wait3A_264 : memref<80x16xf32, #tpu.memory_space<vmem_shared>>)
      tpu.yield
    }) : () -> ()
    %mul3A_62 = arith.constant 640 : i32
    %mul3A_63 = arith.muli %arg1, %mul3A_62 : i32
    %add3A_64 = arith.constant 320 : i32
    %add3A_65 = arith.addi %mul3A_63, %add3A_64 : i32
    "tpu.region"() ({
      %run_scoped3A_256 = tpu.sem_alloc : memref<!tpu.dma_semaphore, #tpu.memory_space<semaphore_mem>>
      %dma_start3A_257 = arith.constant 0 : i32
      %dma_start3A_258 = tpu.memref_slice %arg25[%add3A_65, %dma_start3A_257] : memref<10240x16xf32, #tpu.memory_space<vmem_shared>> -> memref<80x16xf32, #tpu.memory_space<vmem_shared>>
      %dma_start3A_259 = arith.constant 0 : i32
      %dma_start3A_260 = tpu.memref_slice %arg25[%add3A_65, %dma_start3A_259] : memref<10240x16xf32, #tpu.memory_space<vmem_shared>> -> memref<80x16xf32, #tpu.memory_space<vmem_shared>>
      tpu.enqueue_dma source(%arg24 : memref<80x16xf32, #tpu.memory_space<vmem>>) target(%dma_start3A_260 : memref<80x16xf32, #tpu.memory_space<vmem_shared>>) target_semaphore(%run_scoped3A_256 : memref<!tpu.dma_semaphore, #tpu.memory_space<semaphore_mem>>)
      %dma_wait3A_261 = arith.constant 0 : i32
      %dma_wait3A_262 = tpu.memref_slice %arg25[%add3A_65, %dma_wait3A_261] : memref<10240x16xf32, #tpu.memory_space<vmem_shared>> -> memref<80x16xf32, #tpu.memory_space<vmem_shared>>
      %dma_wait3A_263 = arith.constant 0 : i32
      %dma_wait3A_264 = tpu.memref_slice %arg25[%add3A_65, %dma_wait3A_263] : memref<10240x16xf32, #tpu.memory_space<vmem_shared>> -> memref<80x16xf32, #tpu.memory_space<vmem_shared>>
      tpu.wait_dma2 semaphore(%run_scoped3A_256 : memref<!tpu.dma_semaphore, #tpu.memory_space<semaphore_mem>>) src(%arg24 : memref<80x16xf32, #tpu.memory_space<vmem>>) dst(%dma_wait3A_264 : memref<80x16xf32, #tpu.memory_space<vmem_shared>>)
      tpu.yield
    }) : () -> ()
    %mul3A_66 = arith.constant 640 : i32
    %mul3A_67 = arith.muli %arg1, %mul3A_66 : i32
    %add3A_68 = arith.constant 400 : i32
    %add3A_69 = arith.addi %mul3A_67, %add3A_68 : i32
    "tpu.region"() ({
      %run_scoped3A_256 = tpu.sem_alloc : memref<!tpu.dma_semaphore, #tpu.memory_space<semaphore_mem>>
      %dma_start3A_257 = arith.constant 0 : i32
      %dma_start3A_258 = tpu.memref_slice %arg25[%add3A_69, %dma_start3A_257] : memref<10240x16xf32, #tpu.memory_space<vmem_shared>> -> memref<80x16xf32, #tpu.memory_space<vmem_shared>>
      %dma_start3A_259 = arith.constant 0 : i32
      %dma_start3A_260 = tpu.memref_slice %arg25[%add3A_69, %dma_start3A_259] : memref<10240x16xf32, #tpu.memory_space<vmem_shared>> -> memref<80x16xf32, #tpu.memory_space<vmem_shared>>
      tpu.enqueue_dma source(%arg24 : memref<80x16xf32, #tpu.memory_space<vmem>>) target(%dma_start3A_260 : memref<80x16xf32, #tpu.memory_space<vmem_shared>>) target_semaphore(%run_scoped3A_256 : memref<!tpu.dma_semaphore, #tpu.memory_space<semaphore_mem>>)
      %dma_wait3A_261 = arith.constant 0 : i32
      %dma_wait3A_262 = tpu.memref_slice %arg25[%add3A_69, %dma_wait3A_261] : memref<10240x16xf32, #tpu.memory_space<vmem_shared>> -> memref<80x16xf32, #tpu.memory_space<vmem_shared>>
      %dma_wait3A_263 = arith.constant 0 : i32
      %dma_wait3A_264 = tpu.memref_slice %arg25[%add3A_69, %dma_wait3A_263] : memref<10240x16xf32, #tpu.memory_space<vmem_shared>> -> memref<80x16xf32, #tpu.memory_space<vmem_shared>>
      tpu.wait_dma2 semaphore(%run_scoped3A_256 : memref<!tpu.dma_semaphore, #tpu.memory_space<semaphore_mem>>) src(%arg24 : memref<80x16xf32, #tpu.memory_space<vmem>>) dst(%dma_wait3A_264 : memref<80x16xf32, #tpu.memory_space<vmem_shared>>)
      tpu.yield
    }) : () -> ()
    %mul3A_70 = arith.constant 640 : i32
    %mul3A_71 = arith.muli %arg1, %mul3A_70 : i32
    %add3A_72 = arith.constant 480 : i32
    %add3A_73 = arith.addi %mul3A_71, %add3A_72 : i32
    "tpu.region"() ({
      %run_scoped3A_256 = tpu.sem_alloc : memref<!tpu.dma_semaphore, #tpu.memory_space<semaphore_mem>>
      %dma_start3A_257 = arith.constant 0 : i32
      %dma_start3A_258 = tpu.memref_slice %arg25[%add3A_73, %dma_start3A_257] : memref<10240x16xf32, #tpu.memory_space<vmem_shared>> -> memref<80x16xf32, #tpu.memory_space<vmem_shared>>
      %dma_start3A_259 = arith.constant 0 : i32
      %dma_start3A_260 = tpu.memref_slice %arg25[%add3A_73, %dma_start3A_259] : memref<10240x16xf32, #tpu.memory_space<vmem_shared>> -> memref<80x16xf32, #tpu.memory_space<vmem_shared>>
      tpu.enqueue_dma source(%arg24 : memref<80x16xf32, #tpu.memory_space<vmem>>) target(%dma_start3A_260 : memref<80x16xf32, #tpu.memory_space<vmem_shared>>) target_semaphore(%run_scoped3A_256 : memref<!tpu.dma_semaphore, #tpu.memory_space<semaphore_mem>>)
      %dma_wait3A_261 = arith.constant 0 : i32
      %dma_wait3A_262 = tpu.memref_slice %arg25[%add3A_73, %dma_wait3A_261] : memref<10240x16xf32, #tpu.memory_space<vmem_shared>> -> memref<80x16xf32, #tpu.memory_space<vmem_shared>>
      %dma_wait3A_263 = arith.constant 0 : i32
      %dma_wait3A_264 = tpu.memref_slice %arg25[%add3A_73, %dma_wait3A_263] : memref<10240x16xf32, #tpu.memory_space<vmem_shared>> -> memref<80x16xf32, #tpu.memory_space<vmem_shared>>
      tpu.wait_dma2 semaphore(%run_scoped3A_256 : memref<!tpu.dma_semaphore, #tpu.memory_space<semaphore_mem>>) src(%arg24 : memref<80x16xf32, #tpu.memory_space<vmem>>) dst(%dma_wait3A_264 : memref<80x16xf32, #tpu.memory_space<vmem_shared>>)
      tpu.yield
    }) : () -> ()
    %mul3A_74 = arith.constant 640 : i32
    %mul3A_75 = arith.muli %arg1, %mul3A_74 : i32
    %add3A_76 = arith.constant 560 : i32
    %add3A_77 = arith.addi %mul3A_75, %add3A_76 : i32
    "tpu.region"() ({
      %run_scoped3A_256 = tpu.sem_alloc : memref<!tpu.dma_semaphore, #tpu.memory_space<semaphore_mem>>
      %dma_start3A_257 = arith.constant 0 : i32
      %dma_start3A_258 = tpu.memref_slice %arg25[%add3A_77, %dma_start3A_257] : memref<10240x16xf32, #tpu.memory_space<vmem_shared>> -> memref<80x16xf32, #tpu.memory_space<vmem_shared>>
      %dma_start3A_259 = arith.constant 0 : i32
      %dma_start3A_260 = tpu.memref_slice %arg25[%add3A_77, %dma_start3A_259] : memref<10240x16xf32, #tpu.memory_space<vmem_shared>> -> memref<80x16xf32, #tpu.memory_space<vmem_shared>>
      tpu.enqueue_dma source(%arg24 : memref<80x16xf32, #tpu.memory_space<vmem>>) target(%dma_start3A_260 : memref<80x16xf32, #tpu.memory_space<vmem_shared>>) target_semaphore(%run_scoped3A_256 : memref<!tpu.dma_semaphore, #tpu.memory_space<semaphore_mem>>)
      %dma_wait3A_261 = arith.constant 0 : i32
      %dma_wait3A_262 = tpu.memref_slice %arg25[%add3A_77, %dma_wait3A_261] : memref<10240x16xf32, #tpu.memory_space<vmem_shared>> -> memref<80x16xf32, #tpu.memory_space<vmem_shared>>
      %dma_wait3A_263 = arith.constant 0 : i32
      %dma_wait3A_264 = tpu.memref_slice %arg25[%add3A_77, %dma_wait3A_263] : memref<10240x16xf32, #tpu.memory_space<vmem_shared>> -> memref<80x16xf32, #tpu.memory_space<vmem_shared>>
      tpu.wait_dma2 semaphore(%run_scoped3A_256 : memref<!tpu.dma_semaphore, #tpu.memory_space<semaphore_mem>>) src(%arg24 : memref<80x16xf32, #tpu.memory_space<vmem>>) dst(%dma_wait3A_264 : memref<80x16xf32, #tpu.memory_space<vmem_shared>>)
      tpu.yield
    }) : () -> ()
    %barrier3A = arith.constant 0 : index
    tpu.barrier barrier_id(%barrier3A)
    %dma_start3A = arith.constant 0 : i32
    %dma_start3A_78 = arith.constant 0 : i32
    %dma_start3A_79 = tpu.memref_slice %arg8[%dma_start3A, %dma_start3A_78] : memref<250x80xi32, #tpu.memory_space<vmem>> -> memref<1x80xi32, #tpu.memory_space<vmem>>
    %dma_start3A_80 = tpu.memref_squeeze %dma_start3A_79 : memref<1x80xi32, #tpu.memory_space<vmem>> -> memref<80xi32, #tpu.memory_space<vmem>>
    %dma_start3A_81 = arith.constant 0 : i32
    %dma_start3A_82 = arith.constant 0 : i32
    %dma_start3A_83 = tpu.memref_slice %arg2[%dma_start3A_81, %dma_start3A_82] : memref<20000x64xf32, #tpu.memory_space<hbm>> -> memref<20000x64xf32, #tpu.memory_space<hbm>>
    tpu.enqueue_indirect_dma source(%dma_start3A_83 : memref<20000x64xf32, #tpu.memory_space<hbm>>) target(%arg10 : memref<80x64xf32, #tpu.memory_space<vmem>>) offsets(%dma_start3A_80 : memref<80xi32, #tpu.memory_space<vmem>>) semaphore(%arg15 : memref<!tpu.dma_semaphore, #tpu.memory_space<semaphore_mem>>)
    %dma_start3A_84 = arith.constant 1 : i32
    %dma_start3A_85 = arith.constant 0 : i32
    %dma_start3A_86 = tpu.memref_slice %arg8[%dma_start3A_84, %dma_start3A_85] : memref<250x80xi32, #tpu.memory_space<vmem>> -> memref<1x80xi32, #tpu.memory_space<vmem>>
    %dma_start3A_87 = tpu.memref_squeeze %dma_start3A_86 : memref<1x80xi32, #tpu.memory_space<vmem>> -> memref<80xi32, #tpu.memory_space<vmem>>
    %dma_start3A_88 = arith.constant 0 : i32
    %dma_start3A_89 = arith.constant 0 : i32
    %dma_start3A_90 = tpu.memref_slice %arg2[%dma_start3A_88, %dma_start3A_89] : memref<20000x64xf32, #tpu.memory_space<hbm>> -> memref<20000x64xf32, #tpu.memory_space<hbm>>
    tpu.enqueue_indirect_dma source(%dma_start3A_90 : memref<20000x64xf32, #tpu.memory_space<hbm>>) target(%arg11 : memref<80x64xf32, #tpu.memory_space<vmem>>) offsets(%dma_start3A_87 : memref<80xi32, #tpu.memory_space<vmem>>) semaphore(%arg16 : memref<!tpu.dma_semaphore, #tpu.memory_space<semaphore_mem>>)
    %dma_wait3A = arith.constant 0 : i32
    %dma_wait3A_91 = arith.constant 0 : i32
    %dma_wait3A_92 = tpu.memref_slice %arg8[%dma_wait3A, %dma_wait3A_91] : memref<250x80xi32, #tpu.memory_space<vmem>> -> memref<1x80xi32, #tpu.memory_space<vmem>>
    %dma_wait3A_93 = tpu.memref_squeeze %dma_wait3A_92 : memref<1x80xi32, #tpu.memory_space<vmem>> -> memref<80xi32, #tpu.memory_space<vmem>>
    %dma_wait3A_94 = arith.constant 0 : i32
    %dma_wait3A_95 = arith.constant 0 : i32
    %dma_wait3A_96 = tpu.memref_slice %arg2[%dma_wait3A_94, %dma_wait3A_95] : memref<20000x64xf32, #tpu.memory_space<hbm>> -> memref<20000x64xf32, #tpu.memory_space<hbm>>
    tpu.wait_indirect_dma semaphore(%arg15 : memref<!tpu.dma_semaphore, #tpu.memory_space<semaphore_mem>>) src(%dma_wait3A_96 : memref<20000x64xf32, #tpu.memory_space<hbm>>) dst(%arg10 : memref<80x64xf32, #tpu.memory_space<vmem>>)
    %dma_start3A_97 = arith.constant 0 : i32
    %dma_start3A_98 = arith.constant 0 : i32
    %dma_start3A_99 = tpu.memref_slice %arg9[%dma_start3A_97, %dma_start3A_98] : memref<250x80xi32, #tpu.memory_space<vmem>> -> memref<1x80xi32, #tpu.memory_space<vmem>>
    %dma_start3A_100 = tpu.memref_squeeze %dma_start3A_99 : memref<1x80xi32, #tpu.memory_space<vmem>> -> memref<80xi32, #tpu.memory_space<vmem>>
    %dma_start3A_101 = arith.constant 0 : i32
    %dma_start3A_102 = arith.constant 0 : i32
    %dma_start3A_103 = tpu.memref_slice %arg14[%dma_start3A_101, %dma_start3A_102] : memref<10240x64xf32, #tpu.memory_space<vmem_shared>> -> memref<10240x64xf32, #tpu.memory_space<vmem_shared>>
    tpu.enqueue_indirect_dma source(%arg10 : memref<80x64xf32, #tpu.memory_space<vmem>>) target(%dma_start3A_103 : memref<10240x64xf32, #tpu.memory_space<vmem_shared>>) offsets(%dma_start3A_100 : memref<80xi32, #tpu.memory_space<vmem>>) semaphore(%arg19 : memref<!tpu.dma_semaphore, #tpu.memory_space<semaphore_mem>>) {add = true}
    %run_scoped3A = arith.constant 0 : i32
    "tpu.region"() ({
      %run_scoped3A_256 = tpu.sem_alloc : memref<!tpu.dma_semaphore, #tpu.memory_space<semaphore_mem>>
      %dma_start3A_257 = arith.constant 0 : i32
      %dma_start3A_258 = tpu.memref_slice %arg9[%run_scoped3A, %dma_start3A_257] : memref<250x80xi32, #tpu.memory_space<vmem>> -> memref<1x80xi32, #tpu.memory_space<vmem>>
      %dma_start3A_259 = tpu.memref_squeeze %dma_start3A_258 : memref<1x80xi32, #tpu.memory_space<vmem>> -> memref<80xi32, #tpu.memory_space<vmem>>
      %dma_start3A_260 = arith.constant 0 : i32
      %dma_start3A_261 = arith.constant 0 : i32
      %dma_start3A_262 = tpu.memref_slice %arg25[%dma_start3A_260, %dma_start3A_261] : memref<10240x16xf32, #tpu.memory_space<vmem_shared>> -> memref<10240x16xf32, #tpu.memory_space<vmem_shared>>
      tpu.enqueue_indirect_dma source(%arg23 : memref<80x16xf32, #tpu.memory_space<vmem>>) target(%dma_start3A_262 : memref<10240x16xf32, #tpu.memory_space<vmem_shared>>) offsets(%dma_start3A_259 : memref<80xi32, #tpu.memory_space<vmem>>) semaphore(%run_scoped3A_256 : memref<!tpu.dma_semaphore, #tpu.memory_space<semaphore_mem>>) {add = true}
      %dma_wait3A_263 = arith.constant 0 : i32
      %dma_wait3A_264 = tpu.memref_slice %arg9[%run_scoped3A, %dma_wait3A_263] : memref<250x80xi32, #tpu.memory_space<vmem>> -> memref<1x80xi32, #tpu.memory_space<vmem>>
      %dma_wait3A_265 = tpu.memref_squeeze %dma_wait3A_264 : memref<1x80xi32, #tpu.memory_space<vmem>> -> memref<80xi32, #tpu.memory_space<vmem>>
      %dma_wait3A_266 = arith.constant 0 : i32
      %dma_wait3A_267 = arith.constant 0 : i32
      %dma_wait3A_268 = tpu.memref_slice %arg25[%dma_wait3A_266, %dma_wait3A_267] : memref<10240x16xf32, #tpu.memory_space<vmem_shared>> -> memref<10240x16xf32, #tpu.memory_space<vmem_shared>>
      tpu.wait_indirect_dma semaphore(%run_scoped3A_256 : memref<!tpu.dma_semaphore, #tpu.memory_space<semaphore_mem>>) src(%arg23 : memref<80x16xf32, #tpu.memory_space<vmem>>) dst(%dma_wait3A_268 : memref<10240x16xf32, #tpu.memory_space<vmem_shared>>)
      tpu.yield
    }) : () -> ()
    %dma_start3A_104 = arith.constant 2 : i32
    %dma_start3A_105 = arith.constant 0 : i32
    %dma_start3A_106 = tpu.memref_slice %arg8[%dma_start3A_104, %dma_start3A_105] : memref<250x80xi32, #tpu.memory_space<vmem>> -> memref<1x80xi32, #tpu.memory_space<vmem>>
    %dma_start3A_107 = tpu.memref_squeeze %dma_start3A_106 : memref<1x80xi32, #tpu.memory_space<vmem>> -> memref<80xi32, #tpu.memory_space<vmem>>
    %dma_start3A_108 = arith.constant 0 : i32
    %dma_start3A_109 = arith.constant 0 : i32
    %dma_start3A_110 = tpu.memref_slice %arg2[%dma_start3A_108, %dma_start3A_109] : memref<20000x64xf32, #tpu.memory_space<hbm>> -> memref<20000x64xf32, #tpu.memory_space<hbm>>
    tpu.enqueue_indirect_dma source(%dma_start3A_110 : memref<20000x64xf32, #tpu.memory_space<hbm>>) target(%arg12 : memref<80x64xf32, #tpu.memory_space<vmem>>) offsets(%dma_start3A_107 : memref<80xi32, #tpu.memory_space<vmem>>) semaphore(%arg17 : memref<!tpu.dma_semaphore, #tpu.memory_space<semaphore_mem>>)
    %dma_wait3A_111 = arith.constant 0 : i32
    %dma_wait3A_112 = arith.constant 0 : i32
    %dma_wait3A_113 = tpu.memref_slice %arg8[%dma_wait3A_111, %dma_wait3A_112] : memref<250x80xi32, #tpu.memory_space<vmem>> -> memref<1x80xi32, #tpu.memory_space<vmem>>
    %dma_wait3A_114 = tpu.memref_squeeze %dma_wait3A_113 : memref<1x80xi32, #tpu.memory_space<vmem>> -> memref<80xi32, #tpu.memory_space<vmem>>
    %dma_wait3A_115 = arith.constant 0 : i32
    %dma_wait3A_116 = arith.constant 0 : i32
    %dma_wait3A_117 = tpu.memref_slice %arg2[%dma_wait3A_115, %dma_wait3A_116] : memref<20000x64xf32, #tpu.memory_space<hbm>> -> memref<20000x64xf32, #tpu.memory_space<hbm>>
    tpu.wait_indirect_dma semaphore(%arg16 : memref<!tpu.dma_semaphore, #tpu.memory_space<semaphore_mem>>) src(%dma_wait3A_117 : memref<20000x64xf32, #tpu.memory_space<hbm>>) dst(%arg11 : memref<80x64xf32, #tpu.memory_space<vmem>>)
    %dma_start3A_118 = arith.constant 1 : i32
    %dma_start3A_119 = arith.constant 0 : i32
    %dma_start3A_120 = tpu.memref_slice %arg9[%dma_start3A_118, %dma_start3A_119] : memref<250x80xi32, #tpu.memory_space<vmem>> -> memref<1x80xi32, #tpu.memory_space<vmem>>
    %dma_start3A_121 = tpu.memref_squeeze %dma_start3A_120 : memref<1x80xi32, #tpu.memory_space<vmem>> -> memref<80xi32, #tpu.memory_space<vmem>>
    %dma_start3A_122 = arith.constant 0 : i32
    %dma_start3A_123 = arith.constant 0 : i32
    %dma_start3A_124 = tpu.memref_slice %arg14[%dma_start3A_122, %dma_start3A_123] : memref<10240x64xf32, #tpu.memory_space<vmem_shared>> -> memref<10240x64xf32, #tpu.memory_space<vmem_shared>>
    tpu.enqueue_indirect_dma source(%arg11 : memref<80x64xf32, #tpu.memory_space<vmem>>) target(%dma_start3A_124 : memref<10240x64xf32, #tpu.memory_space<vmem_shared>>) offsets(%dma_start3A_121 : memref<80xi32, #tpu.memory_space<vmem>>) semaphore(%arg20 : memref<!tpu.dma_semaphore, #tpu.memory_space<semaphore_mem>>) {add = true}
    %run_scoped3A_125 = arith.constant 1 : i32
    "tpu.region"() ({
      %run_scoped3A_256 = tpu.sem_alloc : memref<!tpu.dma_semaphore, #tpu.memory_space<semaphore_mem>>
      %dma_start3A_257 = arith.constant 0 : i32
      %dma_start3A_258 = tpu.memref_slice %arg9[%run_scoped3A_125, %dma_start3A_257] : memref<250x80xi32, #tpu.memory_space<vmem>> -> memref<1x80xi32, #tpu.memory_space<vmem>>
      %dma_start3A_259 = tpu.memref_squeeze %dma_start3A_258 : memref<1x80xi32, #tpu.memory_space<vmem>> -> memref<80xi32, #tpu.memory_space<vmem>>
      %dma_start3A_260 = arith.constant 0 : i32
      %dma_start3A_261 = arith.constant 0 : i32
      %dma_start3A_262 = tpu.memref_slice %arg25[%dma_start3A_260, %dma_start3A_261] : memref<10240x16xf32, #tpu.memory_space<vmem_shared>> -> memref<10240x16xf32, #tpu.memory_space<vmem_shared>>
      tpu.enqueue_indirect_dma source(%arg23 : memref<80x16xf32, #tpu.memory_space<vmem>>) target(%dma_start3A_262 : memref<10240x16xf32, #tpu.memory_space<vmem_shared>>) offsets(%dma_start3A_259 : memref<80xi32, #tpu.memory_space<vmem>>) semaphore(%run_scoped3A_256 : memref<!tpu.dma_semaphore, #tpu.memory_space<semaphore_mem>>) {add = true}
      %dma_wait3A_263 = arith.constant 0 : i32
      %dma_wait3A_264 = tpu.memref_slice %arg9[%run_scoped3A_125, %dma_wait3A_263] : memref<250x80xi32, #tpu.memory_space<vmem>> -> memref<1x80xi32, #tpu.memory_space<vmem>>
      %dma_wait3A_265 = tpu.memref_squeeze %dma_wait3A_264 : memref<1x80xi32, #tpu.memory_space<vmem>> -> memref<80xi32, #tpu.memory_space<vmem>>
      %dma_wait3A_266 = arith.constant 0 : i32
      %dma_wait3A_267 = arith.constant 0 : i32
      %dma_wait3A_268 = tpu.memref_slice %arg25[%dma_wait3A_266, %dma_wait3A_267] : memref<10240x16xf32, #tpu.memory_space<vmem_shared>> -> memref<10240x16xf32, #tpu.memory_space<vmem_shared>>
      tpu.wait_indirect_dma semaphore(%run_scoped3A_256 : memref<!tpu.dma_semaphore, #tpu.memory_space<semaphore_mem>>) src(%arg23 : memref<80x16xf32, #tpu.memory_space<vmem>>) dst(%dma_wait3A_268 : memref<10240x16xf32, #tpu.memory_space<vmem_shared>>)
      tpu.yield
    }) : () -> ()
    %dma_start3A_126 = arith.constant 3 : i32
    %dma_start3A_127 = arith.constant 0 : i32
    %dma_start3A_128 = tpu.memref_slice %arg8[%dma_start3A_126, %dma_start3A_127] : memref<250x80xi32, #tpu.memory_space<vmem>> -> memref<1x80xi32, #tpu.memory_space<vmem>>
    %dma_start3A_129 = tpu.memref_squeeze %dma_start3A_128 : memref<1x80xi32, #tpu.memory_space<vmem>> -> memref<80xi32, #tpu.memory_space<vmem>>
    %dma_start3A_130 = arith.constant 0 : i32
    %dma_start3A_131 = arith.constant 0 : i32
    %dma_start3A_132 = tpu.memref_slice %arg2[%dma_start3A_130, %dma_start3A_131] : memref<20000x64xf32, #tpu.memory_space<hbm>> -> memref<20000x64xf32, #tpu.memory_space<hbm>>
    tpu.enqueue_indirect_dma source(%dma_start3A_132 : memref<20000x64xf32, #tpu.memory_space<hbm>>) target(%arg13 : memref<80x64xf32, #tpu.memory_space<vmem>>) offsets(%dma_start3A_129 : memref<80xi32, #tpu.memory_space<vmem>>) semaphore(%arg18 : memref<!tpu.dma_semaphore, #tpu.memory_space<semaphore_mem>>)
    %dma_wait3A_133 = arith.constant 0 : i32
    %dma_wait3A_134 = arith.constant 0 : i32
    %dma_wait3A_135 = tpu.memref_slice %arg8[%dma_wait3A_133, %dma_wait3A_134] : memref<250x80xi32, #tpu.memory_space<vmem>> -> memref<1x80xi32, #tpu.memory_space<vmem>>
    %dma_wait3A_136 = tpu.memref_squeeze %dma_wait3A_135 : memref<1x80xi32, #tpu.memory_space<vmem>> -> memref<80xi32, #tpu.memory_space<vmem>>
    %dma_wait3A_137 = arith.constant 0 : i32
    %dma_wait3A_138 = arith.constant 0 : i32
    %dma_wait3A_139 = tpu.memref_slice %arg2[%dma_wait3A_137, %dma_wait3A_138] : memref<20000x64xf32, #tpu.memory_space<hbm>> -> memref<20000x64xf32, #tpu.memory_space<hbm>>
    tpu.wait_indirect_dma semaphore(%arg17 : memref<!tpu.dma_semaphore, #tpu.memory_space<semaphore_mem>>) src(%dma_wait3A_139 : memref<20000x64xf32, #tpu.memory_space<hbm>>) dst(%arg12 : memref<80x64xf32, #tpu.memory_space<vmem>>)
    %dma_start3A_140 = arith.constant 2 : i32
    %dma_start3A_141 = arith.constant 0 : i32
    %dma_start3A_142 = tpu.memref_slice %arg9[%dma_start3A_140, %dma_start3A_141] : memref<250x80xi32, #tpu.memory_space<vmem>> -> memref<1x80xi32, #tpu.memory_space<vmem>>
    %dma_start3A_143 = tpu.memref_squeeze %dma_start3A_142 : memref<1x80xi32, #tpu.memory_space<vmem>> -> memref<80xi32, #tpu.memory_space<vmem>>
    %dma_start3A_144 = arith.constant 0 : i32
    %dma_start3A_145 = arith.constant 0 : i32
    %dma_start3A_146 = tpu.memref_slice %arg14[%dma_start3A_144, %dma_start3A_145] : memref<10240x64xf32, #tpu.memory_space<vmem_shared>> -> memref<10240x64xf32, #tpu.memory_space<vmem_shared>>
    tpu.enqueue_indirect_dma source(%arg12 : memref<80x64xf32, #tpu.memory_space<vmem>>) target(%dma_start3A_146 : memref<10240x64xf32, #tpu.memory_space<vmem_shared>>) offsets(%dma_start3A_143 : memref<80xi32, #tpu.memory_space<vmem>>) semaphore(%arg21 : memref<!tpu.dma_semaphore, #tpu.memory_space<semaphore_mem>>) {add = true}
    %run_scoped3A_147 = arith.constant 2 : i32
    "tpu.region"() ({
      %run_scoped3A_256 = tpu.sem_alloc : memref<!tpu.dma_semaphore, #tpu.memory_space<semaphore_mem>>
      %dma_start3A_257 = arith.constant 0 : i32
      %dma_start3A_258 = tpu.memref_slice %arg9[%run_scoped3A_147, %dma_start3A_257] : memref<250x80xi32, #tpu.memory_space<vmem>> -> memref<1x80xi32, #tpu.memory_space<vmem>>
      %dma_start3A_259 = tpu.memref_squeeze %dma_start3A_258 : memref<1x80xi32, #tpu.memory_space<vmem>> -> memref<80xi32, #tpu.memory_space<vmem>>
      %dma_start3A_260 = arith.constant 0 : i32
      %dma_start3A_261 = arith.constant 0 : i32
      %dma_start3A_262 = tpu.memref_slice %arg25[%dma_start3A_260, %dma_start3A_261] : memref<10240x16xf32, #tpu.memory_space<vmem_shared>> -> memref<10240x16xf32, #tpu.memory_space<vmem_shared>>
      tpu.enqueue_indirect_dma source(%arg23 : memref<80x16xf32, #tpu.memory_space<vmem>>) target(%dma_start3A_262 : memref<10240x16xf32, #tpu.memory_space<vmem_shared>>) offsets(%dma_start3A_259 : memref<80xi32, #tpu.memory_space<vmem>>) semaphore(%run_scoped3A_256 : memref<!tpu.dma_semaphore, #tpu.memory_space<semaphore_mem>>) {add = true}
      %dma_wait3A_263 = arith.constant 0 : i32
      %dma_wait3A_264 = tpu.memref_slice %arg9[%run_scoped3A_147, %dma_wait3A_263] : memref<250x80xi32, #tpu.memory_space<vmem>> -> memref<1x80xi32, #tpu.memory_space<vmem>>
      %dma_wait3A_265 = tpu.memref_squeeze %dma_wait3A_264 : memref<1x80xi32, #tpu.memory_space<vmem>> -> memref<80xi32, #tpu.memory_space<vmem>>
      %dma_wait3A_266 = arith.constant 0 : i32
      %dma_wait3A_267 = arith.constant 0 : i32
      %dma_wait3A_268 = tpu.memref_slice %arg25[%dma_wait3A_266, %dma_wait3A_267] : memref<10240x16xf32, #tpu.memory_space<vmem_shared>> -> memref<10240x16xf32, #tpu.memory_space<vmem_shared>>
      tpu.wait_indirect_dma semaphore(%run_scoped3A_256 : memref<!tpu.dma_semaphore, #tpu.memory_space<semaphore_mem>>) src(%arg23 : memref<80x16xf32, #tpu.memory_space<vmem>>) dst(%dma_wait3A_268 : memref<10240x16xf32, #tpu.memory_space<vmem_shared>>)
      tpu.yield
    }) : () -> ()
    %dma_wait3A_148 = arith.constant 0 : i32
    %dma_wait3A_149 = arith.constant 0 : i32
    %dma_wait3A_150 = tpu.memref_slice %arg9[%dma_wait3A_148, %dma_wait3A_149] : memref<250x80xi32, #tpu.memory_space<vmem>> -> memref<1x80xi32, #tpu.memory_space<vmem>>
    %dma_wait3A_151 = tpu.memref_squeeze %dma_wait3A_150 : memref<1x80xi32, #tpu.memory_space<vmem>> -> memref<80xi32, #tpu.memory_space<vmem>>
    %dma_wait3A_152 = arith.constant 0 : i32
    %dma_wait3A_153 = arith.constant 0 : i32
    %dma_wait3A_154 = tpu.memref_slice %arg14[%dma_wait3A_152, %dma_wait3A_153] : memref<10240x64xf32, #tpu.memory_space<vmem_shared>> -> memref<10240x64xf32, #tpu.memory_space<vmem_shared>>
    tpu.wait_indirect_dma semaphore(%arg19 : memref<!tpu.dma_semaphore, #tpu.memory_space<semaphore_mem>>) src(%arg10 : memref<80x64xf32, #tpu.memory_space<vmem>>) dst(%dma_wait3A_154 : memref<10240x64xf32, #tpu.memory_space<vmem_shared>>)
    %dma_start3A_155 = arith.constant 4 : i32
    %dma_start3A_156 = arith.constant 0 : i32
    %dma_start3A_157 = tpu.memref_slice %arg8[%dma_start3A_155, %dma_start3A_156] : memref<250x80xi32, #tpu.memory_space<vmem>> -> memref<1x80xi32, #tpu.memory_space<vmem>>
    %dma_start3A_158 = tpu.memref_squeeze %dma_start3A_157 : memref<1x80xi32, #tpu.memory_space<vmem>> -> memref<80xi32, #tpu.memory_space<vmem>>
    %dma_start3A_159 = arith.constant 0 : i32
    %dma_start3A_160 = arith.constant 0 : i32
    %dma_start3A_161 = tpu.memref_slice %arg2[%dma_start3A_159, %dma_start3A_160] : memref<20000x64xf32, #tpu.memory_space<hbm>> -> memref<20000x64xf32, #tpu.memory_space<hbm>>
    tpu.enqueue_indirect_dma source(%dma_start3A_161 : memref<20000x64xf32, #tpu.memory_space<hbm>>) target(%arg10 : memref<80x64xf32, #tpu.memory_space<vmem>>) offsets(%dma_start3A_158 : memref<80xi32, #tpu.memory_space<vmem>>) semaphore(%arg15 : memref<!tpu.dma_semaphore, #tpu.memory_space<semaphore_mem>>)
    %dma_wait3A_162 = arith.constant 0 : i32
    %dma_wait3A_163 = arith.constant 0 : i32
    %dma_wait3A_164 = tpu.memref_slice %arg8[%dma_wait3A_162, %dma_wait3A_163] : memref<250x80xi32, #tpu.memory_space<vmem>> -> memref<1x80xi32, #tpu.memory_space<vmem>>
    %dma_wait3A_165 = tpu.memref_squeeze %dma_wait3A_164 : memref<1x80xi32, #tpu.memory_space<vmem>> -> memref<80xi32, #tpu.memory_space<vmem>>
    %dma_wait3A_166 = arith.constant 0 : i32
    %dma_wait3A_167 = arith.constant 0 : i32
    %dma_wait3A_168 = tpu.memref_slice %arg2[%dma_wait3A_166, %dma_wait3A_167] : memref<20000x64xf32, #tpu.memory_space<hbm>> -> memref<20000x64xf32, #tpu.memory_space<hbm>>
    tpu.wait_indirect_dma semaphore(%arg18 : memref<!tpu.dma_semaphore, #tpu.memory_space<semaphore_mem>>) src(%dma_wait3A_168 : memref<20000x64xf32, #tpu.memory_space<hbm>>) dst(%arg13 : memref<80x64xf32, #tpu.memory_space<vmem>>)
    %dma_start3A_169 = arith.constant 3 : i32
    %dma_start3A_170 = arith.constant 0 : i32
    %dma_start3A_171 = tpu.memref_slice %arg9[%dma_start3A_169, %dma_start3A_170] : memref<250x80xi32, #tpu.memory_space<vmem>> -> memref<1x80xi32, #tpu.memory_space<vmem>>
    %dma_start3A_172 = tpu.memref_squeeze %dma_start3A_171 : memref<1x80xi32, #tpu.memory_space<vmem>> -> memref<80xi32, #tpu.memory_space<vmem>>
    %dma_start3A_173 = arith.constant 0 : i32
    %dma_start3A_174 = arith.constant 0 : i32
    %dma_start3A_175 = tpu.memref_slice %arg14[%dma_start3A_173, %dma_start3A_174] : memref<10240x64xf32, #tpu.memory_space<vmem_shared>> -> memref<10240x64xf32, #tpu.memory_space<vmem_shared>>
    tpu.enqueue_indirect_dma source(%arg13 : memref<80x64xf32, #tpu.memory_space<vmem>>) target(%dma_start3A_175 : memref<10240x64xf32, #tpu.memory_space<vmem_shared>>) offsets(%dma_start3A_172 : memref<80xi32, #tpu.memory_space<vmem>>) semaphore(%arg22 : memref<!tpu.dma_semaphore, #tpu.memory_space<semaphore_mem>>) {add = true}
    %run_scoped3A_176 = arith.constant 3 : i32
    "tpu.region"() ({
      %run_scoped3A_256 = tpu.sem_alloc : memref<!tpu.dma_semaphore, #tpu.memory_space<semaphore_mem>>
      %dma_start3A_257 = arith.constant 0 : i32
      %dma_start3A_258 = tpu.memref_slice %arg9[%run_scoped3A_176, %dma_start3A_257] : memref<250x80xi32, #tpu.memory_space<vmem>> -> memref<1x80xi32, #tpu.memory_space<vmem>>
      %dma_start3A_259 = tpu.memref_squeeze %dma_start3A_258 : memref<1x80xi32, #tpu.memory_space<vmem>> -> memref<80xi32, #tpu.memory_space<vmem>>
      %dma_start3A_260 = arith.constant 0 : i32
      %dma_start3A_261 = arith.constant 0 : i32
      %dma_start3A_262 = tpu.memref_slice %arg25[%dma_start3A_260, %dma_start3A_261] : memref<10240x16xf32, #tpu.memory_space<vmem_shared>> -> memref<10240x16xf32, #tpu.memory_space<vmem_shared>>
      tpu.enqueue_indirect_dma source(%arg23 : memref<80x16xf32, #tpu.memory_space<vmem>>) target(%dma_start3A_262 : memref<10240x16xf32, #tpu.memory_space<vmem_shared>>) offsets(%dma_start3A_259 : memref<80xi32, #tpu.memory_space<vmem>>) semaphore(%run_scoped3A_256 : memref<!tpu.dma_semaphore, #tpu.memory_space<semaphore_mem>>) {add = true}
      %dma_wait3A_263 = arith.constant 0 : i32
      %dma_wait3A_264 = tpu.memref_slice %arg9[%run_scoped3A_176, %dma_wait3A_263] : memref<250x80xi32, #tpu.memory_space<vmem>> -> memref<1x80xi32, #tpu.memory_space<vmem>>
      %dma_wait3A_265 = tpu.memref_squeeze %dma_wait3A_264 : memref<1x80xi32, #tpu.memory_space<vmem>> -> memref<80xi32, #tpu.memory_space<vmem>>
      %dma_wait3A_266 = arith.constant 0 : i32
      %dma_wait3A_267 = arith.constant 0 : i32
      %dma_wait3A_268 = tpu.memref_slice %arg25[%dma_wait3A_266, %dma_wait3A_267] : memref<10240x16xf32, #tpu.memory_space<vmem_shared>> -> memref<10240x16xf32, #tpu.memory_space<vmem_shared>>
      tpu.wait_indirect_dma semaphore(%run_scoped3A_256 : memref<!tpu.dma_semaphore, #tpu.memory_space<semaphore_mem>>) src(%arg23 : memref<80x16xf32, #tpu.memory_space<vmem>>) dst(%dma_wait3A_268 : memref<10240x16xf32, #tpu.memory_space<vmem_shared>>)
      tpu.yield
    }) : () -> ()
    %dma_wait3A_177 = arith.constant 0 : i32
    %dma_wait3A_178 = arith.constant 0 : i32
    %dma_wait3A_179 = tpu.memref_slice %arg9[%dma_wait3A_177, %dma_wait3A_178] : memref<250x80xi32, #tpu.memory_space<vmem>> -> memref<1x80xi32, #tpu.memory_space<vmem>>
    %dma_wait3A_180 = tpu.memref_squeeze %dma_wait3A_179 : memref<1x80xi32, #tpu.memory_space<vmem>> -> memref<80xi32, #tpu.memory_space<vmem>>
    %dma_wait3A_181 = arith.constant 0 : i32
    %dma_wait3A_182 = arith.constant 0 : i32
    %dma_wait3A_183 = tpu.memref_slice %arg14[%dma_wait3A_181, %dma_wait3A_182] : memref<10240x64xf32, #tpu.memory_space<vmem_shared>> -> memref<10240x64xf32, #tpu.memory_space<vmem_shared>>
    tpu.wait_indirect_dma semaphore(%arg20 : memref<!tpu.dma_semaphore, #tpu.memory_space<semaphore_mem>>) src(%arg11 : memref<80x64xf32, #tpu.memory_space<vmem>>) dst(%dma_wait3A_183 : memref<10240x64xf32, #tpu.memory_space<vmem_shared>>)
    %dma_start3A_184 = arith.constant 5 : i32
    %dma_start3A_185 = arith.constant 0 : i32
    %dma_start3A_186 = tpu.memref_slice %arg8[%dma_start3A_184, %dma_start3A_185] : memref<250x80xi32, #tpu.memory_space<vmem>> -> memref<1x80xi32, #tpu.memory_space<vmem>>
    %dma_start3A_187 = tpu.memref_squeeze %dma_start3A_186 : memref<1x80xi32, #tpu.memory_space<vmem>> -> memref<80xi32, #tpu.memory_space<vmem>>
    %dma_start3A_188 = arith.constant 0 : i32
    %dma_start3A_189 = arith.constant 0 : i32
    %dma_start3A_190 = tpu.memref_slice %arg2[%dma_start3A_188, %dma_start3A_189] : memref<20000x64xf32, #tpu.memory_space<hbm>> -> memref<20000x64xf32, #tpu.memory_space<hbm>>
    tpu.enqueue_indirect_dma source(%dma_start3A_190 : memref<20000x64xf32, #tpu.memory_space<hbm>>) target(%arg11 : memref<80x64xf32, #tpu.memory_space<vmem>>) offsets(%dma_start3A_187 : memref<80xi32, #tpu.memory_space<vmem>>) semaphore(%arg16 : memref<!tpu.dma_semaphore, #tpu.memory_space<semaphore_mem>>)
    %scan3A_191 = arith.constant 0 : i32
    %scan3A_192 = arith.constant 0 : i32
    %scan3A_193 = arith.constant 61 : i32
    %scan3A_194 = arith.addi %scan3A_192, %scan3A_193 : i32
    %scan3A_195 = arith.constant 1 : i32
    scf.for %scan3A_256 = %scan3A_192 to %scan3A_194 step %scan3A_195  : i32 {
      %mul3A_257 = arith.constant 4 : i32
      %mul3A_258 = arith.muli %mul3A_257, %scan3A_256 : i32
      %add3A_259 = arith.constant 4 : i32
      %add3A_260 = arith.addi %add3A_259, %mul3A_258 : i32
      %dma_wait3A_261 = arith.constant 0 : i32
      %dma_wait3A_262 = arith.constant 0 : i32
      %dma_wait3A_263 = tpu.memref_slice %arg8[%dma_wait3A_261, %dma_wait3A_262] : memref<250x80xi32, #tpu.memory_space<vmem>> -> memref<1x80xi32, #tpu.memory_space<vmem>>
      %dma_wait3A_264 = tpu.memref_squeeze %dma_wait3A_263 : memref<1x80xi32, #tpu.memory_space<vmem>> -> memref<80xi32, #tpu.memory_space<vmem>>
      %dma_wait3A_265 = arith.constant 0 : i32
      %dma_wait3A_266 = arith.constant 0 : i32
      %dma_wait3A_267 = tpu.memref_slice %arg2[%dma_wait3A_265, %dma_wait3A_266] : memref<20000x64xf32, #tpu.memory_space<hbm>> -> memref<20000x64xf32, #tpu.memory_space<hbm>>
      tpu.wait_indirect_dma semaphore(%arg15 : memref<!tpu.dma_semaphore, #tpu.memory_space<semaphore_mem>>) src(%dma_wait3A_267 : memref<20000x64xf32, #tpu.memory_space<hbm>>) dst(%arg10 : memref<80x64xf32, #tpu.memory_space<vmem>>)
      %add3A_268 = arith.constant 0 : i32
      %add3A_269 = arith.addi %add3A_260, %add3A_268 : i32
      %dma_start3A_270 = arith.constant 0 : i32
      %dma_start3A_271 = tpu.memref_slice %arg9[%add3A_269, %dma_start3A_270] : memref<250x80xi32, #tpu.memory_space<vmem>> -> memref<1x80xi32, #tpu.memory_space<vmem>>
      %dma_start3A_272 = tpu.memref_squeeze %dma_start3A_271 : memref<1x80xi32, #tpu.memory_space<vmem>> -> memref<80xi32, #tpu.memory_space<vmem>>
      %dma_start3A_273 = arith.constant 0 : i32
      %dma_start3A_274 = arith.constant 0 : i32
      %dma_start3A_275 = tpu.memref_slice %arg14[%dma_start3A_273, %dma_start3A_274] : memref<10240x64xf32, #tpu.memory_space<vmem_shared>> -> memref<10240x64xf32, #tpu.memory_space<vmem_shared>>
      tpu.enqueue_indirect_dma source(%arg10 : memref<80x64xf32, #tpu.memory_space<vmem>>) target(%dma_start3A_275 : memref<10240x64xf32, #tpu.memory_space<vmem_shared>>) offsets(%dma_start3A_272 : memref<80xi32, #tpu.memory_space<vmem>>) semaphore(%arg19 : memref<!tpu.dma_semaphore, #tpu.memory_space<semaphore_mem>>) {add = true}
      "tpu.region"() ({
        %run_scoped3A_389 = tpu.sem_alloc : memref<!tpu.dma_semaphore, #tpu.memory_space<semaphore_mem>>
        %dma_start3A_390 = arith.constant 0 : i32
        %dma_start3A_391 = tpu.memref_slice %arg9[%add3A_269, %dma_start3A_390] : memref<250x80xi32, #tpu.memory_space<vmem>> -> memref<1x80xi32, #tpu.memory_space<vmem>>
        %dma_start3A_392 = tpu.memref_squeeze %dma_start3A_391 : memref<1x80xi32, #tpu.memory_space<vmem>> -> memref<80xi32, #tpu.memory_space<vmem>>
        %dma_start3A_393 = arith.constant 0 : i32
        %dma_start3A_394 = arith.constant 0 : i32
        %dma_start3A_395 = tpu.memref_slice %arg25[%dma_start3A_393, %dma_start3A_394] : memref<10240x16xf32, #tpu.memory_space<vmem_shared>> -> memref<10240x16xf32, #tpu.memory_space<vmem_shared>>
        tpu.enqueue_indirect_dma source(%arg23 : memref<80x16xf32, #tpu.memory_space<vmem>>) target(%dma_start3A_395 : memref<10240x16xf32, #tpu.memory_space<vmem_shared>>) offsets(%dma_start3A_392 : memref<80xi32, #tpu.memory_space<vmem>>) semaphore(%run_scoped3A_389 : memref<!tpu.dma_semaphore, #tpu.memory_space<semaphore_mem>>) {add = true}
        %dma_wait3A_396 = arith.constant 0 : i32
        %dma_wait3A_397 = tpu.memref_slice %arg9[%add3A_269, %dma_wait3A_396] : memref<250x80xi32, #tpu.memory_space<vmem>> -> memref<1x80xi32, #tpu.memory_space<vmem>>
        %dma_wait3A_398 = tpu.memref_squeeze %dma_wait3A_397 : memref<1x80xi32, #tpu.memory_space<vmem>> -> memref<80xi32, #tpu.memory_space<vmem>>
        %dma_wait3A_399 = arith.constant 0 : i32
        %dma_wait3A_400 = arith.constant 0 : i32
        %dma_wait3A_401 = tpu.memref_slice %arg25[%dma_wait3A_399, %dma_wait3A_400] : memref<10240x16xf32, #tpu.memory_space<vmem_shared>> -> memref<10240x16xf32, #tpu.memory_space<vmem_shared>>
        tpu.wait_indirect_dma semaphore(%run_scoped3A_389 : memref<!tpu.dma_semaphore, #tpu.memory_space<semaphore_mem>>) src(%arg23 : memref<80x16xf32, #tpu.memory_space<vmem>>) dst(%dma_wait3A_401 : memref<10240x16xf32, #tpu.memory_space<vmem_shared>>)
        tpu.yield
      }) : () -> ()
      %dma_wait3A_276 = arith.constant 0 : i32
      %dma_wait3A_277 = arith.constant 0 : i32
      %dma_wait3A_278 = tpu.memref_slice %arg9[%dma_wait3A_276, %dma_wait3A_277] : memref<250x80xi32, #tpu.memory_space<vmem>> -> memref<1x80xi32, #tpu.memory_space<vmem>>
      %dma_wait3A_279 = tpu.memref_squeeze %dma_wait3A_278 : memref<1x80xi32, #tpu.memory_space<vmem>> -> memref<80xi32, #tpu.memory_space<vmem>>
      %dma_wait3A_280 = arith.constant 0 : i32
      %dma_wait3A_281 = arith.constant 0 : i32
      %dma_wait3A_282 = tpu.memref_slice %arg14[%dma_wait3A_280, %dma_wait3A_281] : memref<10240x64xf32, #tpu.memory_space<vmem_shared>> -> memref<10240x64xf32, #tpu.memory_space<vmem_shared>>
      tpu.wait_indirect_dma semaphore(%arg21 : memref<!tpu.dma_semaphore, #tpu.memory_space<semaphore_mem>>) src(%arg12 : memref<80x64xf32, #tpu.memory_space<vmem>>) dst(%dma_wait3A_282 : memref<10240x64xf32, #tpu.memory_space<vmem_shared>>)
      %add3A_283 = arith.constant 0 : i32
      %add3A_284 = arith.addi %add3A_260, %add3A_283 : i32
      %add3A_285 = arith.constant 2 : i32
      %add3A_286 = arith.addi %add3A_284, %add3A_285 : i32
      %dma_start3A_287 = arith.constant 0 : i32
      %dma_start3A_288 = tpu.memref_slice %arg8[%add3A_286, %dma_start3A_287] : memref<250x80xi32, #tpu.memory_space<vmem>> -> memref<1x80xi32, #tpu.memory_space<vmem>>
      %dma_start3A_289 = tpu.memref_squeeze %dma_start3A_288 : memref<1x80xi32, #tpu.memory_space<vmem>> -> memref<80xi32, #tpu.memory_space<vmem>>
      %dma_start3A_290 = arith.constant 0 : i32
      %dma_start3A_291 = arith.constant 0 : i32
      %dma_start3A_292 = tpu.memref_slice %arg2[%dma_start3A_290, %dma_start3A_291] : memref<20000x64xf32, #tpu.memory_space<hbm>> -> memref<20000x64xf32, #tpu.memory_space<hbm>>
      tpu.enqueue_indirect_dma source(%dma_start3A_292 : memref<20000x64xf32, #tpu.memory_space<hbm>>) target(%arg12 : memref<80x64xf32, #tpu.memory_space<vmem>>) offsets(%dma_start3A_289 : memref<80xi32, #tpu.memory_space<vmem>>) semaphore(%arg17 : memref<!tpu.dma_semaphore, #tpu.memory_space<semaphore_mem>>)
      %dma_wait3A_293 = arith.constant 0 : i32
      %dma_wait3A_294 = arith.constant 0 : i32
      %dma_wait3A_295 = tpu.memref_slice %arg8[%dma_wait3A_293, %dma_wait3A_294] : memref<250x80xi32, #tpu.memory_space<vmem>> -> memref<1x80xi32, #tpu.memory_space<vmem>>
      %dma_wait3A_296 = tpu.memref_squeeze %dma_wait3A_295 : memref<1x80xi32, #tpu.memory_space<vmem>> -> memref<80xi32, #tpu.memory_space<vmem>>
      %dma_wait3A_297 = arith.constant 0 : i32
      %dma_wait3A_298 = arith.constant 0 : i32
      %dma_wait3A_299 = tpu.memref_slice %arg2[%dma_wait3A_297, %dma_wait3A_298] : memref<20000x64xf32, #tpu.memory_space<hbm>> -> memref<20000x64xf32, #tpu.memory_space<hbm>>
      tpu.wait_indirect_dma semaphore(%arg16 : memref<!tpu.dma_semaphore, #tpu.memory_space<semaphore_mem>>) src(%dma_wait3A_299 : memref<20000x64xf32, #tpu.memory_space<hbm>>) dst(%arg11 : memref<80x64xf32, #tpu.memory_space<vmem>>)
      %add3A_300 = arith.constant 1 : i32
      %add3A_301 = arith.addi %add3A_260, %add3A_300 : i32
      %dma_start3A_302 = arith.constant 0 : i32
      %dma_start3A_303 = tpu.memref_slice %arg9[%add3A_301, %dma_start3A_302] : memref<250x80xi32, #tpu.memory_space<vmem>> -> memref<1x80xi32, #tpu.memory_space<vmem>>
      %dma_start3A_304 = tpu.memref_squeeze %dma_start3A_303 : memref<1x80xi32, #tpu.memory_space<vmem>> -> memref<80xi32, #tpu.memory_space<vmem>>
      %dma_start3A_305 = arith.constant 0 : i32
      %dma_start3A_306 = arith.constant 0 : i32
      %dma_start3A_307 = tpu.memref_slice %arg14[%dma_start3A_305, %dma_start3A_306] : memref<10240x64xf32, #tpu.memory_space<vmem_shared>> -> memref<10240x64xf32, #tpu.memory_space<vmem_shared>>
      tpu.enqueue_indirect_dma source(%arg11 : memref<80x64xf32, #tpu.memory_space<vmem>>) target(%dma_start3A_307 : memref<10240x64xf32, #tpu.memory_space<vmem_shared>>) offsets(%dma_start3A_304 : memref<80xi32, #tpu.memory_space<vmem>>) semaphore(%arg20 : memref<!tpu.dma_semaphore, #tpu.memory_space<semaphore_mem>>) {add = true}
      "tpu.region"() ({
        %run_scoped3A_389 = tpu.sem_alloc : memref<!tpu.dma_semaphore, #tpu.memory_space<semaphore_mem>>
        %dma_start3A_390 = arith.constant 0 : i32
        %dma_start3A_391 = tpu.memref_slice %arg9[%add3A_301, %dma_start3A_390] : memref<250x80xi32, #tpu.memory_space<vmem>> -> memref<1x80xi32, #tpu.memory_space<vmem>>
        %dma_start3A_392 = tpu.memref_squeeze %dma_start3A_391 : memref<1x80xi32, #tpu.memory_space<vmem>> -> memref<80xi32, #tpu.memory_space<vmem>>
        %dma_start3A_393 = arith.constant 0 : i32
        %dma_start3A_394 = arith.constant 0 : i32
        %dma_start3A_395 = tpu.memref_slice %arg25[%dma_start3A_393, %dma_start3A_394] : memref<10240x16xf32, #tpu.memory_space<vmem_shared>> -> memref<10240x16xf32, #tpu.memory_space<vmem_shared>>
        tpu.enqueue_indirect_dma source(%arg23 : memref<80x16xf32, #tpu.memory_space<vmem>>) target(%dma_start3A_395 : memref<10240x16xf32, #tpu.memory_space<vmem_shared>>) offsets(%dma_start3A_392 : memref<80xi32, #tpu.memory_space<vmem>>) semaphore(%run_scoped3A_389 : memref<!tpu.dma_semaphore, #tpu.memory_space<semaphore_mem>>) {add = true}
        %dma_wait3A_396 = arith.constant 0 : i32
        %dma_wait3A_397 = tpu.memref_slice %arg9[%add3A_301, %dma_wait3A_396] : memref<250x80xi32, #tpu.memory_space<vmem>> -> memref<1x80xi32, #tpu.memory_space<vmem>>
        %dma_wait3A_398 = tpu.memref_squeeze %dma_wait3A_397 : memref<1x80xi32, #tpu.memory_space<vmem>> -> memref<80xi32, #tpu.memory_space<vmem>>
        %dma_wait3A_399 = arith.constant 0 : i32
        %dma_wait3A_400 = arith.constant 0 : i32
        %dma_wait3A_401 = tpu.memref_slice %arg25[%dma_wait3A_399, %dma_wait3A_400] : memref<10240x16xf32, #tpu.memory_space<vmem_shared>> -> memref<10240x16xf32, #tpu.memory_space<vmem_shared>>
        tpu.wait_indirect_dma semaphore(%run_scoped3A_389 : memref<!tpu.dma_semaphore, #tpu.memory_space<semaphore_mem>>) src(%arg23 : memref<80x16xf32, #tpu.memory_space<vmem>>) dst(%dma_wait3A_401 : memref<10240x16xf32, #tpu.memory_space<vmem_shared>>)
        tpu.yield
      }) : () -> ()
      %dma_wait3A_308 = arith.constant 0 : i32
      %dma_wait3A_309 = arith.constant 0 : i32
      %dma_wait3A_310 = tpu.memref_slice %arg9[%dma_wait3A_308, %dma_wait3A_309] : memref<250x80xi32, #tpu.memory_space<vmem>> -> memref<1x80xi32, #tpu.memory_space<vmem>>
      %dma_wait3A_311 = tpu.memref_squeeze %dma_wait3A_310 : memref<1x80xi32, #tpu.memory_space<vmem>> -> memref<80xi32, #tpu.memory_space<vmem>>
      %dma_wait3A_312 = arith.constant 0 : i32
      %dma_wait3A_313 = arith.constant 0 : i32
      %dma_wait3A_314 = tpu.memref_slice %arg14[%dma_wait3A_312, %dma_wait3A_313] : memref<10240x64xf32, #tpu.memory_space<vmem_shared>> -> memref<10240x64xf32, #tpu.memory_space<vmem_shared>>
      tpu.wait_indirect_dma semaphore(%arg22 : memref<!tpu.dma_semaphore, #tpu.memory_space<semaphore_mem>>) src(%arg13 : memref<80x64xf32, #tpu.memory_space<vmem>>) dst(%dma_wait3A_314 : memref<10240x64xf32, #tpu.memory_space<vmem_shared>>)
      %add3A_315 = arith.constant 1 : i32
      %add3A_316 = arith.addi %add3A_260, %add3A_315 : i32
      %add3A_317 = arith.constant 2 : i32
      %add3A_318 = arith.addi %add3A_316, %add3A_317 : i32
      %dma_start3A_319 = arith.constant 0 : i32
      %dma_start3A_320 = tpu.memref_slice %arg8[%add3A_318, %dma_start3A_319] : memref<250x80xi32, #tpu.memory_space<vmem>> -> memref<1x80xi32, #tpu.memory_space<vmem>>
      %dma_start3A_321 = tpu.memref_squeeze %dma_start3A_320 : memref<1x80xi32, #tpu.memory_space<vmem>> -> memref<80xi32, #tpu.memory_space<vmem>>
      %dma_start3A_322 = arith.constant 0 : i32
      %dma_start3A_323 = arith.constant 0 : i32
      %dma_start3A_324 = tpu.memref_slice %arg2[%dma_start3A_322, %dma_start3A_323] : memref<20000x64xf32, #tpu.memory_space<hbm>> -> memref<20000x64xf32, #tpu.memory_space<hbm>>
      tpu.enqueue_indirect_dma source(%dma_start3A_324 : memref<20000x64xf32, #tpu.memory_space<hbm>>) target(%arg13 : memref<80x64xf32, #tpu.memory_space<vmem>>) offsets(%dma_start3A_321 : memref<80xi32, #tpu.memory_space<vmem>>) semaphore(%arg18 : memref<!tpu.dma_semaphore, #tpu.memory_space<semaphore_mem>>)
      %dma_wait3A_325 = arith.constant 0 : i32
      %dma_wait3A_326 = arith.constant 0 : i32
      %dma_wait3A_327 = tpu.memref_slice %arg8[%dma_wait3A_325, %dma_wait3A_326] : memref<250x80xi32, #tpu.memory_space<vmem>> -> memref<1x80xi32, #tpu.memory_space<vmem>>
      %dma_wait3A_328 = tpu.memref_squeeze %dma_wait3A_327 : memref<1x80xi32, #tpu.memory_space<vmem>> -> memref<80xi32, #tpu.memory_space<vmem>>
      %dma_wait3A_329 = arith.constant 0 : i32
      %dma_wait3A_330 = arith.constant 0 : i32
      %dma_wait3A_331 = tpu.memref_slice %arg2[%dma_wait3A_329, %dma_wait3A_330] : memref<20000x64xf32, #tpu.memory_space<hbm>> -> memref<20000x64xf32, #tpu.memory_space<hbm>>
      tpu.wait_indirect_dma semaphore(%arg17 : memref<!tpu.dma_semaphore, #tpu.memory_space<semaphore_mem>>) src(%dma_wait3A_331 : memref<20000x64xf32, #tpu.memory_space<hbm>>) dst(%arg12 : memref<80x64xf32, #tpu.memory_space<vmem>>)
      %add3A_332 = arith.constant 2 : i32
      %add3A_333 = arith.addi %add3A_260, %add3A_332 : i32
      %dma_start3A_334 = arith.constant 0 : i32
      %dma_start3A_335 = tpu.memref_slice %arg9[%add3A_333, %dma_start3A_334] : memref<250x80xi32, #tpu.memory_space<vmem>> -> memref<1x80xi32, #tpu.memory_space<vmem>>
      %dma_start3A_336 = tpu.memref_squeeze %dma_start3A_335 : memref<1x80xi32, #tpu.memory_space<vmem>> -> memref<80xi32, #tpu.memory_space<vmem>>
      %dma_start3A_337 = arith.constant 0 : i32
      %dma_start3A_338 = arith.constant 0 : i32
      %dma_start3A_339 = tpu.memref_slice %arg14[%dma_start3A_337, %dma_start3A_338] : memref<10240x64xf32, #tpu.memory_space<vmem_shared>> -> memref<10240x64xf32, #tpu.memory_space<vmem_shared>>
      tpu.enqueue_indirect_dma source(%arg12 : memref<80x64xf32, #tpu.memory_space<vmem>>) target(%dma_start3A_339 : memref<10240x64xf32, #tpu.memory_space<vmem_shared>>) offsets(%dma_start3A_336 : memref<80xi32, #tpu.memory_space<vmem>>) semaphore(%arg21 : memref<!tpu.dma_semaphore, #tpu.memory_space<semaphore_mem>>) {add = true}
      "tpu.region"() ({
        %run_scoped3A_389 = tpu.sem_alloc : memref<!tpu.dma_semaphore, #tpu.memory_space<semaphore_mem>>
        %dma_start3A_390 = arith.constant 0 : i32
        %dma_start3A_391 = tpu.memref_slice %arg9[%add3A_333, %dma_start3A_390] : memref<250x80xi32, #tpu.memory_space<vmem>> -> memref<1x80xi32, #tpu.memory_space<vmem>>
        %dma_start3A_392 = tpu.memref_squeeze %dma_start3A_391 : memref<1x80xi32, #tpu.memory_space<vmem>> -> memref<80xi32, #tpu.memory_space<vmem>>
        %dma_start3A_393 = arith.constant 0 : i32
        %dma_start3A_394 = arith.constant 0 : i32
        %dma_start3A_395 = tpu.memref_slice %arg25[%dma_start3A_393, %dma_start3A_394] : memref<10240x16xf32, #tpu.memory_space<vmem_shared>> -> memref<10240x16xf32, #tpu.memory_space<vmem_shared>>
        tpu.enqueue_indirect_dma source(%arg23 : memref<80x16xf32, #tpu.memory_space<vmem>>) target(%dma_start3A_395 : memref<10240x16xf32, #tpu.memory_space<vmem_shared>>) offsets(%dma_start3A_392 : memref<80xi32, #tpu.memory_space<vmem>>) semaphore(%run_scoped3A_389 : memref<!tpu.dma_semaphore, #tpu.memory_space<semaphore_mem>>) {add = true}
        %dma_wait3A_396 = arith.constant 0 : i32
        %dma_wait3A_397 = tpu.memref_slice %arg9[%add3A_333, %dma_wait3A_396] : memref<250x80xi32, #tpu.memory_space<vmem>> -> memref<1x80xi32, #tpu.memory_space<vmem>>
        %dma_wait3A_398 = tpu.memref_squeeze %dma_wait3A_397 : memref<1x80xi32, #tpu.memory_space<vmem>> -> memref<80xi32, #tpu.memory_space<vmem>>
        %dma_wait3A_399 = arith.constant 0 : i32
        %dma_wait3A_400 = arith.constant 0 : i32
        %dma_wait3A_401 = tpu.memref_slice %arg25[%dma_wait3A_399, %dma_wait3A_400] : memref<10240x16xf32, #tpu.memory_space<vmem_shared>> -> memref<10240x16xf32, #tpu.memory_space<vmem_shared>>
        tpu.wait_indirect_dma semaphore(%run_scoped3A_389 : memref<!tpu.dma_semaphore, #tpu.memory_space<semaphore_mem>>) src(%arg23 : memref<80x16xf32, #tpu.memory_space<vmem>>) dst(%dma_wait3A_401 : memref<10240x16xf32, #tpu.memory_space<vmem_shared>>)
        tpu.yield
      }) : () -> ()
      %dma_wait3A_340 = arith.constant 0 : i32
      %dma_wait3A_341 = arith.constant 0 : i32
      %dma_wait3A_342 = tpu.memref_slice %arg9[%dma_wait3A_340, %dma_wait3A_341] : memref<250x80xi32, #tpu.memory_space<vmem>> -> memref<1x80xi32, #tpu.memory_space<vmem>>
      %dma_wait3A_343 = tpu.memref_squeeze %dma_wait3A_342 : memref<1x80xi32, #tpu.memory_space<vmem>> -> memref<80xi32, #tpu.memory_space<vmem>>
      %dma_wait3A_344 = arith.constant 0 : i32
      %dma_wait3A_345 = arith.constant 0 : i32
      %dma_wait3A_346 = tpu.memref_slice %arg14[%dma_wait3A_344, %dma_wait3A_345] : memref<10240x64xf32, #tpu.memory_space<vmem_shared>> -> memref<10240x64xf32, #tpu.memory_space<vmem_shared>>
      tpu.wait_indirect_dma semaphore(%arg19 : memref<!tpu.dma_semaphore, #tpu.memory_space<semaphore_mem>>) src(%arg10 : memref<80x64xf32, #tpu.memory_space<vmem>>) dst(%dma_wait3A_346 : memref<10240x64xf32, #tpu.memory_space<vmem_shared>>)
      %add3A_347 = arith.constant 2 : i32
      %add3A_348 = arith.addi %add3A_260, %add3A_347 : i32
      %add3A_349 = arith.constant 2 : i32
      %add3A_350 = arith.addi %add3A_348, %add3A_349 : i32
      %dma_start3A_351 = arith.constant 0 : i32
      %dma_start3A_352 = tpu.memref_slice %arg8[%add3A_350, %dma_start3A_351] : memref<250x80xi32, #tpu.memory_space<vmem>> -> memref<1x80xi32, #tpu.memory_space<vmem>>
      %dma_start3A_353 = tpu.memref_squeeze %dma_start3A_352 : memref<1x80xi32, #tpu.memory_space<vmem>> -> memref<80xi32, #tpu.memory_space<vmem>>
      %dma_start3A_354 = arith.constant 0 : i32
      %dma_start3A_355 = arith.constant 0 : i32
      %dma_start3A_356 = tpu.memref_slice %arg2[%dma_start3A_354, %dma_start3A_355] : memref<20000x64xf32, #tpu.memory_space<hbm>> -> memref<20000x64xf32, #tpu.memory_space<hbm>>
      tpu.enqueue_indirect_dma source(%dma_start3A_356 : memref<20000x64xf32, #tpu.memory_space<hbm>>) target(%arg10 : memref<80x64xf32, #tpu.memory_space<vmem>>) offsets(%dma_start3A_353 : memref<80xi32, #tpu.memory_space<vmem>>) semaphore(%arg15 : memref<!tpu.dma_semaphore, #tpu.memory_space<semaphore_mem>>)
      %dma_wait3A_357 = arith.constant 0 : i32
      %dma_wait3A_358 = arith.constant 0 : i32
      %dma_wait3A_359 = tpu.memref_slice %arg8[%dma_wait3A_357, %dma_wait3A_358] : memref<250x80xi32, #tpu.memory_space<vmem>> -> memref<1x80xi32, #tpu.memory_space<vmem>>
      %dma_wait3A_360 = tpu.memref_squeeze %dma_wait3A_359 : memref<1x80xi32, #tpu.memory_space<vmem>> -> memref<80xi32, #tpu.memory_space<vmem>>
      %dma_wait3A_361 = arith.constant 0 : i32
      %dma_wait3A_362 = arith.constant 0 : i32
      %dma_wait3A_363 = tpu.memref_slice %arg2[%dma_wait3A_361, %dma_wait3A_362] : memref<20000x64xf32, #tpu.memory_space<hbm>> -> memref<20000x64xf32, #tpu.memory_space<hbm>>
      tpu.wait_indirect_dma semaphore(%arg18 : memref<!tpu.dma_semaphore, #tpu.memory_space<semaphore_mem>>) src(%dma_wait3A_363 : memref<20000x64xf32, #tpu.memory_space<hbm>>) dst(%arg13 : memref<80x64xf32, #tpu.memory_space<vmem>>)
      %add3A_364 = arith.constant 3 : i32
      %add3A_365 = arith.addi %add3A_260, %add3A_364 : i32
      %dma_start3A_366 = arith.constant 0 : i32
      %dma_start3A_367 = tpu.memref_slice %arg9[%add3A_365, %dma_start3A_366] : memref<250x80xi32, #tpu.memory_space<vmem>> -> memref<1x80xi32, #tpu.memory_space<vmem>>
      %dma_start3A_368 = tpu.memref_squeeze %dma_start3A_367 : memref<1x80xi32, #tpu.memory_space<vmem>> -> memref<80xi32, #tpu.memory_space<vmem>>
      %dma_start3A_369 = arith.constant 0 : i32
      %dma_start3A_370 = arith.constant 0 : i32
      %dma_start3A_371 = tpu.memref_slice %arg14[%dma_start3A_369, %dma_start3A_370] : memref<10240x64xf32, #tpu.memory_space<vmem_shared>> -> memref<10240x64xf32, #tpu.memory_space<vmem_shared>>
      tpu.enqueue_indirect_dma source(%arg13 : memref<80x64xf32, #tpu.memory_space<vmem>>) target(%dma_start3A_371 : memref<10240x64xf32, #tpu.memory_space<vmem_shared>>) offsets(%dma_start3A_368 : memref<80xi32, #tpu.memory_space<vmem>>) semaphore(%arg22 : memref<!tpu.dma_semaphore, #tpu.memory_space<semaphore_mem>>) {add = true}
      "tpu.region"() ({
        %run_scoped3A_389 = tpu.sem_alloc : memref<!tpu.dma_semaphore, #tpu.memory_space<semaphore_mem>>
        %dma_start3A_390 = arith.constant 0 : i32
        %dma_start3A_391 = tpu.memref_slice %arg9[%add3A_365, %dma_start3A_390] : memref<250x80xi32, #tpu.memory_space<vmem>> -> memref<1x80xi32, #tpu.memory_space<vmem>>
        %dma_start3A_392 = tpu.memref_squeeze %dma_start3A_391 : memref<1x80xi32, #tpu.memory_space<vmem>> -> memref<80xi32, #tpu.memory_space<vmem>>
        %dma_start3A_393 = arith.constant 0 : i32
        %dma_start3A_394 = arith.constant 0 : i32
        %dma_start3A_395 = tpu.memref_slice %arg25[%dma_start3A_393, %dma_start3A_394] : memref<10240x16xf32, #tpu.memory_space<vmem_shared>> -> memref<10240x16xf32, #tpu.memory_space<vmem_shared>>
        tpu.enqueue_indirect_dma source(%arg23 : memref<80x16xf32, #tpu.memory_space<vmem>>) target(%dma_start3A_395 : memref<10240x16xf32, #tpu.memory_space<vmem_shared>>) offsets(%dma_start3A_392 : memref<80xi32, #tpu.memory_space<vmem>>) semaphore(%run_scoped3A_389 : memref<!tpu.dma_semaphore, #tpu.memory_space<semaphore_mem>>) {add = true}
        %dma_wait3A_396 = arith.constant 0 : i32
        %dma_wait3A_397 = tpu.memref_slice %arg9[%add3A_365, %dma_wait3A_396] : memref<250x80xi32, #tpu.memory_space<vmem>> -> memref<1x80xi32, #tpu.memory_space<vmem>>
        %dma_wait3A_398 = tpu.memref_squeeze %dma_wait3A_397 : memref<1x80xi32, #tpu.memory_space<vmem>> -> memref<80xi32, #tpu.memory_space<vmem>>
        %dma_wait3A_399 = arith.constant 0 : i32
        %dma_wait3A_400 = arith.constant 0 : i32
        %dma_wait3A_401 = tpu.memref_slice %arg25[%dma_wait3A_399, %dma_wait3A_400] : memref<10240x16xf32, #tpu.memory_space<vmem_shared>> -> memref<10240x16xf32, #tpu.memory_space<vmem_shared>>
        tpu.wait_indirect_dma semaphore(%run_scoped3A_389 : memref<!tpu.dma_semaphore, #tpu.memory_space<semaphore_mem>>) src(%arg23 : memref<80x16xf32, #tpu.memory_space<vmem>>) dst(%dma_wait3A_401 : memref<10240x16xf32, #tpu.memory_space<vmem_shared>>)
        tpu.yield
      }) : () -> ()
      %dma_wait3A_372 = arith.constant 0 : i32
      %dma_wait3A_373 = arith.constant 0 : i32
      %dma_wait3A_374 = tpu.memref_slice %arg9[%dma_wait3A_372, %dma_wait3A_373] : memref<250x80xi32, #tpu.memory_space<vmem>> -> memref<1x80xi32, #tpu.memory_space<vmem>>
      %dma_wait3A_375 = tpu.memref_squeeze %dma_wait3A_374 : memref<1x80xi32, #tpu.memory_space<vmem>> -> memref<80xi32, #tpu.memory_space<vmem>>
      %dma_wait3A_376 = arith.constant 0 : i32
      %dma_wait3A_377 = arith.constant 0 : i32
      %dma_wait3A_378 = tpu.memref_slice %arg14[%dma_wait3A_376, %dma_wait3A_377] : memref<10240x64xf32, #tpu.memory_space<vmem_shared>> -> memref<10240x64xf32, #tpu.memory_space<vmem_shared>>
      tpu.wait_indirect_dma semaphore(%arg20 : memref<!tpu.dma_semaphore, #tpu.memory_space<semaphore_mem>>) src(%arg11 : memref<80x64xf32, #tpu.memory_space<vmem>>) dst(%dma_wait3A_378 : memref<10240x64xf32, #tpu.memory_space<vmem_shared>>)
      %add3A_379 = arith.constant 3 : i32
      %add3A_380 = arith.addi %add3A_260, %add3A_379 : i32
      %add3A_381 = arith.constant 2 : i32
      %add3A_382 = arith.addi %add3A_380, %add3A_381 : i32
      %dma_start3A_383 = arith.constant 0 : i32
      %dma_start3A_384 = tpu.memref_slice %arg8[%add3A_382, %dma_start3A_383] : memref<250x80xi32, #tpu.memory_space<vmem>> -> memref<1x80xi32, #tpu.memory_space<vmem>>
      %dma_start3A_385 = tpu.memref_squeeze %dma_start3A_384 : memref<1x80xi32, #tpu.memory_space<vmem>> -> memref<80xi32, #tpu.memory_space<vmem>>
      %dma_start3A_386 = arith.constant 0 : i32
      %dma_start3A_387 = arith.constant 0 : i32
      %dma_start3A_388 = tpu.memref_slice %arg2[%dma_start3A_386, %dma_start3A_387] : memref<20000x64xf32, #tpu.memory_space<hbm>> -> memref<20000x64xf32, #tpu.memory_space<hbm>>
      tpu.enqueue_indirect_dma source(%dma_start3A_388 : memref<20000x64xf32, #tpu.memory_space<hbm>>) target(%arg11 : memref<80x64xf32, #tpu.memory_space<vmem>>) offsets(%dma_start3A_385 : memref<80xi32, #tpu.memory_space<vmem>>) semaphore(%arg16 : memref<!tpu.dma_semaphore, #tpu.memory_space<semaphore_mem>>)
    }
    %scan3A_196 = arith.constant 61 : i32
    %dma_wait3A_197 = arith.constant 0 : i32
    %dma_wait3A_198 = arith.constant 0 : i32
    %dma_wait3A_199 = tpu.memref_slice %arg8[%dma_wait3A_197, %dma_wait3A_198] : memref<250x80xi32, #tpu.memory_space<vmem>> -> memref<1x80xi32, #tpu.memory_space<vmem>>
    %dma_wait3A_200 = tpu.memref_squeeze %dma_wait3A_199 : memref<1x80xi32, #tpu.memory_space<vmem>> -> memref<80xi32, #tpu.memory_space<vmem>>
    %dma_wait3A_201 = arith.constant 0 : i32
    %dma_wait3A_202 = arith.constant 0 : i32
    %dma_wait3A_203 = tpu.memref_slice %arg2[%dma_wait3A_201, %dma_wait3A_202] : memref<20000x64xf32, #tpu.memory_space<hbm>> -> memref<20000x64xf32, #tpu.memory_space<hbm>>
    tpu.wait_indirect_dma semaphore(%arg15 : memref<!tpu.dma_semaphore, #tpu.memory_space<semaphore_mem>>) src(%dma_wait3A_203 : memref<20000x64xf32, #tpu.memory_space<hbm>>) dst(%arg10 : memref<80x64xf32, #tpu.memory_space<vmem>>)
    %dma_start3A_204 = arith.constant 248 : i32
    %dma_start3A_205 = arith.constant 0 : i32
    %dma_start3A_206 = tpu.memref_slice %arg9[%dma_start3A_204, %dma_start3A_205] : memref<250x80xi32, #tpu.memory_space<vmem>> -> memref<1x80xi32, #tpu.memory_space<vmem>>
    %dma_start3A_207 = tpu.memref_squeeze %dma_start3A_206 : memref<1x80xi32, #tpu.memory_space<vmem>> -> memref<80xi32, #tpu.memory_space<vmem>>
    %dma_start3A_208 = arith.constant 0 : i32
    %dma_start3A_209 = arith.constant 0 : i32
    %dma_start3A_210 = tpu.memref_slice %arg14[%dma_start3A_208, %dma_start3A_209] : memref<10240x64xf32, #tpu.memory_space<vmem_shared>> -> memref<10240x64xf32, #tpu.memory_space<vmem_shared>>
    tpu.enqueue_indirect_dma source(%arg10 : memref<80x64xf32, #tpu.memory_space<vmem>>) target(%dma_start3A_210 : memref<10240x64xf32, #tpu.memory_space<vmem_shared>>) offsets(%dma_start3A_207 : memref<80xi32, #tpu.memory_space<vmem>>) semaphore(%arg19 : memref<!tpu.dma_semaphore, #tpu.memory_space<semaphore_mem>>) {add = true}
    %run_scoped3A_211 = arith.constant 248 : i32
    "tpu.region"() ({
      %run_scoped3A_256 = tpu.sem_alloc : memref<!tpu.dma_semaphore, #tpu.memory_space<semaphore_mem>>
      %dma_start3A_257 = arith.constant 0 : i32
      %dma_start3A_258 = tpu.memref_slice %arg9[%run_scoped3A_211, %dma_start3A_257] : memref<250x80xi32, #tpu.memory_space<vmem>> -> memref<1x80xi32, #tpu.memory_space<vmem>>
      %dma_start3A_259 = tpu.memref_squeeze %dma_start3A_258 : memref<1x80xi32, #tpu.memory_space<vmem>> -> memref<80xi32, #tpu.memory_space<vmem>>
      %dma_start3A_260 = arith.constant 0 : i32
      %dma_start3A_261 = arith.constant 0 : i32
      %dma_start3A_262 = tpu.memref_slice %arg25[%dma_start3A_260, %dma_start3A_261] : memref<10240x16xf32, #tpu.memory_space<vmem_shared>> -> memref<10240x16xf32, #tpu.memory_space<vmem_shared>>
      tpu.enqueue_indirect_dma source(%arg23 : memref<80x16xf32, #tpu.memory_space<vmem>>) target(%dma_start3A_262 : memref<10240x16xf32, #tpu.memory_space<vmem_shared>>) offsets(%dma_start3A_259 : memref<80xi32, #tpu.memory_space<vmem>>) semaphore(%run_scoped3A_256 : memref<!tpu.dma_semaphore, #tpu.memory_space<semaphore_mem>>) {add = true}
      %dma_wait3A_263 = arith.constant 0 : i32
      %dma_wait3A_264 = tpu.memref_slice %arg9[%run_scoped3A_211, %dma_wait3A_263] : memref<250x80xi32, #tpu.memory_space<vmem>> -> memref<1x80xi32, #tpu.memory_space<vmem>>
      %dma_wait3A_265 = tpu.memref_squeeze %dma_wait3A_264 : memref<1x80xi32, #tpu.memory_space<vmem>> -> memref<80xi32, #tpu.memory_space<vmem>>
      %dma_wait3A_266 = arith.constant 0 : i32
      %dma_wait3A_267 = arith.constant 0 : i32
      %dma_wait3A_268 = tpu.memref_slice %arg25[%dma_wait3A_266, %dma_wait3A_267] : memref<10240x16xf32, #tpu.memory_space<vmem_shared>> -> memref<10240x16xf32, #tpu.memory_space<vmem_shared>>
      tpu.wait_indirect_dma semaphore(%run_scoped3A_256 : memref<!tpu.dma_semaphore, #tpu.memory_space<semaphore_mem>>) src(%arg23 : memref<80x16xf32, #tpu.memory_space<vmem>>) dst(%dma_wait3A_268 : memref<10240x16xf32, #tpu.memory_space<vmem_shared>>)
      tpu.yield
    }) : () -> ()
    %dma_wait3A_212 = arith.constant 0 : i32
    %dma_wait3A_213 = arith.constant 0 : i32
    %dma_wait3A_214 = tpu.memref_slice %arg8[%dma_wait3A_212, %dma_wait3A_213] : memref<250x80xi32, #tpu.memory_space<vmem>> -> memref<1x80xi32, #tpu.memory_space<vmem>>
    %dma_wait3A_215 = tpu.memref_squeeze %dma_wait3A_214 : memref<1x80xi32, #tpu.memory_space<vmem>> -> memref<80xi32, #tpu.memory_space<vmem>>
    %dma_wait3A_216 = arith.constant 0 : i32
    %dma_wait3A_217 = arith.constant 0 : i32
    %dma_wait3A_218 = tpu.memref_slice %arg2[%dma_wait3A_216, %dma_wait3A_217] : memref<20000x64xf32, #tpu.memory_space<hbm>> -> memref<20000x64xf32, #tpu.memory_space<hbm>>
    tpu.wait_indirect_dma semaphore(%arg16 : memref<!tpu.dma_semaphore, #tpu.memory_space<semaphore_mem>>) src(%dma_wait3A_218 : memref<20000x64xf32, #tpu.memory_space<hbm>>) dst(%arg11 : memref<80x64xf32, #tpu.memory_space<vmem>>)
    %dma_start3A_219 = arith.constant 249 : i32
    %dma_start3A_220 = arith.constant 0 : i32
    %dma_start3A_221 = tpu.memref_slice %arg9[%dma_start3A_219, %dma_start3A_220] : memref<250x80xi32, #tpu.memory_space<vmem>> -> memref<1x80xi32, #tpu.memory_space<vmem>>
    %dma_start3A_222 = tpu.memref_squeeze %dma_start3A_221 : memref<1x80xi32, #tpu.memory_space<vmem>> -> memref<80xi32, #tpu.memory_space<vmem>>
    %dma_start3A_223 = arith.constant 0 : i32
    %dma_start3A_224 = arith.constant 0 : i32
    %dma_start3A_225 = tpu.memref_slice %arg14[%dma_start3A_223, %dma_start3A_224] : memref<10240x64xf32, #tpu.memory_space<vmem_shared>> -> memref<10240x64xf32, #tpu.memory_space<vmem_shared>>
    tpu.enqueue_indirect_dma source(%arg11 : memref<80x64xf32, #tpu.memory_space<vmem>>) target(%dma_start3A_225 : memref<10240x64xf32, #tpu.memory_space<vmem_shared>>) offsets(%dma_start3A_222 : memref<80xi32, #tpu.memory_space<vmem>>) semaphore(%arg20 : memref<!tpu.dma_semaphore, #tpu.memory_space<semaphore_mem>>) {add = true}
    %run_scoped3A_226 = arith.constant 249 : i32
    "tpu.region"() ({
      %run_scoped3A_256 = tpu.sem_alloc : memref<!tpu.dma_semaphore, #tpu.memory_space<semaphore_mem>>
      %dma_start3A_257 = arith.constant 0 : i32
      %dma_start3A_258 = tpu.memref_slice %arg9[%run_scoped3A_226, %dma_start3A_257] : memref<250x80xi32, #tpu.memory_space<vmem>> -> memref<1x80xi32, #tpu.memory_space<vmem>>
      %dma_start3A_259 = tpu.memref_squeeze %dma_start3A_258 : memref<1x80xi32, #tpu.memory_space<vmem>> -> memref<80xi32, #tpu.memory_space<vmem>>
      %dma_start3A_260 = arith.constant 0 : i32
      %dma_start3A_261 = arith.constant 0 : i32
      %dma_start3A_262 = tpu.memref_slice %arg25[%dma_start3A_260, %dma_start3A_261] : memref<10240x16xf32, #tpu.memory_space<vmem_shared>> -> memref<10240x16xf32, #tpu.memory_space<vmem_shared>>
      tpu.enqueue_indirect_dma source(%arg23 : memref<80x16xf32, #tpu.memory_space<vmem>>) target(%dma_start3A_262 : memref<10240x16xf32, #tpu.memory_space<vmem_shared>>) offsets(%dma_start3A_259 : memref<80xi32, #tpu.memory_space<vmem>>) semaphore(%run_scoped3A_256 : memref<!tpu.dma_semaphore, #tpu.memory_space<semaphore_mem>>) {add = true}
      %dma_wait3A_263 = arith.constant 0 : i32
      %dma_wait3A_264 = tpu.memref_slice %arg9[%run_scoped3A_226, %dma_wait3A_263] : memref<250x80xi32, #tpu.memory_space<vmem>> -> memref<1x80xi32, #tpu.memory_space<vmem>>
      %dma_wait3A_265 = tpu.memref_squeeze %dma_wait3A_264 : memref<1x80xi32, #tpu.memory_space<vmem>> -> memref<80xi32, #tpu.memory_space<vmem>>
      %dma_wait3A_266 = arith.constant 0 : i32
      %dma_wait3A_267 = arith.constant 0 : i32
      %dma_wait3A_268 = tpu.memref_slice %arg25[%dma_wait3A_266, %dma_wait3A_267] : memref<10240x16xf32, #tpu.memory_space<vmem_shared>> -> memref<10240x16xf32, #tpu.memory_space<vmem_shared>>
      tpu.wait_indirect_dma semaphore(%run_scoped3A_256 : memref<!tpu.dma_semaphore, #tpu.memory_space<semaphore_mem>>) src(%arg23 : memref<80x16xf32, #tpu.memory_space<vmem>>) dst(%dma_wait3A_268 : memref<10240x16xf32, #tpu.memory_space<vmem_shared>>)
      tpu.yield
    }) : () -> ()
    %dma_wait3A_227 = arith.constant 0 : i32
    %dma_wait3A_228 = arith.constant 0 : i32
    %dma_wait3A_229 = tpu.memref_slice %arg9[%dma_wait3A_227, %dma_wait3A_228] : memref<250x80xi32, #tpu.memory_space<vmem>> -> memref<1x80xi32, #tpu.memory_space<vmem>>
    %dma_wait3A_230 = tpu.memref_squeeze %dma_wait3A_229 : memref<1x80xi32, #tpu.memory_space<vmem>> -> memref<80xi32, #tpu.memory_space<vmem>>
    %dma_wait3A_231 = arith.constant 0 : i32
    %dma_wait3A_232 = arith.constant 0 : i32
    %dma_wait3A_233 = tpu.memref_slice %arg14[%dma_wait3A_231, %dma_wait3A_232] : memref<10240x64xf32, #tpu.memory_space<vmem_shared>> -> memref<10240x64xf32, #tpu.memory_space<vmem_shared>>
    tpu.wait_indirect_dma semaphore(%arg19 : memref<!tpu.dma_semaphore, #tpu.memory_space<semaphore_mem>>) src(%arg10 : memref<80x64xf32, #tpu.memory_space<vmem>>) dst(%dma_wait3A_233 : memref<10240x64xf32, #tpu.memory_space<vmem_shared>>)
    %dma_wait3A_234 = arith.constant 0 : i32
    %dma_wait3A_235 = arith.constant 0 : i32
    %dma_wait3A_236 = tpu.memref_slice %arg9[%dma_wait3A_234, %dma_wait3A_235] : memref<250x80xi32, #tpu.memory_space<vmem>> -> memref<1x80xi32, #tpu.memory_space<vmem>>
    %dma_wait3A_237 = tpu.memref_squeeze %dma_wait3A_236 : memref<1x80xi32, #tpu.memory_space<vmem>> -> memref<80xi32, #tpu.memory_space<vmem>>
    %dma_wait3A_238 = arith.constant 0 : i32
    %dma_wait3A_239 = arith.constant 0 : i32
    %dma_wait3A_240 = tpu.memref_slice %arg14[%dma_wait3A_238, %dma_wait3A_239] : memref<10240x64xf32, #tpu.memory_space<vmem_shared>> -> memref<10240x64xf32, #tpu.memory_space<vmem_shared>>
    tpu.wait_indirect_dma semaphore(%arg20 : memref<!tpu.dma_semaphore, #tpu.memory_space<semaphore_mem>>) src(%arg11 : memref<80x64xf32, #tpu.memory_space<vmem>>) dst(%dma_wait3A_240 : memref<10240x64xf32, #tpu.memory_space<vmem_shared>>)
    %dma_wait3A_241 = arith.constant 0 : i32
    %dma_wait3A_242 = arith.constant 0 : i32
    %dma_wait3A_243 = tpu.memref_slice %arg9[%dma_wait3A_241, %dma_wait3A_242] : memref<250x80xi32, #tpu.memory_space<vmem>> -> memref<1x80xi32, #tpu.memory_space<vmem>>
    %dma_wait3A_244 = tpu.memref_squeeze %dma_wait3A_243 : memref<1x80xi32, #tpu.memory_space<vmem>> -> memref<80xi32, #tpu.memory_space<vmem>>
    %dma_wait3A_245 = arith.constant 0 : i32
    %dma_wait3A_246 = arith.constant 0 : i32
    %dma_wait3A_247 = tpu.memref_slice %arg14[%dma_wait3A_245, %dma_wait3A_246] : memref<10240x64xf32, #tpu.memory_space<vmem_shared>> -> memref<10240x64xf32, #tpu.memory_space<vmem_shared>>
    tpu.wait_indirect_dma semaphore(%arg21 : memref<!tpu.dma_semaphore, #tpu.memory_space<semaphore_mem>>) src(%arg12 : memref<80x64xf32, #tpu.memory_space<vmem>>) dst(%dma_wait3A_247 : memref<10240x64xf32, #tpu.memory_space<vmem_shared>>)
    %dma_wait3A_248 = arith.constant 0 : i32
    %dma_wait3A_249 = arith.constant 0 : i32
    %dma_wait3A_250 = tpu.memref_slice %arg9[%dma_wait3A_248, %dma_wait3A_249] : memref<250x80xi32, #tpu.memory_space<vmem>> -> memref<1x80xi32, #tpu.memory_space<vmem>>
    %dma_wait3A_251 = tpu.memref_squeeze %dma_wait3A_250 : memref<1x80xi32, #tpu.memory_space<vmem>> -> memref<80xi32, #tpu.memory_space<vmem>>
    %dma_wait3A_252 = arith.constant 0 : i32
    %dma_wait3A_253 = arith.constant 0 : i32
    %dma_wait3A_254 = tpu.memref_slice %arg14[%dma_wait3A_252, %dma_wait3A_253] : memref<10240x64xf32, #tpu.memory_space<vmem_shared>> -> memref<10240x64xf32, #tpu.memory_space<vmem_shared>>
    tpu.wait_indirect_dma semaphore(%arg22 : memref<!tpu.dma_semaphore, #tpu.memory_space<semaphore_mem>>) src(%arg13 : memref<80x64xf32, #tpu.memory_space<vmem>>) dst(%dma_wait3A_254 : memref<10240x64xf32, #tpu.memory_space<vmem_shared>>)
    %barrier3A_255 = arith.constant 0 : index
    tpu.barrier barrier_id(%barrier3A_255)
    "tpu.region"() ({
      %run_scoped3A_256 = tpu.sem_alloc : memref<!tpu.dma_semaphore, #tpu.memory_space<semaphore_mem>>
      %dma_start3A_257 = arith.constant 0 : i32
      %dma_start3A_258 = tpu.memref_slice %arg6[%arg0, %mul3A_0, %dma_start3A_257] : memref<2x10240x64xf32, #tpu.memory_space<hbm>> -> memref<1x640x64xf32, #tpu.memory_space<hbm>>
      %dma_start3A_259 = tpu.memref_squeeze %dma_start3A_258 : memref<1x640x64xf32, #tpu.memory_space<hbm>> -> memref<640x64xf32, #tpu.memory_space<hbm>>
      %dma_start3A_260 = arith.constant 0 : i32
      %dma_start3A_261 = tpu.memref_slice %arg14[%mul3A_0, %dma_start3A_260] : memref<10240x64xf32, #tpu.memory_space<vmem_shared>> -> memref<640x64xf32, #tpu.memory_space<vmem_shared>>
      tpu.enqueue_dma source(%dma_start3A_261 : memref<640x64xf32, #tpu.memory_space<vmem_shared>>) target(%dma_start3A_259 : memref<640x64xf32, #tpu.memory_space<hbm>>) target_semaphore(%run_scoped3A_256 : memref<!tpu.dma_semaphore, #tpu.memory_space<semaphore_mem>>)
      %dma_wait3A_262 = arith.constant 0 : i32
      %dma_wait3A_263 = tpu.memref_slice %arg6[%arg0, %mul3A_0, %dma_wait3A_262] : memref<2x10240x64xf32, #tpu.memory_space<hbm>> -> memref<1x640x64xf32, #tpu.memory_space<hbm>>
      %dma_wait3A_264 = tpu.memref_squeeze %dma_wait3A_263 : memref<1x640x64xf32, #tpu.memory_space<hbm>> -> memref<640x64xf32, #tpu.memory_space<hbm>>
      %dma_wait3A_265 = arith.constant 0 : i32
      %dma_wait3A_266 = tpu.memref_slice %arg14[%mul3A_0, %dma_wait3A_265] : memref<10240x64xf32, #tpu.memory_space<vmem_shared>> -> memref<640x64xf32, #tpu.memory_space<vmem_shared>>
      tpu.wait_dma2 semaphore(%run_scoped3A_256 : memref<!tpu.dma_semaphore, #tpu.memory_space<semaphore_mem>>) src(%dma_wait3A_266 : memref<640x64xf32, #tpu.memory_space<vmem_shared>>) dst(%dma_wait3A_264 : memref<640x64xf32, #tpu.memory_space<hbm>>)
      tpu.yield
    }) : () -> ()
    "tpu.region"() ({
      %run_scoped3A_256 = tpu.sem_alloc : memref<!tpu.dma_semaphore, #tpu.memory_space<semaphore_mem>>
      %dma_start3A_257 = arith.constant 0 : i32
      %dma_start3A_258 = tpu.memref_slice %arg7[%arg0, %mul3A_0, %dma_start3A_257] : memref<2x10240x16xf32, #tpu.memory_space<hbm>> -> memref<1x640x16xf32, #tpu.memory_space<hbm>>
      %dma_start3A_259 = tpu.memref_squeeze %dma_start3A_258 : memref<1x640x16xf32, #tpu.memory_space<hbm>> -> memref<640x16xf32, #tpu.memory_space<hbm>>
      %dma_start3A_260 = arith.constant 0 : i32
      %dma_start3A_261 = tpu.memref_slice %arg25[%mul3A_0, %dma_start3A_260] : memref<10240x16xf32, #tpu.memory_space<vmem_shared>> -> memref<640x16xf32, #tpu.memory_space<vmem_shared>>
      tpu.enqueue_dma source(%dma_start3A_261 : memref<640x16xf32, #tpu.memory_space<vmem_shared>>) target(%dma_start3A_259 : memref<640x16xf32, #tpu.memory_space<hbm>>) target_semaphore(%run_scoped3A_256 : memref<!tpu.dma_semaphore, #tpu.memory_space<semaphore_mem>>)
      %dma_wait3A_262 = arith.constant 0 : i32
      %dma_wait3A_263 = tpu.memref_slice %arg7[%arg0, %mul3A_0, %dma_wait3A_262] : memref<2x10240x16xf32, #tpu.memory_space<hbm>> -> memref<1x640x16xf32, #tpu.memory_space<hbm>>
      %dma_wait3A_264 = tpu.memref_squeeze %dma_wait3A_263 : memref<1x640x16xf32, #tpu.memory_space<hbm>> -> memref<640x16xf32, #tpu.memory_space<hbm>>
      %dma_wait3A_265 = arith.constant 0 : i32
      %dma_wait3A_266 = tpu.memref_slice %arg25[%mul3A_0, %dma_wait3A_265] : memref<10240x16xf32, #tpu.memory_space<vmem_shared>> -> memref<640x16xf32, #tpu.memory_space<vmem_shared>>
      tpu.wait_dma2 semaphore(%run_scoped3A_256 : memref<!tpu.dma_semaphore, #tpu.memory_space<semaphore_mem>>) src(%dma_wait3A_266 : memref<640x16xf32, #tpu.memory_space<vmem_shared>>) dst(%dma_wait3A_264 : memref<640x16xf32, #tpu.memory_space<hbm>>)
      tpu.yield
    }) : () -> ()
    return
  }
}

#map = affine_map<(d0, d1) -> (0, 0)>
#map1 = affine_map<(d0, d1) -> (0, 0, 0)>
module attributes {stable_mosaic.version = 14 : i64} {
  func.func @seg_rowsplit(%arg0: i32, %arg1: i32, %arg2: memref<10000x64xf32, #tpu.memory_space<hbm>>, %arg3: memref<32x125x80xi32, #tpu.memory_space<hbm>>, %arg4: memref<32x125x80xi32, #tpu.memory_space<hbm>>, %arg5: memref<2x10240x64xf32, #tpu.memory_space<hbm>>, %arg6: memref<125x80xi32, #tpu.memory_space<vmem>>, %arg7: memref<125x80xi32, #tpu.memory_space<vmem>>, %arg8: memref<80x64xf32, #tpu.memory_space<vmem>>, %arg9: memref<80x64xf32, #tpu.memory_space<vmem>>, %arg10: memref<80x64xf32, #tpu.memory_space<vmem>>, %arg11: memref<80x64xf32, #tpu.memory_space<vmem>>, %arg12: memref<10240x64xf32, #tpu.memory_space<vmem_shared>>, %arg13: memref<!tpu.dma_semaphore, #tpu.memory_space<semaphore_mem>>, %arg14: memref<!tpu.dma_semaphore, #tpu.memory_space<semaphore_mem>>, %arg15: memref<!tpu.dma_semaphore, #tpu.memory_space<semaphore_mem>>, %arg16: memref<!tpu.dma_semaphore, #tpu.memory_space<semaphore_mem>>, %arg17: memref<!tpu.dma_semaphore, #tpu.memory_space<semaphore_mem>>, %arg18: memref<!tpu.dma_semaphore, #tpu.memory_space<semaphore_mem>>, %arg19: memref<!tpu.dma_semaphore, #tpu.memory_space<semaphore_mem>>, %arg20: memref<!tpu.dma_semaphore, #tpu.memory_space<semaphore_mem>>) attributes {dimension_semantics = [#tpu.dimension_semantics<core_parallel>, #tpu.dimension_semantics<subcore_parallel>], iteration_bounds = array<i64: 2, 16>, scalar_prefetch = 0 : i64, scratch_operands = 15 : i64, tpu.core_type = #tpu.core_type<sc_vector_subcore>, window_params = [{transform_indices = #map}, {transform_indices = #map1}, {transform_indices = #map1}, {transform_indices = #map1}]} {
    %mul3A = arith.constant 16 : i32
    %mul3A_0 = arith.muli %arg0, %mul3A : i32
    %add3A = arith.addi %mul3A_0, %arg1 : i32
    %mul3A_1 = arith.constant 640 : i32
    %mul3A_2 = arith.muli %arg1, %mul3A_1 : i32
    "tpu.region"() ({
      %run_scoped3A = tpu.sem_alloc : memref<!tpu.dma_semaphore, #tpu.memory_space<semaphore_mem>>
      %dma_start3A_298 = arith.constant 0 : i32
      %dma_start3A_299 = arith.constant 0 : i32
      %dma_start3A_300 = tpu.memref_slice %arg3[%add3A, %dma_start3A_298, %dma_start3A_299] : memref<32x125x80xi32, #tpu.memory_space<hbm>> -> memref<1x125x80xi32, #tpu.memory_space<hbm>>
      %dma_start3A_301 = tpu.memref_squeeze %dma_start3A_300 : memref<1x125x80xi32, #tpu.memory_space<hbm>> -> memref<125x80xi32, #tpu.memory_space<hbm>>
      %dma_start3A_302 = arith.constant 0 : i32
      %dma_start3A_303 = arith.constant 0 : i32
      %dma_start3A_304 = tpu.memref_slice %arg3[%add3A, %dma_start3A_302, %dma_start3A_303] : memref<32x125x80xi32, #tpu.memory_space<hbm>> -> memref<1x125x80xi32, #tpu.memory_space<hbm>>
      %dma_start3A_305 = tpu.memref_squeeze %dma_start3A_304 : memref<1x125x80xi32, #tpu.memory_space<hbm>> -> memref<125x80xi32, #tpu.memory_space<hbm>>
      tpu.enqueue_dma source(%dma_start3A_305 : memref<125x80xi32, #tpu.memory_space<hbm>>) target(%arg6 : memref<125x80xi32, #tpu.memory_space<vmem>>) target_semaphore(%run_scoped3A : memref<!tpu.dma_semaphore, #tpu.memory_space<semaphore_mem>>)
      %dma_wait3A_306 = arith.constant 0 : i32
      %dma_wait3A_307 = arith.constant 0 : i32
      %dma_wait3A_308 = tpu.memref_slice %arg3[%add3A, %dma_wait3A_306, %dma_wait3A_307] : memref<32x125x80xi32, #tpu.memory_space<hbm>> -> memref<1x125x80xi32, #tpu.memory_space<hbm>>
      %dma_wait3A_309 = tpu.memref_squeeze %dma_wait3A_308 : memref<1x125x80xi32, #tpu.memory_space<hbm>> -> memref<125x80xi32, #tpu.memory_space<hbm>>
      %dma_wait3A_310 = arith.constant 0 : i32
      %dma_wait3A_311 = arith.constant 0 : i32
      %dma_wait3A_312 = tpu.memref_slice %arg3[%add3A, %dma_wait3A_310, %dma_wait3A_311] : memref<32x125x80xi32, #tpu.memory_space<hbm>> -> memref<1x125x80xi32, #tpu.memory_space<hbm>>
      %dma_wait3A_313 = tpu.memref_squeeze %dma_wait3A_312 : memref<1x125x80xi32, #tpu.memory_space<hbm>> -> memref<125x80xi32, #tpu.memory_space<hbm>>
      tpu.wait_dma2 semaphore(%run_scoped3A : memref<!tpu.dma_semaphore, #tpu.memory_space<semaphore_mem>>) src(%dma_wait3A_313 : memref<125x80xi32, #tpu.memory_space<hbm>>) dst(%arg6 : memref<125x80xi32, #tpu.memory_space<vmem>>)
      tpu.yield
    }) : () -> ()
    "tpu.region"() ({
      %run_scoped3A = tpu.sem_alloc : memref<!tpu.dma_semaphore, #tpu.memory_space<semaphore_mem>>
      %dma_start3A_298 = arith.constant 0 : i32
      %dma_start3A_299 = arith.constant 0 : i32
      %dma_start3A_300 = tpu.memref_slice %arg4[%add3A, %dma_start3A_298, %dma_start3A_299] : memref<32x125x80xi32, #tpu.memory_space<hbm>> -> memref<1x125x80xi32, #tpu.memory_space<hbm>>
      %dma_start3A_301 = tpu.memref_squeeze %dma_start3A_300 : memref<1x125x80xi32, #tpu.memory_space<hbm>> -> memref<125x80xi32, #tpu.memory_space<hbm>>
      %dma_start3A_302 = arith.constant 0 : i32
      %dma_start3A_303 = arith.constant 0 : i32
      %dma_start3A_304 = tpu.memref_slice %arg4[%add3A, %dma_start3A_302, %dma_start3A_303] : memref<32x125x80xi32, #tpu.memory_space<hbm>> -> memref<1x125x80xi32, #tpu.memory_space<hbm>>
      %dma_start3A_305 = tpu.memref_squeeze %dma_start3A_304 : memref<1x125x80xi32, #tpu.memory_space<hbm>> -> memref<125x80xi32, #tpu.memory_space<hbm>>
      tpu.enqueue_dma source(%dma_start3A_305 : memref<125x80xi32, #tpu.memory_space<hbm>>) target(%arg7 : memref<125x80xi32, #tpu.memory_space<vmem>>) target_semaphore(%run_scoped3A : memref<!tpu.dma_semaphore, #tpu.memory_space<semaphore_mem>>)
      %dma_wait3A_306 = arith.constant 0 : i32
      %dma_wait3A_307 = arith.constant 0 : i32
      %dma_wait3A_308 = tpu.memref_slice %arg4[%add3A, %dma_wait3A_306, %dma_wait3A_307] : memref<32x125x80xi32, #tpu.memory_space<hbm>> -> memref<1x125x80xi32, #tpu.memory_space<hbm>>
      %dma_wait3A_309 = tpu.memref_squeeze %dma_wait3A_308 : memref<1x125x80xi32, #tpu.memory_space<hbm>> -> memref<125x80xi32, #tpu.memory_space<hbm>>
      %dma_wait3A_310 = arith.constant 0 : i32
      %dma_wait3A_311 = arith.constant 0 : i32
      %dma_wait3A_312 = tpu.memref_slice %arg4[%add3A, %dma_wait3A_310, %dma_wait3A_311] : memref<32x125x80xi32, #tpu.memory_space<hbm>> -> memref<1x125x80xi32, #tpu.memory_space<hbm>>
      %dma_wait3A_313 = tpu.memref_squeeze %dma_wait3A_312 : memref<1x125x80xi32, #tpu.memory_space<hbm>> -> memref<125x80xi32, #tpu.memory_space<hbm>>
      tpu.wait_dma2 semaphore(%run_scoped3A : memref<!tpu.dma_semaphore, #tpu.memory_space<semaphore_mem>>) src(%dma_wait3A_313 : memref<125x80xi32, #tpu.memory_space<hbm>>) dst(%arg7 : memref<125x80xi32, #tpu.memory_space<vmem>>)
      tpu.yield
    }) : () -> ()
    %broadcast_in_dim3A = arith.constant 0.000000e+00 : f32
    %broadcast_in_dim3A_3 = vector.broadcast %broadcast_in_dim3A : f32 to vector<16xf32>
    %scan3A = arith.constant 0 : i32
    %scan3A_4 = arith.constant 0 : i32
    %scan3A_5 = arith.constant 320 : i32
    %scan3A_6 = arith.addi %scan3A_4, %scan3A_5 : i32
    %scan3A_7 = arith.constant 1 : i32
    scf.for %scan3A_298 = %scan3A_4 to %scan3A_6 step %scan3A_7  : i32 {
      %shift_right_arithmetic3A = arith.constant 2 : i32
      %shift_right_arithmetic3A_299 = arith.shrsi %scan3A_298, %shift_right_arithmetic3A : i32
      %and3A = arith.constant 3 : i32
      %and3A_300 = arith.andi %scan3A_298, %and3A : i32
      %mul3A_301 = arith.constant 16 : i32
      %mul3A_302 = arith.muli %and3A_300, %mul3A_301 : i32
      %swap3A = arith.index_cast %shift_right_arithmetic3A_299 : i32 to index
      %swap3A_303 = arith.index_cast %mul3A_302 : i32 to index
      %swap3A_304 = tpu.vector_load %arg8[%swap3A, %swap3A_303] {strides = array<i32>} : memref<80x64xf32, #tpu.memory_space<vmem>>, vector<1x16xf32>,
      %swap3A_305 = vector.shape_cast %swap3A_304 : vector<1x16xf32> to vector<16xf32>
      %swap3A_306 = vector.shape_cast %broadcast_in_dim3A_3 : vector<16xf32> to vector<1x16xf32>
      tpu.vector_store %arg8[%swap3A, %swap3A_303], %swap3A_306 {strides = array<i32>} : memref<80x64xf32, #tpu.memory_space<vmem>>, vector<1x16xf32>,
    }
    %scan3A_8 = arith.constant 320 : i32
    %mul3A_9 = arith.constant 640 : i32
    %mul3A_10 = arith.muli %arg1, %mul3A_9 : i32
    %add3A_11 = arith.constant 0 : i32
    %add3A_12 = arith.addi %mul3A_10, %add3A_11 : i32
    "tpu.region"() ({
      %run_scoped3A = tpu.sem_alloc : memref<!tpu.dma_semaphore, #tpu.memory_space<semaphore_mem>>
      %dma_start3A_298 = arith.constant 0 : i32
      %dma_start3A_299 = tpu.memref_slice %arg12[%add3A_12, %dma_start3A_298] : memref<10240x64xf32, #tpu.memory_space<vmem_shared>> -> memref<80x64xf32, #tpu.memory_space<vmem_shared>>
      %dma_start3A_300 = arith.constant 0 : i32
      %dma_start3A_301 = tpu.memref_slice %arg12[%add3A_12, %dma_start3A_300] : memref<10240x64xf32, #tpu.memory_space<vmem_shared>> -> memref<80x64xf32, #tpu.memory_space<vmem_shared>>
      tpu.enqueue_dma source(%arg8 : memref<80x64xf32, #tpu.memory_space<vmem>>) target(%dma_start3A_301 : memref<80x64xf32, #tpu.memory_space<vmem_shared>>) target_semaphore(%run_scoped3A : memref<!tpu.dma_semaphore, #tpu.memory_space<semaphore_mem>>)
      %dma_wait3A_302 = arith.constant 0 : i32
      %dma_wait3A_303 = tpu.memref_slice %arg12[%add3A_12, %dma_wait3A_302] : memref<10240x64xf32, #tpu.memory_space<vmem_shared>> -> memref<80x64xf32, #tpu.memory_space<vmem_shared>>
      %dma_wait3A_304 = arith.constant 0 : i32
      %dma_wait3A_305 = tpu.memref_slice %arg12[%add3A_12, %dma_wait3A_304] : memref<10240x64xf32, #tpu.memory_space<vmem_shared>> -> memref<80x64xf32, #tpu.memory_space<vmem_shared>>
      tpu.wait_dma2 semaphore(%run_scoped3A : memref<!tpu.dma_semaphore, #tpu.memory_space<semaphore_mem>>) src(%arg8 : memref<80x64xf32, #tpu.memory_space<vmem>>) dst(%dma_wait3A_305 : memref<80x64xf32, #tpu.memory_space<vmem_shared>>)
      tpu.yield
    }) : () -> ()
    %mul3A_13 = arith.constant 640 : i32
    %mul3A_14 = arith.muli %arg1, %mul3A_13 : i32
    %add3A_15 = arith.constant 80 : i32
    %add3A_16 = arith.addi %mul3A_14, %add3A_15 : i32
    "tpu.region"() ({
      %run_scoped3A = tpu.sem_alloc : memref<!tpu.dma_semaphore, #tpu.memory_space<semaphore_mem>>
      %dma_start3A_298 = arith.constant 0 : i32
      %dma_start3A_299 = tpu.memref_slice %arg12[%add3A_16, %dma_start3A_298] : memref<10240x64xf32, #tpu.memory_space<vmem_shared>> -> memref<80x64xf32, #tpu.memory_space<vmem_shared>>
      %dma_start3A_300 = arith.constant 0 : i32
      %dma_start3A_301 = tpu.memref_slice %arg12[%add3A_16, %dma_start3A_300] : memref<10240x64xf32, #tpu.memory_space<vmem_shared>> -> memref<80x64xf32, #tpu.memory_space<vmem_shared>>
      tpu.enqueue_dma source(%arg8 : memref<80x64xf32, #tpu.memory_space<vmem>>) target(%dma_start3A_301 : memref<80x64xf32, #tpu.memory_space<vmem_shared>>) target_semaphore(%run_scoped3A : memref<!tpu.dma_semaphore, #tpu.memory_space<semaphore_mem>>)
      %dma_wait3A_302 = arith.constant 0 : i32
      %dma_wait3A_303 = tpu.memref_slice %arg12[%add3A_16, %dma_wait3A_302] : memref<10240x64xf32, #tpu.memory_space<vmem_shared>> -> memref<80x64xf32, #tpu.memory_space<vmem_shared>>
      %dma_wait3A_304 = arith.constant 0 : i32
      %dma_wait3A_305 = tpu.memref_slice %arg12[%add3A_16, %dma_wait3A_304] : memref<10240x64xf32, #tpu.memory_space<vmem_shared>> -> memref<80x64xf32, #tpu.memory_space<vmem_shared>>
      tpu.wait_dma2 semaphore(%run_scoped3A : memref<!tpu.dma_semaphore, #tpu.memory_space<semaphore_mem>>) src(%arg8 : memref<80x64xf32, #tpu.memory_space<vmem>>) dst(%dma_wait3A_305 : memref<80x64xf32, #tpu.memory_space<vmem_shared>>)
      tpu.yield
    }) : () -> ()
    %mul3A_17 = arith.constant 640 : i32
    %mul3A_18 = arith.muli %arg1, %mul3A_17 : i32
    %add3A_19 = arith.constant 160 : i32
    %add3A_20 = arith.addi %mul3A_18, %add3A_19 : i32
    "tpu.region"() ({
      %run_scoped3A = tpu.sem_alloc : memref<!tpu.dma_semaphore, #tpu.memory_space<semaphore_mem>>
      %dma_start3A_298 = arith.constant 0 : i32
      %dma_start3A_299 = tpu.memref_slice %arg12[%add3A_20, %dma_start3A_298] : memref<10240x64xf32, #tpu.memory_space<vmem_shared>> -> memref<80x64xf32, #tpu.memory_space<vmem_shared>>
      %dma_start3A_300 = arith.constant 0 : i32
      %dma_start3A_301 = tpu.memref_slice %arg12[%add3A_20, %dma_start3A_300] : memref<10240x64xf32, #tpu.memory_space<vmem_shared>> -> memref<80x64xf32, #tpu.memory_space<vmem_shared>>
      tpu.enqueue_dma source(%arg8 : memref<80x64xf32, #tpu.memory_space<vmem>>) target(%dma_start3A_301 : memref<80x64xf32, #tpu.memory_space<vmem_shared>>) target_semaphore(%run_scoped3A : memref<!tpu.dma_semaphore, #tpu.memory_space<semaphore_mem>>)
      %dma_wait3A_302 = arith.constant 0 : i32
      %dma_wait3A_303 = tpu.memref_slice %arg12[%add3A_20, %dma_wait3A_302] : memref<10240x64xf32, #tpu.memory_space<vmem_shared>> -> memref<80x64xf32, #tpu.memory_space<vmem_shared>>
      %dma_wait3A_304 = arith.constant 0 : i32
      %dma_wait3A_305 = tpu.memref_slice %arg12[%add3A_20, %dma_wait3A_304] : memref<10240x64xf32, #tpu.memory_space<vmem_shared>> -> memref<80x64xf32, #tpu.memory_space<vmem_shared>>
      tpu.wait_dma2 semaphore(%run_scoped3A : memref<!tpu.dma_semaphore, #tpu.memory_space<semaphore_mem>>) src(%arg8 : memref<80x64xf32, #tpu.memory_space<vmem>>) dst(%dma_wait3A_305 : memref<80x64xf32, #tpu.memory_space<vmem_shared>>)
      tpu.yield
    }) : () -> ()
    %mul3A_21 = arith.constant 640 : i32
    %mul3A_22 = arith.muli %arg1, %mul3A_21 : i32
    %add3A_23 = arith.constant 240 : i32
    %add3A_24 = arith.addi %mul3A_22, %add3A_23 : i32
    "tpu.region"() ({
      %run_scoped3A = tpu.sem_alloc : memref<!tpu.dma_semaphore, #tpu.memory_space<semaphore_mem>>
      %dma_start3A_298 = arith.constant 0 : i32
      %dma_start3A_299 = tpu.memref_slice %arg12[%add3A_24, %dma_start3A_298] : memref<10240x64xf32, #tpu.memory_space<vmem_shared>> -> memref<80x64xf32, #tpu.memory_space<vmem_shared>>
      %dma_start3A_300 = arith.constant 0 : i32
      %dma_start3A_301 = tpu.memref_slice %arg12[%add3A_24, %dma_start3A_300] : memref<10240x64xf32, #tpu.memory_space<vmem_shared>> -> memref<80x64xf32, #tpu.memory_space<vmem_shared>>
      tpu.enqueue_dma source(%arg8 : memref<80x64xf32, #tpu.memory_space<vmem>>) target(%dma_start3A_301 : memref<80x64xf32, #tpu.memory_space<vmem_shared>>) target_semaphore(%run_scoped3A : memref<!tpu.dma_semaphore, #tpu.memory_space<semaphore_mem>>)
      %dma_wait3A_302 = arith.constant 0 : i32
      %dma_wait3A_303 = tpu.memref_slice %arg12[%add3A_24, %dma_wait3A_302] : memref<10240x64xf32, #tpu.memory_space<vmem_shared>> -> memref<80x64xf32, #tpu.memory_space<vmem_shared>>
      %dma_wait3A_304 = arith.constant 0 : i32
      %dma_wait3A_305 = tpu.memref_slice %arg12[%add3A_24, %dma_wait3A_304] : memref<10240x64xf32, #tpu.memory_space<vmem_shared>> -> memref<80x64xf32, #tpu.memory_space<vmem_shared>>
      tpu.wait_dma2 semaphore(%run_scoped3A : memref<!tpu.dma_semaphore, #tpu.memory_space<semaphore_mem>>) src(%arg8 : memref<80x64xf32, #tpu.memory_space<vmem>>) dst(%dma_wait3A_305 : memref<80x64xf32, #tpu.memory_space<vmem_shared>>)
      tpu.yield
    }) : () -> ()
    %mul3A_25 = arith.constant 640 : i32
    %mul3A_26 = arith.muli %arg1, %mul3A_25 : i32
    %add3A_27 = arith.constant 320 : i32
    %add3A_28 = arith.addi %mul3A_26, %add3A_27 : i32
    "tpu.region"() ({
      %run_scoped3A = tpu.sem_alloc : memref<!tpu.dma_semaphore, #tpu.memory_space<semaphore_mem>>
      %dma_start3A_298 = arith.constant 0 : i32
      %dma_start3A_299 = tpu.memref_slice %arg12[%add3A_28, %dma_start3A_298] : memref<10240x64xf32, #tpu.memory_space<vmem_shared>> -> memref<80x64xf32, #tpu.memory_space<vmem_shared>>
      %dma_start3A_300 = arith.constant 0 : i32
      %dma_start3A_301 = tpu.memref_slice %arg12[%add3A_28, %dma_start3A_300] : memref<10240x64xf32, #tpu.memory_space<vmem_shared>> -> memref<80x64xf32, #tpu.memory_space<vmem_shared>>
      tpu.enqueue_dma source(%arg8 : memref<80x64xf32, #tpu.memory_space<vmem>>) target(%dma_start3A_301 : memref<80x64xf32, #tpu.memory_space<vmem_shared>>) target_semaphore(%run_scoped3A : memref<!tpu.dma_semaphore, #tpu.memory_space<semaphore_mem>>)
      %dma_wait3A_302 = arith.constant 0 : i32
      %dma_wait3A_303 = tpu.memref_slice %arg12[%add3A_28, %dma_wait3A_302] : memref<10240x64xf32, #tpu.memory_space<vmem_shared>> -> memref<80x64xf32, #tpu.memory_space<vmem_shared>>
      %dma_wait3A_304 = arith.constant 0 : i32
      %dma_wait3A_305 = tpu.memref_slice %arg12[%add3A_28, %dma_wait3A_304] : memref<10240x64xf32, #tpu.memory_space<vmem_shared>> -> memref<80x64xf32, #tpu.memory_space<vmem_shared>>
      tpu.wait_dma2 semaphore(%run_scoped3A : memref<!tpu.dma_semaphore, #tpu.memory_space<semaphore_mem>>) src(%arg8 : memref<80x64xf32, #tpu.memory_space<vmem>>) dst(%dma_wait3A_305 : memref<80x64xf32, #tpu.memory_space<vmem_shared>>)
      tpu.yield
    }) : () -> ()
    %mul3A_29 = arith.constant 640 : i32
    %mul3A_30 = arith.muli %arg1, %mul3A_29 : i32
    %add3A_31 = arith.constant 400 : i32
    %add3A_32 = arith.addi %mul3A_30, %add3A_31 : i32
    "tpu.region"() ({
      %run_scoped3A = tpu.sem_alloc : memref<!tpu.dma_semaphore, #tpu.memory_space<semaphore_mem>>
      %dma_start3A_298 = arith.constant 0 : i32
      %dma_start3A_299 = tpu.memref_slice %arg12[%add3A_32, %dma_start3A_298] : memref<10240x64xf32, #tpu.memory_space<vmem_shared>> -> memref<80x64xf32, #tpu.memory_space<vmem_shared>>
      %dma_start3A_300 = arith.constant 0 : i32
      %dma_start3A_301 = tpu.memref_slice %arg12[%add3A_32, %dma_start3A_300] : memref<10240x64xf32, #tpu.memory_space<vmem_shared>> -> memref<80x64xf32, #tpu.memory_space<vmem_shared>>
      tpu.enqueue_dma source(%arg8 : memref<80x64xf32, #tpu.memory_space<vmem>>) target(%dma_start3A_301 : memref<80x64xf32, #tpu.memory_space<vmem_shared>>) target_semaphore(%run_scoped3A : memref<!tpu.dma_semaphore, #tpu.memory_space<semaphore_mem>>)
      %dma_wait3A_302 = arith.constant 0 : i32
      %dma_wait3A_303 = tpu.memref_slice %arg12[%add3A_32, %dma_wait3A_302] : memref<10240x64xf32, #tpu.memory_space<vmem_shared>> -> memref<80x64xf32, #tpu.memory_space<vmem_shared>>
      %dma_wait3A_304 = arith.constant 0 : i32
      %dma_wait3A_305 = tpu.memref_slice %arg12[%add3A_32, %dma_wait3A_304] : memref<10240x64xf32, #tpu.memory_space<vmem_shared>> -> memref<80x64xf32, #tpu.memory_space<vmem_shared>>
      tpu.wait_dma2 semaphore(%run_scoped3A : memref<!tpu.dma_semaphore, #tpu.memory_space<semaphore_mem>>) src(%arg8 : memref<80x64xf32, #tpu.memory_space<vmem>>) dst(%dma_wait3A_305 : memref<80x64xf32, #tpu.memory_space<vmem_shared>>)
      tpu.yield
    }) : () -> ()
    %mul3A_33 = arith.constant 640 : i32
    %mul3A_34 = arith.muli %arg1, %mul3A_33 : i32
    %add3A_35 = arith.constant 480 : i32
    %add3A_36 = arith.addi %mul3A_34, %add3A_35 : i32
    "tpu.region"() ({
      %run_scoped3A = tpu.sem_alloc : memref<!tpu.dma_semaphore, #tpu.memory_space<semaphore_mem>>
      %dma_start3A_298 = arith.constant 0 : i32
      %dma_start3A_299 = tpu.memref_slice %arg12[%add3A_36, %dma_start3A_298] : memref<10240x64xf32, #tpu.memory_space<vmem_shared>> -> memref<80x64xf32, #tpu.memory_space<vmem_shared>>
      %dma_start3A_300 = arith.constant 0 : i32
      %dma_start3A_301 = tpu.memref_slice %arg12[%add3A_36, %dma_start3A_300] : memref<10240x64xf32, #tpu.memory_space<vmem_shared>> -> memref<80x64xf32, #tpu.memory_space<vmem_shared>>
      tpu.enqueue_dma source(%arg8 : memref<80x64xf32, #tpu.memory_space<vmem>>) target(%dma_start3A_301 : memref<80x64xf32, #tpu.memory_space<vmem_shared>>) target_semaphore(%run_scoped3A : memref<!tpu.dma_semaphore, #tpu.memory_space<semaphore_mem>>)
      %dma_wait3A_302 = arith.constant 0 : i32
      %dma_wait3A_303 = tpu.memref_slice %arg12[%add3A_36, %dma_wait3A_302] : memref<10240x64xf32, #tpu.memory_space<vmem_shared>> -> memref<80x64xf32, #tpu.memory_space<vmem_shared>>
      %dma_wait3A_304 = arith.constant 0 : i32
      %dma_wait3A_305 = tpu.memref_slice %arg12[%add3A_36, %dma_wait3A_304] : memref<10240x64xf32, #tpu.memory_space<vmem_shared>> -> memref<80x64xf32, #tpu.memory_space<vmem_shared>>
      tpu.wait_dma2 semaphore(%run_scoped3A : memref<!tpu.dma_semaphore, #tpu.memory_space<semaphore_mem>>) src(%arg8 : memref<80x64xf32, #tpu.memory_space<vmem>>) dst(%dma_wait3A_305 : memref<80x64xf32, #tpu.memory_space<vmem_shared>>)
      tpu.yield
    }) : () -> ()
    %mul3A_37 = arith.constant 640 : i32
    %mul3A_38 = arith.muli %arg1, %mul3A_37 : i32
    %add3A_39 = arith.constant 560 : i32
    %add3A_40 = arith.addi %mul3A_38, %add3A_39 : i32
    "tpu.region"() ({
      %run_scoped3A = tpu.sem_alloc : memref<!tpu.dma_semaphore, #tpu.memory_space<semaphore_mem>>
      %dma_start3A_298 = arith.constant 0 : i32
      %dma_start3A_299 = tpu.memref_slice %arg12[%add3A_40, %dma_start3A_298] : memref<10240x64xf32, #tpu.memory_space<vmem_shared>> -> memref<80x64xf32, #tpu.memory_space<vmem_shared>>
      %dma_start3A_300 = arith.constant 0 : i32
      %dma_start3A_301 = tpu.memref_slice %arg12[%add3A_40, %dma_start3A_300] : memref<10240x64xf32, #tpu.memory_space<vmem_shared>> -> memref<80x64xf32, #tpu.memory_space<vmem_shared>>
      tpu.enqueue_dma source(%arg8 : memref<80x64xf32, #tpu.memory_space<vmem>>) target(%dma_start3A_301 : memref<80x64xf32, #tpu.memory_space<vmem_shared>>) target_semaphore(%run_scoped3A : memref<!tpu.dma_semaphore, #tpu.memory_space<semaphore_mem>>)
      %dma_wait3A_302 = arith.constant 0 : i32
      %dma_wait3A_303 = tpu.memref_slice %arg12[%add3A_40, %dma_wait3A_302] : memref<10240x64xf32, #tpu.memory_space<vmem_shared>> -> memref<80x64xf32, #tpu.memory_space<vmem_shared>>
      %dma_wait3A_304 = arith.constant 0 : i32
      %dma_wait3A_305 = tpu.memref_slice %arg12[%add3A_40, %dma_wait3A_304] : memref<10240x64xf32, #tpu.memory_space<vmem_shared>> -> memref<80x64xf32, #tpu.memory_space<vmem_shared>>
      tpu.wait_dma2 semaphore(%run_scoped3A : memref<!tpu.dma_semaphore, #tpu.memory_space<semaphore_mem>>) src(%arg8 : memref<80x64xf32, #tpu.memory_space<vmem>>) dst(%dma_wait3A_305 : memref<80x64xf32, #tpu.memory_space<vmem_shared>>)
      tpu.yield
    }) : () -> ()
    %barrier3A = arith.constant 0 : index
    tpu.barrier barrier_id(%barrier3A)
    %dma_start3A = arith.constant 0 : i32
    %dma_start3A_41 = arith.constant 0 : i32
    %dma_start3A_42 = tpu.memref_slice %arg6[%dma_start3A, %dma_start3A_41] : memref<125x80xi32, #tpu.memory_space<vmem>> -> memref<1x80xi32, #tpu.memory_space<vmem>>
    %dma_start3A_43 = tpu.memref_squeeze %dma_start3A_42 : memref<1x80xi32, #tpu.memory_space<vmem>> -> memref<80xi32, #tpu.memory_space<vmem>>
    %dma_start3A_44 = arith.constant 0 : i32
    %dma_start3A_45 = arith.constant 0 : i32
    %dma_start3A_46 = tpu.memref_slice %arg2[%dma_start3A_44, %dma_start3A_45] : memref<10000x64xf32, #tpu.memory_space<hbm>> -> memref<10000x64xf32, #tpu.memory_space<hbm>>
    tpu.enqueue_indirect_dma source(%dma_start3A_46 : memref<10000x64xf32, #tpu.memory_space<hbm>>) target(%arg8 : memref<80x64xf32, #tpu.memory_space<vmem>>) offsets(%dma_start3A_43 : memref<80xi32, #tpu.memory_space<vmem>>) semaphore(%arg13 : memref<!tpu.dma_semaphore, #tpu.memory_space<semaphore_mem>>)
    %dma_start3A_47 = arith.constant 1 : i32
    %dma_start3A_48 = arith.constant 0 : i32
    %dma_start3A_49 = tpu.memref_slice %arg6[%dma_start3A_47, %dma_start3A_48] : memref<125x80xi32, #tpu.memory_space<vmem>> -> memref<1x80xi32, #tpu.memory_space<vmem>>
    %dma_start3A_50 = tpu.memref_squeeze %dma_start3A_49 : memref<1x80xi32, #tpu.memory_space<vmem>> -> memref<80xi32, #tpu.memory_space<vmem>>
    %dma_start3A_51 = arith.constant 0 : i32
    %dma_start3A_52 = arith.constant 0 : i32
    %dma_start3A_53 = tpu.memref_slice %arg2[%dma_start3A_51, %dma_start3A_52] : memref<10000x64xf32, #tpu.memory_space<hbm>> -> memref<10000x64xf32, #tpu.memory_space<hbm>>
    tpu.enqueue_indirect_dma source(%dma_start3A_53 : memref<10000x64xf32, #tpu.memory_space<hbm>>) target(%arg9 : memref<80x64xf32, #tpu.memory_space<vmem>>) offsets(%dma_start3A_50 : memref<80xi32, #tpu.memory_space<vmem>>) semaphore(%arg14 : memref<!tpu.dma_semaphore, #tpu.memory_space<semaphore_mem>>)
    %dma_wait3A = arith.constant 0 : i32
    %dma_wait3A_54 = arith.constant 0 : i32
    %dma_wait3A_55 = tpu.memref_slice %arg6[%dma_wait3A, %dma_wait3A_54] : memref<125x80xi32, #tpu.memory_space<vmem>> -> memref<1x80xi32, #tpu.memory_space<vmem>>
    %dma_wait3A_56 = tpu.memref_squeeze %dma_wait3A_55 : memref<1x80xi32, #tpu.memory_space<vmem>> -> memref<80xi32, #tpu.memory_space<vmem>>
    %dma_wait3A_57 = arith.constant 0 : i32
    %dma_wait3A_58 = arith.constant 0 : i32
    %dma_wait3A_59 = tpu.memref_slice %arg2[%dma_wait3A_57, %dma_wait3A_58] : memref<10000x64xf32, #tpu.memory_space<hbm>> -> memref<10000x64xf32, #tpu.memory_space<hbm>>
    tpu.wait_indirect_dma semaphore(%arg13 : memref<!tpu.dma_semaphore, #tpu.memory_space<semaphore_mem>>) src(%dma_wait3A_59 : memref<10000x64xf32, #tpu.memory_space<hbm>>) dst(%arg8 : memref<80x64xf32, #tpu.memory_space<vmem>>)
    %dma_start3A_60 = arith.constant 0 : i32
    %dma_start3A_61 = arith.constant 0 : i32
    %dma_start3A_62 = tpu.memref_slice %arg7[%dma_start3A_60, %dma_start3A_61] : memref<125x80xi32, #tpu.memory_space<vmem>> -> memref<1x80xi32, #tpu.memory_space<vmem>>
    %dma_start3A_63 = tpu.memref_squeeze %dma_start3A_62 : memref<1x80xi32, #tpu.memory_space<vmem>> -> memref<80xi32, #tpu.memory_space<vmem>>
    %dma_start3A_64 = arith.constant 0 : i32
    %dma_start3A_65 = arith.constant 0 : i32
    %dma_start3A_66 = tpu.memref_slice %arg12[%dma_start3A_64, %dma_start3A_65] : memref<10240x64xf32, #tpu.memory_space<vmem_shared>> -> memref<10240x64xf32, #tpu.memory_space<vmem_shared>>
    tpu.enqueue_indirect_dma source(%arg8 : memref<80x64xf32, #tpu.memory_space<vmem>>) target(%dma_start3A_66 : memref<10240x64xf32, #tpu.memory_space<vmem_shared>>) offsets(%dma_start3A_63 : memref<80xi32, #tpu.memory_space<vmem>>) semaphore(%arg17 : memref<!tpu.dma_semaphore, #tpu.memory_space<semaphore_mem>>) {add = true}
    %dma_start3A_67 = arith.constant 2 : i32
    %dma_start3A_68 = arith.constant 0 : i32
    %dma_start3A_69 = tpu.memref_slice %arg6[%dma_start3A_67, %dma_start3A_68] : memref<125x80xi32, #tpu.memory_space<vmem>> -> memref<1x80xi32, #tpu.memory_space<vmem>>
    %dma_start3A_70 = tpu.memref_squeeze %dma_start3A_69 : memref<1x80xi32, #tpu.memory_space<vmem>> -> memref<80xi32, #tpu.memory_space<vmem>>
    %dma_start3A_71 = arith.constant 0 : i32
    %dma_start3A_72 = arith.constant 0 : i32
    %dma_start3A_73 = tpu.memref_slice %arg2[%dma_start3A_71, %dma_start3A_72] : memref<10000x64xf32, #tpu.memory_space<hbm>> -> memref<10000x64xf32, #tpu.memory_space<hbm>>
    tpu.enqueue_indirect_dma source(%dma_start3A_73 : memref<10000x64xf32, #tpu.memory_space<hbm>>) target(%arg10 : memref<80x64xf32, #tpu.memory_space<vmem>>) offsets(%dma_start3A_70 : memref<80xi32, #tpu.memory_space<vmem>>) semaphore(%arg15 : memref<!tpu.dma_semaphore, #tpu.memory_space<semaphore_mem>>)
    %dma_wait3A_74 = arith.constant 0 : i32
    %dma_wait3A_75 = arith.constant 0 : i32
    %dma_wait3A_76 = tpu.memref_slice %arg6[%dma_wait3A_74, %dma_wait3A_75] : memref<125x80xi32, #tpu.memory_space<vmem>> -> memref<1x80xi32, #tpu.memory_space<vmem>>
    %dma_wait3A_77 = tpu.memref_squeeze %dma_wait3A_76 : memref<1x80xi32, #tpu.memory_space<vmem>> -> memref<80xi32, #tpu.memory_space<vmem>>
    %dma_wait3A_78 = arith.constant 0 : i32
    %dma_wait3A_79 = arith.constant 0 : i32
    %dma_wait3A_80 = tpu.memref_slice %arg2[%dma_wait3A_78, %dma_wait3A_79] : memref<10000x64xf32, #tpu.memory_space<hbm>> -> memref<10000x64xf32, #tpu.memory_space<hbm>>
    tpu.wait_indirect_dma semaphore(%arg14 : memref<!tpu.dma_semaphore, #tpu.memory_space<semaphore_mem>>) src(%dma_wait3A_80 : memref<10000x64xf32, #tpu.memory_space<hbm>>) dst(%arg9 : memref<80x64xf32, #tpu.memory_space<vmem>>)
    %dma_start3A_81 = arith.constant 1 : i32
    %dma_start3A_82 = arith.constant 0 : i32
    %dma_start3A_83 = tpu.memref_slice %arg7[%dma_start3A_81, %dma_start3A_82] : memref<125x80xi32, #tpu.memory_space<vmem>> -> memref<1x80xi32, #tpu.memory_space<vmem>>
    %dma_start3A_84 = tpu.memref_squeeze %dma_start3A_83 : memref<1x80xi32, #tpu.memory_space<vmem>> -> memref<80xi32, #tpu.memory_space<vmem>>
    %dma_start3A_85 = arith.constant 0 : i32
    %dma_start3A_86 = arith.constant 0 : i32
    %dma_start3A_87 = tpu.memref_slice %arg12[%dma_start3A_85, %dma_start3A_86] : memref<10240x64xf32, #tpu.memory_space<vmem_shared>> -> memref<10240x64xf32, #tpu.memory_space<vmem_shared>>
    tpu.enqueue_indirect_dma source(%arg9 : memref<80x64xf32, #tpu.memory_space<vmem>>) target(%dma_start3A_87 : memref<10240x64xf32, #tpu.memory_space<vmem_shared>>) offsets(%dma_start3A_84 : memref<80xi32, #tpu.memory_space<vmem>>) semaphore(%arg18 : memref<!tpu.dma_semaphore, #tpu.memory_space<semaphore_mem>>) {add = true}
    %dma_start3A_88 = arith.constant 3 : i32
    %dma_start3A_89 = arith.constant 0 : i32
    %dma_start3A_90 = tpu.memref_slice %arg6[%dma_start3A_88, %dma_start3A_89] : memref<125x80xi32, #tpu.memory_space<vmem>> -> memref<1x80xi32, #tpu.memory_space<vmem>>
    %dma_start3A_91 = tpu.memref_squeeze %dma_start3A_90 : memref<1x80xi32, #tpu.memory_space<vmem>> -> memref<80xi32, #tpu.memory_space<vmem>>
    %dma_start3A_92 = arith.constant 0 : i32
    %dma_start3A_93 = arith.constant 0 : i32
    %dma_start3A_94 = tpu.memref_slice %arg2[%dma_start3A_92, %dma_start3A_93] : memref<10000x64xf32, #tpu.memory_space<hbm>> -> memref<10000x64xf32, #tpu.memory_space<hbm>>
    tpu.enqueue_indirect_dma source(%dma_start3A_94 : memref<10000x64xf32, #tpu.memory_space<hbm>>) target(%arg11 : memref<80x64xf32, #tpu.memory_space<vmem>>) offsets(%dma_start3A_91 : memref<80xi32, #tpu.memory_space<vmem>>) semaphore(%arg16 : memref<!tpu.dma_semaphore, #tpu.memory_space<semaphore_mem>>)
    %dma_wait3A_95 = arith.constant 0 : i32
    %dma_wait3A_96 = arith.constant 0 : i32
    %dma_wait3A_97 = tpu.memref_slice %arg6[%dma_wait3A_95, %dma_wait3A_96] : memref<125x80xi32, #tpu.memory_space<vmem>> -> memref<1x80xi32, #tpu.memory_space<vmem>>
    %dma_wait3A_98 = tpu.memref_squeeze %dma_wait3A_97 : memref<1x80xi32, #tpu.memory_space<vmem>> -> memref<80xi32, #tpu.memory_space<vmem>>
    %dma_wait3A_99 = arith.constant 0 : i32
    %dma_wait3A_100 = arith.constant 0 : i32
    %dma_wait3A_101 = tpu.memref_slice %arg2[%dma_wait3A_99, %dma_wait3A_100] : memref<10000x64xf32, #tpu.memory_space<hbm>> -> memref<10000x64xf32, #tpu.memory_space<hbm>>
    tpu.wait_indirect_dma semaphore(%arg15 : memref<!tpu.dma_semaphore, #tpu.memory_space<semaphore_mem>>) src(%dma_wait3A_101 : memref<10000x64xf32, #tpu.memory_space<hbm>>) dst(%arg10 : memref<80x64xf32, #tpu.memory_space<vmem>>)
    %dma_start3A_102 = arith.constant 2 : i32
    %dma_start3A_103 = arith.constant 0 : i32
    %dma_start3A_104 = tpu.memref_slice %arg7[%dma_start3A_102, %dma_start3A_103] : memref<125x80xi32, #tpu.memory_space<vmem>> -> memref<1x80xi32, #tpu.memory_space<vmem>>
    %dma_start3A_105 = tpu.memref_squeeze %dma_start3A_104 : memref<1x80xi32, #tpu.memory_space<vmem>> -> memref<80xi32, #tpu.memory_space<vmem>>
    %dma_start3A_106 = arith.constant 0 : i32
    %dma_start3A_107 = arith.constant 0 : i32
    %dma_start3A_108 = tpu.memref_slice %arg12[%dma_start3A_106, %dma_start3A_107] : memref<10240x64xf32, #tpu.memory_space<vmem_shared>> -> memref<10240x64xf32, #tpu.memory_space<vmem_shared>>
    tpu.enqueue_indirect_dma source(%arg10 : memref<80x64xf32, #tpu.memory_space<vmem>>) target(%dma_start3A_108 : memref<10240x64xf32, #tpu.memory_space<vmem_shared>>) offsets(%dma_start3A_105 : memref<80xi32, #tpu.memory_space<vmem>>) semaphore(%arg19 : memref<!tpu.dma_semaphore, #tpu.memory_space<semaphore_mem>>) {add = true}
    %dma_wait3A_109 = arith.constant 0 : i32
    %dma_wait3A_110 = arith.constant 0 : i32
    %dma_wait3A_111 = tpu.memref_slice %arg7[%dma_wait3A_109, %dma_wait3A_110] : memref<125x80xi32, #tpu.memory_space<vmem>> -> memref<1x80xi32, #tpu.memory_space<vmem>>
    %dma_wait3A_112 = tpu.memref_squeeze %dma_wait3A_111 : memref<1x80xi32, #tpu.memory_space<vmem>> -> memref<80xi32, #tpu.memory_space<vmem>>
    %dma_wait3A_113 = arith.constant 0 : i32
    %dma_wait3A_114 = arith.constant 0 : i32
    %dma_wait3A_115 = tpu.memref_slice %arg12[%dma_wait3A_113, %dma_wait3A_114] : memref<10240x64xf32, #tpu.memory_space<vmem_shared>> -> memref<10240x64xf32, #tpu.memory_space<vmem_shared>>
    tpu.wait_indirect_dma semaphore(%arg17 : memref<!tpu.dma_semaphore, #tpu.memory_space<semaphore_mem>>) src(%arg8 : memref<80x64xf32, #tpu.memory_space<vmem>>) dst(%dma_wait3A_115 : memref<10240x64xf32, #tpu.memory_space<vmem_shared>>)
    %dma_start3A_116 = arith.constant 4 : i32
    %dma_start3A_117 = arith.constant 0 : i32
    %dma_start3A_118 = tpu.memref_slice %arg6[%dma_start3A_116, %dma_start3A_117] : memref<125x80xi32, #tpu.memory_space<vmem>> -> memref<1x80xi32, #tpu.memory_space<vmem>>
    %dma_start3A_119 = tpu.memref_squeeze %dma_start3A_118 : memref<1x80xi32, #tpu.memory_space<vmem>> -> memref<80xi32, #tpu.memory_space<vmem>>
    %dma_start3A_120 = arith.constant 0 : i32
    %dma_start3A_121 = arith.constant 0 : i32
    %dma_start3A_122 = tpu.memref_slice %arg2[%dma_start3A_120, %dma_start3A_121] : memref<10000x64xf32, #tpu.memory_space<hbm>> -> memref<10000x64xf32, #tpu.memory_space<hbm>>
    tpu.enqueue_indirect_dma source(%dma_start3A_122 : memref<10000x64xf32, #tpu.memory_space<hbm>>) target(%arg8 : memref<80x64xf32, #tpu.memory_space<vmem>>) offsets(%dma_start3A_119 : memref<80xi32, #tpu.memory_space<vmem>>) semaphore(%arg13 : memref<!tpu.dma_semaphore, #tpu.memory_space<semaphore_mem>>)
    %dma_wait3A_123 = arith.constant 0 : i32
    %dma_wait3A_124 = arith.constant 0 : i32
    %dma_wait3A_125 = tpu.memref_slice %arg6[%dma_wait3A_123, %dma_wait3A_124] : memref<125x80xi32, #tpu.memory_space<vmem>> -> memref<1x80xi32, #tpu.memory_space<vmem>>
    %dma_wait3A_126 = tpu.memref_squeeze %dma_wait3A_125 : memref<1x80xi32, #tpu.memory_space<vmem>> -> memref<80xi32, #tpu.memory_space<vmem>>
    %dma_wait3A_127 = arith.constant 0 : i32
    %dma_wait3A_128 = arith.constant 0 : i32
    %dma_wait3A_129 = tpu.memref_slice %arg2[%dma_wait3A_127, %dma_wait3A_128] : memref<10000x64xf32, #tpu.memory_space<hbm>> -> memref<10000x64xf32, #tpu.memory_space<hbm>>
    tpu.wait_indirect_dma semaphore(%arg16 : memref<!tpu.dma_semaphore, #tpu.memory_space<semaphore_mem>>) src(%dma_wait3A_129 : memref<10000x64xf32, #tpu.memory_space<hbm>>) dst(%arg11 : memref<80x64xf32, #tpu.memory_space<vmem>>)
    %dma_start3A_130 = arith.constant 3 : i32
    %dma_start3A_131 = arith.constant 0 : i32
    %dma_start3A_132 = tpu.memref_slice %arg7[%dma_start3A_130, %dma_start3A_131] : memref<125x80xi32, #tpu.memory_space<vmem>> -> memref<1x80xi32, #tpu.memory_space<vmem>>
    %dma_start3A_133 = tpu.memref_squeeze %dma_start3A_132 : memref<1x80xi32, #tpu.memory_space<vmem>> -> memref<80xi32, #tpu.memory_space<vmem>>
    %dma_start3A_134 = arith.constant 0 : i32
    %dma_start3A_135 = arith.constant 0 : i32
    %dma_start3A_136 = tpu.memref_slice %arg12[%dma_start3A_134, %dma_start3A_135] : memref<10240x64xf32, #tpu.memory_space<vmem_shared>> -> memref<10240x64xf32, #tpu.memory_space<vmem_shared>>
    tpu.enqueue_indirect_dma source(%arg11 : memref<80x64xf32, #tpu.memory_space<vmem>>) target(%dma_start3A_136 : memref<10240x64xf32, #tpu.memory_space<vmem_shared>>) offsets(%dma_start3A_133 : memref<80xi32, #tpu.memory_space<vmem>>) semaphore(%arg20 : memref<!tpu.dma_semaphore, #tpu.memory_space<semaphore_mem>>) {add = true}
    %dma_wait3A_137 = arith.constant 0 : i32
    %dma_wait3A_138 = arith.constant 0 : i32
    %dma_wait3A_139 = tpu.memref_slice %arg7[%dma_wait3A_137, %dma_wait3A_138] : memref<125x80xi32, #tpu.memory_space<vmem>> -> memref<1x80xi32, #tpu.memory_space<vmem>>
    %dma_wait3A_140 = tpu.memref_squeeze %dma_wait3A_139 : memref<1x80xi32, #tpu.memory_space<vmem>> -> memref<80xi32, #tpu.memory_space<vmem>>
    %dma_wait3A_141 = arith.constant 0 : i32
    %dma_wait3A_142 = arith.constant 0 : i32
    %dma_wait3A_143 = tpu.memref_slice %arg12[%dma_wait3A_141, %dma_wait3A_142] : memref<10240x64xf32, #tpu.memory_space<vmem_shared>> -> memref<10240x64xf32, #tpu.memory_space<vmem_shared>>
    tpu.wait_indirect_dma semaphore(%arg18 : memref<!tpu.dma_semaphore, #tpu.memory_space<semaphore_mem>>) src(%arg9 : memref<80x64xf32, #tpu.memory_space<vmem>>) dst(%dma_wait3A_143 : memref<10240x64xf32, #tpu.memory_space<vmem_shared>>)
    %dma_start3A_144 = arith.constant 5 : i32
    %dma_start3A_145 = arith.constant 0 : i32
    %dma_start3A_146 = tpu.memref_slice %arg6[%dma_start3A_144, %dma_start3A_145] : memref<125x80xi32, #tpu.memory_space<vmem>> -> memref<1x80xi32, #tpu.memory_space<vmem>>
    %dma_start3A_147 = tpu.memref_squeeze %dma_start3A_146 : memref<1x80xi32, #tpu.memory_space<vmem>> -> memref<80xi32, #tpu.memory_space<vmem>>
    %dma_start3A_148 = arith.constant 0 : i32
    %dma_start3A_149 = arith.constant 0 : i32
    %dma_start3A_150 = tpu.memref_slice %arg2[%dma_start3A_148, %dma_start3A_149] : memref<10000x64xf32, #tpu.memory_space<hbm>> -> memref<10000x64xf32, #tpu.memory_space<hbm>>
    tpu.enqueue_indirect_dma source(%dma_start3A_150 : memref<10000x64xf32, #tpu.memory_space<hbm>>) target(%arg9 : memref<80x64xf32, #tpu.memory_space<vmem>>) offsets(%dma_start3A_147 : memref<80xi32, #tpu.memory_space<vmem>>) semaphore(%arg14 : memref<!tpu.dma_semaphore, #tpu.memory_space<semaphore_mem>>)
    %scan3A_151 = arith.constant 0 : i32
    %scan3A_152 = arith.constant 0 : i32
    %scan3A_153 = arith.constant 29 : i32
    %scan3A_154 = arith.addi %scan3A_152, %scan3A_153 : i32
    %scan3A_155 = arith.constant 1 : i32
    scf.for %scan3A_298 = %scan3A_152 to %scan3A_154 step %scan3A_155  : i32 {
      %mul3A_299 = arith.constant 4 : i32
      %mul3A_300 = arith.muli %mul3A_299, %scan3A_298 : i32
      %add3A_301 = arith.constant 4 : i32
      %add3A_302 = arith.addi %add3A_301, %mul3A_300 : i32
      %dma_wait3A_303 = arith.constant 0 : i32
      %dma_wait3A_304 = arith.constant 0 : i32
      %dma_wait3A_305 = tpu.memref_slice %arg6[%dma_wait3A_303, %dma_wait3A_304] : memref<125x80xi32, #tpu.memory_space<vmem>> -> memref<1x80xi32, #tpu.memory_space<vmem>>
      %dma_wait3A_306 = tpu.memref_squeeze %dma_wait3A_305 : memref<1x80xi32, #tpu.memory_space<vmem>> -> memref<80xi32, #tpu.memory_space<vmem>>
      %dma_wait3A_307 = arith.constant 0 : i32
      %dma_wait3A_308 = arith.constant 0 : i32
      %dma_wait3A_309 = tpu.memref_slice %arg2[%dma_wait3A_307, %dma_wait3A_308] : memref<10000x64xf32, #tpu.memory_space<hbm>> -> memref<10000x64xf32, #tpu.memory_space<hbm>>
      tpu.wait_indirect_dma semaphore(%arg13 : memref<!tpu.dma_semaphore, #tpu.memory_space<semaphore_mem>>) src(%dma_wait3A_309 : memref<10000x64xf32, #tpu.memory_space<hbm>>) dst(%arg8 : memref<80x64xf32, #tpu.memory_space<vmem>>)
      %add3A_310 = arith.constant 0 : i32
      %add3A_311 = arith.addi %add3A_302, %add3A_310 : i32
      %dma_start3A_312 = arith.constant 0 : i32
      %dma_start3A_313 = tpu.memref_slice %arg7[%add3A_311, %dma_start3A_312] : memref<125x80xi32, #tpu.memory_space<vmem>> -> memref<1x80xi32, #tpu.memory_space<vmem>>
      %dma_start3A_314 = tpu.memref_squeeze %dma_start3A_313 : memref<1x80xi32, #tpu.memory_space<vmem>> -> memref<80xi32, #tpu.memory_space<vmem>>
      %dma_start3A_315 = arith.constant 0 : i32
      %dma_start3A_316 = arith.constant 0 : i32
      %dma_start3A_317 = tpu.memref_slice %arg12[%dma_start3A_315, %dma_start3A_316] : memref<10240x64xf32, #tpu.memory_space<vmem_shared>> -> memref<10240x64xf32, #tpu.memory_space<vmem_shared>>
      tpu.enqueue_indirect_dma source(%arg8 : memref<80x64xf32, #tpu.memory_space<vmem>>) target(%dma_start3A_317 : memref<10240x64xf32, #tpu.memory_space<vmem_shared>>) offsets(%dma_start3A_314 : memref<80xi32, #tpu.memory_space<vmem>>) semaphore(%arg17 : memref<!tpu.dma_semaphore, #tpu.memory_space<semaphore_mem>>) {add = true}
      %dma_wait3A_318 = arith.constant 0 : i32
      %dma_wait3A_319 = arith.constant 0 : i32
      %dma_wait3A_320 = tpu.memref_slice %arg7[%dma_wait3A_318, %dma_wait3A_319] : memref<125x80xi32, #tpu.memory_space<vmem>> -> memref<1x80xi32, #tpu.memory_space<vmem>>
      %dma_wait3A_321 = tpu.memref_squeeze %dma_wait3A_320 : memref<1x80xi32, #tpu.memory_space<vmem>> -> memref<80xi32, #tpu.memory_space<vmem>>
      %dma_wait3A_322 = arith.constant 0 : i32
      %dma_wait3A_323 = arith.constant 0 : i32
      %dma_wait3A_324 = tpu.memref_slice %arg12[%dma_wait3A_322, %dma_wait3A_323] : memref<10240x64xf32, #tpu.memory_space<vmem_shared>> -> memref<10240x64xf32, #tpu.memory_space<vmem_shared>>
      tpu.wait_indirect_dma semaphore(%arg19 : memref<!tpu.dma_semaphore, #tpu.memory_space<semaphore_mem>>) src(%arg10 : memref<80x64xf32, #tpu.memory_space<vmem>>) dst(%dma_wait3A_324 : memref<10240x64xf32, #tpu.memory_space<vmem_shared>>)
      %add3A_325 = arith.constant 0 : i32
      %add3A_326 = arith.addi %add3A_302, %add3A_325 : i32
      %add3A_327 = arith.constant 2 : i32
      %add3A_328 = arith.addi %add3A_326, %add3A_327 : i32
      %dma_start3A_329 = arith.constant 0 : i32
      %dma_start3A_330 = tpu.memref_slice %arg6[%add3A_328, %dma_start3A_329] : memref<125x80xi32, #tpu.memory_space<vmem>> -> memref<1x80xi32, #tpu.memory_space<vmem>>
      %dma_start3A_331 = tpu.memref_squeeze %dma_start3A_330 : memref<1x80xi32, #tpu.memory_space<vmem>> -> memref<80xi32, #tpu.memory_space<vmem>>
      %dma_start3A_332 = arith.constant 0 : i32
      %dma_start3A_333 = arith.constant 0 : i32
      %dma_start3A_334 = tpu.memref_slice %arg2[%dma_start3A_332, %dma_start3A_333] : memref<10000x64xf32, #tpu.memory_space<hbm>> -> memref<10000x64xf32, #tpu.memory_space<hbm>>
      tpu.enqueue_indirect_dma source(%dma_start3A_334 : memref<10000x64xf32, #tpu.memory_space<hbm>>) target(%arg10 : memref<80x64xf32, #tpu.memory_space<vmem>>) offsets(%dma_start3A_331 : memref<80xi32, #tpu.memory_space<vmem>>) semaphore(%arg15 : memref<!tpu.dma_semaphore, #tpu.memory_space<semaphore_mem>>)
      %dma_wait3A_335 = arith.constant 0 : i32
      %dma_wait3A_336 = arith.constant 0 : i32
      %dma_wait3A_337 = tpu.memref_slice %arg6[%dma_wait3A_335, %dma_wait3A_336] : memref<125x80xi32, #tpu.memory_space<vmem>> -> memref<1x80xi32, #tpu.memory_space<vmem>>
      %dma_wait3A_338 = tpu.memref_squeeze %dma_wait3A_337 : memref<1x80xi32, #tpu.memory_space<vmem>> -> memref<80xi32, #tpu.memory_space<vmem>>
      %dma_wait3A_339 = arith.constant 0 : i32
      %dma_wait3A_340 = arith.constant 0 : i32
      %dma_wait3A_341 = tpu.memref_slice %arg2[%dma_wait3A_339, %dma_wait3A_340] : memref<10000x64xf32, #tpu.memory_space<hbm>> -> memref<10000x64xf32, #tpu.memory_space<hbm>>
      tpu.wait_indirect_dma semaphore(%arg14 : memref<!tpu.dma_semaphore, #tpu.memory_space<semaphore_mem>>) src(%dma_wait3A_341 : memref<10000x64xf32, #tpu.memory_space<hbm>>) dst(%arg9 : memref<80x64xf32, #tpu.memory_space<vmem>>)
      %add3A_342 = arith.constant 1 : i32
      %add3A_343 = arith.addi %add3A_302, %add3A_342 : i32
      %dma_start3A_344 = arith.constant 0 : i32
      %dma_start3A_345 = tpu.memref_slice %arg7[%add3A_343, %dma_start3A_344] : memref<125x80xi32, #tpu.memory_space<vmem>> -> memref<1x80xi32, #tpu.memory_space<vmem>>
      %dma_start3A_346 = tpu.memref_squeeze %dma_start3A_345 : memref<1x80xi32, #tpu.memory_space<vmem>> -> memref<80xi32, #tpu.memory_space<vmem>>
      %dma_start3A_347 = arith.constant 0 : i32
      %dma_start3A_348 = arith.constant 0 : i32
      %dma_start3A_349 = tpu.memref_slice %arg12[%dma_start3A_347, %dma_start3A_348] : memref<10240x64xf32, #tpu.memory_space<vmem_shared>> -> memref<10240x64xf32, #tpu.memory_space<vmem_shared>>
      tpu.enqueue_indirect_dma source(%arg9 : memref<80x64xf32, #tpu.memory_space<vmem>>) target(%dma_start3A_349 : memref<10240x64xf32, #tpu.memory_space<vmem_shared>>) offsets(%dma_start3A_346 : memref<80xi32, #tpu.memory_space<vmem>>) semaphore(%arg18 : memref<!tpu.dma_semaphore, #tpu.memory_space<semaphore_mem>>) {add = true}
      %dma_wait3A_350 = arith.constant 0 : i32
      %dma_wait3A_351 = arith.constant 0 : i32
      %dma_wait3A_352 = tpu.memref_slice %arg7[%dma_wait3A_350, %dma_wait3A_351] : memref<125x80xi32, #tpu.memory_space<vmem>> -> memref<1x80xi32, #tpu.memory_space<vmem>>
      %dma_wait3A_353 = tpu.memref_squeeze %dma_wait3A_352 : memref<1x80xi32, #tpu.memory_space<vmem>> -> memref<80xi32, #tpu.memory_space<vmem>>
      %dma_wait3A_354 = arith.constant 0 : i32
      %dma_wait3A_355 = arith.constant 0 : i32
      %dma_wait3A_356 = tpu.memref_slice %arg12[%dma_wait3A_354, %dma_wait3A_355] : memref<10240x64xf32, #tpu.memory_space<vmem_shared>> -> memref<10240x64xf32, #tpu.memory_space<vmem_shared>>
      tpu.wait_indirect_dma semaphore(%arg20 : memref<!tpu.dma_semaphore, #tpu.memory_space<semaphore_mem>>) src(%arg11 : memref<80x64xf32, #tpu.memory_space<vmem>>) dst(%dma_wait3A_356 : memref<10240x64xf32, #tpu.memory_space<vmem_shared>>)
      %add3A_357 = arith.constant 1 : i32
      %add3A_358 = arith.addi %add3A_302, %add3A_357 : i32
      %add3A_359 = arith.constant 2 : i32
      %add3A_360 = arith.addi %add3A_358, %add3A_359 : i32
      %dma_start3A_361 = arith.constant 0 : i32
      %dma_start3A_362 = tpu.memref_slice %arg6[%add3A_360, %dma_start3A_361] : memref<125x80xi32, #tpu.memory_space<vmem>> -> memref<1x80xi32, #tpu.memory_space<vmem>>
      %dma_start3A_363 = tpu.memref_squeeze %dma_start3A_362 : memref<1x80xi32, #tpu.memory_space<vmem>> -> memref<80xi32, #tpu.memory_space<vmem>>
      %dma_start3A_364 = arith.constant 0 : i32
      %dma_start3A_365 = arith.constant 0 : i32
      %dma_start3A_366 = tpu.memref_slice %arg2[%dma_start3A_364, %dma_start3A_365] : memref<10000x64xf32, #tpu.memory_space<hbm>> -> memref<10000x64xf32, #tpu.memory_space<hbm>>
      tpu.enqueue_indirect_dma source(%dma_start3A_366 : memref<10000x64xf32, #tpu.memory_space<hbm>>) target(%arg11 : memref<80x64xf32, #tpu.memory_space<vmem>>) offsets(%dma_start3A_363 : memref<80xi32, #tpu.memory_space<vmem>>) semaphore(%arg16 : memref<!tpu.dma_semaphore, #tpu.memory_space<semaphore_mem>>)
      %dma_wait3A_367 = arith.constant 0 : i32
      %dma_wait3A_368 = arith.constant 0 : i32
      %dma_wait3A_369 = tpu.memref_slice %arg6[%dma_wait3A_367, %dma_wait3A_368] : memref<125x80xi32, #tpu.memory_space<vmem>> -> memref<1x80xi32, #tpu.memory_space<vmem>>
      %dma_wait3A_370 = tpu.memref_squeeze %dma_wait3A_369 : memref<1x80xi32, #tpu.memory_space<vmem>> -> memref<80xi32, #tpu.memory_space<vmem>>
      %dma_wait3A_371 = arith.constant 0 : i32
      %dma_wait3A_372 = arith.constant 0 : i32
      %dma_wait3A_373 = tpu.memref_slice %arg2[%dma_wait3A_371, %dma_wait3A_372] : memref<10000x64xf32, #tpu.memory_space<hbm>> -> memref<10000x64xf32, #tpu.memory_space<hbm>>
      tpu.wait_indirect_dma semaphore(%arg15 : memref<!tpu.dma_semaphore, #tpu.memory_space<semaphore_mem>>) src(%dma_wait3A_373 : memref<10000x64xf32, #tpu.memory_space<hbm>>) dst(%arg10 : memref<80x64xf32, #tpu.memory_space<vmem>>)
      %add3A_374 = arith.constant 2 : i32
      %add3A_375 = arith.addi %add3A_302, %add3A_374 : i32
      %dma_start3A_376 = arith.constant 0 : i32
      %dma_start3A_377 = tpu.memref_slice %arg7[%add3A_375, %dma_start3A_376] : memref<125x80xi32, #tpu.memory_space<vmem>> -> memref<1x80xi32, #tpu.memory_space<vmem>>
      %dma_start3A_378 = tpu.memref_squeeze %dma_start3A_377 : memref<1x80xi32, #tpu.memory_space<vmem>> -> memref<80xi32, #tpu.memory_space<vmem>>
      %dma_start3A_379 = arith.constant 0 : i32
      %dma_start3A_380 = arith.constant 0 : i32
      %dma_start3A_381 = tpu.memref_slice %arg12[%dma_start3A_379, %dma_start3A_380] : memref<10240x64xf32, #tpu.memory_space<vmem_shared>> -> memref<10240x64xf32, #tpu.memory_space<vmem_shared>>
      tpu.enqueue_indirect_dma source(%arg10 : memref<80x64xf32, #tpu.memory_space<vmem>>) target(%dma_start3A_381 : memref<10240x64xf32, #tpu.memory_space<vmem_shared>>) offsets(%dma_start3A_378 : memref<80xi32, #tpu.memory_space<vmem>>) semaphore(%arg19 : memref<!tpu.dma_semaphore, #tpu.memory_space<semaphore_mem>>) {add = true}
      %dma_wait3A_382 = arith.constant 0 : i32
      %dma_wait3A_383 = arith.constant 0 : i32
      %dma_wait3A_384 = tpu.memref_slice %arg7[%dma_wait3A_382, %dma_wait3A_383] : memref<125x80xi32, #tpu.memory_space<vmem>> -> memref<1x80xi32, #tpu.memory_space<vmem>>
      %dma_wait3A_385 = tpu.memref_squeeze %dma_wait3A_384 : memref<1x80xi32, #tpu.memory_space<vmem>> -> memref<80xi32, #tpu.memory_space<vmem>>
      %dma_wait3A_386 = arith.constant 0 : i32
      %dma_wait3A_387 = arith.constant 0 : i32
      %dma_wait3A_388 = tpu.memref_slice %arg12[%dma_wait3A_386, %dma_wait3A_387] : memref<10240x64xf32, #tpu.memory_space<vmem_shared>> -> memref<10240x64xf32, #tpu.memory_space<vmem_shared>>
      tpu.wait_indirect_dma semaphore(%arg17 : memref<!tpu.dma_semaphore, #tpu.memory_space<semaphore_mem>>) src(%arg8 : memref<80x64xf32, #tpu.memory_space<vmem>>) dst(%dma_wait3A_388 : memref<10240x64xf32, #tpu.memory_space<vmem_shared>>)
      %add3A_389 = arith.constant 2 : i32
      %add3A_390 = arith.addi %add3A_302, %add3A_389 : i32
      %add3A_391 = arith.constant 2 : i32
      %add3A_392 = arith.addi %add3A_390, %add3A_391 : i32
      %dma_start3A_393 = arith.constant 0 : i32
      %dma_start3A_394 = tpu.memref_slice %arg6[%add3A_392, %dma_start3A_393] : memref<125x80xi32, #tpu.memory_space<vmem>> -> memref<1x80xi32, #tpu.memory_space<vmem>>
      %dma_start3A_395 = tpu.memref_squeeze %dma_start3A_394 : memref<1x80xi32, #tpu.memory_space<vmem>> -> memref<80xi32, #tpu.memory_space<vmem>>
      %dma_start3A_396 = arith.constant 0 : i32
      %dma_start3A_397 = arith.constant 0 : i32
      %dma_start3A_398 = tpu.memref_slice %arg2[%dma_start3A_396, %dma_start3A_397] : memref<10000x64xf32, #tpu.memory_space<hbm>> -> memref<10000x64xf32, #tpu.memory_space<hbm>>
      tpu.enqueue_indirect_dma source(%dma_start3A_398 : memref<10000x64xf32, #tpu.memory_space<hbm>>) target(%arg8 : memref<80x64xf32, #tpu.memory_space<vmem>>) offsets(%dma_start3A_395 : memref<80xi32, #tpu.memory_space<vmem>>) semaphore(%arg13 : memref<!tpu.dma_semaphore, #tpu.memory_space<semaphore_mem>>)
      %dma_wait3A_399 = arith.constant 0 : i32
      %dma_wait3A_400 = arith.constant 0 : i32
      %dma_wait3A_401 = tpu.memref_slice %arg6[%dma_wait3A_399, %dma_wait3A_400] : memref<125x80xi32, #tpu.memory_space<vmem>> -> memref<1x80xi32, #tpu.memory_space<vmem>>
      %dma_wait3A_402 = tpu.memref_squeeze %dma_wait3A_401 : memref<1x80xi32, #tpu.memory_space<vmem>> -> memref<80xi32, #tpu.memory_space<vmem>>
      %dma_wait3A_403 = arith.constant 0 : i32
      %dma_wait3A_404 = arith.constant 0 : i32
      %dma_wait3A_405 = tpu.memref_slice %arg2[%dma_wait3A_403, %dma_wait3A_404] : memref<10000x64xf32, #tpu.memory_space<hbm>> -> memref<10000x64xf32, #tpu.memory_space<hbm>>
      tpu.wait_indirect_dma semaphore(%arg16 : memref<!tpu.dma_semaphore, #tpu.memory_space<semaphore_mem>>) src(%dma_wait3A_405 : memref<10000x64xf32, #tpu.memory_space<hbm>>) dst(%arg11 : memref<80x64xf32, #tpu.memory_space<vmem>>)
      %add3A_406 = arith.constant 3 : i32
      %add3A_407 = arith.addi %add3A_302, %add3A_406 : i32
      %dma_start3A_408 = arith.constant 0 : i32
      %dma_start3A_409 = tpu.memref_slice %arg7[%add3A_407, %dma_start3A_408] : memref<125x80xi32, #tpu.memory_space<vmem>> -> memref<1x80xi32, #tpu.memory_space<vmem>>
      %dma_start3A_410 = tpu.memref_squeeze %dma_start3A_409 : memref<1x80xi32, #tpu.memory_space<vmem>> -> memref<80xi32, #tpu.memory_space<vmem>>
      %dma_start3A_411 = arith.constant 0 : i32
      %dma_start3A_412 = arith.constant 0 : i32
      %dma_start3A_413 = tpu.memref_slice %arg12[%dma_start3A_411, %dma_start3A_412] : memref<10240x64xf32, #tpu.memory_space<vmem_shared>> -> memref<10240x64xf32, #tpu.memory_space<vmem_shared>>
      tpu.enqueue_indirect_dma source(%arg11 : memref<80x64xf32, #tpu.memory_space<vmem>>) target(%dma_start3A_413 : memref<10240x64xf32, #tpu.memory_space<vmem_shared>>) offsets(%dma_start3A_410 : memref<80xi32, #tpu.memory_space<vmem>>) semaphore(%arg20 : memref<!tpu.dma_semaphore, #tpu.memory_space<semaphore_mem>>) {add = true}
      %dma_wait3A_414 = arith.constant 0 : i32
      %dma_wait3A_415 = arith.constant 0 : i32
      %dma_wait3A_416 = tpu.memref_slice %arg7[%dma_wait3A_414, %dma_wait3A_415] : memref<125x80xi32, #tpu.memory_space<vmem>> -> memref<1x80xi32, #tpu.memory_space<vmem>>
      %dma_wait3A_417 = tpu.memref_squeeze %dma_wait3A_416 : memref<1x80xi32, #tpu.memory_space<vmem>> -> memref<80xi32, #tpu.memory_space<vmem>>
      %dma_wait3A_418 = arith.constant 0 : i32
      %dma_wait3A_419 = arith.constant 0 : i32
      %dma_wait3A_420 = tpu.memref_slice %arg12[%dma_wait3A_418, %dma_wait3A_419] : memref<10240x64xf32, #tpu.memory_space<vmem_shared>> -> memref<10240x64xf32, #tpu.memory_space<vmem_shared>>
      tpu.wait_indirect_dma semaphore(%arg18 : memref<!tpu.dma_semaphore, #tpu.memory_space<semaphore_mem>>) src(%arg9 : memref<80x64xf32, #tpu.memory_space<vmem>>) dst(%dma_wait3A_420 : memref<10240x64xf32, #tpu.memory_space<vmem_shared>>)
      %add3A_421 = arith.constant 3 : i32
      %add3A_422 = arith.addi %add3A_302, %add3A_421 : i32
      %add3A_423 = arith.constant 2 : i32
      %add3A_424 = arith.addi %add3A_422, %add3A_423 : i32
      %dma_start3A_425 = arith.constant 0 : i32
      %dma_start3A_426 = tpu.memref_slice %arg6[%add3A_424, %dma_start3A_425] : memref<125x80xi32, #tpu.memory_space<vmem>> -> memref<1x80xi32, #tpu.memory_space<vmem>>
      %dma_start3A_427 = tpu.memref_squeeze %dma_start3A_426 : memref<1x80xi32, #tpu.memory_space<vmem>> -> memref<80xi32, #tpu.memory_space<vmem>>
      %dma_start3A_428 = arith.constant 0 : i32
      %dma_start3A_429 = arith.constant 0 : i32
      %dma_start3A_430 = tpu.memref_slice %arg2[%dma_start3A_428, %dma_start3A_429] : memref<10000x64xf32, #tpu.memory_space<hbm>> -> memref<10000x64xf32, #tpu.memory_space<hbm>>
      tpu.enqueue_indirect_dma source(%dma_start3A_430 : memref<10000x64xf32, #tpu.memory_space<hbm>>) target(%arg9 : memref<80x64xf32, #tpu.memory_space<vmem>>) offsets(%dma_start3A_427 : memref<80xi32, #tpu.memory_space<vmem>>) semaphore(%arg14 : memref<!tpu.dma_semaphore, #tpu.memory_space<semaphore_mem>>)
    }
    %scan3A_156 = arith.constant 29 : i32
    %dma_wait3A_157 = arith.constant 0 : i32
    %dma_wait3A_158 = arith.constant 0 : i32
    %dma_wait3A_159 = tpu.memref_slice %arg6[%dma_wait3A_157, %dma_wait3A_158] : memref<125x80xi32, #tpu.memory_space<vmem>> -> memref<1x80xi32, #tpu.memory_space<vmem>>
    %dma_wait3A_160 = tpu.memref_squeeze %dma_wait3A_159 : memref<1x80xi32, #tpu.memory_space<vmem>> -> memref<80xi32, #tpu.memory_space<vmem>>
    %dma_wait3A_161 = arith.constant 0 : i32
    %dma_wait3A_162 = arith.constant 0 : i32
    %dma_wait3A_163 = tpu.memref_slice %arg2[%dma_wait3A_161, %dma_wait3A_162] : memref<10000x64xf32, #tpu.memory_space<hbm>> -> memref<10000x64xf32, #tpu.memory_space<hbm>>
    tpu.wait_indirect_dma semaphore(%arg13 : memref<!tpu.dma_semaphore, #tpu.memory_space<semaphore_mem>>) src(%dma_wait3A_163 : memref<10000x64xf32, #tpu.memory_space<hbm>>) dst(%arg8 : memref<80x64xf32, #tpu.memory_space<vmem>>)
    %dma_start3A_164 = arith.constant 120 : i32
    %dma_start3A_165 = arith.constant 0 : i32
    %dma_start3A_166 = tpu.memref_slice %arg7[%dma_start3A_164, %dma_start3A_165] : memref<125x80xi32, #tpu.memory_space<vmem>> -> memref<1x80xi32, #tpu.memory_space<vmem>>
    %dma_start3A_167 = tpu.memref_squeeze %dma_start3A_166 : memref<1x80xi32, #tpu.memory_space<vmem>> -> memref<80xi32, #tpu.memory_space<vmem>>
    %dma_start3A_168 = arith.constant 0 : i32
    %dma_start3A_169 = arith.constant 0 : i32
    %dma_start3A_170 = tpu.memref_slice %arg12[%dma_start3A_168, %dma_start3A_169] : memref<10240x64xf32, #tpu.memory_space<vmem_shared>> -> memref<10240x64xf32, #tpu.memory_space<vmem_shared>>
    tpu.enqueue_indirect_dma source(%arg8 : memref<80x64xf32, #tpu.memory_space<vmem>>) target(%dma_start3A_170 : memref<10240x64xf32, #tpu.memory_space<vmem_shared>>) offsets(%dma_start3A_167 : memref<80xi32, #tpu.memory_space<vmem>>) semaphore(%arg17 : memref<!tpu.dma_semaphore, #tpu.memory_space<semaphore_mem>>) {add = true}
    %dma_wait3A_171 = arith.constant 0 : i32
    %dma_wait3A_172 = arith.constant 0 : i32
    %dma_wait3A_173 = tpu.memref_slice %arg7[%dma_wait3A_171, %dma_wait3A_172] : memref<125x80xi32, #tpu.memory_space<vmem>> -> memref<1x80xi32, #tpu.memory_space<vmem>>
    %dma_wait3A_174 = tpu.memref_squeeze %dma_wait3A_173 : memref<1x80xi32, #tpu.memory_space<vmem>> -> memref<80xi32, #tpu.memory_space<vmem>>
    %dma_wait3A_175 = arith.constant 0 : i32
    %dma_wait3A_176 = arith.constant 0 : i32
    %dma_wait3A_177 = tpu.memref_slice %arg12[%dma_wait3A_175, %dma_wait3A_176] : memref<10240x64xf32, #tpu.memory_space<vmem_shared>> -> memref<10240x64xf32, #tpu.memory_space<vmem_shared>>
    tpu.wait_indirect_dma semaphore(%arg19 : memref<!tpu.dma_semaphore, #tpu.memory_space<semaphore_mem>>) src(%arg10 : memref<80x64xf32, #tpu.memory_space<vmem>>) dst(%dma_wait3A_177 : memref<10240x64xf32, #tpu.memory_space<vmem_shared>>)
    %dma_start3A_178 = arith.constant 122 : i32
    %dma_start3A_179 = arith.constant 0 : i32
    %dma_start3A_180 = tpu.memref_slice %arg6[%dma_start3A_178, %dma_start3A_179] : memref<125x80xi32, #tpu.memory_space<vmem>> -> memref<1x80xi32, #tpu.memory_space<vmem>>
    %dma_start3A_181 = tpu.memref_squeeze %dma_start3A_180 : memref<1x80xi32, #tpu.memory_space<vmem>> -> memref<80xi32, #tpu.memory_space<vmem>>
    %dma_start3A_182 = arith.constant 0 : i32
    %dma_start3A_183 = arith.constant 0 : i32
    %dma_start3A_184 = tpu.memref_slice %arg2[%dma_start3A_182, %dma_start3A_183] : memref<10000x64xf32, #tpu.memory_space<hbm>> -> memref<10000x64xf32, #tpu.memory_space<hbm>>
    tpu.enqueue_indirect_dma source(%dma_start3A_184 : memref<10000x64xf32, #tpu.memory_space<hbm>>) target(%arg10 : memref<80x64xf32, #tpu.memory_space<vmem>>) offsets(%dma_start3A_181 : memref<80xi32, #tpu.memory_space<vmem>>) semaphore(%arg15 : memref<!tpu.dma_semaphore, #tpu.memory_space<semaphore_mem>>)
    %dma_wait3A_185 = arith.constant 0 : i32
    %dma_wait3A_186 = arith.constant 0 : i32
    %dma_wait3A_187 = tpu.memref_slice %arg6[%dma_wait3A_185, %dma_wait3A_186] : memref<125x80xi32, #tpu.memory_space<vmem>> -> memref<1x80xi32, #tpu.memory_space<vmem>>
    %dma_wait3A_188 = tpu.memref_squeeze %dma_wait3A_187 : memref<1x80xi32, #tpu.memory_space<vmem>> -> memref<80xi32, #tpu.memory_space<vmem>>
    %dma_wait3A_189 = arith.constant 0 : i32
    %dma_wait3A_190 = arith.constant 0 : i32
    %dma_wait3A_191 = tpu.memref_slice %arg2[%dma_wait3A_189, %dma_wait3A_190] : memref<10000x64xf32, #tpu.memory_space<hbm>> -> memref<10000x64xf32, #tpu.memory_space<hbm>>
    tpu.wait_indirect_dma semaphore(%arg14 : memref<!tpu.dma_semaphore, #tpu.memory_space<semaphore_mem>>) src(%dma_wait3A_191 : memref<10000x64xf32, #tpu.memory_space<hbm>>) dst(%arg9 : memref<80x64xf32, #tpu.memory_space<vmem>>)
    %dma_start3A_192 = arith.constant 121 : i32
    %dma_start3A_193 = arith.constant 0 : i32
    %dma_start3A_194 = tpu.memref_slice %arg7[%dma_start3A_192, %dma_start3A_193] : memref<125x80xi32, #tpu.memory_space<vmem>> -> memref<1x80xi32, #tpu.memory_space<vmem>>
    %dma_start3A_195 = tpu.memref_squeeze %dma_start3A_194 : memref<1x80xi32, #tpu.memory_space<vmem>> -> memref<80xi32, #tpu.memory_space<vmem>>
    %dma_start3A_196 = arith.constant 0 : i32
    %dma_start3A_197 = arith.constant 0 : i32
    %dma_start3A_198 = tpu.memref_slice %arg12[%dma_start3A_196, %dma_start3A_197] : memref<10240x64xf32, #tpu.memory_space<vmem_shared>> -> memref<10240x64xf32, #tpu.memory_space<vmem_shared>>
    tpu.enqueue_indirect_dma source(%arg9 : memref<80x64xf32, #tpu.memory_space<vmem>>) target(%dma_start3A_198 : memref<10240x64xf32, #tpu.memory_space<vmem_shared>>) offsets(%dma_start3A_195 : memref<80xi32, #tpu.memory_space<vmem>>) semaphore(%arg18 : memref<!tpu.dma_semaphore, #tpu.memory_space<semaphore_mem>>) {add = true}
    %dma_wait3A_199 = arith.constant 0 : i32
    %dma_wait3A_200 = arith.constant 0 : i32
    %dma_wait3A_201 = tpu.memref_slice %arg7[%dma_wait3A_199, %dma_wait3A_200] : memref<125x80xi32, #tpu.memory_space<vmem>> -> memref<1x80xi32, #tpu.memory_space<vmem>>
    %dma_wait3A_202 = tpu.memref_squeeze %dma_wait3A_201 : memref<1x80xi32, #tpu.memory_space<vmem>> -> memref<80xi32, #tpu.memory_space<vmem>>
    %dma_wait3A_203 = arith.constant 0 : i32
    %dma_wait3A_204 = arith.constant 0 : i32
    %dma_wait3A_205 = tpu.memref_slice %arg12[%dma_wait3A_203, %dma_wait3A_204] : memref<10240x64xf32, #tpu.memory_space<vmem_shared>> -> memref<10240x64xf32, #tpu.memory_space<vmem_shared>>
    tpu.wait_indirect_dma semaphore(%arg20 : memref<!tpu.dma_semaphore, #tpu.memory_space<semaphore_mem>>) src(%arg11 : memref<80x64xf32, #tpu.memory_space<vmem>>) dst(%dma_wait3A_205 : memref<10240x64xf32, #tpu.memory_space<vmem_shared>>)
    %dma_start3A_206 = arith.constant 123 : i32
    %dma_start3A_207 = arith.constant 0 : i32
    %dma_start3A_208 = tpu.memref_slice %arg6[%dma_start3A_206, %dma_start3A_207] : memref<125x80xi32, #tpu.memory_space<vmem>> -> memref<1x80xi32, #tpu.memory_space<vmem>>
    %dma_start3A_209 = tpu.memref_squeeze %dma_start3A_208 : memref<1x80xi32, #tpu.memory_space<vmem>> -> memref<80xi32, #tpu.memory_space<vmem>>
    %dma_start3A_210 = arith.constant 0 : i32
    %dma_start3A_211 = arith.constant 0 : i32
    %dma_start3A_212 = tpu.memref_slice %arg2[%dma_start3A_210, %dma_start3A_211] : memref<10000x64xf32, #tpu.memory_space<hbm>> -> memref<10000x64xf32, #tpu.memory_space<hbm>>
    tpu.enqueue_indirect_dma source(%dma_start3A_212 : memref<10000x64xf32, #tpu.memory_space<hbm>>) target(%arg11 : memref<80x64xf32, #tpu.memory_space<vmem>>) offsets(%dma_start3A_209 : memref<80xi32, #tpu.memory_space<vmem>>) semaphore(%arg16 : memref<!tpu.dma_semaphore, #tpu.memory_space<semaphore_mem>>)
    %dma_wait3A_213 = arith.constant 0 : i32
    %dma_wait3A_214 = arith.constant 0 : i32
    %dma_wait3A_215 = tpu.memref_slice %arg6[%dma_wait3A_213, %dma_wait3A_214] : memref<125x80xi32, #tpu.memory_space<vmem>> -> memref<1x80xi32, #tpu.memory_space<vmem>>
    %dma_wait3A_216 = tpu.memref_squeeze %dma_wait3A_215 : memref<1x80xi32, #tpu.memory_space<vmem>> -> memref<80xi32, #tpu.memory_space<vmem>>
    %dma_wait3A_217 = arith.constant 0 : i32
    %dma_wait3A_218 = arith.constant 0 : i32
    %dma_wait3A_219 = tpu.memref_slice %arg2[%dma_wait3A_217, %dma_wait3A_218] : memref<10000x64xf32, #tpu.memory_space<hbm>> -> memref<10000x64xf32, #tpu.memory_space<hbm>>
    tpu.wait_indirect_dma semaphore(%arg15 : memref<!tpu.dma_semaphore, #tpu.memory_space<semaphore_mem>>) src(%dma_wait3A_219 : memref<10000x64xf32, #tpu.memory_space<hbm>>) dst(%arg10 : memref<80x64xf32, #tpu.memory_space<vmem>>)
    %dma_start3A_220 = arith.constant 122 : i32
    %dma_start3A_221 = arith.constant 0 : i32
    %dma_start3A_222 = tpu.memref_slice %arg7[%dma_start3A_220, %dma_start3A_221] : memref<125x80xi32, #tpu.memory_space<vmem>> -> memref<1x80xi32, #tpu.memory_space<vmem>>
    %dma_start3A_223 = tpu.memref_squeeze %dma_start3A_222 : memref<1x80xi32, #tpu.memory_space<vmem>> -> memref<80xi32, #tpu.memory_space<vmem>>
    %dma_start3A_224 = arith.constant 0 : i32
    %dma_start3A_225 = arith.constant 0 : i32
    %dma_start3A_226 = tpu.memref_slice %arg12[%dma_start3A_224, %dma_start3A_225] : memref<10240x64xf32, #tpu.memory_space<vmem_shared>> -> memref<10240x64xf32, #tpu.memory_space<vmem_shared>>
    tpu.enqueue_indirect_dma source(%arg10 : memref<80x64xf32, #tpu.memory_space<vmem>>) target(%dma_start3A_226 : memref<10240x64xf32, #tpu.memory_space<vmem_shared>>) offsets(%dma_start3A_223 : memref<80xi32, #tpu.memory_space<vmem>>) semaphore(%arg19 : memref<!tpu.dma_semaphore, #tpu.memory_space<semaphore_mem>>) {add = true}
    %dma_wait3A_227 = arith.constant 0 : i32
    %dma_wait3A_228 = arith.constant 0 : i32
    %dma_wait3A_229 = tpu.memref_slice %arg7[%dma_wait3A_227, %dma_wait3A_228] : memref<125x80xi32, #tpu.memory_space<vmem>> -> memref<1x80xi32, #tpu.memory_space<vmem>>
    %dma_wait3A_230 = tpu.memref_squeeze %dma_wait3A_229 : memref<1x80xi32, #tpu.memory_space<vmem>> -> memref<80xi32, #tpu.memory_space<vmem>>
    %dma_wait3A_231 = arith.constant 0 : i32
    %dma_wait3A_232 = arith.constant 0 : i32
    %dma_wait3A_233 = tpu.memref_slice %arg12[%dma_wait3A_231, %dma_wait3A_232] : memref<10240x64xf32, #tpu.memory_space<vmem_shared>> -> memref<10240x64xf32, #tpu.memory_space<vmem_shared>>
    tpu.wait_indirect_dma semaphore(%arg17 : memref<!tpu.dma_semaphore, #tpu.memory_space<semaphore_mem>>) src(%arg8 : memref<80x64xf32, #tpu.memory_space<vmem>>) dst(%dma_wait3A_233 : memref<10240x64xf32, #tpu.memory_space<vmem_shared>>)
    %dma_start3A_234 = arith.constant 124 : i32
    %dma_start3A_235 = arith.constant 0 : i32
    %dma_start3A_236 = tpu.memref_slice %arg6[%dma_start3A_234, %dma_start3A_235] : memref<125x80xi32, #tpu.memory_space<vmem>> -> memref<1x80xi32, #tpu.memory_space<vmem>>
    %dma_start3A_237 = tpu.memref_squeeze %dma_start3A_236 : memref<1x80xi32, #tpu.memory_space<vmem>> -> memref<80xi32, #tpu.memory_space<vmem>>
    %dma_start3A_238 = arith.constant 0 : i32
    %dma_start3A_239 = arith.constant 0 : i32
    %dma_start3A_240 = tpu.memref_slice %arg2[%dma_start3A_238, %dma_start3A_239] : memref<10000x64xf32, #tpu.memory_space<hbm>> -> memref<10000x64xf32, #tpu.memory_space<hbm>>
    tpu.enqueue_indirect_dma source(%dma_start3A_240 : memref<10000x64xf32, #tpu.memory_space<hbm>>) target(%arg8 : memref<80x64xf32, #tpu.memory_space<vmem>>) offsets(%dma_start3A_237 : memref<80xi32, #tpu.memory_space<vmem>>) semaphore(%arg13 : memref<!tpu.dma_semaphore, #tpu.memory_space<semaphore_mem>>)
    %dma_wait3A_241 = arith.constant 0 : i32
    %dma_wait3A_242 = arith.constant 0 : i32
    %dma_wait3A_243 = tpu.memref_slice %arg6[%dma_wait3A_241, %dma_wait3A_242] : memref<125x80xi32, #tpu.memory_space<vmem>> -> memref<1x80xi32, #tpu.memory_space<vmem>>
    %dma_wait3A_244 = tpu.memref_squeeze %dma_wait3A_243 : memref<1x80xi32, #tpu.memory_space<vmem>> -> memref<80xi32, #tpu.memory_space<vmem>>
    %dma_wait3A_245 = arith.constant 0 : i32
    %dma_wait3A_246 = arith.constant 0 : i32
    %dma_wait3A_247 = tpu.memref_slice %arg2[%dma_wait3A_245, %dma_wait3A_246] : memref<10000x64xf32, #tpu.memory_space<hbm>> -> memref<10000x64xf32, #tpu.memory_space<hbm>>
    tpu.wait_indirect_dma semaphore(%arg16 : memref<!tpu.dma_semaphore, #tpu.memory_space<semaphore_mem>>) src(%dma_wait3A_247 : memref<10000x64xf32, #tpu.memory_space<hbm>>) dst(%arg11 : memref<80x64xf32, #tpu.memory_space<vmem>>)
    %dma_start3A_248 = arith.constant 123 : i32
    %dma_start3A_249 = arith.constant 0 : i32
    %dma_start3A_250 = tpu.memref_slice %arg7[%dma_start3A_248, %dma_start3A_249] : memref<125x80xi32, #tpu.memory_space<vmem>> -> memref<1x80xi32, #tpu.memory_space<vmem>>
    %dma_start3A_251 = tpu.memref_squeeze %dma_start3A_250 : memref<1x80xi32, #tpu.memory_space<vmem>> -> memref<80xi32, #tpu.memory_space<vmem>>
    %dma_start3A_252 = arith.constant 0 : i32
    %dma_start3A_253 = arith.constant 0 : i32
    %dma_start3A_254 = tpu.memref_slice %arg12[%dma_start3A_252, %dma_start3A_253] : memref<10240x64xf32, #tpu.memory_space<vmem_shared>> -> memref<10240x64xf32, #tpu.memory_space<vmem_shared>>
    tpu.enqueue_indirect_dma source(%arg11 : memref<80x64xf32, #tpu.memory_space<vmem>>) target(%dma_start3A_254 : memref<10240x64xf32, #tpu.memory_space<vmem_shared>>) offsets(%dma_start3A_251 : memref<80xi32, #tpu.memory_space<vmem>>) semaphore(%arg20 : memref<!tpu.dma_semaphore, #tpu.memory_space<semaphore_mem>>) {add = true}
    %dma_wait3A_255 = arith.constant 0 : i32
    %dma_wait3A_256 = arith.constant 0 : i32
    %dma_wait3A_257 = tpu.memref_slice %arg6[%dma_wait3A_255, %dma_wait3A_256] : memref<125x80xi32, #tpu.memory_space<vmem>> -> memref<1x80xi32, #tpu.memory_space<vmem>>
    %dma_wait3A_258 = tpu.memref_squeeze %dma_wait3A_257 : memref<1x80xi32, #tpu.memory_space<vmem>> -> memref<80xi32, #tpu.memory_space<vmem>>
    %dma_wait3A_259 = arith.constant 0 : i32
    %dma_wait3A_260 = arith.constant 0 : i32
    %dma_wait3A_261 = tpu.memref_slice %arg2[%dma_wait3A_259, %dma_wait3A_260] : memref<10000x64xf32, #tpu.memory_space<hbm>> -> memref<10000x64xf32, #tpu.memory_space<hbm>>
    tpu.wait_indirect_dma semaphore(%arg13 : memref<!tpu.dma_semaphore, #tpu.memory_space<semaphore_mem>>) src(%dma_wait3A_261 : memref<10000x64xf32, #tpu.memory_space<hbm>>) dst(%arg8 : memref<80x64xf32, #tpu.memory_space<vmem>>)
    %dma_start3A_262 = arith.constant 124 : i32
    %dma_start3A_263 = arith.constant 0 : i32
    %dma_start3A_264 = tpu.memref_slice %arg7[%dma_start3A_262, %dma_start3A_263] : memref<125x80xi32, #tpu.memory_space<vmem>> -> memref<1x80xi32, #tpu.memory_space<vmem>>
    %dma_start3A_265 = tpu.memref_squeeze %dma_start3A_264 : memref<1x80xi32, #tpu.memory_space<vmem>> -> memref<80xi32, #tpu.memory_space<vmem>>
    %dma_start3A_266 = arith.constant 0 : i32
    %dma_start3A_267 = arith.constant 0 : i32
    %dma_start3A_268 = tpu.memref_slice %arg12[%dma_start3A_266, %dma_start3A_267] : memref<10240x64xf32, #tpu.memory_space<vmem_shared>> -> memref<10240x64xf32, #tpu.memory_space<vmem_shared>>
    tpu.enqueue_indirect_dma source(%arg8 : memref<80x64xf32, #tpu.memory_space<vmem>>) target(%dma_start3A_268 : memref<10240x64xf32, #tpu.memory_space<vmem_shared>>) offsets(%dma_start3A_265 : memref<80xi32, #tpu.memory_space<vmem>>) semaphore(%arg17 : memref<!tpu.dma_semaphore, #tpu.memory_space<semaphore_mem>>) {add = true}
    %dma_wait3A_269 = arith.constant 0 : i32
    %dma_wait3A_270 = arith.constant 0 : i32
    %dma_wait3A_271 = tpu.memref_slice %arg7[%dma_wait3A_269, %dma_wait3A_270] : memref<125x80xi32, #tpu.memory_space<vmem>> -> memref<1x80xi32, #tpu.memory_space<vmem>>
    %dma_wait3A_272 = tpu.memref_squeeze %dma_wait3A_271 : memref<1x80xi32, #tpu.memory_space<vmem>> -> memref<80xi32, #tpu.memory_space<vmem>>
    %dma_wait3A_273 = arith.constant 0 : i32
    %dma_wait3A_274 = arith.constant 0 : i32
    %dma_wait3A_275 = tpu.memref_slice %arg12[%dma_wait3A_273, %dma_wait3A_274] : memref<10240x64xf32, #tpu.memory_space<vmem_shared>> -> memref<10240x64xf32, #tpu.memory_space<vmem_shared>>
    tpu.wait_indirect_dma semaphore(%arg17 : memref<!tpu.dma_semaphore, #tpu.memory_space<semaphore_mem>>) src(%arg8 : memref<80x64xf32, #tpu.memory_space<vmem>>) dst(%dma_wait3A_275 : memref<10240x64xf32, #tpu.memory_space<vmem_shared>>)
    %dma_wait3A_276 = arith.constant 0 : i32
    %dma_wait3A_277 = arith.constant 0 : i32
    %dma_wait3A_278 = tpu.memref_slice %arg7[%dma_wait3A_276, %dma_wait3A_277] : memref<125x80xi32, #tpu.memory_space<vmem>> -> memref<1x80xi32, #tpu.memory_space<vmem>>
    %dma_wait3A_279 = tpu.memref_squeeze %dma_wait3A_278 : memref<1x80xi32, #tpu.memory_space<vmem>> -> memref<80xi32, #tpu.memory_space<vmem>>
    %dma_wait3A_280 = arith.constant 0 : i32
    %dma_wait3A_281 = arith.constant 0 : i32
    %dma_wait3A_282 = tpu.memref_slice %arg12[%dma_wait3A_280, %dma_wait3A_281] : memref<10240x64xf32, #tpu.memory_space<vmem_shared>> -> memref<10240x64xf32, #tpu.memory_space<vmem_shared>>
    tpu.wait_indirect_dma semaphore(%arg18 : memref<!tpu.dma_semaphore, #tpu.memory_space<semaphore_mem>>) src(%arg9 : memref<80x64xf32, #tpu.memory_space<vmem>>) dst(%dma_wait3A_282 : memref<10240x64xf32, #tpu.memory_space<vmem_shared>>)
    %dma_wait3A_283 = arith.constant 0 : i32
    %dma_wait3A_284 = arith.constant 0 : i32
    %dma_wait3A_285 = tpu.memref_slice %arg7[%dma_wait3A_283, %dma_wait3A_284] : memref<125x80xi32, #tpu.memory_space<vmem>> -> memref<1x80xi32, #tpu.memory_space<vmem>>
    %dma_wait3A_286 = tpu.memref_squeeze %dma_wait3A_285 : memref<1x80xi32, #tpu.memory_space<vmem>> -> memref<80xi32, #tpu.memory_space<vmem>>
    %dma_wait3A_287 = arith.constant 0 : i32
    %dma_wait3A_288 = arith.constant 0 : i32
    %dma_wait3A_289 = tpu.memref_slice %arg12[%dma_wait3A_287, %dma_wait3A_288] : memref<10240x64xf32, #tpu.memory_space<vmem_shared>> -> memref<10240x64xf32, #tpu.memory_space<vmem_shared>>
    tpu.wait_indirect_dma semaphore(%arg19 : memref<!tpu.dma_semaphore, #tpu.memory_space<semaphore_mem>>) src(%arg10 : memref<80x64xf32, #tpu.memory_space<vmem>>) dst(%dma_wait3A_289 : memref<10240x64xf32, #tpu.memory_space<vmem_shared>>)
    %dma_wait3A_290 = arith.constant 0 : i32
    %dma_wait3A_291 = arith.constant 0 : i32
    %dma_wait3A_292 = tpu.memref_slice %arg7[%dma_wait3A_290, %dma_wait3A_291] : memref<125x80xi32, #tpu.memory_space<vmem>> -> memref<1x80xi32, #tpu.memory_space<vmem>>
    %dma_wait3A_293 = tpu.memref_squeeze %dma_wait3A_292 : memref<1x80xi32, #tpu.memory_space<vmem>> -> memref<80xi32, #tpu.memory_space<vmem>>
    %dma_wait3A_294 = arith.constant 0 : i32
    %dma_wait3A_295 = arith.constant 0 : i32
    %dma_wait3A_296 = tpu.memref_slice %arg12[%dma_wait3A_294, %dma_wait3A_295] : memref<10240x64xf32, #tpu.memory_space<vmem_shared>> -> memref<10240x64xf32, #tpu.memory_space<vmem_shared>>
    tpu.wait_indirect_dma semaphore(%arg20 : memref<!tpu.dma_semaphore, #tpu.memory_space<semaphore_mem>>) src(%arg11 : memref<80x64xf32, #tpu.memory_space<vmem>>) dst(%dma_wait3A_296 : memref<10240x64xf32, #tpu.memory_space<vmem_shared>>)
    %barrier3A_297 = arith.constant 0 : index
    tpu.barrier barrier_id(%barrier3A_297)
    "tpu.region"() ({
      %run_scoped3A = tpu.sem_alloc : memref<!tpu.dma_semaphore, #tpu.memory_space<semaphore_mem>>
      %dma_start3A_298 = arith.constant 0 : i32
      %dma_start3A_299 = tpu.memref_slice %arg5[%arg0, %mul3A_2, %dma_start3A_298] : memref<2x10240x64xf32, #tpu.memory_space<hbm>> -> memref<1x640x64xf32, #tpu.memory_space<hbm>>
      %dma_start3A_300 = tpu.memref_squeeze %dma_start3A_299 : memref<1x640x64xf32, #tpu.memory_space<hbm>> -> memref<640x64xf32, #tpu.memory_space<hbm>>
      %dma_start3A_301 = arith.constant 0 : i32
      %dma_start3A_302 = tpu.memref_slice %arg12[%mul3A_2, %dma_start3A_301] : memref<10240x64xf32, #tpu.memory_space<vmem_shared>> -> memref<640x64xf32, #tpu.memory_space<vmem_shared>>
      tpu.enqueue_dma source(%dma_start3A_302 : memref<640x64xf32, #tpu.memory_space<vmem_shared>>) target(%dma_start3A_300 : memref<640x64xf32, #tpu.memory_space<hbm>>) target_semaphore(%run_scoped3A : memref<!tpu.dma_semaphore, #tpu.memory_space<semaphore_mem>>)
      %dma_wait3A_303 = arith.constant 0 : i32
      %dma_wait3A_304 = tpu.memref_slice %arg5[%arg0, %mul3A_2, %dma_wait3A_303] : memref<2x10240x64xf32, #tpu.memory_space<hbm>> -> memref<1x640x64xf32, #tpu.memory_space<hbm>>
      %dma_wait3A_305 = tpu.memref_squeeze %dma_wait3A_304 : memref<1x640x64xf32, #tpu.memory_space<hbm>> -> memref<640x64xf32, #tpu.memory_space<hbm>>
      %dma_wait3A_306 = arith.constant 0 : i32
      %dma_wait3A_307 = tpu.memref_slice %arg12[%mul3A_2, %dma_wait3A_306] : memref<10240x64xf32, #tpu.memory_space<vmem_shared>> -> memref<640x64xf32, #tpu.memory_space<vmem_shared>>
      tpu.wait_dma2 semaphore(%run_scoped3A : memref<!tpu.dma_semaphore, #tpu.memory_space<semaphore_mem>>) src(%dma_wait3A_307 : memref<640x64xf32, #tpu.memory_space<vmem_shared>>) dst(%dma_wait3A_305 : memref<640x64xf32, #tpu.memory_space<hbm>>)
      tpu.yield
    }) : () -> ()
    return
  }
}

module attributes {stable_mosaic.version = 14 : i64} {
  func.func @_tc1_body(%arg0: i32, %arg1: memref<2x1000x64xf32, #tpu.memory_space<vmem>>, %arg2: memref<2x1000x16xf32, #tpu.memory_space<vmem>>, %arg3: memref<1000x128xf32, #tpu.memory_space<vmem>>, %arg4: memref<128x128xf32, #tpu.memory_space<vmem>>, %arg5: memref<1x128xf32, #tpu.memory_space<vmem>>, %arg6: memref<128x128xf32, #tpu.memory_space<vmem>>, %arg7: memref<1000x128xf32, #tpu.memory_space<vmem>>) attributes {dimension_semantics = [#tpu.dimension_semantics<arbitrary>], iteration_bounds = array<i64: 10>, scalar_prefetch = 0 : i64, scratch_operands = 0 : i64, tpu.core_type = #tpu.core_type<tc>, window_params = [{transform_indices = @transform_0, window_bounds = array<i64: 2, 1000, 64>}, {transform_indices = @transform_1, window_bounds = array<i64: 2, 1000, 16>}, {transform_indices = @transform_2, window_bounds = array<i64: 1000, 128>}, {pipeline_mode = #tpu.pipeline_mode<synchronous>, transform_indices = @transform_3, window_bounds = array<i64: 128, 128>}, {pipeline_mode = #tpu.pipeline_mode<synchronous>, transform_indices = @transform_4, window_bounds = array<i64: 1, 128>}, {pipeline_mode = #tpu.pipeline_mode<synchronous>, transform_indices = @transform_5, window_bounds = array<i64: 128, 128>}, {transform_indices = @transform_6, window_bounds = array<i64: 1000, 128>}]} {
    %get3A = arith.constant 0 : index
    %get3A_0 = arith.constant 0 : index
    %get3A_1 = arith.constant 0 : index
    %get3A_2 = vector.load %arg1[%get3A, %get3A_0, %get3A_1] : memref<2x1000x64xf32, #tpu.memory_space<vmem>>, vector<1x1000x64xf32>
    %get3A_3 = vector.shape_cast %get3A_2 : vector<1x1000x64xf32> to vector<1000x64xf32>
    %get3A_4 = arith.constant 1 : index
    %get3A_5 = arith.constant 0 : index
    %get3A_6 = arith.constant 0 : index
    %get3A_7 = vector.load %arg1[%get3A_4, %get3A_5, %get3A_6] : memref<2x1000x64xf32, #tpu.memory_space<vmem>>, vector<1x1000x64xf32>
    %get3A_8 = vector.shape_cast %get3A_7 : vector<1x1000x64xf32> to vector<1000x64xf32>
    %concatenate3A = tpu.concatenate %get3A_3, %get3A_8 in 1 : vector<1000x64xf32>, vector<1000x64xf32> -> vector<1000x128xf32>
    %get3A_9 = arith.constant 0 : index
    %get3A_10 = arith.constant 0 : index
    %get3A_11 = arith.constant 0 : index
    %get3A_12 = vector.load %arg2[%get3A_9, %get3A_10, %get3A_11] : memref<2x1000x16xf32, #tpu.memory_space<vmem>>, vector<1x1000x1xf32>
    %get3A_13 = vector.shape_cast %get3A_12 : vector<1x1000x1xf32> to vector<1000x1xf32>
    %max3A = arith.constant 1.000000e+00 : f32
    %max3A_14 = vector.broadcast %max3A : f32 to vector<1000x1xf32>
    %max3A_15 = arith.maximumf %get3A_13, %max3A_14 : vector<1000x1xf32>
    %div3A = arith.constant 1.000000e+00 : f32
    %div3A_16 = vector.broadcast %div3A : f32 to vector<1000x1xf32>
    %div3A_17 = arith.divf %div3A_16, %max3A_15 : vector<1000x1xf32>
    %mul3A = vector.broadcast %div3A_17 : vector<1000x1xf32> to vector<1000x128xf32>
    %mul3A_18 = arith.mulf %concatenate3A, %mul3A : vector<1000x128xf32>
    %get3A_19 = arith.constant 0 : index
    %get3A_20 = arith.constant 0 : index
    %get3A_21 = vector.load %arg4[%get3A_19, %get3A_20] : memref<128x128xf32, #tpu.memory_space<vmem>>, vector<128x128xf32>
    %dot_general3A = arith.constant dense<0.000000e+00> : vector<1000x128xf32>
    %dot_general3A_22 = tpu.matmul %mul3A_18, %get3A_21, %dot_general3A {dimension_numbers = #tpu.dot_dimension_numbers<[1], [1], [0], [0], [0, 0, 1, 0], [], []>, transpose_lhs_hint = false} : vector<1000x128xf32>, vector<128x128xf32>, vector<1000x128xf32> -> vector<1000x128xf32>
    %get3A_23 = arith.constant 0 : index
    %get3A_24 = arith.constant 0 : index
    %get3A_25 = vector.load %arg5[%get3A_23, %get3A_24] : memref<1x128xf32, #tpu.memory_space<vmem>>, vector<1x128xf32>
    %add3A = vector.broadcast %get3A_25 : vector<1x128xf32> to vector<1000x128xf32>
    %add3A_26 = arith.addf %dot_general3A_22, %add3A : vector<1000x128xf32>
    %get3A_27 = arith.constant 0 : index
    %get3A_28 = arith.constant 0 : index
    %get3A_29 = vector.load %arg3[%get3A_27, %get3A_28] : memref<1000x128xf32, #tpu.memory_space<vmem>>, vector<1000x128xf32>
    %get3A_30 = arith.constant 0 : index
    %get3A_31 = arith.constant 0 : index
    %get3A_32 = vector.load %arg6[%get3A_30, %get3A_31] : memref<128x128xf32, #tpu.memory_space<vmem>>, vector<128x128xf32>
    %dot_general3A_33 = arith.constant dense<0.000000e+00> : vector<1000x128xf32>
    %dot_general3A_34 = tpu.matmul %get3A_29, %get3A_32, %dot_general3A_33 {dimension_numbers = #tpu.dot_dimension_numbers<[1], [1], [0], [0], [0, 0, 1, 0], [], []>, transpose_lhs_hint = false} : vector<1000x128xf32>, vector<128x128xf32>, vector<1000x128xf32> -> vector<1000x128xf32>
    %add3A_35 = arith.addf %add3A_26, %dot_general3A_34 : vector<1000x128xf32>
    %max3A_36 = arith.constant 0.000000e+00 : f32
    %max3A_37 = vector.broadcast %max3A_36 : f32 to vector<1000x128xf32>
    %max3A_38 = arith.maximumf %add3A_35, %max3A_37 : vector<1000x128xf32>
    %swap3A = arith.constant 0 : index
    %swap3A_39 = arith.constant 0 : index
    %swap3A_40 = vector.load %arg7[%swap3A, %swap3A_39] : memref<1000x128xf32, #tpu.memory_space<vmem>>, vector<1000x128xf32>
    tpu.vector_store %arg7[%swap3A, %swap3A_39], %max3A_38 {strides = array<i32>} : memref<1000x128xf32, #tpu.memory_space<vmem>>, vector<1000x128xf32>,
    return
  }
  func.func @transform_0(%arg0: i32) -> (i32, i32, i32) {
    %c0_i32 = arith.constant 0 : i32
    %c0_i32_0 = arith.constant 0 : i32
    %c0_i32_1 = arith.constant 0 : i32
    return %c0_i32, %arg0, %c0_i32_0 : i32, i32, i32
  }
  func.func @transform_1(%arg0: i32) -> (i32, i32, i32) {
    %c0_i32 = arith.constant 0 : i32
    %c0_i32_0 = arith.constant 0 : i32
    %c0_i32_1 = arith.constant 0 : i32
    return %c0_i32, %arg0, %c0_i32_0 : i32, i32, i32
  }
  func.func @transform_2(%arg0: i32) -> (i32, i32) {
    %c0_i32 = arith.constant 0 : i32
    %c0_i32_0 = arith.constant 0 : i32
    return %arg0, %c0_i32 : i32, i32
  }
  func.func @transform_3(%arg0: i32) -> (i32, i32) {
    %c0_i32 = arith.constant 0 : i32
    %c0_i32_0 = arith.constant 0 : i32
    %c0_i32_1 = arith.constant 0 : i32
    return %c0_i32, %c0_i32_0 : i32, i32
  }
  func.func @transform_4(%arg0: i32) -> (i32, i32) {
    %c0_i32 = arith.constant 0 : i32
    %c0_i32_0 = arith.constant 0 : i32
    %c0_i32_1 = arith.constant 0 : i32
    return %c0_i32, %c0_i32_0 : i32, i32
  }
  func.func @transform_5(%arg0: i32) -> (i32, i32) {
    %c0_i32 = arith.constant 0 : i32
    %c0_i32_0 = arith.constant 0 : i32
    %c0_i32_1 = arith.constant 0 : i32
    return %c0_i32, %c0_i32_0 : i32, i32
  }
  func.func @transform_6(%arg0: i32) -> (i32, i32) {
    %c0_i32 = arith.constant 0 : i32
    %c0_i32_0 = arith.constant 0 : i32
    return %arg0, %c0_i32 : i32, i32
  }
}

module attributes {stable_mosaic.version = 14 : i64} {
  func.func @_tc2_body(%arg0: i32, %arg1: memref<2x1000x64xf32, #tpu.memory_space<vmem>>, %arg2: memref<2x1000x16xf32, #tpu.memory_space<vmem>>, %arg3: memref<1000x128xf32, #tpu.memory_space<vmem>>, %arg4: memref<256x128xf32, #tpu.memory_space<vmem>>, %arg5: memref<1x256xf32, #tpu.memory_space<vmem>>, %arg6: memref<256x128xf32, #tpu.memory_space<vmem>>, %arg7: memref<64x256xf32, #tpu.memory_space<vmem>>, %arg8: memref<1000x256xf32, #tpu.memory_space<vmem>>, %arg9: memref<1000x64xf32, #tpu.memory_space<vmem>>) attributes {dimension_semantics = [#tpu.dimension_semantics<arbitrary>], iteration_bounds = array<i64: 10>, scalar_prefetch = 0 : i64, scratch_operands = 0 : i64, tpu.core_type = #tpu.core_type<tc>, window_params = [{transform_indices = @transform_0, window_bounds = array<i64: 2, 1000, 64>}, {transform_indices = @transform_1, window_bounds = array<i64: 2, 1000, 16>}, {transform_indices = @transform_2, window_bounds = array<i64: 1000, 128>}, {pipeline_mode = #tpu.pipeline_mode<synchronous>, transform_indices = @transform_3, window_bounds = array<i64: 256, 128>}, {pipeline_mode = #tpu.pipeline_mode<synchronous>, transform_indices = @transform_4, window_bounds = array<i64: 1, 256>}, {pipeline_mode = #tpu.pipeline_mode<synchronous>, transform_indices = @transform_5, window_bounds = array<i64: 256, 128>}, {pipeline_mode = #tpu.pipeline_mode<synchronous>, transform_indices = @transform_6, window_bounds = array<i64: 64, 256>}, {transform_indices = @transform_7, window_bounds = array<i64: 1000, 256>}, {transform_indices = @transform_8, window_bounds = array<i64: 1000, 64>}]} {
    %get3A = arith.constant 0 : index
    %get3A_0 = arith.constant 0 : index
    %get3A_1 = arith.constant 0 : index
    %get3A_2 = vector.load %arg1[%get3A, %get3A_0, %get3A_1] : memref<2x1000x64xf32, #tpu.memory_space<vmem>>, vector<1x1000x64xf32>
    %get3A_3 = vector.shape_cast %get3A_2 : vector<1x1000x64xf32> to vector<1000x64xf32>
    %get3A_4 = arith.constant 1 : index
    %get3A_5 = arith.constant 0 : index
    %get3A_6 = arith.constant 0 : index
    %get3A_7 = vector.load %arg1[%get3A_4, %get3A_5, %get3A_6] : memref<2x1000x64xf32, #tpu.memory_space<vmem>>, vector<1x1000x64xf32>
    %get3A_8 = vector.shape_cast %get3A_7 : vector<1x1000x64xf32> to vector<1000x64xf32>
    %concatenate3A = tpu.concatenate %get3A_3, %get3A_8 in 1 : vector<1000x64xf32>, vector<1000x64xf32> -> vector<1000x128xf32>
    %get3A_9 = arith.constant 0 : index
    %get3A_10 = arith.constant 0 : index
    %get3A_11 = arith.constant 0 : index
    %get3A_12 = vector.load %arg2[%get3A_9, %get3A_10, %get3A_11] : memref<2x1000x16xf32, #tpu.memory_space<vmem>>, vector<1x1000x1xf32>
    %get3A_13 = vector.shape_cast %get3A_12 : vector<1x1000x1xf32> to vector<1000x1xf32>
    %max3A = arith.constant 1.000000e+00 : f32
    %max3A_14 = vector.broadcast %max3A : f32 to vector<1000x1xf32>
    %max3A_15 = arith.maximumf %get3A_13, %max3A_14 : vector<1000x1xf32>
    %div3A = arith.constant 1.000000e+00 : f32
    %div3A_16 = vector.broadcast %div3A : f32 to vector<1000x1xf32>
    %div3A_17 = arith.divf %div3A_16, %max3A_15 : vector<1000x1xf32>
    %mul3A = vector.broadcast %div3A_17 : vector<1000x1xf32> to vector<1000x128xf32>
    %mul3A_18 = arith.mulf %concatenate3A, %mul3A : vector<1000x128xf32>
    %get3A_19 = arith.constant 0 : index
    %get3A_20 = arith.constant 0 : index
    %get3A_21 = vector.load %arg4[%get3A_19, %get3A_20] : memref<256x128xf32, #tpu.memory_space<vmem>>, vector<256x128xf32>
    %dot_general3A = arith.constant dense<0.000000e+00> : vector<1000x256xf32>
    %dot_general3A_22 = tpu.matmul %mul3A_18, %get3A_21, %dot_general3A {dimension_numbers = #tpu.dot_dimension_numbers<[1], [1], [0], [0], [0, 0, 1, 0], [], []>, transpose_lhs_hint = false} : vector<1000x128xf32>, vector<256x128xf32>, vector<1000x256xf32> -> vector<1000x256xf32>
    %get3A_23 = arith.constant 0 : index
    %get3A_24 = arith.constant 0 : index
    %get3A_25 = vector.load %arg5[%get3A_23, %get3A_24] : memref<1x256xf32, #tpu.memory_space<vmem>>, vector<1x256xf32>
    %add3A = vector.broadcast %get3A_25 : vector<1x256xf32> to vector<1000x256xf32>
    %add3A_26 = arith.addf %dot_general3A_22, %add3A : vector<1000x256xf32>
    %get3A_27 = arith.constant 0 : index
    %get3A_28 = arith.constant 0 : index
    %get3A_29 = vector.load %arg3[%get3A_27, %get3A_28] : memref<1000x128xf32, #tpu.memory_space<vmem>>, vector<1000x128xf32>
    %get3A_30 = arith.constant 0 : index
    %get3A_31 = arith.constant 0 : index
    %get3A_32 = vector.load %arg6[%get3A_30, %get3A_31] : memref<256x128xf32, #tpu.memory_space<vmem>>, vector<256x128xf32>
    %dot_general3A_33 = arith.constant dense<0.000000e+00> : vector<1000x256xf32>
    %dot_general3A_34 = tpu.matmul %get3A_29, %get3A_32, %dot_general3A_33 {dimension_numbers = #tpu.dot_dimension_numbers<[1], [1], [0], [0], [0, 0, 1, 0], [], []>, transpose_lhs_hint = false} : vector<1000x128xf32>, vector<256x128xf32>, vector<1000x256xf32> -> vector<1000x256xf32>
    %add3A_35 = arith.addf %add3A_26, %dot_general3A_34 : vector<1000x256xf32>
    %max3A_36 = arith.constant 0.000000e+00 : f32
    %max3A_37 = vector.broadcast %max3A_36 : f32 to vector<1000x256xf32>
    %max3A_38 = arith.maximumf %add3A_35, %max3A_37 : vector<1000x256xf32>
    %swap3A = arith.constant 0 : index
    %swap3A_39 = arith.constant 0 : index
    %swap3A_40 = vector.load %arg8[%swap3A, %swap3A_39] : memref<1000x256xf32, #tpu.memory_space<vmem>>, vector<1000x256xf32>
    tpu.vector_store %arg8[%swap3A, %swap3A_39], %max3A_38 {strides = array<i32>} : memref<1000x256xf32, #tpu.memory_space<vmem>>, vector<1000x256xf32>,
    %get3A_41 = arith.constant 0 : index
    %get3A_42 = arith.constant 0 : index
    %get3A_43 = vector.load %arg7[%get3A_41, %get3A_42] : memref<64x256xf32, #tpu.memory_space<vmem>>, vector<64x256xf32>
    %dot_general3A_44 = arith.constant dense<0.000000e+00> : vector<1000x64xf32>
    %dot_general3A_45 = tpu.matmul %max3A_38, %get3A_43, %dot_general3A_44 {dimension_numbers = #tpu.dot_dimension_numbers<[1], [1], [0], [0], [0, 0, 1, 0], [], []>, transpose_lhs_hint = false} : vector<1000x256xf32>, vector<64x256xf32>, vector<1000x64xf32> -> vector<1000x64xf32>
    %swap3A_46 = arith.constant 0 : index
    %swap3A_47 = arith.constant 0 : index
    %swap3A_48 = vector.load %arg9[%swap3A_46, %swap3A_47] : memref<1000x64xf32, #tpu.memory_space<vmem>>, vector<1000x64xf32>
    tpu.vector_store %arg9[%swap3A_46, %swap3A_47], %dot_general3A_45 {strides = array<i32>} : memref<1000x64xf32, #tpu.memory_space<vmem>>, vector<1000x64xf32>,
    return
  }
  func.func @transform_0(%arg0: i32) -> (i32, i32, i32) {
    %c0_i32 = arith.constant 0 : i32
    %c0_i32_0 = arith.constant 0 : i32
    %c0_i32_1 = arith.constant 0 : i32
    return %c0_i32, %arg0, %c0_i32_0 : i32, i32, i32
  }
  func.func @transform_1(%arg0: i32) -> (i32, i32, i32) {
    %c0_i32 = arith.constant 0 : i32
    %c0_i32_0 = arith.constant 0 : i32
    %c0_i32_1 = arith.constant 0 : i32
    return %c0_i32, %arg0, %c0_i32_0 : i32, i32, i32
  }
  func.func @transform_2(%arg0: i32) -> (i32, i32) {
    %c0_i32 = arith.constant 0 : i32
    %c0_i32_0 = arith.constant 0 : i32
    return %arg0, %c0_i32 : i32, i32
  }
  func.func @transform_3(%arg0: i32) -> (i32, i32) {
    %c0_i32 = arith.constant 0 : i32
    %c0_i32_0 = arith.constant 0 : i32
    %c0_i32_1 = arith.constant 0 : i32
    return %c0_i32, %c0_i32_0 : i32, i32
  }
  func.func @transform_4(%arg0: i32) -> (i32, i32) {
    %c0_i32 = arith.constant 0 : i32
    %c0_i32_0 = arith.constant 0 : i32
    %c0_i32_1 = arith.constant 0 : i32
    return %c0_i32, %c0_i32_0 : i32, i32
  }
  func.func @transform_5(%arg0: i32) -> (i32, i32) {
    %c0_i32 = arith.constant 0 : i32
    %c0_i32_0 = arith.constant 0 : i32
    %c0_i32_1 = arith.constant 0 : i32
    return %c0_i32, %c0_i32_0 : i32, i32
  }
  func.func @transform_6(%arg0: i32) -> (i32, i32) {
    %c0_i32 = arith.constant 0 : i32
    %c0_i32_0 = arith.constant 0 : i32
    %c0_i32_1 = arith.constant 0 : i32
    return %c0_i32, %c0_i32_0 : i32, i32
  }
  func.func @transform_7(%arg0: i32) -> (i32, i32) {
    %c0_i32 = arith.constant 0 : i32
    %c0_i32_0 = arith.constant 0 : i32
    return %arg0, %c0_i32 : i32, i32
  }
  func.func @transform_8(%arg0: i32) -> (i32, i32) {
    %c0_i32 = arith.constant 0 : i32
    %c0_i32_0 = arith.constant 0 : i32
    return %arg0, %c0_i32 : i32, i32
  }
}

module attributes {stable_mosaic.version = 14 : i64} {
  func.func @_tc3_body(%arg0: i32, %arg1: memref<2x1000x64xf32, #tpu.memory_space<vmem>>, %arg2: memref<2x1000x16xf32, #tpu.memory_space<vmem>>, %arg3: memref<1000x256xf32, #tpu.memory_space<vmem>>, %arg4: memref<64x256xf32, #tpu.memory_space<vmem>>, %arg5: memref<1x64xf32, #tpu.memory_space<vmem>>, %arg6: memref<1000x64xf32, #tpu.memory_space<vmem>>) attributes {dimension_semantics = [#tpu.dimension_semantics<arbitrary>], iteration_bounds = array<i64: 10>, scalar_prefetch = 0 : i64, scratch_operands = 0 : i64, tpu.core_type = #tpu.core_type<tc>, window_params = [{transform_indices = @transform_0, window_bounds = array<i64: 2, 1000, 64>}, {transform_indices = @transform_1, window_bounds = array<i64: 2, 1000, 16>}, {transform_indices = @transform_2, window_bounds = array<i64: 1000, 256>}, {pipeline_mode = #tpu.pipeline_mode<synchronous>, transform_indices = @transform_3, window_bounds = array<i64: 64, 256>}, {pipeline_mode = #tpu.pipeline_mode<synchronous>, transform_indices = @transform_4, window_bounds = array<i64: 1, 64>}, {transform_indices = @transform_5, window_bounds = array<i64: 1000, 64>}]} {
    %get3A = arith.constant 0 : index
    %get3A_0 = arith.constant 0 : index
    %get3A_1 = arith.constant 0 : index
    %get3A_2 = vector.load %arg1[%get3A, %get3A_0, %get3A_1] : memref<2x1000x64xf32, #tpu.memory_space<vmem>>, vector<1x1000x64xf32>
    %get3A_3 = vector.shape_cast %get3A_2 : vector<1x1000x64xf32> to vector<1000x64xf32>
    %get3A_4 = arith.constant 1 : index
    %get3A_5 = arith.constant 0 : index
    %get3A_6 = arith.constant 0 : index
    %get3A_7 = vector.load %arg1[%get3A_4, %get3A_5, %get3A_6] : memref<2x1000x64xf32, #tpu.memory_space<vmem>>, vector<1x1000x64xf32>
    %get3A_8 = vector.shape_cast %get3A_7 : vector<1x1000x64xf32> to vector<1000x64xf32>
    %add3A = arith.addf %get3A_3, %get3A_8 : vector<1000x64xf32>
    %get3A_9 = arith.constant 0 : index
    %get3A_10 = arith.constant 0 : index
    %get3A_11 = arith.constant 0 : index
    %get3A_12 = vector.load %arg2[%get3A_9, %get3A_10, %get3A_11] : memref<2x1000x16xf32, #tpu.memory_space<vmem>>, vector<1x1000x1xf32>
    %get3A_13 = vector.shape_cast %get3A_12 : vector<1x1000x1xf32> to vector<1000x1xf32>
    %max3A = arith.constant 1.000000e+00 : f32
    %max3A_14 = vector.broadcast %max3A : f32 to vector<1000x1xf32>
    %max3A_15 = arith.maximumf %get3A_13, %max3A_14 : vector<1000x1xf32>
    %div3A = arith.constant 1.000000e+00 : f32
    %div3A_16 = vector.broadcast %div3A : f32 to vector<1000x1xf32>
    %div3A_17 = arith.divf %div3A_16, %max3A_15 : vector<1000x1xf32>
    %mul3A = vector.broadcast %div3A_17 : vector<1000x1xf32> to vector<1000x64xf32>
    %mul3A_18 = arith.mulf %add3A, %mul3A : vector<1000x64xf32>
    %get3A_19 = arith.constant 0 : index
    %get3A_20 = arith.constant 0 : index
    %get3A_21 = vector.load %arg5[%get3A_19, %get3A_20] : memref<1x64xf32, #tpu.memory_space<vmem>>, vector<1x64xf32>
    %add3A_22 = vector.broadcast %get3A_21 : vector<1x64xf32> to vector<1000x64xf32>
    %add3A_23 = arith.addf %mul3A_18, %add3A_22 : vector<1000x64xf32>
    %get3A_24 = arith.constant 0 : index
    %get3A_25 = arith.constant 0 : index
    %get3A_26 = vector.load %arg3[%get3A_24, %get3A_25] : memref<1000x256xf32, #tpu.memory_space<vmem>>, vector<1000x256xf32>
    %get3A_27 = arith.constant 0 : index
    %get3A_28 = arith.constant 0 : index
    %get3A_29 = vector.load %arg4[%get3A_27, %get3A_28] : memref<64x256xf32, #tpu.memory_space<vmem>>, vector<64x256xf32>
    %dot_general3A = arith.constant dense<0.000000e+00> : vector<1000x64xf32>
    %dot_general3A_30 = tpu.matmul %get3A_26, %get3A_29, %dot_general3A {dimension_numbers = #tpu.dot_dimension_numbers<[1], [1], [0], [0], [0, 0, 1, 0], [], []>, transpose_lhs_hint = false} : vector<1000x256xf32>, vector<64x256xf32>, vector<1000x64xf32> -> vector<1000x64xf32>
    %add3A_31 = arith.addf %add3A_23, %dot_general3A_30 : vector<1000x64xf32>
    %swap3A = arith.constant 0 : index
    %swap3A_32 = arith.constant 0 : index
    %swap3A_33 = vector.load %arg6[%swap3A, %swap3A_32] : memref<1000x64xf32, #tpu.memory_space<vmem>>, vector<1000x64xf32>
    tpu.vector_store %arg6[%swap3A, %swap3A_32], %add3A_31 {strides = array<i32>} : memref<1000x64xf32, #tpu.memory_space<vmem>>, vector<1000x64xf32>,
    return
  }
  func.func @transform_0(%arg0: i32) -> (i32, i32, i32) {
    %c0_i32 = arith.constant 0 : i32
    %c0_i32_0 = arith.constant 0 : i32
    %c0_i32_1 = arith.constant 0 : i32
    return %c0_i32, %arg0, %c0_i32_0 : i32, i32, i32
  }
  func.func @transform_1(%arg0: i32) -> (i32, i32, i32) {
    %c0_i32 = arith.constant 0 : i32
    %c0_i32_0 = arith.constant 0 : i32
    %c0_i32_1 = arith.constant 0 : i32
    return %c0_i32, %arg0, %c0_i32_0 : i32, i32, i32
  }
  func.func @transform_2(%arg0: i32) -> (i32, i32) {
    %c0_i32 = arith.constant 0 : i32
    %c0_i32_0 = arith.constant 0 : i32
    return %arg0, %c0_i32 : i32, i32
  }
  func.func @transform_3(%arg0: i32) -> (i32, i32) {
    %c0_i32 = arith.constant 0 : i32
    %c0_i32_0 = arith.constant 0 : i32
    %c0_i32_1 = arith.constant 0 : i32
    return %c0_i32, %c0_i32_0 : i32, i32
  }
  func.func @transform_4(%arg0: i32) -> (i32, i32) {
    %c0_i32 = arith.constant 0 : i32
    %c0_i32_0 = arith.constant 0 : i32
    %c0_i32_1 = arith.constant 0 : i32
    return %c0_i32, %c0_i32_0 : i32, i32
  }
  func.func @transform_5(%arg0: i32) -> (i32, i32) {
    %c0_i32 = arith.constant 0 : i32
    %c0_i32_0 = arith.constant 0 : i32
    return %arg0, %c0_i32 : i32, i32
  }
}

</mosaic_0001>

<sc_bundles>
// kernel: seg_colsplit.3.cloned.1.call-start
scs
__scs_entry_jumppad:
0x0: {  	(pc) =	sbr.rel $0x88, $3  }
0x1: {  	(tag) =	ssettag $0x0;
	lr =	simm.s32 $0x1  }
0x2: {  	[smem:$0x3F96] =	sst lr;
	_ =	strace $0xD0000000  }
0x3: {  	_ = 	snop  }
0x4: {  	_ = 	snop  }
0x5: {  	_ = 	snop  }
0x6: {  	_ = 	snop  }
0x7: {  	_ = 	snop  }
__scs_overlays_trampoline_lowered:
0x8: {  	[smem:$0x3FA5] =	sst s0  }
0x9: {  	[smem:$0x3FA6] =	sst s1  }
0xa: {  	[smem:$0x3FA7] =	sst s2  }
0xb: {  	[smem:$0x3FA8] =	sst s3  }
0xc: {  	[smem:$0x3FA9] =	sst s4  }
0xd: {  	[smem:$0x3FAA] =	sst s5  }
0xe: {  	[smem:$0x3FAB] =	sst s6  }
0xf: {  	[smem:$0x3FAC] =	sst s7  }
0x10: {  	[smem:$0x3FAD] =	sst s8  }
0x11: {  	[smem:$0x3FAE] =	sst s9;
	s0 =	simm.s32 @!p0 $0x0  }
0x12: {  	s1 =	sld [smem:$0x3F94];
	s0 =	simm.s32 @p0 $0x1  }
0x13: {  	[smem:$0x3FAF] =	sst s0;
	s0 =	simm.s32 @!p1 $0x0  }
0x14: {  	s2 =	sld [smem:$0x3F93];
	s0 =	simm.s32 @p1 $0x1  }
0x15: {  	[smem:$0x3FB0] =	sst s0;
	s0 =	simm.s32 @!p2 $0x0  }
0x16: {  	s3 =	sld [smem:$0x3FDB];
	s0 =	simm.s32 @p2 $0x1  }
0x17: {  	s4 =	simm.s32 $0x1BF5;
	[smem:$0x3FB2] =	sst s0  }
0x18: {  	s0 =	sld [smem:$0x3F95];
	_ =	swait.ge [sflag:s4], $0x0  }
0x19: {  	s7 =	sld [smem:$0x3F96]  }
0x1a: {  	s8 =	sadd.s32 $0xFFFFE003, lr  }
0x1b: {  	s9 =	sadd.s32 $0xFFFFFEF7, lr;
	s5 =	simm.s32 $0xFFFFFFFF;
	p2 =	slt.u32 s8, $0xFFFFF086  }
0x1c: {  	p1 =	slt.u32 s9, $0xF7A;
	s5 =	simm.s32 @!p2 $0x0  }
0x1d: {  	s5 =	simm.s32 @p1 $0x1;
	p0 =	seq.s32 s7, s2  }
0x1e: {  	s7 =	smul.u32 @!p0 $0xF7A, s2;
	p2 =	seq.s32 @!p0 s5, $0x0  }
0x1f: {  	s9 =	smul.u32 $0xF7A, s1;
	s8 =	simm.s32 @!p0 $0x1BF5;
	p2 =	por !p2, p0  }
0x20: {  	[sflag:s8] =	ssyncset.s32 @!p0 $0xFFFFF086;
	s6 =	sadd.s32 @!p0 s3, s7;
	s7 =	simm.s32 @!p0 $0x108  }
0x21: {  	s3 =	sadd.s32 s3, s9;
	s6 =	sadd.s32 @!p0 $0x88, s6;
	s7 =	simm.s32 @p2 $0x1082  }
0x22: {  	[simem:s7], [sflag:s8] =	dma.local @!p0 [hbm:s6], $0xF7A  }
0x23: {  	s9 =	sor.u32 $0xD0000000, s2;
	s6 =	simm.s32 $0x108;
	_ =	swait.ge @!p0 [sflag:s8], $0x0  }
0x24: {  	s3 =	sadd.s32 $0x88, s3;
	s6 =	simm.s32 @!p1 $0x1082;
	[sflag:s4] =	ssyncset.s32 $0xFFFFF086  }
0x25: {  	[simem:s6], [sflag:s4] =	dma.local [hbm:s3], $0xF7A  }
0x26: {  	[smem:$0x3F96] =	sst s1;
	(tag) =	ssettag s2;
	_ =	strace s9  }
0x27: {  	s1 =	sld [smem:$0x3FA6]  }
0x28: {  	s2 =	sld [smem:$0x3FA7]  }
0x29: {  	s4 =	sld [smem:$0x3FA9]  }
0x2a: {  	p0 =	seq.s32 s5, $0x0;
	s5 =	sld [smem:$0x3FAA]  }
0x2b: {  	s6 =	sld [smem:$0x3FAB]  }
0x2c: {  	s7 =	sld [smem:$0x3FAC]  }
0x2d: {  	s3 =	simm.s32 $0x108;
	s8 =	sld [smem:$0x3FAD]  }
0x2e: {  	s3 =	simm.s32 @!p0 $0x1082;
	s9 =	sld [smem:$0x3FAE]  }
0x2f: {  	lr =	sadd.s32 s0, s3;
	s0 =	sld [smem:$0x3FA5]  }
0x30: {  	s3 =	sld [smem:$0x3FA8]  }
0x31: {  	[smem:$0x3FB1] =	sst s10  }
0x32: {  	s10 =	sld [smem:$0x3FAF];
	_ =	sdelay $0x3  }
0x33: {  	p0 =	seq.s32 s10, $0x1;
	s10 =	sld [smem:$0x3FB1];
	_ =	sdelay $0x3  }
0x34: {  	[smem:$0x3FB1] =	sst s10  }
0x35: {  	s10 =	sld [smem:$0x3FB0];
	_ =	sdelay $0x3  }
0x36: {  	p1 =	seq.s32 s10, $0x1;
	s10 =	sld [smem:$0x3FB1];
	_ =	sdelay $0x3  }
0x37: {  	[smem:$0x3FB1] =	sst s10  }
0x38: {  	s10 =	sld [smem:$0x3FB2]  }
0x39: {  	_ = 	snop;
	(pc) =	sbr.ind lr, $3  }
0x3a: {  	_ = 	snop  }
0x3b: {  	_ = 	snop  }
0x3c: {  	p2 =	seq.s32 s10, $0x1;
	s10 =	sld [smem:$0x3FB1]  }
0x3d: {  	_ =	shalt  }
0x3e: {  	_ =	shalt  }
0x3f: {  	_ =	shalt  }
0x40: {  	_ =	shalt  }
0x41: {  	_ =	shalt  }
0x42: {  	_ =	shalt  }
0x43: {  	_ =	shalt  }
0x44: {  	_ =	shalt  }
0x45: {  	_ =	shalt  }
0x46: {  	_ =	shalt  }
0x47: {  	_ =	shalt  }
0x48: {  	_ =	shalt  }
0x49: {  	_ =	shalt  }
0x4a: {  	_ =	shalt  }
0x4b: {  	_ =	shalt  }
0x4c: {  	_ =	shalt  }
0x4d: {  	_ =	shalt  }
0x4e: {  	_ =	shalt  }
0x4f: {  	_ =	shalt  }
0x50: {  	_ =	shalt  }
0x51: {  	_ =	shalt  }
0x52: {  	_ =	shalt  }
0x53: {  	_ =	shalt  }
0x54: {  	_ =	shalt  }
0x55: {  	_ =	shalt  }
0x56: {  	_ =	shalt  }
0x57: {  	_ =	shalt  }
0x58: {  	_ =	shalt  }
0x59: {  	_ =	shalt  }
0x5a: {  	_ =	shalt  }
0x5b: {  	_ =	shalt  }
0x5c: {  	_ =	shalt  }
0x5d: {  	_ =	shalt  }
0x5e: {  	_ =	shalt  }
0x5f: {  	_ =	shalt  }
0x60: {  	_ =	shalt  }
0x61: {  	_ =	shalt  }
0x62: {  	_ =	shalt  }
0x63: {  	_ =	shalt  }
0x64: {  	_ =	shalt  }
0x65: {  	_ =	shalt  }
0x66: {  	_ =	shalt  }
0x67: {  	_ =	shalt  }
0x68: {  	_ =	shalt  }
0x69: {  	_ =	shalt  }
0x6a: {  	_ =	shalt  }
0x6b: {  	_ =	shalt  }
0x6c: {  	_ =	shalt  }
0x6d: {  	_ =	shalt  }
0x6e: {  	_ =	shalt  }
0x6f: {  	_ =	shalt  }
0x70: {  	_ =	shalt  }
0x71: {  	_ =	shalt  }
0x72: {  	_ =	shalt  }
0x73: {  	_ =	shalt  }
0x74: {  	_ =	shalt  }
0x75: {  	_ =	shalt  }
0x76: {  	_ =	shalt  }
0x77: {  	_ =	shalt  }
0x78: {  	_ =	shalt  }
0x79: {  	_ =	shalt  }
0x7a: {  	_ =	shalt  }
0x7b: {  	_ =	shalt  }
0x7c: {  	_ =	shalt  }
0x7d: {  	_ =	shalt  }
0x7e: {  	_ =	shalt  }
0x7f: {  	_ =	shalt  }
0x80: {  	_ =	shalt  }
0x81: {  	_ =	shalt  }
0x82: {  	_ =	shalt  }
0x83: {  	_ =	shalt  }
0x84: {  	_ =	shalt  }
0x85: {  	_ =	shalt  }
0x86: {  	_ =	shalt  }
0x87: {  	_ =	shalt  }
.Lfunc_end0:
.L_simem_size_0:
called_computation.1_lowered:
.L_overlay_start_0:
0x88: {  	s2 =	sld [smem:$0x3FD9]  }
0x89: {  	s3 =	sld [smem:$0x3FFE];
	_ =	sdelay $0x1  }
0x8a: {  	s1 =	srdreg.scid  }
0x8b: {  	s0 =	sand.u32 $0x1, s1  }
0x8c: {  	s17 =	sshll.u32 s0, $0xA;
	s2 =	sadd.s32 s3, s2  }
0x8d: {  	s2 =	sadd.s32 s2, s17  }
0x8e: {  	[smem:$0x3FBD] =	sst s2  }
0x8f: {  	_ = 	snop  }
0x90: {  	s2 =	sld [smem:$0x3FD0];
	(tm) =	ssettm $0x1  }
0x91: {  	s18 =	sld [smem:$0x3FFB];
	_ =	sdelay $0x3  }
0x92: {  	_ =	strace s18  }
0x93: {  	s3 =	sld [smem:$0x3FFC];
	_ =	sdelay $0x3  }
0x94: {  	_ =	strace s3  }
0x95: {  	s3 =	sld [smem:$0x3FFD];
	_ =	sdelay $0x3  }
0x96: {  	_ =	strace s3  }
0x97: {  	_ =	strace $0x8FFFFFFF  }
0x98: {  	s19 =	sld [smem:$0x3FDB];
	_ =	sdelay $0x1  }
0x99: {  	s4 =	simm.s32 $_scs_section_size  }
0x9a: {  	s5 =	simm.s32 $_size__tile_overlayer_lowered;
	s6 =	simm.s32 $_tile_overlayer_lowered  }
0x9b: {  	s22 =	simm.s32 $0x1BFF;
	s21 =	sshll.u32 s6, $0x1;
	s3 =	sadd.s32 s4, s19  }
0x9c: {  	s7 =	simm.s32 $0x0;
	s20 =	sshll.u32 s5, $0x1;
	s5 =	sadd.s32 s21, s3  }
0x9d: {  	[timem:s7], [sflag:s22] =	dma.local [hbm:s5], s20  }
0x9e: {  	_ =	swait.ge [sflag:s22], s20  }
0x9f: {  	s4 =	ssub.s32 $0x0, s20;
	[sflag:s22] =	ssyncset.done $0x0  }
0xa0: {  	[sflag:s22] =	ssyncadd.s32 s4;
	_ =	sdelay $0x1  }
0xa1: {  	s23 =	simm.s32 $0x1B8B  }
0xa2: {  	_ =	swait.ge [sflag:s23], $0x1  }
0xa3: {  	[sflag:s23] =	ssyncset.done $0x0  }
0xa4: {  	s25 =	simm.s32 $0x1B8E;
	s24 =	sld [smem:$0x3FFE];
	[sflag:s23] =	ssyncadd.s32 $0xFFFFFFFF  }
0xa5: {  	s26 =	simm.s32 $execute0_lowered;
	[smem:$0x3FD2] =	sst s25  }
0xa6: {  	s5 =	sshll.u32 s26, $0x1;
	_ =	strace $0x80000049;
	[dreg:$0x1] =	wrdreg $0xFFFFFFFF  }
0xa7: {  	s28 =	simm.s32 $_size_execute0_lowered;
	s3 =	sadd.s32 s3, s5;
	[dreg:$0x0] =	wrdreg $0x0  }
0xa8: {  	s5 =	sshll.u32 s28, $0x1;
	[dreg:$0x2] =	wrdreg s3  }
0xa9: {  	[dreg:$0x3] =	wrdreg s5  }
0xaa: {  	[dreg:$0x4] =	wrdreg $0xC0  }
0xab: {  	_ =	task [dreg:s7], $0x5FFFF  }
0xac: {  	[dreg:$0x1] =	wrdreg $0xFFFFFFFF  }
0xad: {  	[dreg:$0x0] =	wrdreg $0x60  }
0xae: {  	[dreg:$0x2] =	wrdreg s24  }
0xaf: {  	[dreg:$0x3] =	wrdreg s2  }
0xb0: {  	[dreg:$0x4] =	wrdreg $0xEC400  }
0xb1: {  	[dreg:$0x5] =	wrdreg $0x9  }
0xb2: {  	_ =	task.clear_ibuf [dreg:s7], $0x6FFFF;
	_ =	strace $0x90000049  }
0xb3: {  	s29 =	simm.s32 $0x9;
	_ =	strace $0x8000004B  }
0xb4: {  	_ =	swait.ge [sflag:s29], $0x1  }
0xb5: {  	[sflag:s29] =	ssyncadd.s32 $0xFFFFFFFF  }
0xb6: {  	_ =	strace $0x9000004B  }
0xb7: {  	_ =	sfence  }
0xb8: {  	s30 =	sld [smem:$0x0];
	_ =	sdelay $0x2  }
0xb9: {  	s31 =	sshll.u32 s1, $0xD;
	s1 =	sshrl.u32 s1, $0x2  }
0xba: {  	s3 =	sand.u32 $0x4000, s31;
	s1 =	sadd.s32 s1, s30  }
0xbb: {  	s0 =	sor.u32 s3, s0;
	s1 =	sshll.u32 s1, $0x11  }
0xbc: {  	s0 =	sor.u32 s1, s0  }
0xbd: {  	s0 =	sadd.s32 $0x8F2B, s0  }
0xbe: {  	[sflag:s0] =	ssyncadd.remote.s32 $0x1  }
0xbf: {  	_ =	sfence.sel $0xFFFF  }
0xc0: {  	[dreg:$0x0] =	wrdreg $0xFFFFFFFF;
	(pc) =	sbr.abs _section_cstart, $3  }
0xc1: {  	[dreg:$0x1] =	wrdreg $0xFFFFFFFF  }
0xc2: {  	_ =	task.clear_ibuf [dreg:s7], $0x2FFFF;
	_ =	strace $0x9FFFFFFF  }
0xc3: {  	(tm) =	ssettm $0x7FFFFFFF  }
tec
execute0_lowered:
.L_overlay_start_1:
0x0: {  	(tag) =	ssettag $0x1  }
0x1: {  	s0 =	rddreg [dreg:$0x0]  }
0x2: {  	s1 =	rddreg [dreg:$0x1]  }
0x3: {  	s2 =	rddreg [dreg:$0x2];
	s11 =	stileid.u32  }
0x4: {  	s4 =	srdreg.scid;
	s3 =	simm.s32 $0x0;
	s17 =	simm.s32 $0x9  }
0x5: {  	s18 =	simm.s32 $0x4E20;
	s19 =	simm.s32 $0x9C40;
	s20 =	simm.s32 $0x50  }
0x6: {  	s21 =	simm.s32 $0xB040;
	s29 =	simm.s32 $0xD840;
	s5 =	smul.u32 $0x4E20, s11  }
0x7: {  	s30 =	simm.s32 $0x3;
	s28 =	simm.s32 $0x6;
	s7 =	smul.u32 $0xA000, s11  }
0x8: {  	s31 =	simm.s32 $0x0;
	s6 =	sand.u32 $0x1, s4;
	s11 =	smul.u32 $0x28000, s11  }
0x9: {  	[smem:$0x7FF] =	sst s3;
	s4 =	sadd.s32 $0x65A00, s0;
	s8 =	smul.u32 $0xA0000, s6  }
0xa: {  	_ =	strace $0x8000004A;
	s10 =	smul.u32 $0x4E200, s6;
	s6 =	ssub.s32 $0x2, s6  }
0xb: {  	s9 =	sshrl.u32 s5, $0x3;
	s22 =	sshrl.u32 s6, $0x1;
	s23 =	sshrl.u32 s11, $0x2  }
0xc: {  	s8 =	sadd.s32 s7, s8;
	s9 =	sadd.s32 s9, s0;
	s5 =	sadd.s32 s5, s10  }
0xd: {  	s6 =	ssub.s32 s6, s22;
	s24 =	sadd.s32 s23, s2;
	s7 =	sadd.s32 s7, s2  }
0xe: {  	s22 =	simm.s32 $0x1;
	s23 =	simm.s32 $0x4;
	s8 =	sshrl.u32 s8, $0x3  }
0xf: {  	s5 =	sshrl.u32 s5, $0x3;
	s25 =	sadd.s32 $0xBC00, s9;
	s26 =	sadd.s32 $0x1400, s24  }
0x10: {  	s9 =	sadd.s32 $0x2800, s24;
	s10 =	sadd.s32 $0x3C00, s24;
	s11 =	sadd.s32 $0x5000, s24  }
0x11: {  	s12 =	sadd.s32 $0x6400, s24;
	s13 =	sadd.s32 $0x7800, s24;
	s14 =	sadd.s32 $0x8C00, s24  }
0x12: {  	s16 =	smax.u32 s6, $0x1;
	s24 =	simm.s32 $0xC440;
	[dreg:$0x5] =	wrdreg s25  }
0x13: {  	s0 =	sadd.s32 s8, s0;
	s1 =	sadd.s32 s1, s5;
	[dreg:$0x6] =	wrdreg s26  }
0x14: {  	s25 =	simm.s32 $0x2;
	s26 =	simm.s32 $0x8;
	[dreg:$0x4] =	wrdreg s1  }
0x15: {  	v0 =	vimm.f32 $0.0e+00;
	s15 =	sadd.s32 $0x8CC00, s0;
	s0 =	simm.s32 $0x5;
	s1 =	simm.s32 $0x7  }
.LBB2_1:
0x16: {  	s5 =	rddreg [dreg:$0x4]  }
0x17: {  	[tilespmem:s3], [sflag:$0x9] =	stream.linear.gather [hbm4b:s5+s3], $0x4E20, $0x38;
	[tilespmem:$0x18C40] =	vst v63  }
0x18: {  	_ =	swait.ge [sflag:s17], $0x4E20  }
0x19: {  	[sflag:s17] =	ssyncset.done $0x0  }
0x1a: {  	s8 =	rddreg [dreg:$0x5];
	[sflag:s17] =	ssyncadd.s32 $0xFFFFB1E0  }
0x1b: {  	[tilespmem:s18], [sflag:$0x9] =	stream.linear.gather [hbm4b:s8+s3], $0x4E20, $0x38;
	[tilespmem:$0x18C40] =	vst v63  }
0x1c: {  	_ =	swait.ge [sflag:s17], $0x4E20  }
0x1d: {  	[sflag:s17] =	ssyncset.done $0x0  }
0x1e: {  	s6 =	sand.u32 $0x1FF0, s3;
	s5 =	simm.s32 $0x10;
	[sflag:s17] =	ssyncadd.s32 $0xFFFFB1E0  }
.LBB2_2:
0x1f: {  	p0 =	sne.s32 s5, $0x13F0;
	[tilespmem:s6+$0x9C40] =	vst v0;
	s6 =	smov.u32 s5;
	s5 =	sadd.s32 $0x10, s5  }
.Ltmp0:
0x20: {  	(pc) =	sbr.rel @p0 .LBB2_2-.Ltmp0, $2  }
0x21: {  	_ =	sdelay $0x2  }
0x22: {  	s6 =	sand.u32 $0x1FF0, s6  }
0x23: {  	[tilespmem:s6+$0x9C40] =	vst v0  }
0x24: {  	[spmem:s7] =	stream.linear.scatter [tilespmem:s19], [sflag:$0x9], $0x1400, $0x38;
	[tilespmem:$0x18C40] =	vst v63  }
0x25: {  	_ =	swait.ge [sflag:s17], $0x1400  }
0x26: {  	[sflag:s17] =	ssyncset.done $0x0  }
0x27: {  	s5 =	rddreg [dreg:$0x6];
	[sflag:s17] =	ssyncadd.s32 $0xFFFFEC00  }
0x28: {  	[spmem:s5] =	stream.linear.scatter [tilespmem:s19], [sflag:$0x9], $0x1400, $0x38;
	[tilespmem:$0x18C40] =	vst v63  }
0x29: {  	_ =	swait.ge [sflag:s17], $0x1400  }
0x2a: {  	[sflag:s17] =	ssyncset.done $0x0  }
0x2b: {  	[sflag:s17] =	ssyncadd.s32 $0xFFFFEC00  }
0x2c: {  	[spmem:s9] =	stream.linear.scatter [tilespmem:s19], [sflag:$0x9], $0x1400, $0x38;
	[tilespmem:$0x18C40] =	vst v63  }
0x2d: {  	_ =	swait.ge [sflag:s17], $0x1400  }
0x2e: {  	[sflag:s17] =	ssyncset.done $0x0  }
0x2f: {  	[sflag:s17] =	ssyncadd.s32 $0xFFFFEC00  }
0x30: {  	[spmem:s10] =	stream.linear.scatter [tilespmem:s19], [sflag:$0x9], $0x1400, $0x38;
	[tilespmem:$0x18C40] =	vst v63  }
0x31: {  	_ =	swait.ge [sflag:s17], $0x1400  }
0x32: {  	[sflag:s17] =	ssyncset.done $0x0  }
0x33: {  	[sflag:s17] =	ssyncadd.s32 $0xFFFFEC00  }
0x34: {  	[spmem:s11] =	stream.linear.scatter [tilespmem:s19], [sflag:$0x9], $0x1400, $0x38;
	[tilespmem:$0x18C40] =	vst v63  }
0x35: {  	_ =	swait.ge [sflag:s17], $0x1400  }
0x36: {  	[sflag:s17] =	ssyncset.done $0x0  }
0x37: {  	[sflag:s17] =	ssyncadd.s32 $0xFFFFEC00  }
0x38: {  	[spmem:s12] =	stream.linear.scatter [tilespmem:s19], [sflag:$0x9], $0x1400, $0x38;
	[tilespmem:$0x18C40] =	vst v63  }
0x39: {  	_ =	swait.ge [sflag:s17], $0x1400  }
0x3a: {  	[sflag:s17] =	ssyncset.done $0x0  }
0x3b: {  	[sflag:s17] =	ssyncadd.s32 $0xFFFFEC00  }
0x3c: {  	[spmem:s13] =	stream.linear.scatter [tilespmem:s19], [sflag:$0x9], $0x1400, $0x38;
	[tilespmem:$0x18C40] =	vst v63  }
0x3d: {  	_ =	swait.ge [sflag:s17], $0x1400  }
0x3e: {  	[sflag:s17] =	ssyncset.done $0x0  }
0x3f: {  	[sflag:s17] =	ssyncadd.s32 $0xFFFFEC00  }
0x40: {  	[spmem:s14] =	stream.linear.scatter [tilespmem:s19], [sflag:$0x9], $0x1400, $0x38;
	[tilespmem:$0x18C40] =	vst v63  }
0x41: {  	_ =	swait.ge [sflag:s17], $0x1400  }
0x42: {  	[sflag:s17] =	ssyncset.done $0x0  }
0x43: {  	[sflag:s17] =	ssyncadd.s32 $0xFFFFEC00  }
0x44: {  	s8 =	simm.s32 $0x0;
	[bflag:$0x0] =	sbarrier.arrive $0xFFFF  }
0x45: {  	[tilespmem:s19], [sflag:$0x1] =	stream.indirect.gather [hbm4b:s4+s20], $0x40, s8, s20, $0xb8;
	[tilespmem:$0x18C40] =	vst v63  }
0x46: {  	_ = 	snop  }
0x47: {  	[tilespmem:s21], [sflag:$0x2] =	stream.indirect.gather [hbm4b:s4+s20], $0x40, s20, s20, $0xb8;
	[tilespmem:$0x18C40] =	vst v63  }
0x48: {  	_ =	swait.ge [sflag:s22], $0x1400  }
0x49: {  	[sflag:s22] =	ssyncset.done $0x0  }
0x4a: {  	[sflag:s22] =	ssyncadd.s32 $0xFFFFEC00  }
0x4b: {  	[spmem:s2] =	stream.indirect.scatter.add.f32 [tilespmem:s19], [sflag:$0x5], $0x40, s18, s20, $0xb8;
	[tilespmem:$0x18C40] =	vst v63  }
0x4c: {  	s6 =	simm.s32 $0xA0  }
0x4d: {  	[tilespmem:s24], [sflag:$0x3] =	stream.indirect.gather [hbm4b:s4+s20], $0x40, s6, s20, $0xb8;
	[tilespmem:$0x18C40] =	vst v63  }
0x4e: {  	_ =	swait.ge [sflag:s25], $0x1400  }
0x4f: {  	[sflag:s25] =	ssyncset.done $0x0  }
0x50: {  	s8 =	simm.s32 $0x4E70;
	[sflag:s25] =	ssyncadd.s32 $0xFFFFEC00  }
0x51: {  	[spmem:s2] =	stream.indirect.scatter.add.f32 [tilespmem:s21], [sflag:$0x6], $0x40, s8, s20, $0xb8;
	[tilespmem:$0x18C40] =	vst v63  }
0x52: {  	s6 =	simm.s32 $0xF0  }
0x53: {  	[tilespmem:s29], [sflag:$0x4] =	stream.indirect.gather [hbm4b:s4+s20], $0x40, s6, s20, $0xb8;
	[tilespmem:$0x18C40] =	vst v63  }
0x54: {  	_ =	swait.ge [sflag:s30], $0x1400  }
0x55: {  	[sflag:s30] =	ssyncset.done $0x0  }
0x56: {  	s8 =	simm.s32 $0x4EC0;
	[sflag:s30] =	ssyncadd.s32 $0xFFFFEC00  }
0x57: {  	[spmem:s2] =	stream.indirect.scatter.add.f32 [tilespmem:s24], [sflag:$0x7], $0x40, s8, s20, $0xb8;
	[tilespmem:$0x18C40] =	vst v63  }
0x58: {  	_ =	swait.ge [sflag:s0], $0x1400  }
0x59: {  	[sflag:s0] =	ssyncset.done $0x0  }
0x5a: {  	s6 =	simm.s32 $0x140;
	[sflag:s0] =	ssyncadd.s32 $0xFFFFEC00  }
0x5b: {  	[tilespmem:s19], [sflag:$0x1] =	stream.indirect.gather [hbm4b:s4+s20], $0x40, s6, s20, $0xb8;
	[tilespmem:$0x18C40] =	vst v63  }
0x5c: {  	_ =	swait.ge [sflag:s23], $0x1400  }
0x5d: {  	[sflag:s23] =	ssyncset.done $0x0  }
0x5e: {  	s8 =	simm.s32 $0x4F10;
	[sflag:s23] =	ssyncadd.s32 $0xFFFFEC00  }
0x5f: {  	[spmem:s2] =	stream.indirect.scatter.add.f32 [tilespmem:s29], [sflag:$0x8], $0x40, s8, s20, $0xb8;
	[tilespmem:$0x18C40] =	vst v63  }
0x60: {  	_ =	swait.ge [sflag:s28], $0x1400  }
0x61: {  	[sflag:s28] =	ssyncset.done $0x0  }
0x62: {  	s6 =	simm.s32 $0x190;
	[sflag:s28] =	ssyncadd.s32 $0xFFFFEC00  }
0x63: {  	[tilespmem:s21], [sflag:$0x2] =	stream.indirect.gather [hbm4b:s4+s20], $0x40, s6, s20, $0xb8;
	[tilespmem:$0x18C40] =	vst v63  }
0x64: {  	_ =	swait.ge [sflag:s22], $0x1400  }
0x65: {  	[sflag:s22] =	ssyncset.done $0x0  }
0x66: {  	s8 =	simm.s32 $0x4F60;
	[sflag:s22] =	ssyncadd.s32 $0xFFFFEC00  }
0x67: {  	[spmem:s2] =	stream.indirect.scatter.add.f32 [tilespmem:s19], [sflag:$0x5], $0x40, s8, s20, $0xb8;
	[tilespmem:$0x18C40] =	vst v63  }
0x68: {  	_ =	swait.ge [sflag:s1], $0x1400  }
0x69: {  	[sflag:s1] =	ssyncset.done $0x0  }
0x6a: {  	s6 =	simm.s32 $0x1E0;
	[sflag:s1] =	ssyncadd.s32 $0xFFFFEC00  }
0x6b: {  	[tilespmem:s24], [sflag:$0x3] =	stream.indirect.gather [hbm4b:s4+s20], $0x40, s6, s20, $0xb8;
	[tilespmem:$0x18C40] =	vst v63  }
0x6c: {  	_ =	swait.ge [sflag:s25], $0x1400  }
0x6d: {  	[sflag:s25] =	ssyncset.done $0x0  }
0x6e: {  	s8 =	simm.s32 $0x4FB0;
	[sflag:s25] =	ssyncadd.s32 $0xFFFFEC00  }
0x6f: {  	[spmem:s2] =	stream.indirect.scatter.add.f32 [tilespmem:s21], [sflag:$0x6], $0x40, s8, s20, $0xb8;
	[tilespmem:$0x18C40] =	vst v63  }
0x70: {  	_ =	swait.ge [sflag:s26], $0x1400  }
0x71: {  	[sflag:s26] =	ssyncset.done $0x0  }
0x72: {  	s6 =	simm.s32 $0x230;
	[sflag:s26] =	ssyncadd.s32 $0xFFFFEC00  }
0x73: {  	[tilespmem:s29], [sflag:$0x4] =	stream.indirect.gather [hbm4b:s4+s20], $0x40, s6, s20, $0xb8;
	[tilespmem:$0x18C40] =	vst v63  }
0x74: {  	_ =	swait.ge [sflag:s30], $0x1400  }
0x75: {  	[sflag:s30] =	ssyncset.done $0x0  }
0x76: {  	s8 =	simm.s32 $0x5000;
	[sflag:s30] =	ssyncadd.s32 $0xFFFFEC00  }
0x77: {  	[spmem:s2] =	stream.indirect.scatter.add.f32 [tilespmem:s24], [sflag:$0x7], $0x40, s8, s20, $0xb8;
	[tilespmem:$0x18C40] =	vst v63  }
0x78: {  	_ =	swait.ge [sflag:s0], $0x1400  }
0x79: {  	[sflag:s0] =	ssyncset.done $0x0  }
0x7a: {  	s6 =	simm.s32 $0x280;
	[sflag:s0] =	ssyncadd.s32 $0xFFFFEC00  }
0x7b: {  	[tilespmem:s19], [sflag:$0x1] =	stream.indirect.gather [hbm4b:s4+s20], $0x40, s6, s20, $0xb8;
	[tilespmem:$0x18C40] =	vst v63  }
0x7c: {  	_ =	swait.ge [sflag:s23], $0x1400  }
0x7d: {  	[sflag:s23] =	ssyncset.done $0x0  }
0x7e: {  	s8 =	simm.s32 $0x5050;
	[sflag:s23] =	ssyncadd.s32 $0xFFFFEC00  }
0x7f: {  	[spmem:s2] =	stream.indirect.scatter.add.f32 [tilespmem:s29], [sflag:$0x8], $0x40, s8, s20, $0xb8;
	[tilespmem:$0x18C40] =	vst v63  }
0x80: {  	_ =	swait.ge [sflag:s28], $0x1400  }
0x81: {  	[sflag:s28] =	ssyncset.done $0x0  }
0x82: {  	s5 =	simm.s32 $0x500;
	s6 =	simm.s32 $0x2D0;
	[sflag:s28] =	ssyncadd.s32 $0xFFFFEC00  }
.LBB2_4:
0x83: {  	[tilespmem:s21], [sflag:$0x2] =	stream.indirect.gather [hbm4b:s4+s20], $0x40, s6, s20, $0xb8;
	[tilespmem:$0x18C40] =	vst v63  }
0x84: {  	s6 =	smov.u32 s5  }
0x85: {  	p0 =	sne.s32 s5, $0x12C00;
	s5 =	sadd.s32 $0x500, s5;
	_ =	swait.ge [sflag:s22], $0x1400  }
0x86: {  	s6 =	sshra.s32 s6, $0x2;
	[sflag:s22] =	ssyncset.done $0x0  }
0x87: {  	s8 =	sadd.s32 $0x4F60, s6;
	[sflag:s22] =	ssyncadd.s32 $0xFFFFEC00  }
0x88: {  	[spmem:s2] =	stream.indirect.scatter.add.f32 [tilespmem:s19], [sflag:$0x5], $0x40, s8, s20, $0xb8;
	[tilespmem:$0x18C40] =	vst v63  }
0x89: {  	_ =	swait.ge [sflag:s1], $0x1400  }
0x8a: {  	[sflag:s1] =	ssyncset.done $0x0  }
0x8b: {  	s8 =	sadd.s32 $0x1E0, s6;
	[sflag:s1] =	ssyncadd.s32 $0xFFFFEC00  }
0x8c: {  	[tilespmem:s24], [sflag:$0x3] =	stream.indirect.gather [hbm4b:s4+s20], $0x40, s8, s20, $0xb8;
	[tilespmem:$0x18C40] =	vst v63  }
0x8d: {  	_ =	swait.ge [sflag:s25], $0x1400  }
0x8e: {  	[sflag:s25] =	ssyncset.done $0x0  }
0x8f: {  	s8 =	sadd.s32 $0x4FB0, s6;
	[sflag:s25] =	ssyncadd.s32 $0xFFFFEC00  }
0x90: {  	[spmem:s2] =	stream.indirect.scatter.add.f32 [tilespmem:s21], [sflag:$0x6], $0x40, s8, s20, $0xb8;
	[tilespmem:$0x18C40] =	vst v63  }
0x91: {  	_ =	swait.ge [sflag:s26], $0x1400  }
0x92: {  	[sflag:s26] =	ssyncset.done $0x0  }
0x93: {  	s8 =	sadd.s32 $0x230, s6;
	[sflag:s26] =	ssyncadd.s32 $0xFFFFEC00  }
0x94: {  	[tilespmem:s29], [sflag:$0x4] =	stream.indirect.gather [hbm4b:s4+s20], $0x40, s8, s20, $0xb8;
	[tilespmem:$0x18C40] =	vst v63  }
0x95: {  	_ =	swait.ge [sflag:s30], $0x1400  }
0x96: {  	[sflag:s30] =	ssyncset.done $0x0  }
0x97: {  	s8 =	sadd.s32 $0x5000, s6;
	[sflag:s30] =	ssyncadd.s32 $0xFFFFEC00  }
0x98: {  	[spmem:s2] =	stream.indirect.scatter.add.f32 [tilespmem:s24], [sflag:$0x7], $0x40, s8, s20, $0xb8;
	[tilespmem:$0x18C40] =	vst v63  }
0x99: {  	_ =	swait.ge [sflag:s0], $0x1400  }
0x9a: {  	[sflag:s0] =	ssyncset.done $0x0  }
0x9b: {  	s8 =	sadd.s32 $0x280, s6;
	[sflag:s0] =	ssyncadd.s32 $0xFFFFEC00  }
0x9c: {  	[tilespmem:s19], [sflag:$0x1] =	stream.indirect.gather [hbm4b:s4+s20], $0x40, s8, s20, $0xb8;
	[tilespmem:$0x18C40] =	vst v63  }
0x9d: {  	_ =	swait.ge [sflag:s23], $0x1400  }
0x9e: {  	[sflag:s23] =	ssyncset.done $0x0  }
.Ltmp1:
0x9f: {  	s8 =	sadd.s32 $0x5050, s6;
	[sflag:s23] =	ssyncadd.s32 $0xFFFFEC00;
	(pc) =	sbr.rel @p0 .LBB2_4-.Ltmp1, $4  }
0xa0: {  	[spmem:s2] =	stream.indirect.scatter.add.f32 [tilespmem:s29], [sflag:$0x8], $0x40, s8, s20, $0xb8;
	[tilespmem:$0x18C40] =	vst v63  }
0xa1: {  	_ =	swait.ge [sflag:s28], $0x1400  }
0xa2: {  	[sflag:s28] =	ssyncset.done $0x0  }
0xa3: {  	s6 =	sadd.s32 $0x2D0, s6;
	[sflag:s28] =	ssyncadd.s32 $0xFFFFEC00  }
0xa4: {  	[tilespmem:s21], [sflag:$0x2] =	stream.indirect.gather [hbm4b:s4+s20], $0x40, s6, s20, $0xb8;
	[tilespmem:$0x18C40] =	vst v63  }
0xa5: {  	_ =	swait.ge [sflag:s22], $0x1400  }
0xa6: {  	[sflag:s22] =	ssyncset.done $0x0  }
0xa7: {  	s5 =	simm.s32 $0x9BA0;
	[sflag:s22] =	ssyncadd.s32 $0xFFFFEC00  }
0xa8: {  	[spmem:s2] =	stream.indirect.scatter.add.f32 [tilespmem:s19], [sflag:$0x5], $0x40, s5, s20, $0xb8;
	[tilespmem:$0x18C40] =	vst v63  }
0xa9: {  	_ =	swait.ge [sflag:s25], $0x1400  }
0xaa: {  	[sflag:s25] =	ssyncset.done $0x0  }
0xab: {  	s8 =	simm.s32 $0x9BF0;
	[sflag:s25] =	ssyncadd.s32 $0xFFFFEC00  }
0xac: {  	[spmem:s2] =	stream.indirect.scatter.add.f32 [tilespmem:s21], [sflag:$0x6], $0x40, s8, s20, $0xb8;
	[tilespmem:$0x18C40] =	vst v63  }
0xad: {  	_ =	swait.ge [sflag:s0], $0x1400  }
0xae: {  	[sflag:s0] =	ssyncset.done $0x0  }
0xaf: {  	[sflag:s0] =	ssyncadd.s32 $0xFFFFEC00  }
0xb0: {  	_ =	swait.ge [sflag:s28], $0x1400  }
0xb1: {  	[sflag:s28] =	ssyncset.done $0x0  }
0xb2: {  	[sflag:s28] =	ssyncadd.s32 $0xFFFFEC00  }
0xb3: {  	_ =	swait.ge [sflag:s1], $0x1400  }
0xb4: {  	[sflag:s1] =	ssyncset.done $0x0  }
0xb5: {  	[sflag:s1] =	ssyncadd.s32 $0xFFFFEC00  }
0xb6: {  	s6 =	stileid.u32;
	_ =	swait.ge [sflag:s26], $0x1400  }
0xb7: {  	s31 =	sadd.s32 $0x1, s31;
	s5 =	sshll.u32 s6, $0x6;
	[sflag:s26] =	ssyncset.done $0x0  }
0xb8: {  	p0 =	sne.s32 s31, s16;
	s5 =	sor.u32 $0x1C09, s5;
	[sflag:s26] =	ssyncadd.s32 $0xFFFFEC00  }
.Ltmp2:
0xb9: {  	s8 =	sshrl.u32 s7, $0x3;
	[bflag:$0x0] =	sbarrier.arrive $0xFFFF;
	(pc) =	sbr.rel @p0 .LBB2_1-.Ltmp2, $4  }
0xba: {  	[hbm:s15], [sflag:s5] =	dma.local [spmem:s8], $0x1400  }
0xbb: {  	_ =	swait.ge [sflag:s17], $0x1400  }
0xbc: {  	[sflag:s17] =	ssyncset.done $0x0  }
0xbd: {  	[sflag:s17] =	ssyncadd.s32 $0xFFFFEC00  }
0xbe: {  	_ =	sfence.sel $0x180000  }
0xbf: {  	[bflag:$0x0] =	sbarrier.arrive $0xFFFF  }
0xc0: {  	_ =	strace $0x9000004A  }
0xc1: {  	s0 =	stileid.u32;
	[bflag:$0x2] =	sbarrier.arrive $0xFFFF  }
0xc2: {  	p0 =	sne.s32 s0, $0x0;
	s0 =	rddreg [dreg:$0x3]  }
0xc3: {  	s0 =	sadd.s32 @!p0 $0x100000, s0  }
0xc4: {  	[sflag:s0] =	ssyncadd.tile.s32 @!p0 $0x1;
	_ =	shalt  }
.Lfunc_end2:
_tile_overlayer_lowered:
.L_overlay_start_2:
0xc5: {  	(tag) =	ssettag $0x2  }
0xc6: {  	s0 =	rddreg [dreg:$0x0];
	s2 =	stileid.u32  }
0xc7: {  	s1 =	rddreg [dreg:$0x1];
	p0 =	sne.s32 s2, $0x0  }
0xc8: {  	s3 =	rddreg [dreg:$0x2];
	[bflag:$0x3] =	sbarrier.arrive $0xFFFF;
	s2 =	simm.s32 @!p0 $0x1C09  }
0xc9: {  	[timem:s3], [sflag:s2] =	dma.local @!p0 [hbm:s0], s1  }
0xca: {  	s0 =	simm.s32 @!p0 $0x9  }
0xcb: {  	_ =	swait.ge @!p0 [sflag:s0], s1  }
0xcc: {  	s1 =	ssub.s32 @!p0 $0x0, s1;
	[sflag:s0] =	ssyncset.done @!p0 $0x0  }
0xcd: {  	[sflag:s0] =	ssyncadd.s32 @!p0 s1  }
0xce: {  	[bflag:$0x3] =	sbarrier.arrive $0xFFFF  }
0xcf: {  	_ =	shalt  }

// kernel: seg_colsplit_cnt.3.cloned.1.call-start
scs
__scs_entry_jumppad:
0x0: {  	(pc) =	sbr.rel $0x88, $3  }
0x1: {  	(tag) =	ssettag $0x0;
	lr =	simm.s32 $0x1  }
0x2: {  	[smem:$0x3F96] =	sst lr;
	_ =	strace $0xD0000000  }
0x3: {  	_ = 	snop  }
0x4: {  	_ = 	snop  }
0x5: {  	_ = 	snop  }
0x6: {  	_ = 	snop  }
0x7: {  	_ = 	snop  }
__scs_overlays_trampoline_lowered:
0x8: {  	[smem:$0x3FA5] =	sst s0  }
0x9: {  	[smem:$0x3FA6] =	sst s1  }
0xa: {  	[smem:$0x3FA7] =	sst s2  }
0xb: {  	[smem:$0x3FA8] =	sst s3  }
0xc: {  	[smem:$0x3FA9] =	sst s4  }
0xd: {  	[smem:$0x3FAA] =	sst s5  }
0xe: {  	[smem:$0x3FAB] =	sst s6  }
0xf: {  	[smem:$0x3FAC] =	sst s7  }
0x10: {  	[smem:$0x3FAD] =	sst s8  }
0x11: {  	[smem:$0x3FAE] =	sst s9;
	s0 =	simm.s32 @!p0 $0x0  }
0x12: {  	s1 =	sld [smem:$0x3F94];
	s0 =	simm.s32 @p0 $0x1  }
0x13: {  	[smem:$0x3FAF] =	sst s0;
	s0 =	simm.s32 @!p1 $0x0  }
0x14: {  	s2 =	sld [smem:$0x3F93];
	s0 =	simm.s32 @p1 $0x1  }
0x15: {  	[smem:$0x3FB0] =	sst s0;
	s0 =	simm.s32 @!p2 $0x0  }
0x16: {  	s3 =	sld [smem:$0x3FDB];
	s0 =	simm.s32 @p2 $0x1  }
0x17: {  	s4 =	simm.s32 $0x1BF5;
	[smem:$0x3FB2] =	sst s0  }
0x18: {  	s0 =	sld [smem:$0x3F95];
	_ =	swait.ge [sflag:s4], $0x0  }
0x19: {  	s7 =	sld [smem:$0x3F96]  }
0x1a: {  	s8 =	sadd.s32 $0xFFFFE003, lr  }
0x1b: {  	s9 =	sadd.s32 $0xFFFFFEF7, lr;
	s5 =	simm.s32 $0xFFFFFFFF;
	p2 =	slt.u32 s8, $0xFFFFF086  }
0x1c: {  	p1 =	slt.u32 s9, $0xF7A;
	s5 =	simm.s32 @!p2 $0x0  }
0x1d: {  	s5 =	simm.s32 @p1 $0x1;
	p0 =	seq.s32 s7, s2  }
0x1e: {  	s7 =	smul.u32 @!p0 $0xF7A, s2;
	p2 =	seq.s32 @!p0 s5, $0x0  }
0x1f: {  	s9 =	smul.u32 $0xF7A, s1;
	s8 =	simm.s32 @!p0 $0x1BF5;
	p2 =	por !p2, p0  }
0x20: {  	[sflag:s8] =	ssyncset.s32 @!p0 $0xFFFFF086;
	s6 =	sadd.s32 @!p0 s3, s7;
	s7 =	simm.s32 @!p0 $0x108  }
0x21: {  	s3 =	sadd.s32 s3, s9;
	s6 =	sadd.s32 @!p0 $0x88, s6;
	s7 =	simm.s32 @p2 $0x1082  }
0x22: {  	[simem:s7], [sflag:s8] =	dma.local @!p0 [hbm:s6], $0xF7A  }
0x23: {  	s9 =	sor.u32 $0xD0000000, s2;
	s6 =	simm.s32 $0x108;
	_ =	swait.ge @!p0 [sflag:s8], $0x0  }
0x24: {  	s3 =	sadd.s32 $0x88, s3;
	s6 =	simm.s32 @!p1 $0x1082;
	[sflag:s4] =	ssyncset.s32 $0xFFFFF086  }
0x25: {  	[simem:s6], [sflag:s4] =	dma.local [hbm:s3], $0xF7A  }
0x26: {  	[smem:$0x3F96] =	sst s1;
	(tag) =	ssettag s2;
	_ =	strace s9  }
0x27: {  	s1 =	sld [smem:$0x3FA6]  }
0x28: {  	s2 =	sld [smem:$0x3FA7]  }
0x29: {  	s4 =	sld [smem:$0x3FA9]  }
0x2a: {  	p0 =	seq.s32 s5, $0x0;
	s5 =	sld [smem:$0x3FAA]  }
0x2b: {  	s6 =	sld [smem:$0x3FAB]  }
0x2c: {  	s7 =	sld [smem:$0x3FAC]  }
0x2d: {  	s3 =	simm.s32 $0x108;
	s8 =	sld [smem:$0x3FAD]  }
0x2e: {  	s3 =	simm.s32 @!p0 $0x1082;
	s9 =	sld [smem:$0x3FAE]  }
0x2f: {  	lr =	sadd.s32 s0, s3;
	s0 =	sld [smem:$0x3FA5]  }
0x30: {  	s3 =	sld [smem:$0x3FA8]  }
0x31: {  	[smem:$0x3FB1] =	sst s10  }
0x32: {  	s10 =	sld [smem:$0x3FAF];
	_ =	sdelay $0x3  }
0x33: {  	p0 =	seq.s32 s10, $0x1;
	s10 =	sld [smem:$0x3FB1];
	_ =	sdelay $0x3  }
0x34: {  	[smem:$0x3FB1] =	sst s10  }
0x35: {  	s10 =	sld [smem:$0x3FB0];
	_ =	sdelay $0x3  }
0x36: {  	p1 =	seq.s32 s10, $0x1;
	s10 =	sld [smem:$0x3FB1];
	_ =	sdelay $0x3  }
0x37: {  	[smem:$0x3FB1] =	sst s10  }
0x38: {  	s10 =	sld [smem:$0x3FB2]  }
0x39: {  	_ = 	snop;
	(pc) =	sbr.ind lr, $3  }
0x3a: {  	_ = 	snop  }
0x3b: {  	_ = 	snop  }
0x3c: {  	p2 =	seq.s32 s10, $0x1;
	s10 =	sld [smem:$0x3FB1]  }
0x3d: {  	_ =	shalt  }
0x3e: {  	_ =	shalt  }
0x3f: {  	_ =	shalt  }
0x40: {  	_ =	shalt  }
0x41: {  	_ =	shalt  }
0x42: {  	_ =	shalt  }
0x43: {  	_ =	shalt  }
0x44: {  	_ =	shalt  }
0x45: {  	_ =	shalt  }
0x46: {  	_ =	shalt  }
0x47: {  	_ =	shalt  }
0x48: {  	_ =	shalt  }
0x49: {  	_ =	shalt  }
0x4a: {  	_ =	shalt  }
0x4b: {  	_ =	shalt  }
0x4c: {  	_ =	shalt  }
0x4d: {  	_ =	shalt  }
0x4e: {  	_ =	shalt  }
0x4f: {  	_ =	shalt  }
0x50: {  	_ =	shalt  }
0x51: {  	_ =	shalt  }
0x52: {  	_ =	shalt  }
0x53: {  	_ =	shalt  }
0x54: {  	_ =	shalt  }
0x55: {  	_ =	shalt  }
0x56: {  	_ =	shalt  }
0x57: {  	_ =	shalt  }
0x58: {  	_ =	shalt  }
0x59: {  	_ =	shalt  }
0x5a: {  	_ =	shalt  }
0x5b: {  	_ =	shalt  }
0x5c: {  	_ =	shalt  }
0x5d: {  	_ =	shalt  }
0x5e: {  	_ =	shalt  }
0x5f: {  	_ =	shalt  }
0x60: {  	_ =	shalt  }
0x61: {  	_ =	shalt  }
0x62: {  	_ =	shalt  }
0x63: {  	_ =	shalt  }
0x64: {  	_ =	shalt  }
0x65: {  	_ =	shalt  }
0x66: {  	_ =	shalt  }
0x67: {  	_ =	shalt  }
0x68: {  	_ =	shalt  }
0x69: {  	_ =	shalt  }
0x6a: {  	_ =	shalt  }
0x6b: {  	_ =	shalt  }
0x6c: {  	_ =	shalt  }
0x6d: {  	_ =	shalt  }
0x6e: {  	_ =	shalt  }
0x6f: {  	_ =	shalt  }
0x70: {  	_ =	shalt  }
0x71: {  	_ =	shalt  }
0x72: {  	_ =	shalt  }
0x73: {  	_ =	shalt  }
0x74: {  	_ =	shalt  }
0x75: {  	_ =	shalt  }
0x76: {  	_ =	shalt  }
0x77: {  	_ =	shalt  }
0x78: {  	_ =	shalt  }
0x79: {  	_ =	shalt  }
0x7a: {  	_ =	shalt  }
0x7b: {  	_ =	shalt  }
0x7c: {  	_ =	shalt  }
0x7d: {  	_ =	shalt  }
0x7e: {  	_ =	shalt  }
0x7f: {  	_ =	shalt  }
0x80: {  	_ =	shalt  }
0x81: {  	_ =	shalt  }
0x82: {  	_ =	shalt  }
0x83: {  	_ =	shalt  }
0x84: {  	_ =	shalt  }
0x85: {  	_ =	shalt  }
0x86: {  	_ =	shalt  }
0x87: {  	_ =	shalt  }
.Lfunc_end0:
.L_simem_size_0:
called_computation_lowered:
.L_overlay_start_0:
0x88: {  	s2 =	sld [smem:$0x3FD9]  }
0x89: {  	s3 =	sld [smem:$0x3FFE];
	_ =	sdelay $0x1  }
0x8a: {  	s1 =	srdreg.scid  }
0x8b: {  	s0 =	sand.u32 $0x1, s1  }
0x8c: {  	s17 =	sshll.u32 s0, $0xA;
	s2 =	sadd.s32 s3, s2  }
0x8d: {  	s2 =	sadd.s32 s2, s17  }
0x8e: {  	[smem:$0x3FBD] =	sst s2  }
0x8f: {  	_ = 	snop  }
0x90: {  	s2 =	sld [smem:$0x3FC9]  }
0x91: {  	s18 =	sld [smem:$0x3FD0];
	(tm) =	ssettm $0x1  }
0x92: {  	s4 =	sld [smem:$0x3FFB];
	_ =	sdelay $0x3  }
0x93: {  	_ =	strace s4  }
0x94: {  	s4 =	sld [smem:$0x3FFC];
	_ =	sdelay $0x3  }
0x95: {  	_ =	strace s4  }
0x96: {  	s4 =	sld [smem:$0x3FFD];
	_ =	sdelay $0x3  }
0x97: {  	_ =	strace s4  }
0x98: {  	_ =	strace $0x8FFFFFFF  }
0x99: {  	s19 =	sld [smem:$0x3FDB];
	_ =	sdelay $0x1  }
0x9a: {  	s5 =	simm.s32 $_scs_section_size  }
0x9b: {  	s6 =	simm.s32 $_size__tile_overlayer_lowered;
	s7 =	simm.s32 $_tile_overlayer_lowered  }
0x9c: {  	s22 =	simm.s32 $0x1BFF;
	s21 =	sshll.u32 s7, $0x1;
	s4 =	sadd.s32 s5, s19  }
0x9d: {  	s8 =	simm.s32 $0x0;
	s20 =	sshll.u32 s6, $0x1;
	s6 =	sadd.s32 s21, s4  }
0x9e: {  	[timem:s8], [sflag:s22] =	dma.local [hbm:s6], s20  }
0x9f: {  	_ =	swait.ge [sflag:s22], s20  }
0xa0: {  	s5 =	ssub.s32 $0x0, s20;
	[sflag:s22] =	ssyncset.done $0x0  }
0xa1: {  	[sflag:s22] =	ssyncadd.s32 s5;
	_ =	sdelay $0x1  }
0xa2: {  	s23 =	simm.s32 $0x1B8B  }
0xa3: {  	_ =	swait.ge [sflag:s23], $0x1  }
0xa4: {  	[sflag:s23] =	ssyncset.done $0x0  }
0xa5: {  	s25 =	simm.s32 $0x1B8E;
	s24 =	sld [smem:$0x3FFE];
	[sflag:s23] =	ssyncadd.s32 $0xFFFFFFFF  }
0xa6: {  	s26 =	simm.s32 $execute0_lowered;
	[smem:$0x3FD2] =	sst s25  }
0xa7: {  	s6 =	sshll.u32 s26, $0x1;
	_ =	strace $0x80000046;
	[dreg:$0x1] =	wrdreg $0xFFFFFFFF  }
0xa8: {  	s28 =	simm.s32 $_size_execute0_lowered;
	s4 =	sadd.s32 s4, s6;
	[dreg:$0x0] =	wrdreg $0x0  }
0xa9: {  	s6 =	sshll.u32 s28, $0x1;
	[dreg:$0x2] =	wrdreg s4  }
0xaa: {  	[dreg:$0x3] =	wrdreg s6  }
0xab: {  	[dreg:$0x4] =	wrdreg $0xC0  }
0xac: {  	_ =	task [dreg:s8], $0x5FFFF  }
0xad: {  	[dreg:$0x1] =	wrdreg $0xFFFFFFFF  }
0xae: {  	[dreg:$0x0] =	wrdreg $0x60  }
0xaf: {  	[dreg:$0x2] =	wrdreg s2  }
0xb0: {  	[dreg:$0x3] =	wrdreg s18  }
0xb1: {  	[dreg:$0x4] =	wrdreg s24  }
0xb2: {  	[dreg:$0x5] =	wrdreg $0xEC400  }
0xb3: {  	[dreg:$0x6] =	wrdreg $0x196400  }
0xb4: {  	[dreg:$0x7] =	wrdreg $0x9  }
0xb5: {  	_ =	task.clear_ibuf [dreg:s8], $0x8FFFF;
	_ =	strace $0x90000046  }
0xb6: {  	s29 =	simm.s32 $0x9;
	_ =	strace $0x80000048  }
0xb7: {  	_ =	swait.ge [sflag:s29], $0x1  }
0xb8: {  	[sflag:s29] =	ssyncadd.s32 $0xFFFFFFFF  }
0xb9: {  	_ =	strace $0x90000048  }
0xba: {  	_ =	sfence  }
0xbb: {  	s30 =	sld [smem:$0x0];
	_ =	sdelay $0x2  }
0xbc: {  	s31 =	sshll.u32 s1, $0xD;
	s1 =	sshrl.u32 s1, $0x2  }
0xbd: {  	s3 =	sand.u32 $0x4000, s31;
	s1 =	sadd.s32 s1, s30  }
0xbe: {  	s0 =	sor.u32 s3, s0;
	s1 =	sshll.u32 s1, $0x11  }
0xbf: {  	s0 =	sor.u32 s1, s0  }
0xc0: {  	s0 =	sadd.s32 $0x8F2B, s0  }
0xc1: {  	[sflag:s0] =	ssyncadd.remote.s32 $0x1  }
0xc2: {  	_ =	sfence.sel $0xFFFF  }
0xc3: {  	[dreg:$0x0] =	wrdreg $0xFFFFFFFF;
	(pc) =	sbr.abs _section_cstart, $3  }
0xc4: {  	[dreg:$0x1] =	wrdreg $0xFFFFFFFF  }
0xc5: {  	_ =	task.clear_ibuf [dreg:s8], $0x2FFFF;
	_ =	strace $0x9FFFFFFF  }
0xc6: {  	(tm) =	ssettm $0x7FFFFFFF  }
0xc7: {  	_ =	shalt  }
tec
execute0_lowered:
.L_overlay_start_1:
0x0: {  	(tag) =	ssettag $0x1  }
0x1: {  	s1 =	rddreg [dreg:$0x0]  }
0x2: {  	s0 =	rddreg [dreg:$0x1]  }
0x3: {  	s3 =	rddreg [dreg:$0x2];
	s15 =	stileid.u32  }
0x4: {  	s2 =	rddreg [dreg:$0x3];
	s6 =	smul.u32 $0x4E20, s15  }
0x5: {  	s5 =	srdreg.scid;
	s8 =	smul.u32 $0xA000, s15  }
0x6: {  	s4 =	rddreg [dreg:$0x4];
	s29 =	simm.s32 $0x9;
	s10 =	smul.u32 $0x2800, s15  }
0x7: {  	s30 =	simm.s32 $0x4E20;
	s7 =	sand.u32 $0x1, s5;
	s15 =	smul.u32 $0x280, s15  }
0x8: {  	s31 =	simm.s32 $0x9C40;
	s5 =	simm.s32 $0x0;
	s9 =	smul.u32 $0xA0000, s7  }
0x9: {  	s13 =	sadd.s32 $0x15A00, s3;
	[smem:$0x7FF] =	sst s5;
	s12 =	smul.u32 $0x28000, s7  }
0xa: {  	s25 =	smul.u32 $0x4E200, s7;
	s7 =	ssub.s32 $0x2, s7;
	_ =	strace $0x80000047  }
0xb: {  	s11 =	sshrl.u32 s6, $0x3;
	[dreg:$0x6] =	wrdreg s13;
	s28 =	sshrl.u32 s7, $0x1  }
0xc: {  	s13 =	sadd.s32 $0xA0, s15;
	s19 =	sadd.s32 $0xF0, s15;
	s21 =	sadd.s32 $0x140, s15  }
0xd: {  	s23 =	sadd.s32 $0x190, s15;
	s16 =	sadd.s32 $0x1E0, s15;
	s17 =	sadd.s32 s10, s4  }
0xe: {  	s11 =	sadd.s32 s11, s3;
	s9 =	sadd.s32 s8, s9;
	s12 =	sadd.s32 s10, s12  }
0xf: {  	s6 =	sadd.s32 s6, s25;
	s7 =	ssub.s32 s7, s28;
	s18 =	sshll.u32 s13, $0x6  }
0x10: {  	s20 =	sshll.u32 s19, $0x6;
	s22 =	sshll.u32 s21, $0x6;
	s24 =	sshll.u32 s23, $0x6  }
0x11: {  	s25 =	sadd.s32 $0x230, s15;
	s10 =	sshll.u32 s13, $0x4;
	s13 =	simm.s32 $0xD840  }
0x12: {  	s9 =	sshrl.u32 s9, $0x3;
	s26 =	sshrl.u32 s12, $0x3;
	s6 =	sshrl.u32 s6, $0x3  }
0x13: {  	s28 =	sshll.u32 s25, $0x6;
	s14 =	sadd.s32 s9, s3;
	s0 =	sadd.s32 s0, s6  }
0x14: {  	s3 =	sadd.s32 s26, s3;
	s9 =	sadd.s32 $0xBC00, s11;
	[dreg:$0x7] =	wrdreg s0  }
0x15: {  	s11 =	sor.u32 $0x50, s15;
	s26 =	sshll.u32 s16, $0x6;
	[dreg:$0x8] =	wrdreg s9  }
0x16: {  	s9 =	sadd.s32 s8, s2;
	s12 =	sshll.u32 s11, $0x6;
	s15 =	sadd.s32 s26, s2  }
0x17: {  	s0 =	sshll.u32 s11, $0x4;
	s26 =	sadd.s32 $0x3DC00, s3;
	s3 =	simm.s32 $0x18C40  }
0x18: {  	s8 =	simm.s32 $0x1;
	s11 =	simm.s32 $0x2;
	[dreg:$0xe] =	wrdreg s15  }
0x19: {  	s6 =	sadd.s32 s12, s2;
	s15 =	sadd.s32 s28, s2;
	[dreg:$0x18] =	wrdreg s26  }
0x1a: {  	s0 =	sadd.s32 s0, s4;
	s28 =	smax.u32 s7, $0x1;
	[dreg:$0x9] =	wrdreg s6  }
0x1b: {  	s7 =	simm.s32 $0xB040;
	s6 =	sadd.s32 s18, s2;
	[dreg:$0xf] =	wrdreg s15  }
0x1c: {  	[dreg:$0x10] =	wrdreg s0;
	s15 =	sshll.u32 s19, $0x4;
	s18 =	sshll.u32 s21, $0x4  }
0x1d: {  	s0 =	sadd.s32 s10, s4;
	s21 =	sshll.u32 s23, $0x4;
	[dreg:$0x19] =	wrdreg s28  }
0x1e: {  	s10 =	simm.s32 $0xC440;
	[dreg:$0xa] =	wrdreg s6;
	s6 =	sadd.s32 s20, s2  }
0x1f: {  	[dreg:$0x11] =	wrdreg s0;
	s19 =	sadd.s32 s15, s4;
	s20 =	sadd.s32 s18, s4  }
0x20: {  	s0 =	sadd.s32 s21, s4;
	s15 =	simm.s32 $0x4EC0;
	[dreg:$0xb] =	wrdreg s6  }
0x21: {  	s18 =	simm.s32 $0x4;
	s21 =	simm.s32 $0x7;
	[dreg:$0x12] =	wrdreg s19  }
0x22: {  	s6 =	sadd.s32 s22, s2;
	[dreg:$0x13] =	wrdreg s20;
	s22 =	sshll.u32 s16, $0x4  }
0x23: {  	[dreg:$0x14] =	wrdreg s0;
	s0 =	simm.s32 $0x19140;
	s16 =	simm.s32 $0x5  }
0x24: {  	s19 =	simm.s32 $0x4F10;
	[dreg:$0xc] =	wrdreg s6;
	s6 =	sadd.s32 s24, s2  }
0x25: {  	s20 =	simm.s32 $0x6;
	s23 =	sadd.s32 s22, s4;
	[dreg:$0xd] =	wrdreg s6  }
0x26: {  	s22 =	simm.s32 $0x8;
	s6 =	sshll.u32 s25, $0x4;
	[dreg:$0x15] =	wrdreg s23  }
0x27: {  	s25 =	sadd.s32 $0x15C00, s14;
	s14 =	simm.s32 $0x3;
	s23 =	simm.s32 $0x9BA0  }
0x28: {  	s24 =	sadd.s32 s6, s4;
	[dreg:$0x17] =	wrdreg s25;
	s6 =	simm.s32 $0x50  }
0x29: {  	v0 =	vimm.f32 $0.0e+00;
	s25 =	simm.s32 $0x0;
	[dreg:$0x16] =	wrdreg s24;
	s24 =	simm.s32 $0x9BF0  }
.LBB2_1:
0x2a: {  	s12 =	rddreg [dreg:$0x7]  }
0x2b: {  	[tilespmem:s5], [sflag:$0x9] =	stream.linear.gather [hbm4b:s12+s5], $0x4E20, $0x38;
	[tilespmem:$0x1BE40] =	vst v63  }
0x2c: {  	_ =	swait.ge [sflag:s29], $0x4E20  }
0x2d: {  	[sflag:s29] =	ssyncset.done $0x0  }
0x2e: {  	s26 =	rddreg [dreg:$0x8];
	[sflag:s29] =	ssyncadd.s32 $0xFFFFB1E0  }
0x2f: {  	[tilespmem:s30], [sflag:$0x9] =	stream.linear.gather [hbm4b:s26+s5], $0x4E20, $0x38;
	[tilespmem:$0x1BE40] =	vst v63  }
0x30: {  	_ =	swait.ge [sflag:s29], $0x4E20  }
0x31: {  	[sflag:s29] =	ssyncset.done $0x0  }
0x32: {  	s28 =	sand.u32 $0x1FF0, s5;
	s26 =	simm.s32 $0x10;
	[sflag:s29] =	ssyncadd.s32 $0xFFFFB1E0  }
.LBB2_2:
0x33: {  	p0 =	sne.s32 s26, $0x13F0;
	[tilespmem:s28+$0x9C40] =	vst v0;
	s28 =	smov.u32 s26;
	s26 =	sadd.s32 $0x10, s26  }
.Ltmp0:
0x34: {  	(pc) =	sbr.rel @p0 .LBB2_2-.Ltmp0, $2  }
0x35: {  	_ =	sdelay $0x2  }
0x36: {  	s28 =	sand.u32 $0x1FF0, s28  }
0x37: {  	[tilespmem:s28+$0x9C40] =	vst v0  }
0x38: {  	[spmem:s9] =	stream.linear.scatter [tilespmem:s31], [sflag:$0x9], $0x1400, $0x38;
	[tilespmem:$0x1BE40] =	vst v63  }
0x39: {  	_ =	swait.ge [sflag:s29], $0x1400  }
0x3a: {  	[sflag:s29] =	ssyncset.done $0x0  }
0x3b: {  	s12 =	rddreg [dreg:$0x9];
	[sflag:s29] =	ssyncadd.s32 $0xFFFFEC00  }
0x3c: {  	[spmem:s12] =	stream.linear.scatter [tilespmem:s31], [sflag:$0x9], $0x1400, $0x38;
	[tilespmem:$0x1BE40] =	vst v63  }
0x3d: {  	_ =	swait.ge [sflag:s29], $0x1400  }
0x3e: {  	[sflag:s29] =	ssyncset.done $0x0  }
0x3f: {  	s26 =	rddreg [dreg:$0xa];
	[sflag:s29] =	ssyncadd.s32 $0xFFFFEC00  }
0x40: {  	[spmem:s26] =	stream.linear.scatter [tilespmem:s31], [sflag:$0x9], $0x1400, $0x38;
	[tilespmem:$0x1BE40] =	vst v63  }
0x41: {  	_ =	swait.ge [sflag:s29], $0x1400  }
0x42: {  	[sflag:s29] =	ssyncset.done $0x0  }
0x43: {  	s26 =	rddreg [dreg:$0xb];
	[sflag:s29] =	ssyncadd.s32 $0xFFFFEC00  }
0x44: {  	[spmem:s26] =	stream.linear.scatter [tilespmem:s31], [sflag:$0x9], $0x1400, $0x38;
	[tilespmem:$0x1BE40] =	vst v63  }
0x45: {  	_ =	swait.ge [sflag:s29], $0x1400  }
0x46: {  	[sflag:s29] =	ssyncset.done $0x0  }
0x47: {  	s26 =	rddreg [dreg:$0xc];
	[sflag:s29] =	ssyncadd.s32 $0xFFFFEC00  }
0x48: {  	[spmem:s26] =	stream.linear.scatter [tilespmem:s31], [sflag:$0x9], $0x1400, $0x38;
	[tilespmem:$0x1BE40] =	vst v63  }
0x49: {  	_ =	swait.ge [sflag:s29], $0x1400  }
0x4a: {  	[sflag:s29] =	ssyncset.done $0x0  }
0x4b: {  	s26 =	rddreg [dreg:$0xd];
	[sflag:s29] =	ssyncadd.s32 $0xFFFFEC00  }
0x4c: {  	[spmem:s26] =	stream.linear.scatter [tilespmem:s31], [sflag:$0x9], $0x1400, $0x38;
	[tilespmem:$0x1BE40] =	vst v63  }
0x4d: {  	_ =	swait.ge [sflag:s29], $0x1400  }
0x4e: {  	[sflag:s29] =	ssyncset.done $0x0  }
0x4f: {  	s26 =	rddreg [dreg:$0xe];
	[sflag:s29] =	ssyncadd.s32 $0xFFFFEC00  }
0x50: {  	[spmem:s26] =	stream.linear.scatter [tilespmem:s31], [sflag:$0x9], $0x1400, $0x38;
	[tilespmem:$0x1BE40] =	vst v63  }
0x51: {  	_ =	swait.ge [sflag:s29], $0x1400  }
0x52: {  	[sflag:s29] =	ssyncset.done $0x0  }
0x53: {  	s26 =	rddreg [dreg:$0xf];
	[sflag:s29] =	ssyncadd.s32 $0xFFFFEC00  }
0x54: {  	[spmem:s26] =	stream.linear.scatter [tilespmem:s31], [sflag:$0x9], $0x1400, $0x38;
	[tilespmem:$0x1BE40] =	vst v63  }
0x55: {  	_ =	swait.ge [sflag:s29], $0x1400  }
0x56: {  	[sflag:s29] =	ssyncset.done $0x0  }
0x57: {  	s26 =	simm.s32 $0x0;
	s12 =	rddreg [dreg:$0x6];
	[sflag:s29] =	ssyncadd.s32 $0xFFFFEC00  }
0x58: {  	[tilespmem:s3], [sflag:$0x9] =	stream.linear.gather [hbm4b:s12+s26], $0x500, $0x38;
	[tilespmem:$0x1BE40] =	vst v63  }
0x59: {  	_ =	swait.ge [sflag:s29], $0x500  }
0x5a: {  	[sflag:s29] =	ssyncset.done $0x0  }
0x5b: {  	s28 =	simm.s32 $0x0;
	s26 =	simm.s32 $0x40;
	[sflag:s29] =	ssyncadd.s32 $0xFFFFFB00  }
.LBB2_4:
0x5c: {  	p0 =	sne.s32 s26, $0x13C0;
	[tilespmem:s28+$0x19140] =	vst v0;
	s28 =	smov.u32 s26;
	s26 =	sadd.s32 $0x40, s26  }
.Ltmp1:
0x5d: {  	(pc) =	sbr.rel @p0 .LBB2_4-.Ltmp1, $2  }
0x5e: {  	_ =	sdelay $0x2  }
0x5f: {  	s28 =	sshra.s32 s28, $0x2  }
0x60: {  	[tilespmem:s28+$0x19140] =	vst v0  }
0x61: {  	[spmem:s17] =	stream.linear.scatter [tilespmem:s0], [sflag:$0x9], $0x500, $0x38;
	[tilespmem:$0x1BE40] =	vst v63  }
0x62: {  	_ =	swait.ge [sflag:s29], $0x500  }
0x63: {  	[sflag:s29] =	ssyncset.done $0x0  }
0x64: {  	s12 =	rddreg [dreg:$0x10];
	[sflag:s29] =	ssyncadd.s32 $0xFFFFFB00  }
0x65: {  	[spmem:s12] =	stream.linear.scatter [tilespmem:s0], [sflag:$0x9], $0x500, $0x38;
	[tilespmem:$0x1BE40] =	vst v63  }
0x66: {  	_ =	swait.ge [sflag:s29], $0x500  }
0x67: {  	[sflag:s29] =	ssyncset.done $0x0  }
0x68: {  	s26 =	rddreg [dreg:$0x11];
	[sflag:s29] =	ssyncadd.s32 $0xFFFFFB00  }
0x69: {  	[spmem:s26] =	stream.linear.scatter [tilespmem:s0], [sflag:$0x9], $0x500, $0x38;
	[tilespmem:$0x1BE40] =	vst v63  }
0x6a: {  	_ =	swait.ge [sflag:s29], $0x500  }
0x6b: {  	[sflag:s29] =	ssyncset.done $0x0  }
0x6c: {  	s26 =	rddreg [dreg:$0x12];
	[sflag:s29] =	ssyncadd.s32 $0xFFFFFB00  }
0x6d: {  	[spmem:s26] =	stream.linear.scatter [tilespmem:s0], [sflag:$0x9], $0x500, $0x38;
	[tilespmem:$0x1BE40] =	vst v63  }
0x6e: {  	_ =	swait.ge [sflag:s29], $0x500  }
0x6f: {  	[sflag:s29] =	ssyncset.done $0x0  }
0x70: {  	s26 =	rddreg [dreg:$0x13];
	[sflag:s29] =	ssyncadd.s32 $0xFFFFFB00  }
0x71: {  	[spmem:s26] =	stream.linear.scatter [tilespmem:s0], [sflag:$0x9], $0x500, $0x38;
	[tilespmem:$0x1BE40] =	vst v63  }
0x72: {  	_ =	swait.ge [sflag:s29], $0x500  }
0x73: {  	[sflag:s29] =	ssyncset.done $0x0  }
0x74: {  	s26 =	rddreg [dreg:$0x14];
	[sflag:s29] =	ssyncadd.s32 $0xFFFFFB00  }
0x75: {  	[spmem:s26] =	stream.linear.scatter [tilespmem:s0], [sflag:$0x9], $0x500, $0x38;
	[tilespmem:$0x1BE40] =	vst v63  }
0x76: {  	_ =	swait.ge [sflag:s29], $0x500  }
0x77: {  	[sflag:s29] =	ssyncset.done $0x0  }
0x78: {  	s26 =	rddreg [dreg:$0x15];
	[sflag:s29] =	ssyncadd.s32 $0xFFFFFB00  }
0x79: {  	[spmem:s26] =	stream.linear.scatter [tilespmem:s0], [sflag:$0x9], $0x500, $0x38;
	[tilespmem:$0x1BE40] =	vst v63  }
0x7a: {  	_ =	swait.ge [sflag:s29], $0x500  }
0x7b: {  	[sflag:s29] =	ssyncset.done $0x0  }
0x7c: {  	s26 =	rddreg [dreg:$0x16];
	[sflag:s29] =	ssyncadd.s32 $0xFFFFFB00  }
0x7d: {  	[spmem:s26] =	stream.linear.scatter [tilespmem:s0], [sflag:$0x9], $0x500, $0x38;
	[tilespmem:$0x1BE40] =	vst v63  }
0x7e: {  	_ =	swait.ge [sflag:s29], $0x500  }
0x7f: {  	[sflag:s29] =	ssyncset.done $0x0  }
0x80: {  	[sflag:s29] =	ssyncadd.s32 $0xFFFFFB00  }
0x81: {  	s26 =	simm.s32 $0x0;
	[bflag:$0x0] =	sbarrier.arrive $0xFFFF  }
0x82: {  	[tilespmem:s31], [sflag:$0x1] =	stream.indirect.gather [hbm4b:s1+s6], $0x40, s26, s6, $0xb8;
	[tilespmem:$0x1BE40] =	vst v63  }
0x83: {  	_ = 	snop  }
0x84: {  	[tilespmem:s7], [sflag:$0x2] =	stream.indirect.gather [hbm4b:s1+s6], $0x40, s6, s6, $0xb8;
	[tilespmem:$0x1BE40] =	vst v63  }
0x85: {  	_ =	swait.ge [sflag:s8], $0x1400  }
0x86: {  	[sflag:s8] =	ssyncset.done $0x0  }
0x87: {  	[sflag:s8] =	ssyncadd.s32 $0xFFFFEC00  }
0x88: {  	[spmem:s2] =	stream.indirect.scatter.add.f32 [tilespmem:s31], [sflag:$0x5], $0x40, s30, s6, $0xb8;
	[tilespmem:$0x1BE40] =	vst v63  }
0x89: {  	_ = 	snop  }
0x8a: {  	[spmem:s4] =	stream.indirect.scatter.add.f32 [tilespmem:s3], [sflag:$0x9], $0x10, s30, s6, $0xb8;
	[tilespmem:$0x1BE40] =	vst v63  }
0x8b: {  	_ =	swait.ge [sflag:s29], $0x500  }
0x8c: {  	[sflag:s29] =	ssyncset.done $0x0  }
0x8d: {  	s26 =	simm.s32 $0xA0;
	[sflag:s29] =	ssyncadd.s32 $0xFFFFFB00  }
0x8e: {  	[tilespmem:s10], [sflag:$0x3] =	stream.indirect.gather [hbm4b:s1+s6], $0x40, s26, s6, $0xb8;
	[tilespmem:$0x1BE40] =	vst v63  }
0x8f: {  	_ =	swait.ge [sflag:s11], $0x1400  }
0x90: {  	[sflag:s11] =	ssyncset.done $0x0  }
0x91: {  	s26 =	simm.s32 $0x4E70;
	[sflag:s11] =	ssyncadd.s32 $0xFFFFEC00  }
0x92: {  	[spmem:s2] =	stream.indirect.scatter.add.f32 [tilespmem:s7], [sflag:$0x6], $0x40, s26, s6, $0xb8;
	[tilespmem:$0x1BE40] =	vst v63  }
0x93: {  	_ = 	snop  }
0x94: {  	[spmem:s4] =	stream.indirect.scatter.add.f32 [tilespmem:s3], [sflag:$0x9], $0x10, s26, s6, $0xb8;
	[tilespmem:$0x1BE40] =	vst v63  }
0x95: {  	_ =	swait.ge [sflag:s29], $0x500  }
0x96: {  	[sflag:s29] =	ssyncset.done $0x0  }
0x97: {  	s26 =	simm.s32 $0xF0;
	[sflag:s29] =	ssyncadd.s32 $0xFFFFFB00  }
0x98: {  	[tilespmem:s13], [sflag:$0x4] =	stream.indirect.gather [hbm4b:s1+s6], $0x40, s26, s6, $0xb8;
	[tilespmem:$0x1BE40] =	vst v63  }
0x99: {  	_ =	swait.ge [sflag:s14], $0x1400  }
0x9a: {  	[sflag:s14] =	ssyncset.done $0x0  }
0x9b: {  	[sflag:s14] =	ssyncadd.s32 $0xFFFFEC00  }
0x9c: {  	[spmem:s2] =	stream.indirect.scatter.add.f32 [tilespmem:s10], [sflag:$0x7], $0x40, s15, s6, $0xb8;
	[tilespmem:$0x1BE40] =	vst v63  }
0x9d: {  	_ = 	snop  }
0x9e: {  	[spmem:s4] =	stream.indirect.scatter.add.f32 [tilespmem:s3], [sflag:$0x9], $0x10, s15, s6, $0xb8;
	[tilespmem:$0x1BE40] =	vst v63  }
0x9f: {  	_ =	swait.ge [sflag:s29], $0x500  }
0xa0: {  	[sflag:s29] =	ssyncset.done $0x0  }
0xa1: {  	[sflag:s29] =	ssyncadd.s32 $0xFFFFFB00  }
0xa2: {  	_ =	swait.ge [sflag:s16], $0x1400  }
0xa3: {  	[sflag:s16] =	ssyncset.done $0x0  }
0xa4: {  	s26 =	simm.s32 $0x140;
	[sflag:s16] =	ssyncadd.s32 $0xFFFFEC00  }
0xa5: {  	[tilespmem:s31], [sflag:$0x1] =	stream.indirect.gather [hbm4b:s1+s6], $0x40, s26, s6, $0xb8;
	[tilespmem:$0x1BE40] =	vst v63  }
0xa6: {  	_ =	swait.ge [sflag:s18], $0x1400  }
0xa7: {  	[sflag:s18] =	ssyncset.done $0x0  }
0xa8: {  	[sflag:s18] =	ssyncadd.s32 $0xFFFFEC00  }
0xa9: {  	[spmem:s2] =	stream.indirect.scatter.add.f32 [tilespmem:s13], [sflag:$0x8], $0x40, s19, s6, $0xb8;
	[tilespmem:$0x1BE40] =	vst v63  }
0xaa: {  	_ = 	snop  }
0xab: {  	[spmem:s4] =	stream.indirect.scatter.add.f32 [tilespmem:s3], [sflag:$0x9], $0x10, s19, s6, $0xb8;
	[tilespmem:$0x1BE40] =	vst v63  }
0xac: {  	_ =	swait.ge [sflag:s29], $0x500  }
0xad: {  	[sflag:s29] =	ssyncset.done $0x0  }
0xae: {  	[sflag:s29] =	ssyncadd.s32 $0xFFFFFB00  }
0xaf: {  	_ =	swait.ge [sflag:s20], $0x1400  }
0xb0: {  	[sflag:s20] =	ssyncset.done $0x0  }
0xb1: {  	s26 =	simm.s32 $0x190;
	[sflag:s20] =	ssyncadd.s32 $0xFFFFEC00  }
0xb2: {  	[tilespmem:s7], [sflag:$0x2] =	stream.indirect.gather [hbm4b:s1+s6], $0x40, s26, s6, $0xb8;
	[tilespmem:$0x1BE40] =	vst v63  }
0xb3: {  	_ =	swait.ge [sflag:s8], $0x1400  }
0xb4: {  	[sflag:s8] =	ssyncset.done $0x0  }
0xb5: {  	s12 =	simm.s32 $0x4F60;
	[sflag:s8] =	ssyncadd.s32 $0xFFFFEC00  }
0xb6: {  	[spmem:s2] =	stream.indirect.scatter.add.f32 [tilespmem:s31], [sflag:$0x5], $0x40, s12, s6, $0xb8;
	[tilespmem:$0x1BE40] =	vst v63  }
0xb7: {  	_ = 	snop  }
0xb8: {  	[spmem:s4] =	stream.indirect.scatter.add.f32 [tilespmem:s3], [sflag:$0x9], $0x10, s12, s6, $0xb8;
	[tilespmem:$0x1BE40] =	vst v63  }
0xb9: {  	_ =	swait.ge [sflag:s29], $0x500  }
0xba: {  	[sflag:s29] =	ssyncset.done $0x0  }
0xbb: {  	[sflag:s29] =	ssyncadd.s32 $0xFFFFFB00  }
0xbc: {  	_ =	swait.ge [sflag:s21], $0x1400  }
0xbd: {  	[sflag:s21] =	ssyncset.done $0x0  }
0xbe: {  	s12 =	simm.s32 $0x1E0;
	[sflag:s21] =	ssyncadd.s32 $0xFFFFEC00  }
0xbf: {  	[tilespmem:s10], [sflag:$0x3] =	stream.indirect.gather [hbm4b:s1+s6], $0x40, s12, s6, $0xb8;
	[tilespmem:$0x1BE40] =	vst v63  }
0xc0: {  	_ =	swait.ge [sflag:s11], $0x1400  }
0xc1: {  	[sflag:s11] =	ssyncset.done $0x0  }
0xc2: {  	s12 =	simm.s32 $0x4FB0;
	[sflag:s11] =	ssyncadd.s32 $0xFFFFEC00  }
0xc3: {  	[spmem:s2] =	stream.indirect.scatter.add.f32 [tilespmem:s7], [sflag:$0x6], $0x40, s12, s6, $0xb8;
	[tilespmem:$0x1BE40] =	vst v63  }
0xc4: {  	_ = 	snop  }
0xc5: {  	[spmem:s4] =	stream.indirect.scatter.add.f32 [tilespmem:s3], [sflag:$0x9], $0x10, s12, s6, $0xb8;
	[tilespmem:$0x1BE40] =	vst v63  }
0xc6: {  	_ =	swait.ge [sflag:s29], $0x500  }
0xc7: {  	[sflag:s29] =	ssyncset.done $0x0  }
0xc8: {  	[sflag:s29] =	ssyncadd.s32 $0xFFFFFB00  }
0xc9: {  	_ =	swait.ge [sflag:s22], $0x1400  }
0xca: {  	[sflag:s22] =	ssyncset.done $0x0  }
0xcb: {  	s12 =	simm.s32 $0x230;
	[sflag:s22] =	ssyncadd.s32 $0xFFFFEC00  }
0xcc: {  	[tilespmem:s13], [sflag:$0x4] =	stream.indirect.gather [hbm4b:s1+s6], $0x40, s12, s6, $0xb8;
	[tilespmem:$0x1BE40] =	vst v63  }
0xcd: {  	_ =	swait.ge [sflag:s14], $0x1400  }
0xce: {  	[sflag:s14] =	ssyncset.done $0x0  }
0xcf: {  	s12 =	simm.s32 $0x5000;
	[sflag:s14] =	ssyncadd.s32 $0xFFFFEC00  }
0xd0: {  	[spmem:s2] =	stream.indirect.scatter.add.f32 [tilespmem:s10], [sflag:$0x7], $0x40, s12, s6, $0xb8;
	[tilespmem:$0x1BE40] =	vst v63  }
0xd1: {  	_ = 	snop  }
0xd2: {  	[spmem:s4] =	stream.indirect.scatter.add.f32 [tilespmem:s3], [sflag:$0x9], $0x10, s12, s6, $0xb8;
	[tilespmem:$0x1BE40] =	vst v63  }
0xd3: {  	_ =	swait.ge [sflag:s29], $0x500  }
0xd4: {  	[sflag:s29] =	ssyncset.done $0x0  }
0xd5: {  	[sflag:s29] =	ssyncadd.s32 $0xFFFFFB00  }
0xd6: {  	_ =	swait.ge [sflag:s16], $0x1400  }
0xd7: {  	[sflag:s16] =	ssyncset.done $0x0  }
0xd8: {  	s12 =	simm.s32 $0x280;
	[sflag:s16] =	ssyncadd.s32 $0xFFFFEC00  }
0xd9: {  	[tilespmem:s31], [sflag:$0x1] =	stream.indirect.gather [hbm4b:s1+s6], $0x40, s12, s6, $0xb8;
	[tilespmem:$0x1BE40] =	vst v63  }
0xda: {  	_ =	swait.ge [sflag:s18], $0x1400  }
0xdb: {  	[sflag:s18] =	ssyncset.done $0x0  }
0xdc: {  	s12 =	simm.s32 $0x5050;
	[sflag:s18] =	ssyncadd.s32 $0xFFFFEC00  }
0xdd: {  	[spmem:s2] =	stream.indirect.scatter.add.f32 [tilespmem:s13], [sflag:$0x8], $0x40, s12, s6, $0xb8;
	[tilespmem:$0x1BE40] =	vst v63  }
0xde: {  	_ = 	snop  }
0xdf: {  	[spmem:s4] =	stream.indirect.scatter.add.f32 [tilespmem:s3], [sflag:$0x9], $0x10, s12, s6, $0xb8;
	[tilespmem:$0x1BE40] =	vst v63  }
0xe0: {  	_ =	swait.ge [sflag:s29], $0x500  }
0xe1: {  	[sflag:s29] =	ssyncset.done $0x0  }
0xe2: {  	[sflag:s29] =	ssyncadd.s32 $0xFFFFFB00  }
0xe3: {  	_ =	swait.ge [sflag:s20], $0x1400  }
0xe4: {  	[sflag:s20] =	ssyncset.done $0x0  }
0xe5: {  	s28 =	simm.s32 $0x2D0;
	s26 =	simm.s32 $0x500;
	[sflag:s20] =	ssyncadd.s32 $0xFFFFEC00  }
.LBB2_6:
0xe6: {  	[tilespmem:s7], [sflag:$0x2] =	stream.indirect.gather [hbm4b:s1+s6], $0x40, s28, s6, $0xb8;
	[tilespmem:$0x1BE40] =	vst v63  }
0xe7: {  	s28 =	smov.u32 s26  }
0xe8: {  	p0 =	sne.s32 s26, $0x12C00;
	s26 =	sadd.s32 $0x500, s26;
	_ =	swait.ge [sflag:s8], $0x1400  }
0xe9: {  	s28 =	sshra.s32 s28, $0x2;
	[sflag:s8] =	ssyncset.done $0x0  }
0xea: {  	s12 =	sadd.s32 $0x4F60, s28;
	[sflag:s8] =	ssyncadd.s32 $0xFFFFEC00  }
0xeb: {  	[spmem:s2] =	stream.indirect.scatter.add.f32 [tilespmem:s31], [sflag:$0x5], $0x40, s12, s6, $0xb8;
	[tilespmem:$0x1BE40] =	vst v63  }
0xec: {  	_ = 	snop  }
0xed: {  	[spmem:s4] =	stream.indirect.scatter.add.f32 [tilespmem:s3], [sflag:$0x9], $0x10, s12, s6, $0xb8;
	[tilespmem:$0x1BE40] =	vst v63  }
0xee: {  	_ =	swait.ge [sflag:s29], $0x500  }
0xef: {  	[sflag:s29] =	ssyncset.done $0x0  }
0xf0: {  	[sflag:s29] =	ssyncadd.s32 $0xFFFFFB00  }
0xf1: {  	_ =	swait.ge [sflag:s21], $0x1400  }
0xf2: {  	[sflag:s21] =	ssyncset.done $0x0  }
0xf3: {  	s12 =	sadd.s32 $0x1E0, s28;
	[sflag:s21] =	ssyncadd.s32 $0xFFFFEC00  }
0xf4: {  	[tilespmem:s10], [sflag:$0x3] =	stream.indirect.gather [hbm4b:s1+s6], $0x40, s12, s6, $0xb8;
	[tilespmem:$0x1BE40] =	vst v63  }
0xf5: {  	_ =	swait.ge [sflag:s11], $0x1400  }
0xf6: {  	[sflag:s11] =	ssyncset.done $0x0  }
0xf7: {  	s12 =	sadd.s32 $0x4FB0, s28;
	[sflag:s11] =	ssyncadd.s32 $0xFFFFEC00  }
0xf8: {  	[spmem:s2] =	stream.indirect.scatter.add.f32 [tilespmem:s7], [sflag:$0x6], $0x40, s12, s6, $0xb8;
	[tilespmem:$0x1BE40] =	vst v63  }
0xf9: {  	_ = 	snop  }
0xfa: {  	[spmem:s4] =	stream.indirect.scatter.add.f32 [tilespmem:s3], [sflag:$0x9], $0x10, s12, s6, $0xb8;
	[tilespmem:$0x1BE40] =	vst v63  }
0xfb: {  	_ =	swait.ge [sflag:s29], $0x500  }
0xfc: {  	[sflag:s29] =	ssyncset.done $0x0  }
0xfd: {  	[sflag:s29] =	ssyncadd.s32 $0xFFFFFB00  }
0xfe: {  	_ =	swait.ge [sflag:s22], $0x1400  }
0xff: {  	[sflag:s22] =	ssyncset.done $0x0  }
0x100: {  	s12 =	sadd.s32 $0x230, s28;
	[sflag:s22] =	ssyncadd.s32 $0xFFFFEC00  }
0x101: {  	[tilespmem:s13], [sflag:$0x4] =	stream.indirect.gather [hbm4b:s1+s6], $0x40, s12, s6, $0xb8;
	[tilespmem:$0x1BE40] =	vst v63  }
0x102: {  	_ =	swait.ge [sflag:s14], $0x1400  }
0x103: {  	[sflag:s14] =	ssyncset.done $0x0  }
0x104: {  	s12 =	sadd.s32 $0x5000, s28;
	[sflag:s14] =	ssyncadd.s32 $0xFFFFEC00  }
0x105: {  	[spmem:s2] =	stream.indirect.scatter.add.f32 [tilespmem:s10], [sflag:$0x7], $0x40, s12, s6, $0xb8;
	[tilespmem:$0x1BE40] =	vst v63  }
0x106: {  	_ = 	snop  }
0x107: {  	[spmem:s4] =	stream.indirect.scatter.add.f32 [tilespmem:s3], [sflag:$0x9], $0x10, s12, s6, $0xb8;
	[tilespmem:$0x1BE40] =	vst v63  }
0x108: {  	_ =	swait.ge [sflag:s29], $0x500  }
0x109: {  	[sflag:s29] =	ssyncset.done $0x0  }
0x10a: {  	[sflag:s29] =	ssyncadd.s32 $0xFFFFFB00  }
0x10b: {  	_ =	swait.ge [sflag:s16], $0x1400  }
0x10c: {  	[sflag:s16] =	ssyncset.done $0x0  }
0x10d: {  	s12 =	sadd.s32 $0x280, s28;
	[sflag:s16] =	ssyncadd.s32 $0xFFFFEC00  }
0x10e: {  	[tilespmem:s31], [sflag:$0x1] =	stream.indirect.gather [hbm4b:s1+s6], $0x40, s12, s6, $0xb8;
	[tilespmem:$0x1BE40] =	vst v63  }
0x10f: {  	_ =	swait.ge [sflag:s18], $0x1400  }
0x110: {  	[sflag:s18] =	ssyncset.done $0x0  }
0x111: {  	s12 =	sadd.s32 $0x5050, s28;
	[sflag:s18] =	ssyncadd.s32 $0xFFFFEC00  }
0x112: {  	[spmem:s2] =	stream.indirect.scatter.add.f32 [tilespmem:s13], [sflag:$0x8], $0x40, s12, s6, $0xb8;
	[tilespmem:$0x1BE40] =	vst v63  }
0x113: {  	_ = 	snop  }
0x114: {  	[spmem:s4] =	stream.indirect.scatter.add.f32 [tilespmem:s3], [sflag:$0x9], $0x10, s12, s6, $0xb8;
	[tilespmem:$0x1BE40] =	vst v63  }
0x115: {  	_ =	swait.ge [sflag:s29], $0x500  }
.Ltmp2:
0x116: {  	[sflag:s29] =	ssyncset.done $0x0;
	(pc) =	sbr.rel @p0 .LBB2_6-.Ltmp2, $4  }
0x117: {  	[sflag:s29] =	ssyncadd.s32 $0xFFFFFB00  }
0x118: {  	_ =	swait.ge [sflag:s20], $0x1400  }
0x119: {  	[sflag:s20] =	ssyncset.done $0x0  }
0x11a: {  	s28 =	sadd.s32 $0x2D0, s28;
	[sflag:s20] =	ssyncadd.s32 $0xFFFFEC00  }
0x11b: {  	[tilespmem:s7], [sflag:$0x2] =	stream.indirect.gather [hbm4b:s1+s6], $0x40, s28, s6, $0xb8;
	[tilespmem:$0x1BE40] =	vst v63  }
0x11c: {  	_ =	swait.ge [sflag:s8], $0x1400  }
0x11d: {  	[sflag:s8] =	ssyncset.done $0x0  }
0x11e: {  	[sflag:s8] =	ssyncadd.s32 $0xFFFFEC00  }
0x11f: {  	[spmem:s2] =	stream.indirect.scatter.add.f32 [tilespmem:s31], [sflag:$0x5], $0x40, s23, s6, $0xb8;
	[tilespmem:$0x1BE40] =	vst v63  }
0x120: {  	_ = 	snop  }
0x121: {  	[spmem:s4] =	stream.indirect.scatter.add.f32 [tilespmem:s3], [sflag:$0x9], $0x10, s23, s6, $0xb8;
	[tilespmem:$0x1BE40] =	vst v63  }
0x122: {  	_ =	swait.ge [sflag:s29], $0x500  }
0x123: {  	[sflag:s29] =	ssyncset.done $0x0  }
0x124: {  	[sflag:s29] =	ssyncadd.s32 $0xFFFFFB00  }
0x125: {  	_ =	swait.ge [sflag:s11], $0x1400  }
0x126: {  	[sflag:s11] =	ssyncset.done $0x0  }
0x127: {  	[sflag:s11] =	ssyncadd.s32 $0xFFFFEC00  }
0x128: {  	[spmem:s2] =	stream.indirect.scatter.add.f32 [tilespmem:s7], [sflag:$0x6], $0x40, s24, s6, $0xb8;
	[tilespmem:$0x1BE40] =	vst v63  }
0x129: {  	_ = 	snop  }
0x12a: {  	[spmem:s4] =	stream.indirect.scatter.add.f32 [tilespmem:s3], [sflag:$0x9], $0x10, s24, s6, $0xb8;
	[tilespmem:$0x1BE40] =	vst v63  }
0x12b: {  	_ =	swait.ge [sflag:s29], $0x500  }
0x12c: {  	[sflag:s29] =	ssyncset.done $0x0  }
0x12d: {  	[sflag:s29] =	ssyncadd.s32 $0xFFFFFB00  }
0x12e: {  	_ =	swait.ge [sflag:s16], $0x1400  }
0x12f: {  	[sflag:s16] =	ssyncset.done $0x0  }
0x130: {  	[sflag:s16] =	ssyncadd.s32 $0xFFFFEC00  }
0x131: {  	_ =	swait.ge [sflag:s20], $0x1400  }
0x132: {  	[sflag:s20] =	ssyncset.done $0x0  }
0x133: {  	[sflag:s20] =	ssyncadd.s32 $0xFFFFEC00  }
0x134: {  	_ =	swait.ge [sflag:s21], $0x1400  }
0x135: {  	[sflag:s21] =	ssyncset.done $0x0  }
0x136: {  	[sflag:s21] =	ssyncadd.s32 $0xFFFFEC00  }
0x137: {  	_ =	swait.ge [sflag:s22], $0x1400  }
0x138: {  	[sflag:s22] =	ssyncset.done $0x0  }
0x139: {  	s12 =	stileid.u32;
	[sflag:s22] =	ssyncadd.s32 $0xFFFFEC00  }
0x13a: {  	s12 =	sshll.u32 s12, $0x6;
	[bflag:$0x0] =	sbarrier.arrive $0xFFFF  }
0x13b: {  	s26 =	sshrl.u32 s9, $0x3;
	s12 =	sor.u32 $0x1C09, s12;
	s28 =	rddreg [dreg:$0x17]  }
0x13c: {  	[hbm:s28], [sflag:s12] =	dma.local [spmem:s26], $0x1400  }
0x13d: {  	_ =	swait.ge [sflag:s29], $0x1400  }
0x13e: {  	[sflag:s29] =	ssyncset.done $0x0  }
0x13f: {  	s26 =	sshrl.u32 s17, $0x3;
	s28 =	rddreg [dreg:$0x18];
	[sflag:s29] =	ssyncadd.s32 $0xFFFFEC00  }
0x140: {  	[hbm:s28], [sflag:s12] =	dma.local [spmem:s26], $0x500  }
0x141: {  	_ =	swait.ge [sflag:s29], $0x500  }
0x142: {  	s25 =	sadd.s32 $0x1, s25;
	s28 =	rddreg [dreg:$0x19]  }
0x143: {  	p0 =	sne.s32 s25, s28  }
.Ltmp3:
0x144: {  	_ = 	snop;
	(pc) =	sbr.rel @p0 .LBB2_1-.Ltmp3, $3  }
0x145: {  	_ =	sdelay $0x1  }
0x146: {  	[sflag:s29] =	ssyncset.done $0x0  }
0x147: {  	[sflag:s29] =	ssyncadd.s32 $0xFFFFFB00  }
0x148: {  	_ =	sfence.sel $0x180000  }
0x149: {  	[bflag:$0x0] =	sbarrier.arrive $0xFFFF  }
0x14a: {  	_ =	strace $0x90000047  }
0x14b: {  	s0 =	stileid.u32;
	[bflag:$0x2] =	sbarrier.arrive $0xFFFF  }
0x14c: {  	p0 =	sne.s32 s0, $0x0;
	s0 =	rddreg [dreg:$0x5]  }
0x14d: {  	s0 =	sadd.s32 @!p0 $0x100000, s0  }
0x14e: {  	[sflag:s0] =	ssyncadd.tile.s32 @!p0 $0x1;
	_ =	shalt  }
.Lfunc_end2:
_tile_overlayer_lowered:
.L_overlay_start_2:
0x14f: {  	(tag) =	ssettag $0x2  }
0x150: {  	s0 =	rddreg [dreg:$0x0];
	s2 =	stileid.u32  }
0x151: {  	s1 =	rddreg [dreg:$0x1];
	p0 =	sne.s32 s2, $0x0  }
0x152: {  	s3 =	rddreg [dreg:$0x2];
	[bflag:$0x3] =	sbarrier.arrive $0xFFFF;
	s2 =	simm.s32 @!p0 $0x1C09  }
0x153: {  	[timem:s3], [sflag:s2] =	dma.local @!p0 [hbm:s0], s1  }
0x154: {  	s0 =	simm.s32 @!p0 $0x9  }
0x155: {  	_ =	swait.ge @!p0 [sflag:s0], s1  }
0x156: {  	s1 =	ssub.s32 @!p0 $0x0, s1;
	[sflag:s0] =	ssyncset.done @!p0 $0x0  }
0x157: {  	[sflag:s0] =	ssyncadd.s32 @!p0 s1  }
0x158: {  	[bflag:$0x3] =	sbarrier.arrive $0xFFFF  }
0x159: {  	_ =	shalt  }

// kernel: seg_rowsplit.3.cloned.1.call-start
scs
__scs_entry_jumppad:
0x0: {  	(pc) =	sbr.rel $0x88, $3  }
0x1: {  	(tag) =	ssettag $0x0;
	lr =	simm.s32 $0x1  }
0x2: {  	[smem:$0x3F96] =	sst lr;
	_ =	strace $0xD0000000  }
0x3: {  	_ = 	snop  }
0x4: {  	_ = 	snop  }
0x5: {  	_ = 	snop  }
0x6: {  	_ = 	snop  }
0x7: {  	_ = 	snop  }
__scs_overlays_trampoline_lowered:
0x8: {  	[smem:$0x3FA5] =	sst s0  }
0x9: {  	[smem:$0x3FA6] =	sst s1  }
0xa: {  	[smem:$0x3FA7] =	sst s2  }
0xb: {  	[smem:$0x3FA8] =	sst s3  }
0xc: {  	[smem:$0x3FA9] =	sst s4  }
0xd: {  	[smem:$0x3FAA] =	sst s5  }
0xe: {  	[smem:$0x3FAB] =	sst s6  }
0xf: {  	[smem:$0x3FAC] =	sst s7  }
0x10: {  	[smem:$0x3FAD] =	sst s8  }
0x11: {  	[smem:$0x3FAE] =	sst s9;
	s0 =	simm.s32 @!p0 $0x0  }
0x12: {  	s1 =	sld [smem:$0x3F94];
	s0 =	simm.s32 @p0 $0x1  }
0x13: {  	[smem:$0x3FAF] =	sst s0;
	s0 =	simm.s32 @!p1 $0x0  }
0x14: {  	s2 =	sld [smem:$0x3F93];
	s0 =	simm.s32 @p1 $0x1  }
0x15: {  	[smem:$0x3FB0] =	sst s0;
	s0 =	simm.s32 @!p2 $0x0  }
0x16: {  	s3 =	sld [smem:$0x3FDB];
	s0 =	simm.s32 @p2 $0x1  }
0x17: {  	s4 =	simm.s32 $0x1BF5;
	[smem:$0x3FB2] =	sst s0  }
0x18: {  	s0 =	sld [smem:$0x3F95];
	_ =	swait.ge [sflag:s4], $0x0  }
0x19: {  	s7 =	sld [smem:$0x3F96]  }
0x1a: {  	s8 =	sadd.s32 $0xFFFFE003, lr  }
0x1b: {  	s9 =	sadd.s32 $0xFFFFFEF7, lr;
	s5 =	simm.s32 $0xFFFFFFFF;
	p2 =	slt.u32 s8, $0xFFFFF086  }
0x1c: {  	p1 =	slt.u32 s9, $0xF7A;
	s5 =	simm.s32 @!p2 $0x0  }
0x1d: {  	s5 =	simm.s32 @p1 $0x1;
	p0 =	seq.s32 s7, s2  }
0x1e: {  	s7 =	smul.u32 @!p0 $0xF7A, s2;
	p2 =	seq.s32 @!p0 s5, $0x0  }
0x1f: {  	s9 =	smul.u32 $0xF7A, s1;
	s8 =	simm.s32 @!p0 $0x1BF5;
	p2 =	por !p2, p0  }
0x20: {  	[sflag:s8] =	ssyncset.s32 @!p0 $0xFFFFF086;
	s6 =	sadd.s32 @!p0 s3, s7;
	s7 =	simm.s32 @!p0 $0x108  }
0x21: {  	s3 =	sadd.s32 s3, s9;
	s6 =	sadd.s32 @!p0 $0x88, s6;
	s7 =	simm.s32 @p2 $0x1082  }
0x22: {  	[simem:s7], [sflag:s8] =	dma.local @!p0 [hbm:s6], $0xF7A  }
0x23: {  	s9 =	sor.u32 $0xD0000000, s2;
	s6 =	simm.s32 $0x108;
	_ =	swait.ge @!p0 [sflag:s8], $0x0  }
0x24: {  	s3 =	sadd.s32 $0x88, s3;
	s6 =	simm.s32 @!p1 $0x1082;
	[sflag:s4] =	ssyncset.s32 $0xFFFFF086  }
0x25: {  	[simem:s6], [sflag:s4] =	dma.local [hbm:s3], $0xF7A  }
0x26: {  	[smem:$0x3F96] =	sst s1;
	(tag) =	ssettag s2;
	_ =	strace s9  }
0x27: {  	s1 =	sld [smem:$0x3FA6]  }
0x28: {  	s2 =	sld [smem:$0x3FA7]  }
0x29: {  	s4 =	sld [smem:$0x3FA9]  }
0x2a: {  	p0 =	seq.s32 s5, $0x0;
	s5 =	sld [smem:$0x3FAA]  }
0x2b: {  	s6 =	sld [smem:$0x3FAB]  }
0x2c: {  	s7 =	sld [smem:$0x3FAC]  }
0x2d: {  	s3 =	simm.s32 $0x108;
	s8 =	sld [smem:$0x3FAD]  }
0x2e: {  	s3 =	simm.s32 @!p0 $0x1082;
	s9 =	sld [smem:$0x3FAE]  }
0x2f: {  	lr =	sadd.s32 s0, s3;
	s0 =	sld [smem:$0x3FA5]  }
0x30: {  	s3 =	sld [smem:$0x3FA8]  }
0x31: {  	[smem:$0x3FB1] =	sst s10  }
0x32: {  	s10 =	sld [smem:$0x3FAF];
	_ =	sdelay $0x3  }
0x33: {  	p0 =	seq.s32 s10, $0x1;
	s10 =	sld [smem:$0x3FB1];
	_ =	sdelay $0x3  }
0x34: {  	[smem:$0x3FB1] =	sst s10  }
0x35: {  	s10 =	sld [smem:$0x3FB0];
	_ =	sdelay $0x3  }
0x36: {  	p1 =	seq.s32 s10, $0x1;
	s10 =	sld [smem:$0x3FB1];
	_ =	sdelay $0x3  }
0x37: {  	[smem:$0x3FB1] =	sst s10  }
0x38: {  	s10 =	sld [smem:$0x3FB2]  }
0x39: {  	_ = 	snop;
	(pc) =	sbr.ind lr, $3  }
0x3a: {  	_ = 	snop  }
0x3b: {  	_ = 	snop  }
0x3c: {  	p2 =	seq.s32 s10, $0x1;
	s10 =	sld [smem:$0x3FB1]  }
0x3d: {  	_ =	shalt  }
0x3e: {  	_ =	shalt  }
0x3f: {  	_ =	shalt  }
0x40: {  	_ =	shalt  }
0x41: {  	_ =	shalt  }
0x42: {  	_ =	shalt  }
0x43: {  	_ =	shalt  }
0x44: {  	_ =	shalt  }
0x45: {  	_ =	shalt  }
0x46: {  	_ =	shalt  }
0x47: {  	_ =	shalt  }
0x48: {  	_ =	shalt  }
0x49: {  	_ =	shalt  }
0x4a: {  	_ =	shalt  }
0x4b: {  	_ =	shalt  }
0x4c: {  	_ =	shalt  }
0x4d: {  	_ =	shalt  }
0x4e: {  	_ =	shalt  }
0x4f: {  	_ =	shalt  }
0x50: {  	_ =	shalt  }
0x51: {  	_ =	shalt  }
0x52: {  	_ =	shalt  }
0x53: {  	_ =	shalt  }
0x54: {  	_ =	shalt  }
0x55: {  	_ =	shalt  }
0x56: {  	_ =	shalt  }
0x57: {  	_ =	shalt  }
0x58: {  	_ =	shalt  }
0x59: {  	_ =	shalt  }
0x5a: {  	_ =	shalt  }
0x5b: {  	_ =	shalt  }
0x5c: {  	_ =	shalt  }
0x5d: {  	_ =	shalt  }
0x5e: {  	_ =	shalt  }
0x5f: {  	_ =	shalt  }
0x60: {  	_ =	shalt  }
0x61: {  	_ =	shalt  }
0x62: {  	_ =	shalt  }
0x63: {  	_ =	shalt  }
0x64: {  	_ =	shalt  }
0x65: {  	_ =	shalt  }
0x66: {  	_ =	shalt  }
0x67: {  	_ =	shalt  }
0x68: {  	_ =	shalt  }
0x69: {  	_ =	shalt  }
0x6a: {  	_ =	shalt  }
0x6b: {  	_ =	shalt  }
0x6c: {  	_ =	shalt  }
0x6d: {  	_ =	shalt  }
0x6e: {  	_ =	shalt  }
0x6f: {  	_ =	shalt  }
0x70: {  	_ =	shalt  }
0x71: {  	_ =	shalt  }
0x72: {  	_ =	shalt  }
0x73: {  	_ =	shalt  }
0x74: {  	_ =	shalt  }
0x75: {  	_ =	shalt  }
0x76: {  	_ =	shalt  }
0x77: {  	_ =	shalt  }
0x78: {  	_ =	shalt  }
0x79: {  	_ =	shalt  }
0x7a: {  	_ =	shalt  }
0x7b: {  	_ =	shalt  }
0x7c: {  	_ =	shalt  }
0x7d: {  	_ =	shalt  }
0x7e: {  	_ =	shalt  }
0x7f: {  	_ =	shalt  }
0x80: {  	_ =	shalt  }
0x81: {  	_ =	shalt  }
0x82: {  	_ =	shalt  }
0x83: {  	_ =	shalt  }
0x84: {  	_ =	shalt  }
0x85: {  	_ =	shalt  }
0x86: {  	_ =	shalt  }
0x87: {  	_ =	shalt  }
.Lfunc_end0:
.L_simem_size_0:
called_computation.2_lowered:
.L_overlay_start_0:
0x88: {  	s2 =	sld [smem:$0x3FD9]  }
0x89: {  	s3 =	sld [smem:$0x3FFE];
	_ =	sdelay $0x1  }
0x8a: {  	s1 =	srdreg.scid  }
0x8b: {  	s0 =	sand.u32 $0x1, s1  }
0x8c: {  	s17 =	sshll.u32 s0, $0xA;
	s2 =	sadd.s32 s3, s2  }
0x8d: {  	s2 =	sadd.s32 s2, s17  }
0x8e: {  	[smem:$0x3FBD] =	sst s2  }
0x8f: {  	_ = 	snop  }
0x90: {  	s2 =	sld [smem:$0x3FD0];
	(tm) =	ssettm $0x1  }
0x91: {  	s18 =	sld [smem:$0x3FFB];
	_ =	sdelay $0x3  }
0x92: {  	_ =	strace s18  }
0x93: {  	s3 =	sld [smem:$0x3FFC];
	_ =	sdelay $0x3  }
0x94: {  	_ =	strace s3  }
0x95: {  	s3 =	sld [smem:$0x3FFD];
	_ =	sdelay $0x3  }
0x96: {  	_ =	strace s3  }
0x97: {  	_ =	strace $0x8FFFFFFF  }
0x98: {  	s19 =	sld [smem:$0x3FDB];
	_ =	sdelay $0x1  }
0x99: {  	s4 =	simm.s32 $_scs_section_size  }
0x9a: {  	s5 =	simm.s32 $_size__tile_overlayer_lowered;
	s6 =	simm.s32 $_tile_overlayer_lowered  }
0x9b: {  	s22 =	simm.s32 $0x1BFF;
	s21 =	sshll.u32 s6, $0x1;
	s3 =	sadd.s32 s4, s19  }
0x9c: {  	s7 =	simm.s32 $0x0;
	s20 =	sshll.u32 s5, $0x1;
	s5 =	sadd.s32 s21, s3  }
0x9d: {  	[timem:s7], [sflag:s22] =	dma.local [hbm:s5], s20  }
0x9e: {  	_ =	swait.ge [sflag:s22], s20  }
0x9f: {  	s4 =	ssub.s32 $0x0, s20;
	[sflag:s22] =	ssyncset.done $0x0  }
0xa0: {  	[sflag:s22] =	ssyncadd.s32 s4;
	_ =	sdelay $0x1  }
0xa1: {  	s23 =	simm.s32 $0x1B8B  }
0xa2: {  	_ =	swait.ge [sflag:s23], $0x1  }
0xa3: {  	[sflag:s23] =	ssyncset.done $0x0  }
0xa4: {  	s25 =	simm.s32 $0x1B8E;
	s24 =	sld [smem:$0x3FFE];
	[sflag:s23] =	ssyncadd.s32 $0xFFFFFFFF  }
0xa5: {  	s26 =	simm.s32 $execute0_lowered;
	[smem:$0x3FD2] =	sst s25  }
0xa6: {  	s5 =	sshll.u32 s26, $0x1;
	_ =	strace $0x8000004C;
	[dreg:$0x1] =	wrdreg $0xFFFFFFFF  }
0xa7: {  	s28 =	simm.s32 $_size_execute0_lowered;
	s3 =	sadd.s32 s3, s5;
	[dreg:$0x0] =	wrdreg $0x0  }
0xa8: {  	s5 =	sshll.u32 s28, $0x1;
	[dreg:$0x2] =	wrdreg s3  }
0xa9: {  	[dreg:$0x3] =	wrdreg s5  }
0xaa: {  	[dreg:$0x4] =	wrdreg $0xC0  }
0xab: {  	_ =	task [dreg:s7], $0x5FFFF  }
0xac: {  	[dreg:$0x1] =	wrdreg $0xFFFFFFFF  }
0xad: {  	[dreg:$0x0] =	wrdreg $0x60  }
0xae: {  	[dreg:$0x2] =	wrdreg s2  }
0xaf: {  	[dreg:$0x3] =	wrdreg s24  }
0xb0: {  	[dreg:$0x4] =	wrdreg $0x9E200  }
0xb1: {  	[dreg:$0x5] =	wrdreg $0x9  }
0xb2: {  	_ =	task.clear_ibuf [dreg:s7], $0x6FFFF;
	_ =	strace $0x9000004C  }
0xb3: {  	s29 =	simm.s32 $0x9;
	_ =	strace $0x8000004E  }
0xb4: {  	_ =	swait.ge [sflag:s29], $0x1  }
0xb5: {  	[sflag:s29] =	ssyncadd.s32 $0xFFFFFFFF  }
0xb6: {  	_ =	strace $0x9000004E  }
0xb7: {  	_ =	sfence  }
0xb8: {  	s30 =	sld [smem:$0x0];
	_ =	sdelay $0x2  }
0xb9: {  	s31 =	sshll.u32 s1, $0xD;
	s1 =	sshrl.u32 s1, $0x2  }
0xba: {  	s3 =	sand.u32 $0x4000, s31;
	s1 =	sadd.s32 s1, s30  }
0xbb: {  	s0 =	sor.u32 s3, s0;
	s1 =	sshll.u32 s1, $0x11  }
0xbc: {  	s0 =	sor.u32 s1, s0  }
0xbd: {  	s0 =	sadd.s32 $0x8F2B, s0  }
0xbe: {  	[sflag:s0] =	ssyncadd.remote.s32 $0x1  }
0xbf: {  	_ =	sfence.sel $0xFFFF  }
0xc0: {  	[dreg:$0x0] =	wrdreg $0xFFFFFFFF;
	(pc) =	sbr.abs _section_cstart, $3  }
0xc1: {  	[dreg:$0x1] =	wrdreg $0xFFFFFFFF  }
0xc2: {  	_ =	task.clear_ibuf [dreg:s7], $0x2FFFF;
	_ =	strace $0x9FFFFFFF  }
0xc3: {  	(tm) =	ssettm $0x7FFFFFFF  }
tec
execute0_lowered:
.L_overlay_start_1:
0x0: {  	(tag) =	ssettag $0x1  }
0x1: {  	s2 =	rddreg [dreg:$0x0]  }
0x2: {  	s0 =	rddreg [dreg:$0x1]  }
0x3: {  	s1 =	srdreg.scid;
	s3 =	rddreg [dreg:$0x2]  }
0x4: {  	s8 =	stileid.u32;
	s4 =	simm.s32 $0x0;
	s17 =	simm.s32 $0x9  }
0x5: {  	s18 =	simm.s32 $0x2710;
	s19 =	simm.s32 $0x4E20;
	s20 =	simm.s32 $0x50  }
0x6: {  	s21 =	simm.s32 $0x6220;
	s22 =	simm.s32 $0x1;
	s29 =	simm.s32 $0x8A20  }
0x7: {  	s30 =	simm.s32 $0x3;
	s23 =	simm.s32 $0x4;
	s28 =	simm.s32 $0x6  }
0x8: {  	s31 =	simm.s32 $0x0;
	s1 =	sand.u32 $0x1, s1;
	s6 =	smul.u32 $0xA000, s8  }
0x9: {  	[smem:$0x7FF] =	sst s4;
	s5 =	sshll.u32 s1, $0x4;
	s7 =	smul.u32 $0xA0000, s1  }
0xa: {  	s1 =	ssub.s32 $0x2, s1;
	s5 =	sor.u32 s8, s5;
	s8 =	smul.u32 $0x28000, s8  }
0xb: {  	_ =	strace $0x8000004D;
	s24 =	sshrl.u32 s1, $0x1;
	s5 =	smul.u32 $0x4E2, s5  }
0xc: {  	s7 =	sadd.s32 s6, s7;
	s1 =	ssub.s32 s1, s24;
	s24 =	simm.s32 $0x7620  }
0xd: {  	s7 =	sshrl.u32 s7, $0x3;
	s8 =	sshrl.u32 s8, $0x2;
	s16 =	smax.u32 s1, $0x1  }
0xe: {  	s1 =	simm.s32 $0x7;
	s5 =	sadd.s32 s5, s0;
	s0 =	sadd.s32 s7, s0  }
0xf: {  	s14 =	sadd.s32 s8, s3;
	s7 =	sadd.s32 s6, s3;
	s25 =	sadd.s32 $0x1E00, s5  }
0x10: {  	s5 =	sadd.s32 $0xBC00, s5;
	s26 =	sadd.s32 $0x1400, s14;
	s9 =	sadd.s32 $0x2800, s14  }
0x11: {  	s10 =	sadd.s32 $0x3C00, s14;
	s11 =	sadd.s32 $0x5000, s14;
	s12 =	sadd.s32 $0x6400, s14  }
0x12: {  	s13 =	sadd.s32 $0x7800, s14;
	s14 =	sadd.s32 $0x8C00, s14;
	[dreg:$0x4] =	wrdreg s25  }
0x13: {  	s15 =	sadd.s32 $0x65A00, s0;
	s0 =	simm.s32 $0x5;
	[dreg:$0x5] =	wrdreg s5  }
0x14: {  	v0 =	vimm.f32 $0.0e+00;
	[dreg:$0x6] =	wrdreg s26;
	s25 =	simm.s32 $0x2;
	s26 =	simm.s32 $0x8  }
.LBB2_1:
0x15: {  	s5 =	rddreg [dreg:$0x4]  }
0x16: {  	[tilespmem:s4], [sflag:$0x9] =	stream.linear.gather [hbm4b:s5+s4], $0x2710, $0x38;
	[tilespmem:$0x13E20] =	vst v63  }
0x17: {  	_ =	swait.ge [sflag:s17], $0x2710  }
0x18: {  	[sflag:s17] =	ssyncset.done $0x0  }
0x19: {  	s8 =	rddreg [dreg:$0x5];
	[sflag:s17] =	ssyncadd.s32 $0xFFFFD8F0  }
0x1a: {  	[tilespmem:s18], [sflag:$0x9] =	stream.linear.gather [hbm4b:s8+s4], $0x2710, $0x38;
	[tilespmem:$0x13E20] =	vst v63  }
0x1b: {  	_ =	swait.ge [sflag:s17], $0x2710  }
0x1c: {  	[sflag:s17] =	ssyncset.done $0x0  }
0x1d: {  	s6 =	sand.u32 $0x1FF0, s4;
	s5 =	simm.s32 $0x10;
	[sflag:s17] =	ssyncadd.s32 $0xFFFFD8F0  }
.LBB2_2:
0x1e: {  	p0 =	sne.s32 s5, $0x13F0;
	[tilespmem:s6+$0x4E20] =	vst v0;
	s6 =	smov.u32 s5;
	s5 =	sadd.s32 $0x10, s5  }
.Ltmp0:
0x1f: {  	(pc) =	sbr.rel @p0 .LBB2_2-.Ltmp0, $2  }
0x20: {  	_ =	sdelay $0x2  }
0x21: {  	s6 =	sand.u32 $0x1FF0, s6  }
0x22: {  	[tilespmem:s6+$0x4E20] =	vst v0  }
0x23: {  	[spmem:s7] =	stream.linear.scatter [tilespmem:s19], [sflag:$0x9], $0x1400, $0x38;
	[tilespmem:$0x13E20] =	vst v63  }
0x24: {  	_ =	swait.ge [sflag:s17], $0x1400  }
0x25: {  	[sflag:s17] =	ssyncset.done $0x0  }
0x26: {  	s5 =	rddreg [dreg:$0x6];
	[sflag:s17] =	ssyncadd.s32 $0xFFFFEC00  }
0x27: {  	[spmem:s5] =	stream.linear.scatter [tilespmem:s19], [sflag:$0x9], $0x1400, $0x38;
	[tilespmem:$0x13E20] =	vst v63  }
0x28: {  	_ =	swait.ge [sflag:s17], $0x1400  }
0x29: {  	[sflag:s17] =	ssyncset.done $0x0  }
0x2a: {  	[sflag:s17] =	ssyncadd.s32 $0xFFFFEC00  }
0x2b: {  	[spmem:s9] =	stream.linear.scatter [tilespmem:s19], [sflag:$0x9], $0x1400, $0x38;
	[tilespmem:$0x13E20] =	vst v63  }
0x2c: {  	_ =	swait.ge [sflag:s17], $0x1400  }
0x2d: {  	[sflag:s17] =	ssyncset.done $0x0  }
0x2e: {  	[sflag:s17] =	ssyncadd.s32 $0xFFFFEC00  }
0x2f: {  	[spmem:s10] =	stream.linear.scatter [tilespmem:s19], [sflag:$0x9], $0x1400, $0x38;
	[tilespmem:$0x13E20] =	vst v63  }
0x30: {  	_ =	swait.ge [sflag:s17], $0x1400  }
0x31: {  	[sflag:s17] =	ssyncset.done $0x0  }
0x32: {  	[sflag:s17] =	ssyncadd.s32 $0xFFFFEC00  }
0x33: {  	[spmem:s11] =	stream.linear.scatter [tilespmem:s19], [sflag:$0x9], $0x1400, $0x38;
	[tilespmem:$0x13E20] =	vst v63  }
0x34: {  	_ =	swait.ge [sflag:s17], $0x1400  }
0x35: {  	[sflag:s17] =	ssyncset.done $0x0  }
0x36: {  	[sflag:s17] =	ssyncadd.s32 $0xFFFFEC00  }
0x37: {  	[spmem:s12] =	stream.linear.scatter [tilespmem:s19], [sflag:$0x9], $0x1400, $0x38;
	[tilespmem:$0x13E20] =	vst v63  }
0x38: {  	_ =	swait.ge [sflag:s17], $0x1400  }
0x39: {  	[sflag:s17] =	ssyncset.done $0x0  }
0x3a: {  	[sflag:s17] =	ssyncadd.s32 $0xFFFFEC00  }
0x3b: {  	[spmem:s13] =	stream.linear.scatter [tilespmem:s19], [sflag:$0x9], $0x1400, $0x38;
	[tilespmem:$0x13E20] =	vst v63  }
0x3c: {  	_ =	swait.ge [sflag:s17], $0x1400  }
0x3d: {  	[sflag:s17] =	ssyncset.done $0x0  }
0x3e: {  	[sflag:s17] =	ssyncadd.s32 $0xFFFFEC00  }
0x3f: {  	[spmem:s14] =	stream.linear.scatter [tilespmem:s19], [sflag:$0x9], $0x1400, $0x38;
	[tilespmem:$0x13E20] =	vst v63  }
0x40: {  	_ =	swait.ge [sflag:s17], $0x1400  }
0x41: {  	[sflag:s17] =	ssyncset.done $0x0  }
0x42: {  	[sflag:s17] =	ssyncadd.s32 $0xFFFFEC00  }
0x43: {  	s8 =	simm.s32 $0x0;
	[bflag:$0x0] =	sbarrier.arrive $0xFFFF  }
0x44: {  	[tilespmem:s19], [sflag:$0x1] =	stream.indirect.gather [hbm4b:s2+s20], $0x40, s8, s20, $0xb8;
	[tilespmem:$0x13E20] =	vst v63  }
0x45: {  	_ = 	snop  }
0x46: {  	[tilespmem:s21], [sflag:$0x2] =	stream.indirect.gather [hbm4b:s2+s20], $0x40, s20, s20, $0xb8;
	[tilespmem:$0x13E20] =	vst v63  }
0x47: {  	_ =	swait.ge [sflag:s22], $0x1400  }
0x48: {  	[sflag:s22] =	ssyncset.done $0x0  }
0x49: {  	[sflag:s22] =	ssyncadd.s32 $0xFFFFEC00  }
0x4a: {  	[spmem:s3] =	stream.indirect.scatter.add.f32 [tilespmem:s19], [sflag:$0x5], $0x40, s18, s20, $0xb8;
	[tilespmem:$0x13E20] =	vst v63  }
0x4b: {  	s6 =	simm.s32 $0xA0  }
0x4c: {  	[tilespmem:s24], [sflag:$0x3] =	stream.indirect.gather [hbm4b:s2+s20], $0x40, s6, s20, $0xb8;
	[tilespmem:$0x13E20] =	vst v63  }
0x4d: {  	_ =	swait.ge [sflag:s25], $0x1400  }
0x4e: {  	[sflag:s25] =	ssyncset.done $0x0  }
0x4f: {  	s8 =	simm.s32 $0x2760;
	[sflag:s25] =	ssyncadd.s32 $0xFFFFEC00  }
0x50: {  	[spmem:s3] =	stream.indirect.scatter.add.f32 [tilespmem:s21], [sflag:$0x6], $0x40, s8, s20, $0xb8;
	[tilespmem:$0x13E20] =	vst v63  }
0x51: {  	s6 =	simm.s32 $0xF0  }
0x52: {  	[tilespmem:s29], [sflag:$0x4] =	stream.indirect.gather [hbm4b:s2+s20], $0x40, s6, s20, $0xb8;
	[tilespmem:$0x13E20] =	vst v63  }
0x53: {  	_ =	swait.ge [sflag:s30], $0x1400  }
0x54: {  	[sflag:s30] =	ssyncset.done $0x0  }
0x55: {  	s8 =	simm.s32 $0x27B0;
	[sflag:s30] =	ssyncadd.s32 $0xFFFFEC00  }
0x56: {  	[spmem:s3] =	stream.indirect.scatter.add.f32 [tilespmem:s24], [sflag:$0x7], $0x40, s8, s20, $0xb8;
	[tilespmem:$0x13E20] =	vst v63  }
0x57: {  	_ =	swait.ge [sflag:s0], $0x1400  }
0x58: {  	[sflag:s0] =	ssyncset.done $0x0  }
0x59: {  	s6 =	simm.s32 $0x140;
	[sflag:s0] =	ssyncadd.s32 $0xFFFFEC00  }
0x5a: {  	[tilespmem:s19], [sflag:$0x1] =	stream.indirect.gather [hbm4b:s2+s20], $0x40, s6, s20, $0xb8;
	[tilespmem:$0x13E20] =	vst v63  }
0x5b: {  	_ =	swait.ge [sflag:s23], $0x1400  }
0x5c: {  	[sflag:s23] =	ssyncset.done $0x0  }
0x5d: {  	s8 =	simm.s32 $0x2800;
	[sflag:s23] =	ssyncadd.s32 $0xFFFFEC00  }
0x5e: {  	[spmem:s3] =	stream.indirect.scatter.add.f32 [tilespmem:s29], [sflag:$0x8], $0x40, s8, s20, $0xb8;
	[tilespmem:$0x13E20] =	vst v63  }
0x5f: {  	_ =	swait.ge [sflag:s28], $0x1400  }
0x60: {  	[sflag:s28] =	ssyncset.done $0x0  }
0x61: {  	s6 =	simm.s32 $0x190;
	[sflag:s28] =	ssyncadd.s32 $0xFFFFEC00  }
0x62: {  	[tilespmem:s21], [sflag:$0x2] =	stream.indirect.gather [hbm4b:s2+s20], $0x40, s6, s20, $0xb8;
	[tilespmem:$0x13E20] =	vst v63  }
0x63: {  	_ =	swait.ge [sflag:s22], $0x1400  }
0x64: {  	[sflag:s22] =	ssyncset.done $0x0  }
0x65: {  	s8 =	simm.s32 $0x2850;
	[sflag:s22] =	ssyncadd.s32 $0xFFFFEC00  }
0x66: {  	[spmem:s3] =	stream.indirect.scatter.add.f32 [tilespmem:s19], [sflag:$0x5], $0x40, s8, s20, $0xb8;
	[tilespmem:$0x13E20] =	vst v63  }
0x67: {  	_ =	swait.ge [sflag:s1], $0x1400  }
0x68: {  	[sflag:s1] =	ssyncset.done $0x0  }
0x69: {  	s6 =	simm.s32 $0x1E0;
	[sflag:s1] =	ssyncadd.s32 $0xFFFFEC00  }
0x6a: {  	[tilespmem:s24], [sflag:$0x3] =	stream.indirect.gather [hbm4b:s2+s20], $0x40, s6, s20, $0xb8;
	[tilespmem:$0x13E20] =	vst v63  }
0x6b: {  	_ =	swait.ge [sflag:s25], $0x1400  }
0x6c: {  	[sflag:s25] =	ssyncset.done $0x0  }
0x6d: {  	s8 =	simm.s32 $0x28A0;
	[sflag:s25] =	ssyncadd.s32 $0xFFFFEC00  }
0x6e: {  	[spmem:s3] =	stream.indirect.scatter.add.f32 [tilespmem:s21], [sflag:$0x6], $0x40, s8, s20, $0xb8;
	[tilespmem:$0x13E20] =	vst v63  }
0x6f: {  	_ =	swait.ge [sflag:s26], $0x1400  }
0x70: {  	[sflag:s26] =	ssyncset.done $0x0  }
0x71: {  	s6 =	simm.s32 $0x230;
	[sflag:s26] =	ssyncadd.s32 $0xFFFFEC00  }
0x72: {  	[tilespmem:s29], [sflag:$0x4] =	stream.indirect.gather [hbm4b:s2+s20], $0x40, s6, s20, $0xb8;
	[tilespmem:$0x13E20] =	vst v63  }
0x73: {  	_ =	swait.ge [sflag:s30], $0x1400  }
0x74: {  	[sflag:s30] =	ssyncset.done $0x0  }
0x75: {  	s8 =	simm.s32 $0x28F0;
	[sflag:s30] =	ssyncadd.s32 $0xFFFFEC00  }
0x76: {  	[spmem:s3] =	stream.indirect.scatter.add.f32 [tilespmem:s24], [sflag:$0x7], $0x40, s8, s20, $0xb8;
	[tilespmem:$0x13E20] =	vst v63  }
0x77: {  	_ =	swait.ge [sflag:s0], $0x1400  }
0x78: {  	[sflag:s0] =	ssyncset.done $0x0  }
0x79: {  	s6 =	simm.s32 $0x280;
	[sflag:s0] =	ssyncadd.s32 $0xFFFFEC00  }
0x7a: {  	[tilespmem:s19], [sflag:$0x1] =	stream.indirect.gather [hbm4b:s2+s20], $0x40, s6, s20, $0xb8;
	[tilespmem:$0x13E20] =	vst v63  }
0x7b: {  	_ =	swait.ge [sflag:s23], $0x1400  }
0x7c: {  	[sflag:s23] =	ssyncset.done $0x0  }
0x7d: {  	s8 =	simm.s32 $0x2940;
	[sflag:s23] =	ssyncadd.s32 $0xFFFFEC00  }
0x7e: {  	[spmem:s3] =	stream.indirect.scatter.add.f32 [tilespmem:s29], [sflag:$0x8], $0x40, s8, s20, $0xb8;
	[tilespmem:$0x13E20] =	vst v63  }
0x7f: {  	_ =	swait.ge [sflag:s28], $0x1400  }
0x80: {  	[sflag:s28] =	ssyncset.done $0x0  }
0x81: {  	s5 =	simm.s32 $0x500;
	s6 =	simm.s32 $0x2D0;
	[sflag:s28] =	ssyncadd.s32 $0xFFFFEC00  }
.LBB2_4:
0x82: {  	[tilespmem:s21], [sflag:$0x2] =	stream.indirect.gather [hbm4b:s2+s20], $0x40, s6, s20, $0xb8;
	[tilespmem:$0x13E20] =	vst v63  }
0x83: {  	s6 =	smov.u32 s5  }
0x84: {  	p0 =	sne.s32 s5, $0x8C00;
	s5 =	sadd.s32 $0x500, s5;
	_ =	swait.ge [sflag:s22], $0x1400  }
0x85: {  	s6 =	sshra.s32 s6, $0x2;
	[sflag:s22] =	ssyncset.done $0x0  }
0x86: {  	s8 =	sadd.s32 $0x2850, s6;
	[sflag:s22] =	ssyncadd.s32 $0xFFFFEC00  }
0x87: {  	[spmem:s3] =	stream.indirect.scatter.add.f32 [tilespmem:s19], [sflag:$0x5], $0x40, s8, s20, $0xb8;
	[tilespmem:$0x13E20] =	vst v63  }
0x88: {  	_ =	swait.ge [sflag:s1], $0x1400  }
0x89: {  	[sflag:s1] =	ssyncset.done $0x0  }
0x8a: {  	s8 =	sadd.s32 $0x1E0, s6;
	[sflag:s1] =	ssyncadd.s32 $0xFFFFEC00  }
0x8b: {  	[tilespmem:s24], [sflag:$0x3] =	stream.indirect.gather [hbm4b:s2+s20], $0x40, s8, s20, $0xb8;
	[tilespmem:$0x13E20] =	vst v63  }
0x8c: {  	_ =	swait.ge [sflag:s25], $0x1400  }
0x8d: {  	[sflag:s25] =	ssyncset.done $0x0  }
0x8e: {  	s8 =	sadd.s32 $0x28A0, s6;
	[sflag:s25] =	ssyncadd.s32 $0xFFFFEC00  }
0x8f: {  	[spmem:s3] =	stream.indirect.scatter.add.f32 [tilespmem:s21], [sflag:$0x6], $0x40, s8, s20, $0xb8;
	[tilespmem:$0x13E20] =	vst v63  }
0x90: {  	_ =	swait.ge [sflag:s26], $0x1400  }
0x91: {  	[sflag:s26] =	ssyncset.done $0x0  }
0x92: {  	s8 =	sadd.s32 $0x230, s6;
	[sflag:s26] =	ssyncadd.s32 $0xFFFFEC00  }
0x93: {  	[tilespmem:s29], [sflag:$0x4] =	stream.indirect.gather [hbm4b:s2+s20], $0x40, s8, s20, $0xb8;
	[tilespmem:$0x13E20] =	vst v63  }
0x94: {  	_ =	swait.ge [sflag:s30], $0x1400  }
0x95: {  	[sflag:s30] =	ssyncset.done $0x0  }
0x96: {  	s8 =	sadd.s32 $0x28F0, s6;
	[sflag:s30] =	ssyncadd.s32 $0xFFFFEC00  }
0x97: {  	[spmem:s3] =	stream.indirect.scatter.add.f32 [tilespmem:s24], [sflag:$0x7], $0x40, s8, s20, $0xb8;
	[tilespmem:$0x13E20] =	vst v63  }
0x98: {  	_ =	swait.ge [sflag:s0], $0x1400  }
0x99: {  	[sflag:s0] =	ssyncset.done $0x0  }
0x9a: {  	s8 =	sadd.s32 $0x280, s6;
	[sflag:s0] =	ssyncadd.s32 $0xFFFFEC00  }
0x9b: {  	[tilespmem:s19], [sflag:$0x1] =	stream.indirect.gather [hbm4b:s2+s20], $0x40, s8, s20, $0xb8;
	[tilespmem:$0x13E20] =	vst v63  }
0x9c: {  	_ =	swait.ge [sflag:s23], $0x1400  }
0x9d: {  	[sflag:s23] =	ssyncset.done $0x0  }
.Ltmp1:
0x9e: {  	s8 =	sadd.s32 $0x2940, s6;
	[sflag:s23] =	ssyncadd.s32 $0xFFFFEC00;
	(pc) =	sbr.rel @p0 .LBB2_4-.Ltmp1, $4  }
0x9f: {  	[spmem:s3] =	stream.indirect.scatter.add.f32 [tilespmem:s29], [sflag:$0x8], $0x40, s8, s20, $0xb8;
	[tilespmem:$0x13E20] =	vst v63  }
0xa0: {  	_ =	swait.ge [sflag:s28], $0x1400  }
0xa1: {  	[sflag:s28] =	ssyncset.done $0x0  }
0xa2: {  	s6 =	sadd.s32 $0x2D0, s6;
	[sflag:s28] =	ssyncadd.s32 $0xFFFFEC00  }
0xa3: {  	[tilespmem:s21], [sflag:$0x2] =	stream.indirect.gather [hbm4b:s2+s20], $0x40, s6, s20, $0xb8;
	[tilespmem:$0x13E20] =	vst v63  }
0xa4: {  	_ =	swait.ge [sflag:s22], $0x1400  }
0xa5: {  	[sflag:s22] =	ssyncset.done $0x0  }
0xa6: {  	s5 =	simm.s32 $0x4C90;
	[sflag:s22] =	ssyncadd.s32 $0xFFFFEC00  }
0xa7: {  	[spmem:s3] =	stream.indirect.scatter.add.f32 [tilespmem:s19], [sflag:$0x5], $0x40, s5, s20, $0xb8;
	[tilespmem:$0x13E20] =	vst v63  }
0xa8: {  	_ =	swait.ge [sflag:s1], $0x1400  }
0xa9: {  	[sflag:s1] =	ssyncset.done $0x0  }
0xaa: {  	s8 =	simm.s32 $0x2620;
	[sflag:s1] =	ssyncadd.s32 $0xFFFFEC00  }
0xab: {  	[tilespmem:s24], [sflag:$0x3] =	stream.indirect.gather [hbm4b:s2+s20], $0x40, s8, s20, $0xb8;
	[tilespmem:$0x13E20] =	vst v63  }
0xac: {  	_ =	swait.ge [sflag:s25], $0x1400  }
0xad: {  	[sflag:s25] =	ssyncset.done $0x0  }
0xae: {  	s6 =	simm.s32 $0x4CE0;
	[sflag:s25] =	ssyncadd.s32 $0xFFFFEC00  }
0xaf: {  	[spmem:s3] =	stream.indirect.scatter.add.f32 [tilespmem:s21], [sflag:$0x6], $0x40, s6, s20, $0xb8;
	[tilespmem:$0x13E20] =	vst v63  }
0xb0: {  	_ =	swait.ge [sflag:s26], $0x1400  }
0xb1: {  	[sflag:s26] =	ssyncset.done $0x0  }
0xb2: {  	s8 =	simm.s32 $0x2670;
	[sflag:s26] =	ssyncadd.s32 $0xFFFFEC00  }
0xb3: {  	[tilespmem:s29], [sflag:$0x4] =	stream.indirect.gather [hbm4b:s2+s20], $0x40, s8, s20, $0xb8;
	[tilespmem:$0x13E20] =	vst v63  }
0xb4: {  	_ =	swait.ge [sflag:s30], $0x1400  }
0xb5: {  	[sflag:s30] =	ssyncset.done $0x0  }
0xb6: {  	s6 =	simm.s32 $0x4D30;
	[sflag:s30] =	ssyncadd.s32 $0xFFFFEC00  }
0xb7: {  	[spmem:s3] =	stream.indirect.scatter.add.f32 [tilespmem:s24], [sflag:$0x7], $0x40, s6, s20, $0xb8;
	[tilespmem:$0x13E20] =	vst v63  }
0xb8: {  	_ =	swait.ge [sflag:s0], $0x1400  }
0xb9: {  	[sflag:s0] =	ssyncset.done $0x0  }
0xba: {  	s8 =	simm.s32 $0x26C0;
	[sflag:s0] =	ssyncadd.s32 $0xFFFFEC00  }
0xbb: {  	[tilespmem:s19], [sflag:$0x1] =	stream.indirect.gather [hbm4b:s2+s20], $0x40, s8, s20, $0xb8;
	[tilespmem:$0x13E20] =	vst v63  }
0xbc: {  	_ =	swait.ge [sflag:s23], $0x1400  }
0xbd: {  	[sflag:s23] =	ssyncset.done $0x0  }
0xbe: {  	s6 =	simm.s32 $0x4D80;
	[sflag:s23] =	ssyncadd.s32 $0xFFFFEC00  }
0xbf: {  	[spmem:s3] =	stream.indirect.scatter.add.f32 [tilespmem:s29], [sflag:$0x8], $0x40, s6, s20, $0xb8;
	[tilespmem:$0x13E20] =	vst v63  }
0xc0: {  	_ =	swait.ge [sflag:s22], $0x1400  }
0xc1: {  	[sflag:s22] =	ssyncset.done $0x0  }
0xc2: {  	s8 =	simm.s32 $0x4DD0;
	[sflag:s22] =	ssyncadd.s32 $0xFFFFEC00  }
0xc3: {  	[spmem:s3] =	stream.indirect.scatter.add.f32 [tilespmem:s19], [sflag:$0x5], $0x40, s8, s20, $0xb8;
	[tilespmem:$0x13E20] =	vst v63  }
0xc4: {  	_ =	swait.ge [sflag:s0], $0x1400  }
0xc5: {  	[sflag:s0] =	ssyncset.done $0x0  }
0xc6: {  	[sflag:s0] =	ssyncadd.s32 $0xFFFFEC00  }
0xc7: {  	_ =	swait.ge [sflag:s28], $0x1400  }
0xc8: {  	[sflag:s28] =	ssyncset.done $0x0  }
0xc9: {  	[sflag:s28] =	ssyncadd.s32 $0xFFFFEC00  }
0xca: {  	_ =	swait.ge [sflag:s1], $0x1400  }
0xcb: {  	[sflag:s1] =	ssyncset.done $0x0  }
0xcc: {  	[sflag:s1] =	ssyncadd.s32 $0xFFFFEC00  }
0xcd: {  	s6 =	stileid.u32;
	_ =	swait.ge [sflag:s26], $0x1400  }
0xce: {  	s31 =	sadd.s32 $0x1, s31;
	s5 =	sshll.u32 s6, $0x6;
	[sflag:s26] =	ssyncset.done $0x0  }
0xcf: {  	p0 =	sne.s32 s31, s16;
	s5 =	sor.u32 $0x1C09, s5;
	[sflag:s26] =	ssyncadd.s32 $0xFFFFEC00  }
.Ltmp2:
0xd0: {  	s8 =	sshrl.u32 s7, $0x3;
	[bflag:$0x0] =	sbarrier.arrive $0xFFFF;
	(pc) =	sbr.rel @p0 .LBB2_1-.Ltmp2, $4  }
0xd1: {  	[hbm:s15], [sflag:s5] =	dma.local [spmem:s8], $0x1400  }
0xd2: {  	_ =	swait.ge [sflag:s17], $0x1400  }
0xd3: {  	[sflag:s17] =	ssyncset.done $0x0  }
0xd4: {  	[sflag:s17] =	ssyncadd.s32 $0xFFFFEC00  }
0xd5: {  	_ =	sfence.sel $0x180000  }
0xd6: {  	[bflag:$0x0] =	sbarrier.arrive $0xFFFF  }
0xd7: {  	_ =	strace $0x9000004D  }
0xd8: {  	s0 =	stileid.u32;
	[bflag:$0x2] =	sbarrier.arrive $0xFFFF  }
0xd9: {  	p0 =	sne.s32 s0, $0x0;
	s0 =	rddreg [dreg:$0x3]  }
0xda: {  	s0 =	sadd.s32 @!p0 $0x100000, s0  }
0xdb: {  	[sflag:s0] =	ssyncadd.tile.s32 @!p0 $0x1;
	_ =	shalt  }
.Lfunc_end2:
_tile_overlayer_lowered:
.L_overlay_start_2:
0xdc: {  	(tag) =	ssettag $0x2  }
0xdd: {  	s0 =	rddreg [dreg:$0x0];
	s2 =	stileid.u32  }
0xde: {  	s1 =	rddreg [dreg:$0x1];
	p0 =	sne.s32 s2, $0x0  }
0xdf: {  	s3 =	rddreg [dreg:$0x2];
	[bflag:$0x3] =	sbarrier.arrive $0xFFFF;
	s2 =	simm.s32 @!p0 $0x1C09  }
0xe0: {  	[timem:s3], [sflag:s2] =	dma.local @!p0 [hbm:s0], s1  }
0xe1: {  	s0 =	simm.s32 @!p0 $0x9  }
0xe2: {  	_ =	swait.ge @!p0 [sflag:s0], s1  }
0xe3: {  	s1 =	ssub.s32 @!p0 $0x0, s1;
	[sflag:s0] =	ssyncset.done @!p0 $0x0  }
0xe4: {  	[sflag:s0] =	ssyncadd.s32 @!p0 s1  }
0xe5: {  	[bflag:$0x3] =	sbarrier.arrive $0xFFFF  }
0xe6: {  	_ =	shalt  }

</sc_bundles>
